<compile_context>
chip_gen: v7x
topology: tpu7x:2x2x1
jax: 0.10.2.dev20260603
libtpu: 0.0.44.dev20260713+nightly
codegen_flags: <defaults>
</compile_context>

<pallas_src>
import jax
import jax.numpy as jnp
import numpy as np
from jax import lax
from jax.experimental import pallas as pl
from jax.experimental.pallas import tpu as pltpu
from jax.experimental.pallas import tpu_sc as plsc

_NUM_CLASSES = 256
_EMB = 256
_IGNORE = 255

_NC = 2
_NS = 16
_NW = _NC * _NS

_W = 128
_HS = 64
_ROWS_PER_W = _HS // 4
_R_CHUNK = 8
_C_CHUNK = 32
_N_CCH = _EMB // _C_CHUNK
_N_PCH = _ROWS_PER_W // _R_CHUNK
_N_CHUNKS = _N_CCH * _N_PCH
_GROUPS = _R_CHUNK * _W // 16


def _sc_body(embs_hbm, lbl_hbm, tbl_hbm, out_hbm,
             tbl_v, lbl_v, acc_v, buf, stage, sem0, sem1):
    cid = lax.axis_index("c")
    sid = lax.axis_index("s")
    wid = sid * _NC + cid
    b = wid // 4
    h0 = (wid % 4) * _ROWS_PER_W

    pltpu.sync_copy(tbl_hbm, tbl_v)
    pltpu.sync_copy(lbl_hbm.at[b, pl.ds(h0, _ROWS_PER_W), :], lbl_v)

    def zacc(g, c):
        acc_v[g // 8, pl.ds((g % 8) * 16, 16)] = jnp.zeros((16,), jnp.float32)
        return c

    lax.fori_loop(0, _ROWS_PER_W * 8, zacc, 0)

    def chunk_src(t):
        cpart = t % _N_CCH
        ppart = t // _N_CCH
        return embs_hbm.at[b,
                           pl.ds(cpart * _C_CHUNK, _C_CHUNK),
                           pl.ds(h0 + ppart * _R_CHUNK, _R_CHUNK),
                           :]

    def compute_chunk(t, bufref):
        cbase = (t % _N_CCH) * _C_CHUNK
        rowb = (t // _N_CCH) * _R_CHUNK

        @plsc.parallel_loop(0, _GROUPS, unroll=2)
        def grp(g):
            hh = g // 8
            ws = (g % 8) * 16
            lvec = lbl_v[rowb + hh, pl.ds(ws, 16)]
            lbase = lvec + (cbase // 2) * _NUM_CLASSES
            parts = [jnp.zeros((16,), jnp.float32) for _ in range(4)]
            for k in range(_C_CHUNK // 2):
                w = plsc.load_gather(tbl_v, [lbase + k * _NUM_CLASSES])
                bf = plsc.bitcast(w, jnp.bfloat16)
                t0, t1 = plsc.unpack(bf, format=plsc.PackFormat.INTERLEAVED,
                                     preferred_element_type=jnp.float32)
                e0 = bufref[2 * k, hh, pl.ds(ws, 16)]
                e1 = bufref[2 * k + 1, hh, pl.ds(ws, 16)]
                parts[(2 * k) % 4] = parts[(2 * k) % 4] + jnp.abs(e0 - t0)
                parts[(2 * k + 1) % 4] = (parts[(2 * k + 1) % 4]
                                          + jnp.abs(e1 - t1))
            acc = (parts[0] + parts[1]) + (parts[2] + parts[3])
            acc_v[rowb + hh, pl.ds(ws, 16)] = (
                acc_v[rowb + hh, pl.ds(ws, 16)] + acc)

    pltpu.async_copy(chunk_src(0), buf.at[0], sem0)

    def pair(i, c):
        t0 = i * 2
        t1 = t0 + 1
        pltpu.make_async_copy(chunk_src(t0), buf.at[0], sem0).wait()
        pltpu.async_copy(chunk_src(t1), buf.at[1], sem1)
        compute_chunk(t0, buf.at[0])
        pltpu.make_async_copy(chunk_src(t1), buf.at[1], sem1).wait()

        @pl.when(i < _N_CHUNKS // 2 - 1)
        def _():
            pltpu.async_copy(chunk_src(t0 + 2), buf.at[0], sem0)

        compute_chunk(t1, buf.at[1])
        return c

    lax.fori_loop(0, _N_CHUNKS // 2, pair, 0)

    def fin(g, carry):
        s, cnt = carry
        row = g // 8
        ws = (g % 8) * 16
        lvec = lbl_v[row, pl.ds(ws, 16)]
        m = lvec != _IGNORE
        a = acc_v[row, pl.ds(ws, 16)]
        s = s + jnp.where(m, a, 0.0)
        cnt = cnt + jnp.where(m, 1.0, 0.0)
        return s, cnt

    zero = jnp.zeros((16,), jnp.float32)
    s, cnt = lax.fori_loop(0, _ROWS_PER_W * 8, fin, (zero, zero))
    stage[pl.ds(0, 16)] = s
    stage[pl.ds(16, 16)] = cnt
    pltpu.sync_copy(stage, out_hbm.at[wid])


_sc_loss = pl.kernel(
    _sc_body,
    out_type=jax.ShapeDtypeStruct((_NW, 32), jnp.float32),
    mesh=plsc.VectorSubcoreMesh(core_axis_name="c", subcore_axis_name="s",
                                num_cores=_NC, num_subcores=_NS),
    compiler_params=pltpu.CompilerParams(needs_layout_passes=False),
    scratch_types=[
        pltpu.VMEM((_EMB // 2 * _NUM_CLASSES,), jnp.int32),
        pltpu.VMEM((_ROWS_PER_W, _W), jnp.int32),
        pltpu.VMEM((_ROWS_PER_W, _W), jnp.float32),
        pltpu.VMEM((2, _C_CHUNK, _R_CHUNK, _W), jnp.float32),
        pltpu.VMEM((32,), jnp.float32),
        pltpu.SemaphoreType.DMA,
        pltpu.SemaphoreType.DMA,
    ],
)


_TC_RB = 16


def _tc_body(e_ref, l_ref, t_ref, o_ref, m_ref):
    px = _TC_RB * _W
    e2 = e_ref[0].reshape(_EMB, px)
    lab = l_ref[0].reshape(1, px)
    cls = jax.lax.broadcasted_iota(jnp.int32, (_NUM_CLASSES, px), 0)
    onehot = (cls == lab).astype(jnp.bfloat16)
    g = jax.lax.dot_general(t_ref[...], onehot, (((1,), (0,)), ((), ())),
                            preferred_element_type=jnp.float32)
    mask = (lab != _IGNORE).astype(jnp.float32)
    d = jnp.abs(e2 - g) * mask

    def fold(x):
        acc = x[0:8]
        for r in range(8, _TC_RB, 8):
            acc = acc + x[r:r + 8]
        return acc

    ps = fold(jnp.sum(d, axis=0).reshape(_TC_RB, _W))
    pm = fold(mask.reshape(1, px).reshape(_TC_RB, _W))

    first = (pl.program_id(0) == 0) & (pl.program_id(1) == 0)

    @pl.when(first)
    def _():
        o_ref[...] = ps
        m_ref[...] = pm

    @pl.when(jnp.logical_not(first))
    def _():
        o_ref[...] = o_ref[...] + ps
        m_ref[...] = m_ref[...] + pm


_N_TC_HB = (128 - _HS) // _TC_RB

_tc_loss = pl.pallas_call(
    _tc_body,
    grid=(8, _N_TC_HB),
    in_specs=[
        pl.BlockSpec((1, _EMB, _TC_RB, _W),
                     lambda b, j: (b, 0, _HS // _TC_RB + j, 0)),
        pl.BlockSpec((1, _TC_RB, _W), lambda b, j: (b, _HS // _TC_RB + j, 0)),
        pl.BlockSpec((_EMB, _NUM_CLASSES), lambda b, j: (0, 0)),
    ],
    out_specs=[
        pl.BlockSpec((8, _W), lambda b, j: (0, 0)),
        pl.BlockSpec((8, _W), lambda b, j: (0, 0)),
    ],
    out_shape=[
        jax.ShapeDtypeStruct((8, _W), jnp.float32),
        jax.ShapeDtypeStruct((8, _W), jnp.float32),
    ],
)


def kernel(embs, labels, idx_to_vec):
    B, C, H, W = embs.shape
    lbl = labels.astype(jnp.int32)
    tb = idx_to_vec.astype(jnp.bfloat16)
    packed = jax.lax.bitcast_convert_type(
        tb.reshape(_NUM_CLASSES, _EMB // 2, 2), jnp.int32)
    tbl = packed.T.reshape(-1)
    sc_out = _sc_loss(embs, lbl, tbl)
    tc_sum, tc_msk = _tc_loss(embs, lbl, tb.T)
    psum = jnp.sum(sc_out[:, :16]) + jnp.sum(tc_sum)
    pcnt = jnp.sum(sc_out[:, 16:]) + jnp.sum(tc_msk)
    return psum / (pcnt * np.float32(C))

# --- scband reference (transcript-rebuilt; emitter-appended) ---
"""Pipeline reference for scband-distance-loss-80367428043017 (READ-ONLY COPY).

The authoritative reference and input builder live on the scoring server;
editing this copy changes nothing except your own understanding.
"""

import jax, jax.numpy as jnp
import numpy as np

NUM_CLASSES = 256
EMB_DIM = 256
IGNORE_INDEX = 255


def setup_inputs(seed: int = 0) -> dict:
    key = jax.random.key(seed)
    k1, k2, k3 = jax.random.split(key, 3)
    embs = jax.random.normal(k1, (8, EMB_DIM, 128, 128), dtype=jnp.float32)
    labels = jax.random.randint(k2, (8, 128, 128), 0, NUM_CLASSES)
    idx_to_vec = jax.random.normal(k3, (NUM_CLASSES, EMB_DIM), dtype=jnp.float32)
    return {"embs": embs, "labels": labels, "idx_to_vec": idx_to_vec}


def reference(embs, labels, idx_to_vec):
    # flatten_embs: [B,C,H,W] -> [B*H*W, C], drop ignore_index pixels
    B, C, H, W = embs.shape
    e = jnp.transpose(embs, (0, 2, 3, 1)).reshape(-1, C)
    l = labels.reshape(-1)
    valid_mask = (l != IGNORE_INDEX)
    # targets_to_embs: gather class embedding vectors for all pixels
    embs_gt = jnp.take(idx_to_vec, l, axis=0)
    # L1Loss (mean reduction) over valid pixels via fixed-shape masked reduction
    abs_diff = jnp.abs(e - embs_gt)
    masked_sum = jnp.sum(jnp.where(valid_mask[:, None], abs_diff, 0.0))
    valid_count = jnp.sum(valid_mask).astype(abs_diff.dtype)
    loss = masked_sum / (valid_count * C)
    return loss

if __name__ == "__main__":
    import jax
    _d = setup_inputs()
    print(jax.jit(kernel)(*tuple(_d.values())))

</pallas_src>

<mosaic_0001>
#map = affine_map<(d0, d1) -> (0, 0, 0, 0)>
#map1 = affine_map<(d0, d1) -> (0, 0, 0)>
#map2 = affine_map<(d0, d1) -> (0)>
#map3 = affine_map<(d0, d1) -> (0, 0)>
module attributes {stable_mosaic.version = 14 : i64} {
  func.func @_sc_body(%arg0: i32, %arg1: i32, %arg2: memref<8x256x128x128xf32, #tpu.memory_space<hbm>>, %arg3: memref<8x128x128xi32, #tpu.memory_space<hbm>>, %arg4: memref<32768xi32, #tpu.memory_space<hbm>>, %arg5: memref<32x32xf32, #tpu.memory_space<hbm>>, %arg6: memref<32768xi32, #tpu.memory_space<vmem>>, %arg7: memref<16x128xi32, #tpu.memory_space<vmem>>, %arg8: memref<16x128xf32, #tpu.memory_space<vmem>>, %arg9: memref<2x32x8x128xf32, #tpu.memory_space<vmem>>, %arg10: memref<32xf32, #tpu.memory_space<vmem>>, %arg11: memref<!tpu.dma_semaphore, #tpu.memory_space<semaphore_mem>>, %arg12: memref<!tpu.dma_semaphore, #tpu.memory_space<semaphore_mem>>) attributes {dimension_semantics = [#tpu.dimension_semantics<core_parallel>, #tpu.dimension_semantics<subcore_parallel>], iteration_bounds = array<i64: 2, 16>, scalar_prefetch = 0 : i64, scratch_operands = 7 : i64, tpu.core_type = #tpu.core_type<sc_vector_subcore>, window_params = [{transform_indices = #map}, {transform_indices = #map1}, {transform_indices = #map2}, {transform_indices = #map3}]} {
    %mul3A = arith.constant 2 : i32
    %mul3A_0 = arith.muli %arg1, %mul3A : i32
    %add3A = arith.addi %mul3A_0, %arg0 : i32
    %jit3A = arith.constant 4 : i32
    %div3A = arith.divsi %add3A, %jit3A : i32
    %sign3A = arith.constant 0 : i32
    %sign3A_1 = arith.cmpi sgt, %add3A, %sign3A : i32
    %sign3A_2 = arith.extui %sign3A_1 : i1 to i32
    %sign3A_3 = arith.constant 0 : i32
    %sign3A_4 = arith.cmpi slt, %add3A, %sign3A_3 : i32
    %sign3A_5 = arith.extui %sign3A_4 : i1 to i32
    %sign3A_6 = arith.subi %sign3A_2, %sign3A_5 : i32
    %sign3A_7 = arith.constant 0 : i32
    %sign3A_8 = arith.cmpi sgt, %jit3A, %sign3A_7 : i32
    %sign3A_9 = arith.extui %sign3A_8 : i1 to i32
    %sign3A_10 = arith.constant 0 : i32
    %sign3A_11 = arith.cmpi slt, %jit3A, %sign3A_10 : i32
    %sign3A_12 = arith.extui %sign3A_11 : i1 to i32
    %sign3A_13 = arith.subi %sign3A_9, %sign3A_12 : i32
    %ne3A = arith.cmpi ne, %sign3A_6, %sign3A_13 : i32
    %rem3A = arith.remsi %add3A, %jit3A : i32
    %ne3A_14 = arith.constant 0 : i32
    %ne3A_15 = arith.cmpi ne, %rem3A, %ne3A_14 : i32
    %and3A = arith.andi %ne3A, %ne3A_15 : i1
    %sub3A = arith.constant 1 : i32
    %sub3A_16 = arith.subi %div3A, %sub3A : i32
    %select_n3A = arith.select %and3A, %sub3A_16, %div3A : i32
    %jit3A_17 = arith.constant 4 : i32
    %eq3A = arith.constant 0 : i32
    %eq3A_18 = arith.cmpi eq, %jit3A_17, %eq3A : i32
    %jit3A_19 = arith.constant 1 : i32
    %select_n3A_20 = arith.select %eq3A_18, %jit3A_19, %jit3A_17 : i32
    %rem3A_21 = arith.remsi %add3A, %select_n3A_20 : i32
    %ne3A_22 = arith.constant 0 : i32
    %ne3A_23 = arith.cmpi ne, %rem3A_21, %ne3A_22 : i32
    %lt3A = arith.constant 0 : i32
    %lt3A_24 = arith.cmpi slt, %rem3A_21, %lt3A : i32
    %lt3A_25 = arith.constant 0 : i32
    %lt3A_26 = arith.cmpi slt, %select_n3A_20, %lt3A_25 : i32
    %ne3A_27 = arith.xori %lt3A_24, %lt3A_26 : i1
    %and3A_28 = arith.andi %ne3A_27, %ne3A_23 : i1
    %add3A_29 = arith.addi %rem3A_21, %select_n3A_20 : i32
    %select_n3A_30 = arith.select %and3A_28, %add3A_29, %rem3A_21 : i32
    %mul3A_31 = arith.constant 16 : i32
    %mul3A_32 = arith.muli %select_n3A_30, %mul3A_31 : i32
    "tpu.region"() ({
      %run_scoped3A = tpu.sem_alloc : memref<!tpu.dma_semaphore, #tpu.memory_space<semaphore_mem>>
      tpu.enqueue_dma source(%arg4 : memref<32768xi32, #tpu.memory_space<hbm>>) target(%arg6 : memref<32768xi32, #tpu.memory_space<vmem>>) target_semaphore(%run_scoped3A : memref<!tpu.dma_semaphore, #tpu.memory_space<semaphore_mem>>)
      tpu.wait_dma2 semaphore(%run_scoped3A : memref<!tpu.dma_semaphore, #tpu.memory_space<semaphore_mem>>) src(%arg4 : memref<32768xi32, #tpu.memory_space<hbm>>) dst(%arg6 : memref<32768xi32, #tpu.memory_space<vmem>>)
      tpu.yield
    }) : () -> ()
    "tpu.region"() ({
      %run_scoped3A = tpu.sem_alloc : memref<!tpu.dma_semaphore, #tpu.memory_space<semaphore_mem>>
      %dma_start3A_74 = arith.constant 0 : i32
      %dma_start3A_75 = tpu.memref_slice %arg3[%select_n3A, %mul3A_32, %dma_start3A_74] : memref<8x128x128xi32, #tpu.memory_space<hbm>> -> memref<1x16x128xi32, #tpu.memory_space<hbm>>
      %dma_start3A_76 = tpu.memref_squeeze %dma_start3A_75 : memref<1x16x128xi32, #tpu.memory_space<hbm>> -> memref<16x128xi32, #tpu.memory_space<hbm>>
      %dma_start3A_77 = arith.constant 0 : i32
      %dma_start3A_78 = tpu.memref_slice %arg3[%select_n3A, %mul3A_32, %dma_start3A_77] : memref<8x128x128xi32, #tpu.memory_space<hbm>> -> memref<1x16x128xi32, #tpu.memory_space<hbm>>
      %dma_start3A_79 = tpu.memref_squeeze %dma_start3A_78 : memref<1x16x128xi32, #tpu.memory_space<hbm>> -> memref<16x128xi32, #tpu.memory_space<hbm>>
      tpu.enqueue_dma source(%dma_start3A_79 : memref<16x128xi32, #tpu.memory_space<hbm>>) target(%arg7 : memref<16x128xi32, #tpu.memory_space<vmem>>) target_semaphore(%run_scoped3A : memref<!tpu.dma_semaphore, #tpu.memory_space<semaphore_mem>>)
      %dma_wait3A = arith.constant 0 : i32
      %dma_wait3A_80 = tpu.memref_slice %arg3[%select_n3A, %mul3A_32, %dma_wait3A] : memref<8x128x128xi32, #tpu.memory_space<hbm>> -> memref<1x16x128xi32, #tpu.memory_space<hbm>>
      %dma_wait3A_81 = tpu.memref_squeeze %dma_wait3A_80 : memref<1x16x128xi32, #tpu.memory_space<hbm>> -> memref<16x128xi32, #tpu.memory_space<hbm>>
      %dma_wait3A_82 = arith.constant 0 : i32
      %dma_wait3A_83 = tpu.memref_slice %arg3[%select_n3A, %mul3A_32, %dma_wait3A_82] : memref<8x128x128xi32, #tpu.memory_space<hbm>> -> memref<1x16x128xi32, #tpu.memory_space<hbm>>
      %dma_wait3A_84 = tpu.memref_squeeze %dma_wait3A_83 : memref<1x16x128xi32, #tpu.memory_space<hbm>> -> memref<16x128xi32, #tpu.memory_space<hbm>>
      tpu.wait_dma2 semaphore(%run_scoped3A : memref<!tpu.dma_semaphore, #tpu.memory_space<semaphore_mem>>) src(%dma_wait3A_84 : memref<16x128xi32, #tpu.memory_space<hbm>>) dst(%arg7 : memref<16x128xi32, #tpu.memory_space<vmem>>)
      tpu.yield
    }) : () -> ()
    %scan3A = arith.constant 0 : i32
    %scan3A_33 = arith.constant 0 : i32
    %scan3A_34 = arith.constant 128 : i32
    %scan3A_35 = arith.addi %scan3A_33, %scan3A_34 : i32
    %scan3A_36 = arith.constant 1 : i32
    scf.for %scan3A_74 = %scan3A_33 to %scan3A_35 step %scan3A_36  : i32 {
      %broadcast_in_dim3A_75 = arith.constant 0.000000e+00 : f32
      %broadcast_in_dim3A_76 = vector.broadcast %broadcast_in_dim3A_75 : f32 to vector<16xf32>
      %jit3A_77 = arith.constant 8 : i32
      %div3A_78 = arith.divsi %scan3A_74, %jit3A_77 : i32
      %sign3A_79 = arith.constant 0 : i32
      %sign3A_80 = arith.cmpi sgt, %scan3A_74, %sign3A_79 : i32
      %sign3A_81 = arith.extui %sign3A_80 : i1 to i32
      %sign3A_82 = arith.constant 0 : i32
      %sign3A_83 = arith.cmpi slt, %scan3A_74, %sign3A_82 : i32
      %sign3A_84 = arith.extui %sign3A_83 : i1 to i32
      %sign3A_85 = arith.subi %sign3A_81, %sign3A_84 : i32
      %sign3A_86 = arith.constant 0 : i32
      %sign3A_87 = arith.cmpi sgt, %jit3A_77, %sign3A_86 : i32
      %sign3A_88 = arith.extui %sign3A_87 : i1 to i32
      %sign3A_89 = arith.constant 0 : i32
      %sign3A_90 = arith.cmpi slt, %jit3A_77, %sign3A_89 : i32
      %sign3A_91 = arith.extui %sign3A_90 : i1 to i32
      %sign3A_92 = arith.subi %sign3A_88, %sign3A_91 : i32
      %ne3A_93 = arith.cmpi ne, %sign3A_85, %sign3A_92 : i32
      %rem3A_94 = arith.remsi %scan3A_74, %jit3A_77 : i32
      %ne3A_95 = arith.constant 0 : i32
      %ne3A_96 = arith.cmpi ne, %rem3A_94, %ne3A_95 : i32
      %and3A_97 = arith.andi %ne3A_93, %ne3A_96 : i1
      %sub3A_98 = arith.constant 1 : i32
      %sub3A_99 = arith.subi %div3A_78, %sub3A_98 : i32
      %select_n3A_100 = arith.select %and3A_97, %sub3A_99, %div3A_78 : i32
      %jit3A_101 = arith.constant 8 : i32
      %eq3A_102 = arith.constant 0 : i32
      %eq3A_103 = arith.cmpi eq, %jit3A_101, %eq3A_102 : i32
      %jit3A_104 = arith.constant 1 : i32
      %select_n3A_105 = arith.select %eq3A_103, %jit3A_104, %jit3A_101 : i32
      %rem3A_106 = arith.remsi %scan3A_74, %select_n3A_105 : i32
      %ne3A_107 = arith.constant 0 : i32
      %ne3A_108 = arith.cmpi ne, %rem3A_106, %ne3A_107 : i32
      %lt3A_109 = arith.constant 0 : i32
      %lt3A_110 = arith.cmpi slt, %rem3A_106, %lt3A_109 : i32
      %lt3A_111 = arith.constant 0 : i32
      %lt3A_112 = arith.cmpi slt, %select_n3A_105, %lt3A_111 : i32
      %ne3A_113 = arith.xori %lt3A_110, %lt3A_112 : i1
      %and3A_114 = arith.andi %ne3A_113, %ne3A_108 : i1
      %add3A_115 = arith.addi %rem3A_106, %select_n3A_105 : i32
      %select_n3A_116 = arith.select %and3A_114, %add3A_115, %rem3A_106 : i32
      %mul3A_117 = arith.constant 16 : i32
      %mul3A_118 = arith.muli %select_n3A_116, %mul3A_117 : i32
      %swap3A_119 = arith.index_cast %select_n3A_100 : i32 to index
      %swap3A_120 = arith.index_cast %mul3A_118 : i32 to index
      %swap3A_121 = tpu.vector_load %arg8[%swap3A_119, %swap3A_120] {strides = array<i32>} : memref<16x128xf32, #tpu.memory_space<vmem>>, vector<16xf32>,
      tpu.vector_store %arg8[%swap3A_119, %swap3A_120], %broadcast_in_dim3A_76 {strides = array<i32>} : memref<16x128xf32, #tpu.memory_space<vmem>>, vector<16xf32>,
    }
    %scan3A_37 = arith.constant 128 : i32
    %add3A_38 = arith.constant 0 : i32
    %add3A_39 = arith.addi %mul3A_32, %add3A_38 : i32
    %dma_start3A = arith.constant 0 : i32
    %dma_start3A_40 = arith.constant 0 : i32
    %dma_start3A_41 = arith.constant 0 : i32
    %dma_start3A_42 = arith.constant 0 : i32
    %dma_start3A_43 = tpu.memref_slice %arg9[%dma_start3A, %dma_start3A_40, %dma_start3A_41, %dma_start3A_42] : memref<2x32x8x128xf32, #tpu.memory_space<vmem>> -> memref<1x32x8x128xf32, #tpu.memory_space<vmem>>
    %dma_start3A_44 = tpu.memref_squeeze %dma_start3A_43 : memref<1x32x8x128xf32, #tpu.memory_space<vmem>> -> memref<32x8x128xf32, #tpu.memory_space<vmem>>
    %dma_start3A_45 = arith.constant 0 : i32
    %dma_start3A_46 = arith.constant 0 : i32
    %dma_start3A_47 = tpu.memref_slice %arg2[%select_n3A, %dma_start3A_45, %add3A_39, %dma_start3A_46] : memref<8x256x128x128xf32, #tpu.memory_space<hbm>> -> memref<1x32x8x128xf32, #tpu.memory_space<hbm>>
    %dma_start3A_48 = tpu.memref_squeeze %dma_start3A_47 : memref<1x32x8x128xf32, #tpu.memory_space<hbm>> -> memref<32x8x128xf32, #tpu.memory_space<hbm>>
    %dma_start3A_49 = arith.constant 0 : i32
    %dma_start3A_50 = arith.constant 0 : i32
    %dma_start3A_51 = arith.constant 0 : i32
    %dma_start3A_52 = tpu.memref_slice %arg9[%dma_start3A, %dma_start3A_49, %dma_start3A_50, %dma_start3A_51] : memref<2x32x8x128xf32, #tpu.memory_space<vmem>> -> memref<1x32x8x128xf32, #tpu.memory_space<vmem>>
    %dma_start3A_53 = tpu.memref_squeeze %dma_start3A_52 : memref<1x32x8x128xf32, #tpu.memory_space<vmem>> -> memref<32x8x128xf32, #tpu.memory_space<vmem>>
    %dma_start3A_54 = arith.constant 0 : i32
    %dma_start3A_55 = arith.constant 0 : i32
    %dma_start3A_56 = tpu.memref_slice %arg2[%select_n3A, %dma_start3A_54, %add3A_39, %dma_start3A_55] : memref<8x256x128x128xf32, #tpu.memory_space<hbm>> -> memref<1x32x8x128xf32, #tpu.memory_space<hbm>>
    %dma_start3A_57 = tpu.memref_squeeze %dma_start3A_56 : memref<1x32x8x128xf32, #tpu.memory_space<hbm>> -> memref<32x8x128xf32, #tpu.memory_space<hbm>>
    tpu.enqueue_dma source(%dma_start3A_57 : memref<32x8x128xf32, #tpu.memory_space<hbm>>) target(%dma_start3A_53 : memref<32x8x128xf32, #tpu.memory_space<vmem>>) target_semaphore(%arg11 : memref<!tpu.dma_semaphore, #tpu.memory_space<semaphore_mem>>)
    %scan3A_58 = arith.constant 0 : i32
    %scan3A_59 = arith.constant 0 : i32
    %scan3A_60 = arith.constant 8 : i32
    %scan3A_61 = arith.addi %scan3A_59, %scan3A_60 : i32
    %scan3A_62 = arith.constant 1 : i32
    scf.for %scan3A_74 = %scan3A_59 to %scan3A_61 step %scan3A_62  : i32 {
      %mul3A_75 = arith.constant 2 : i32
      %mul3A_76 = arith.muli %scan3A_74, %mul3A_75 : i32
      %add3A_77 = arith.constant 1 : i32
      %add3A_78 = arith.addi %mul3A_76, %add3A_77 : i32
      %jit3A_79 = arith.constant 8 : i32
      %eq3A_80 = arith.constant 0 : i32
      %eq3A_81 = arith.cmpi eq, %jit3A_79, %eq3A_80 : i32
      %jit3A_82 = arith.constant 1 : i32
      %select_n3A_83 = arith.select %eq3A_81, %jit3A_82, %jit3A_79 : i32
      %rem3A_84 = arith.remsi %mul3A_76, %select_n3A_83 : i32
      %ne3A_85 = arith.constant 0 : i32
      %ne3A_86 = arith.cmpi ne, %rem3A_84, %ne3A_85 : i32
      %lt3A_87 = arith.constant 0 : i32
      %lt3A_88 = arith.cmpi slt, %rem3A_84, %lt3A_87 : i32
      %lt3A_89 = arith.constant 0 : i32
      %lt3A_90 = arith.cmpi slt, %select_n3A_83, %lt3A_89 : i32
      %ne3A_91 = arith.xori %lt3A_88, %lt3A_90 : i1
      %and3A_92 = arith.andi %ne3A_91, %ne3A_86 : i1
      %add3A_93 = arith.addi %rem3A_84, %select_n3A_83 : i32
      %select_n3A_94 = arith.select %and3A_92, %add3A_93, %rem3A_84 : i32
      %jit3A_95 = arith.constant 8 : i32
      %div3A_96 = arith.divsi %mul3A_76, %jit3A_95 : i32
      %sign3A_97 = arith.constant 0 : i32
      %sign3A_98 = arith.cmpi sgt, %mul3A_76, %sign3A_97 : i32
      %sign3A_99 = arith.extui %sign3A_98 : i1 to i32
      %sign3A_100 = arith.constant 0 : i32
      %sign3A_101 = arith.cmpi slt, %mul3A_76, %sign3A_100 : i32
      %sign3A_102 = arith.extui %sign3A_101 : i1 to i32
      %sign3A_103 = arith.subi %sign3A_99, %sign3A_102 : i32
      %sign3A_104 = arith.constant 0 : i32
      %sign3A_105 = arith.cmpi sgt, %jit3A_95, %sign3A_104 : i32
      %sign3A_106 = arith.extui %sign3A_105 : i1 to i32
      %sign3A_107 = arith.constant 0 : i32
      %sign3A_108 = arith.cmpi slt, %jit3A_95, %sign3A_107 : i32
      %sign3A_109 = arith.extui %sign3A_108 : i1 to i32
      %sign3A_110 = arith.subi %sign3A_106, %sign3A_109 : i32
      %ne3A_111 = arith.cmpi ne, %sign3A_103, %sign3A_110 : i32
      %rem3A_112 = arith.remsi %mul3A_76, %jit3A_95 : i32
      %ne3A_113 = arith.constant 0 : i32
      %ne3A_114 = arith.cmpi ne, %rem3A_112, %ne3A_113 : i32
      %and3A_115 = arith.andi %ne3A_111, %ne3A_114 : i1
      %sub3A_116 = arith.constant 1 : i32
      %sub3A_117 = arith.subi %div3A_96, %sub3A_116 : i32
      %select_n3A_118 = arith.select %and3A_115, %sub3A_117, %div3A_96 : i32
      %mul3A_119 = arith.constant 32 : i32
      %mul3A_120 = arith.muli %select_n3A_94, %mul3A_119 : i32
      %mul3A_121 = arith.constant 8 : i32
      %mul3A_122 = arith.muli %select_n3A_118, %mul3A_121 : i32
      %add3A_123 = arith.addi %mul3A_32, %mul3A_122 : i32
      %dma_wait3A = arith.constant 0 : i32
      %dma_wait3A_124 = arith.constant 0 : i32
      %dma_wait3A_125 = arith.constant 0 : i32
      %dma_wait3A_126 = arith.constant 0 : i32
      %dma_wait3A_127 = tpu.memref_slice %arg9[%dma_wait3A, %dma_wait3A_124, %dma_wait3A_125, %dma_wait3A_126] : memref<2x32x8x128xf32, #tpu.memory_space<vmem>> -> memref<1x32x8x128xf32, #tpu.memory_space<vmem>>
      %dma_wait3A_128 = tpu.memref_squeeze %dma_wait3A_127 : memref<1x32x8x128xf32, #tpu.memory_space<vmem>> -> memref<32x8x128xf32, #tpu.memory_space<vmem>>
      %dma_wait3A_129 = arith.constant 0 : i32
      %dma_wait3A_130 = tpu.memref_slice %arg2[%select_n3A, %mul3A_120, %add3A_123, %dma_wait3A_129] : memref<8x256x128x128xf32, #tpu.memory_space<hbm>> -> memref<1x32x8x128xf32, #tpu.memory_space<hbm>>
      %dma_wait3A_131 = tpu.memref_squeeze %dma_wait3A_130 : memref<1x32x8x128xf32, #tpu.memory_space<hbm>> -> memref<32x8x128xf32, #tpu.memory_space<hbm>>
      %dma_wait3A_132 = arith.constant 0 : i32
      %dma_wait3A_133 = arith.constant 0 : i32
      %dma_wait3A_134 = arith.constant 0 : i32
      %dma_wait3A_135 = tpu.memref_slice %arg9[%dma_wait3A, %dma_wait3A_132, %dma_wait3A_133, %dma_wait3A_134] : memref<2x32x8x128xf32, #tpu.memory_space<vmem>> -> memref<1x32x8x128xf32, #tpu.memory_space<vmem>>
      %dma_wait3A_136 = tpu.memref_squeeze %dma_wait3A_135 : memref<1x32x8x128xf32, #tpu.memory_space<vmem>> -> memref<32x8x128xf32, #tpu.memory_space<vmem>>
      %dma_wait3A_137 = arith.constant 0 : i32
      %dma_wait3A_138 = tpu.memref_slice %arg2[%select_n3A, %mul3A_120, %add3A_123, %dma_wait3A_137] : memref<8x256x128x128xf32, #tpu.memory_space<hbm>> -> memref<1x32x8x128xf32, #tpu.memory_space<hbm>>
      %dma_wait3A_139 = tpu.memref_squeeze %dma_wait3A_138 : memref<1x32x8x128xf32, #tpu.memory_space<hbm>> -> memref<32x8x128xf32, #tpu.memory_space<hbm>>
      tpu.wait_dma2 semaphore(%arg11 : memref<!tpu.dma_semaphore, #tpu.memory_space<semaphore_mem>>) src(%dma_wait3A_139 : memref<32x8x128xf32, #tpu.memory_space<hbm>>) dst(%dma_wait3A_136 : memref<32x8x128xf32, #tpu.memory_space<vmem>>)
      %jit3A_140 = arith.constant 8 : i32
      %eq3A_141 = arith.constant 0 : i32
      %eq3A_142 = arith.cmpi eq, %jit3A_140, %eq3A_141 : i32
      %jit3A_143 = arith.constant 1 : i32
      %select_n3A_144 = arith.select %eq3A_142, %jit3A_143, %jit3A_140 : i32
      %rem3A_145 = arith.remsi %add3A_78, %select_n3A_144 : i32
      %ne3A_146 = arith.constant 0 : i32
      %ne3A_147 = arith.cmpi ne, %rem3A_145, %ne3A_146 : i32
      %lt3A_148 = arith.constant 0 : i32
      %lt3A_149 = arith.cmpi slt, %rem3A_145, %lt3A_148 : i32
      %lt3A_150 = arith.constant 0 : i32
      %lt3A_151 = arith.cmpi slt, %select_n3A_144, %lt3A_150 : i32
      %ne3A_152 = arith.xori %lt3A_149, %lt3A_151 : i1
      %and3A_153 = arith.andi %ne3A_152, %ne3A_147 : i1
      %add3A_154 = arith.addi %rem3A_145, %select_n3A_144 : i32
      %select_n3A_155 = arith.select %and3A_153, %add3A_154, %rem3A_145 : i32
      %jit3A_156 = arith.constant 8 : i32
      %div3A_157 = arith.divsi %add3A_78, %jit3A_156 : i32
      %sign3A_158 = arith.constant 0 : i32
      %sign3A_159 = arith.cmpi sgt, %add3A_78, %sign3A_158 : i32
      %sign3A_160 = arith.extui %sign3A_159 : i1 to i32
      %sign3A_161 = arith.constant 0 : i32
      %sign3A_162 = arith.cmpi slt, %add3A_78, %sign3A_161 : i32
      %sign3A_163 = arith.extui %sign3A_162 : i1 to i32
      %sign3A_164 = arith.subi %sign3A_160, %sign3A_163 : i32
      %sign3A_165 = arith.constant 0 : i32
      %sign3A_166 = arith.cmpi sgt, %jit3A_156, %sign3A_165 : i32
      %sign3A_167 = arith.extui %sign3A_166 : i1 to i32
      %sign3A_168 = arith.constant 0 : i32
      %sign3A_169 = arith.cmpi slt, %jit3A_156, %sign3A_168 : i32
      %sign3A_170 = arith.extui %sign3A_169 : i1 to i32
      %sign3A_171 = arith.subi %sign3A_167, %sign3A_170 : i32
      %ne3A_172 = arith.cmpi ne, %sign3A_164, %sign3A_171 : i32
      %rem3A_173 = arith.remsi %add3A_78, %jit3A_156 : i32
      %ne3A_174 = arith.constant 0 : i32
      %ne3A_175 = arith.cmpi ne, %rem3A_173, %ne3A_174 : i32
      %and3A_176 = arith.andi %ne3A_172, %ne3A_175 : i1
      %sub3A_177 = arith.constant 1 : i32
      %sub3A_178 = arith.subi %div3A_157, %sub3A_177 : i32
      %select_n3A_179 = arith.select %and3A_176, %sub3A_178, %div3A_157 : i32
      %mul3A_180 = arith.constant 32 : i32
      %mul3A_181 = arith.muli %select_n3A_155, %mul3A_180 : i32
      %mul3A_182 = arith.constant 8 : i32
      %mul3A_183 = arith.muli %select_n3A_179, %mul3A_182 : i32
      %add3A_184 = arith.addi %mul3A_32, %mul3A_183 : i32
      %dma_start3A_185 = arith.constant 1 : i32
      %dma_start3A_186 = arith.constant 0 : i32
      %dma_start3A_187 = arith.constant 0 : i32
      %dma_start3A_188 = arith.constant 0 : i32
      %dma_start3A_189 = tpu.memref_slice %arg9[%dma_start3A_185, %dma_start3A_186, %dma_start3A_187, %dma_start3A_188] : memref<2x32x8x128xf32, #tpu.memory_space<vmem>> -> memref<1x32x8x128xf32, #tpu.memory_space<vmem>>
      %dma_start3A_190 = tpu.memref_squeeze %dma_start3A_189 : memref<1x32x8x128xf32, #tpu.memory_space<vmem>> -> memref<32x8x128xf32, #tpu.memory_space<vmem>>
      %dma_start3A_191 = arith.constant 0 : i32
      %dma_start3A_192 = tpu.memref_slice %arg2[%select_n3A, %mul3A_181, %add3A_184, %dma_start3A_191] : memref<8x256x128x128xf32, #tpu.memory_space<hbm>> -> memref<1x32x8x128xf32, #tpu.memory_space<hbm>>
      %dma_start3A_193 = tpu.memref_squeeze %dma_start3A_192 : memref<1x32x8x128xf32, #tpu.memory_space<hbm>> -> memref<32x8x128xf32, #tpu.memory_space<hbm>>
      %dma_start3A_194 = arith.constant 0 : i32
      %dma_start3A_195 = arith.constant 0 : i32
      %dma_start3A_196 = arith.constant 0 : i32
      %dma_start3A_197 = tpu.memref_slice %arg9[%dma_start3A_185, %dma_start3A_194, %dma_start3A_195, %dma_start3A_196] : memref<2x32x8x128xf32, #tpu.memory_space<vmem>> -> memref<1x32x8x128xf32, #tpu.memory_space<vmem>>
      %dma_start3A_198 = tpu.memref_squeeze %dma_start3A_197 : memref<1x32x8x128xf32, #tpu.memory_space<vmem>> -> memref<32x8x128xf32, #tpu.memory_space<vmem>>
      %dma_start3A_199 = arith.constant 0 : i32
      %dma_start3A_200 = tpu.memref_slice %arg2[%select_n3A, %mul3A_181, %add3A_184, %dma_start3A_199] : memref<8x256x128x128xf32, #tpu.memory_space<hbm>> -> memref<1x32x8x128xf32, #tpu.memory_space<hbm>>
      %dma_start3A_201 = tpu.memref_squeeze %dma_start3A_200 : memref<1x32x8x128xf32, #tpu.memory_space<hbm>> -> memref<32x8x128xf32, #tpu.memory_space<hbm>>
      tpu.enqueue_dma source(%dma_start3A_201 : memref<32x8x128xf32, #tpu.memory_space<hbm>>) target(%dma_start3A_198 : memref<32x8x128xf32, #tpu.memory_space<vmem>>) target_semaphore(%arg12 : memref<!tpu.dma_semaphore, #tpu.memory_space<semaphore_mem>>)
      %jit3A_202 = arith.constant 8 : i32
      %eq3A_203 = arith.constant 0 : i32
      %eq3A_204 = arith.cmpi eq, %jit3A_202, %eq3A_203 : i32
      %jit3A_205 = arith.constant 1 : i32
      %select_n3A_206 = arith.select %eq3A_204, %jit3A_205, %jit3A_202 : i32
      %rem3A_207 = arith.remsi %mul3A_76, %select_n3A_206 : i32
      %ne3A_208 = arith.constant 0 : i32
      %ne3A_209 = arith.cmpi ne, %rem3A_207, %ne3A_208 : i32
      %lt3A_210 = arith.constant 0 : i32
      %lt3A_211 = arith.cmpi slt, %rem3A_207, %lt3A_210 : i32
      %lt3A_212 = arith.constant 0 : i32
      %lt3A_213 = arith.cmpi slt, %select_n3A_206, %lt3A_212 : i32
      %ne3A_214 = arith.xori %lt3A_211, %lt3A_213 : i1
      %and3A_215 = arith.andi %ne3A_214, %ne3A_209 : i1
      %add3A_216 = arith.addi %rem3A_207, %select_n3A_206 : i32
      %select_n3A_217 = arith.select %and3A_215, %add3A_216, %rem3A_207 : i32
      %mul3A_218 = arith.constant 32 : i32
      %mul3A_219 = arith.muli %select_n3A_217, %mul3A_218 : i32
      %jit3A_220 = arith.constant 8 : i32
      %div3A_221 = arith.divsi %mul3A_76, %jit3A_220 : i32
      %sign3A_222 = arith.constant 0 : i32
      %sign3A_223 = arith.cmpi sgt, %mul3A_76, %sign3A_222 : i32
      %sign3A_224 = arith.extui %sign3A_223 : i1 to i32
      %sign3A_225 = arith.constant 0 : i32
      %sign3A_226 = arith.cmpi slt, %mul3A_76, %sign3A_225 : i32
      %sign3A_227 = arith.extui %sign3A_226 : i1 to i32
      %sign3A_228 = arith.subi %sign3A_224, %sign3A_227 : i32
      %sign3A_229 = arith.constant 0 : i32
      %sign3A_230 = arith.cmpi sgt, %jit3A_220, %sign3A_229 : i32
      %sign3A_231 = arith.extui %sign3A_230 : i1 to i32
      %sign3A_232 = arith.constant 0 : i32
      %sign3A_233 = arith.cmpi slt, %jit3A_220, %sign3A_232 : i32
      %sign3A_234 = arith.extui %sign3A_233 : i1 to i32
      %sign3A_235 = arith.subi %sign3A_231, %sign3A_234 : i32
      %ne3A_236 = arith.cmpi ne, %sign3A_228, %sign3A_235 : i32
      %rem3A_237 = arith.remsi %mul3A_76, %jit3A_220 : i32
      %ne3A_238 = arith.constant 0 : i32
      %ne3A_239 = arith.cmpi ne, %rem3A_237, %ne3A_238 : i32
      %and3A_240 = arith.andi %ne3A_236, %ne3A_239 : i1
      %sub3A_241 = arith.constant 1 : i32
      %sub3A_242 = arith.subi %div3A_221, %sub3A_241 : i32
      %select_n3A_243 = arith.select %and3A_240, %sub3A_242, %div3A_221 : i32
      %mul3A_244 = arith.constant 8 : i32
      %mul3A_245 = arith.muli %select_n3A_243, %mul3A_244 : i32
      %parallel_loop3A = arith.constant 0 : i32
      %parallel_loop3A_246 = arith.constant 64 : i32
      %parallel_loop3A_247 = arith.constant 1 : i32
      %parallel_loop3A_248 = arith.constant 0 : i32
      scf.for %parallel_loop3A_362 = %parallel_loop3A to %parallel_loop3A_246 step %parallel_loop3A_247  : i32 {
        %parallel_loop3A_363 = arith.constant 8 : i32
        %parallel_loop3A_364 = arith.divsi %parallel_loop3A_362, %parallel_loop3A_363 : i32
        %parallel_loop3A_365 = arith.constant 0 : i32
        %parallel_loop3A_366 = arith.cmpi sgt, %parallel_loop3A_362, %parallel_loop3A_365 : i32
        %parallel_loop3A_367 = arith.extui %parallel_loop3A_366 : i1 to i32
        %parallel_loop3A_368 = arith.constant 0 : i32
        %parallel_loop3A_369 = arith.cmpi slt, %parallel_loop3A_362, %parallel_loop3A_368 : i32
        %parallel_loop3A_370 = arith.extui %parallel_loop3A_369 : i1 to i32
        %parallel_loop3A_371 = arith.subi %parallel_loop3A_367, %parallel_loop3A_370 : i32
        %parallel_loop3A_372 = arith.constant 0 : i32
        %parallel_loop3A_373 = arith.cmpi sgt, %parallel_loop3A_363, %parallel_loop3A_372 : i32
        %parallel_loop3A_374 = arith.extui %parallel_loop3A_373 : i1 to i32
        %parallel_loop3A_375 = arith.constant 0 : i32
        %parallel_loop3A_376 = arith.cmpi slt, %parallel_loop3A_363, %parallel_loop3A_375 : i32
        %parallel_loop3A_377 = arith.extui %parallel_loop3A_376 : i1 to i32
        %parallel_loop3A_378 = arith.subi %parallel_loop3A_374, %parallel_loop3A_377 : i32
        %parallel_loop3A_379 = arith.cmpi ne, %parallel_loop3A_371, %parallel_loop3A_378 : i32
        %parallel_loop3A_380 = arith.remsi %parallel_loop3A_362, %parallel_loop3A_363 : i32
        %parallel_loop3A_381 = arith.constant 0 : i32
        %parallel_loop3A_382 = arith.cmpi ne, %parallel_loop3A_380, %parallel_loop3A_381 : i32
        %parallel_loop3A_383 = arith.andi %parallel_loop3A_379, %parallel_loop3A_382 : i1
        %parallel_loop3A_384 = arith.constant 1 : i32
        %parallel_loop3A_385 = arith.subi %parallel_loop3A_364, %parallel_loop3A_384 : i32
        %parallel_loop3A_386 = arith.select %parallel_loop3A_383, %parallel_loop3A_385, %parallel_loop3A_364 : i32
        %parallel_loop3A_387 = arith.constant 8 : i32
        %parallel_loop3A_388 = arith.constant 0 : i32
        %parallel_loop3A_389 = arith.cmpi eq, %parallel_loop3A_387, %parallel_loop3A_388 : i32
        %parallel_loop3A_390 = arith.constant 1 : i32
        %parallel_loop3A_391 = arith.select %parallel_loop3A_389, %parallel_loop3A_390, %parallel_loop3A_387 : i32
        %parallel_loop3A_392 = arith.remsi %parallel_loop3A_362, %parallel_loop3A_391 : i32
        %parallel_loop3A_393 = arith.constant 0 : i32
        %parallel_loop3A_394 = arith.cmpi ne, %parallel_loop3A_392, %parallel_loop3A_393 : i32
        %parallel_loop3A_395 = arith.constant 0 : i32
        %parallel_loop3A_396 = arith.cmpi slt, %parallel_loop3A_392, %parallel_loop3A_395 : i32
        %parallel_loop3A_397 = arith.constant 0 : i32
        %parallel_loop3A_398 = arith.cmpi slt, %parallel_loop3A_391, %parallel_loop3A_397 : i32
        %parallel_loop3A_399 = arith.xori %parallel_loop3A_396, %parallel_loop3A_398 : i1
        %parallel_loop3A_400 = arith.andi %parallel_loop3A_399, %parallel_loop3A_394 : i1
        %parallel_loop3A_401 = arith.addi %parallel_loop3A_392, %parallel_loop3A_391 : i32
        %parallel_loop3A_402 = arith.select %parallel_loop3A_400, %parallel_loop3A_401, %parallel_loop3A_392 : i32
        %parallel_loop3A_403 = arith.constant 16 : i32
        %parallel_loop3A_404 = arith.muli %parallel_loop3A_402, %parallel_loop3A_403 : i32
        %parallel_loop3A_405 = arith.addi %mul3A_245, %parallel_loop3A_386 : i32
        %parallel_loop3A_406 = arith.index_cast %parallel_loop3A_405 : i32 to index
        %parallel_loop3A_407 = arith.index_cast %parallel_loop3A_404 : i32 to index
        %parallel_loop3A_408 = tpu.vector_load %arg7[%parallel_loop3A_406, %parallel_loop3A_407] {strides = array<i32>} : memref<16x128xi32, #tpu.memory_space<vmem>>, vector<16xi32>,
        %parallel_loop3A_409 = arith.constant 2 : i32
        %parallel_loop3A_410 = arith.divsi %mul3A_219, %parallel_loop3A_409 : i32
        %parallel_loop3A_411 = arith.constant 0 : i32
        %parallel_loop3A_412 = arith.cmpi sgt, %mul3A_219, %parallel_loop3A_411 : i32
        %parallel_loop3A_413 = arith.extui %parallel_loop3A_412 : i1 to i32
        %parallel_loop3A_414 = arith.constant 0 : i32
        %parallel_loop3A_415 = arith.cmpi slt, %mul3A_219, %parallel_loop3A_414 : i32
        %parallel_loop3A_416 = arith.extui %parallel_loop3A_415 : i1 to i32
        %parallel_loop3A_417 = arith.subi %parallel_loop3A_413, %parallel_loop3A_416 : i32
        %parallel_loop3A_418 = arith.constant 0 : i32
        %parallel_loop3A_419 = arith.cmpi sgt, %parallel_loop3A_409, %parallel_loop3A_418 : i32
        %parallel_loop3A_420 = arith.extui %parallel_loop3A_419 : i1 to i32
        %parallel_loop3A_421 = arith.constant 0 : i32
        %parallel_loop3A_422 = arith.cmpi slt, %parallel_loop3A_409, %parallel_loop3A_421 : i32
        %parallel_loop3A_423 = arith.extui %parallel_loop3A_422 : i1 to i32
        %parallel_loop3A_424 = arith.subi %parallel_loop3A_420, %parallel_loop3A_423 : i32
        %parallel_loop3A_425 = arith.cmpi ne, %parallel_loop3A_417, %parallel_loop3A_424 : i32
        %parallel_loop3A_426 = arith.remsi %mul3A_219, %parallel_loop3A_409 : i32
        %parallel_loop3A_427 = arith.constant 0 : i32
        %parallel_loop3A_428 = arith.cmpi ne, %parallel_loop3A_426, %parallel_loop3A_427 : i32
        %parallel_loop3A_429 = arith.andi %parallel_loop3A_425, %parallel_loop3A_428 : i1
        %parallel_loop3A_430 = arith.constant 1 : i32
        %parallel_loop3A_431 = arith.subi %parallel_loop3A_410, %parallel_loop3A_430 : i32
        %parallel_loop3A_432 = arith.select %parallel_loop3A_429, %parallel_loop3A_431, %parallel_loop3A_410 : i32
        %parallel_loop3A_433 = arith.constant 256 : i32
        %parallel_loop3A_434 = arith.muli %parallel_loop3A_432, %parallel_loop3A_433 : i32
        %parallel_loop3A_435 = vector.broadcast %parallel_loop3A_434 : i32 to vector<16xi32>
        %parallel_loop3A_436 = arith.addi %parallel_loop3A_408, %parallel_loop3A_435 : vector<16xi32>
        %parallel_loop3A_437 = arith.constant 0.000000e+00 : f32
        %parallel_loop3A_438 = vector.broadcast %parallel_loop3A_437 : f32 to vector<16xf32>
        %parallel_loop3A_439 = arith.constant 0.000000e+00 : f32
        %parallel_loop3A_440 = vector.broadcast %parallel_loop3A_439 : f32 to vector<16xf32>
        %parallel_loop3A_441 = arith.constant 0.000000e+00 : f32
        %parallel_loop3A_442 = vector.broadcast %parallel_loop3A_441 : f32 to vector<16xf32>
        %parallel_loop3A_443 = arith.constant 0.000000e+00 : f32
        %parallel_loop3A_444 = vector.broadcast %parallel_loop3A_443 : f32 to vector<16xf32>
        %parallel_loop3A_445 = arith.constant 0 : i32
        %parallel_loop3A_446 = vector.broadcast %parallel_loop3A_445 : i32 to vector<16xi32>
        %parallel_loop3A_447 = arith.addi %parallel_loop3A_436, %parallel_loop3A_446 : vector<16xi32>
        %parallel_loop3A_448 = tpu.vector_load_idx %arg6[%parallel_loop3A_447] : memref<32768xi32, #tpu.memory_space<vmem>>[vector<16xi32>], vector<16xi32>,
        %parallel_loop3A_449 = vector.bitcast %parallel_loop3A_448 : vector<16xi32> to vector<32xbf16>
        %parallel_loop3A_450 = tpu.unpack_subelements %parallel_loop3A_449, 0 {pack_format = #tpu.pack_format<interleaved>} : vector<32xbf16> -> vector<16xf32>
        %parallel_loop3A_451 = tpu.unpack_subelements %parallel_loop3A_449, 1 {pack_format = #tpu.pack_format<interleaved>} : vector<32xbf16> -> vector<16xf32>
        %parallel_loop3A_452 = arith.constant 0 : i32
        %parallel_loop3A_453 = arith.constant 0 : i32
        %parallel_loop3A_454 = arith.constant 0 : i32
        %parallel_loop3A_455 = arith.constant 0 : i32
        %parallel_loop3A_456 = tpu.memref_slice %arg9[%parallel_loop3A_248, %parallel_loop3A_453, %parallel_loop3A_454, %parallel_loop3A_455] : memref<2x32x8x128xf32, #tpu.memory_space<vmem>> -> memref<1x32x8x128xf32, #tpu.memory_space<vmem>>
        %parallel_loop3A_457 = tpu.memref_squeeze %parallel_loop3A_456 : memref<1x32x8x128xf32, #tpu.memory_space<vmem>> -> memref<32x8x128xf32, #tpu.memory_space<vmem>>
        %parallel_loop3A_458 = arith.index_cast %parallel_loop3A_452 : i32 to index
        %parallel_loop3A_459 = arith.index_cast %parallel_loop3A_386 : i32 to index
        %parallel_loop3A_460 = arith.index_cast %parallel_loop3A_404 : i32 to index
        %parallel_loop3A_461 = tpu.vector_load %parallel_loop3A_457[%parallel_loop3A_458, %parallel_loop3A_459, %parallel_loop3A_460] {strides = array<i32>} : memref<32x8x128xf32, #tpu.memory_space<vmem>>, vector<16xf32>,
        %parallel_loop3A_462 = arith.constant 1 : i32
        %parallel_loop3A_463 = arith.constant 0 : i32
        %parallel_loop3A_464 = arith.constant 0 : i32
        %parallel_loop3A_465 = arith.constant 0 : i32
        %parallel_loop3A_466 = tpu.memref_slice %arg9[%parallel_loop3A_248, %parallel_loop3A_463, %parallel_loop3A_464, %parallel_loop3A_465] : memref<2x32x8x128xf32, #tpu.memory_space<vmem>> -> memref<1x32x8x128xf32, #tpu.memory_space<vmem>>
        %parallel_loop3A_467 = tpu.memref_squeeze %parallel_loop3A_466 : memref<1x32x8x128xf32, #tpu.memory_space<vmem>> -> memref<32x8x128xf32, #tpu.memory_space<vmem>>
        %parallel_loop3A_468 = arith.index_cast %parallel_loop3A_462 : i32 to index
        %parallel_loop3A_469 = arith.index_cast %parallel_loop3A_386 : i32 to index
        %parallel_loop3A_470 = arith.index_cast %parallel_loop3A_404 : i32 to index
        %parallel_loop3A_471 = tpu.vector_load %parallel_loop3A_467[%parallel_loop3A_468, %parallel_loop3A_469, %parallel_loop3A_470] {strides = array<i32>} : memref<32x8x128xf32, #tpu.memory_space<vmem>>, vector<16xf32>,
        %parallel_loop3A_472 = arith.subf %parallel_loop3A_461, %parallel_loop3A_450 : vector<16xf32>
        %parallel_loop3A_473 = math.absf %parallel_loop3A_472 : vector<16xf32>
        %parallel_loop3A_474 = arith.addf %parallel_loop3A_438, %parallel_loop3A_473 : vector<16xf32>
        %parallel_loop3A_475 = arith.subf %parallel_loop3A_471, %parallel_loop3A_451 : vector<16xf32>
        %parallel_loop3A_476 = math.absf %parallel_loop3A_475 : vector<16xf32>
        %parallel_loop3A_477 = arith.addf %parallel_loop3A_440, %parallel_loop3A_476 : vector<16xf32>
        %parallel_loop3A_478 = arith.constant 256 : i32
        %parallel_loop3A_479 = vector.broadcast %parallel_loop3A_478 : i32 to vector<16xi32>
        %parallel_loop3A_480 = arith.addi %parallel_loop3A_436, %parallel_loop3A_479 : vector<16xi32>
        %parallel_loop3A_481 = tpu.vector_load_idx %arg6[%parallel_loop3A_480] : memref<32768xi32, #tpu.memory_space<vmem>>[vector<16xi32>], vector<16xi32>,
        %parallel_loop3A_482 = vector.bitcast %parallel_loop3A_481 : vector<16xi32> to vector<32xbf16>
        %parallel_loop3A_483 = tpu.unpack_subelements %parallel_loop3A_482, 0 {pack_format = #tpu.pack_format<interleaved>} : vector<32xbf16> -> vector<16xf32>
        %parallel_loop3A_484 = tpu.unpack_subelements %parallel_loop3A_482, 1 {pack_format = #tpu.pack_format<interleaved>} : vector<32xbf16> -> vector<16xf32>
        %parallel_loop3A_485 = arith.constant 2 : i32
        %parallel_loop3A_486 = arith.constant 0 : i32
        %parallel_loop3A_487 = arith.constant 0 : i32
        %parallel_loop3A_488 = arith.constant 0 : i32
        %parallel_loop3A_489 = tpu.memref_slice %arg9[%parallel_loop3A_248, %parallel_loop3A_486, %parallel_loop3A_487, %parallel_loop3A_488] : memref<2x32x8x128xf32, #tpu.memory_space<vmem>> -> memref<1x32x8x128xf32, #tpu.memory_space<vmem>>
        %parallel_loop3A_490 = tpu.memref_squeeze %parallel_loop3A_489 : memref<1x32x8x128xf32, #tpu.memory_space<vmem>> -> memref<32x8x128xf32, #tpu.memory_space<vmem>>
        %parallel_loop3A_491 = arith.index_cast %parallel_loop3A_485 : i32 to index
        %parallel_loop3A_492 = arith.index_cast %parallel_loop3A_386 : i32 to index
        %parallel_loop3A_493 = arith.index_cast %parallel_loop3A_404 : i32 to index
        %parallel_loop3A_494 = tpu.vector_load %parallel_loop3A_490[%parallel_loop3A_491, %parallel_loop3A_492, %parallel_loop3A_493] {strides = array<i32>} : memref<32x8x128xf32, #tpu.memory_space<vmem>>, vector<16xf32>,
        %parallel_loop3A_495 = arith.constant 3 : i32
        %parallel_loop3A_496 = arith.constant 0 : i32
        %parallel_loop3A_497 = arith.constant 0 : i32
        %parallel_loop3A_498 = arith.constant 0 : i32
        %parallel_loop3A_499 = tpu.memref_slice %arg9[%parallel_loop3A_248, %parallel_loop3A_496, %parallel_loop3A_497, %parallel_loop3A_498] : memref<2x32x8x128xf32, #tpu.memory_space<vmem>> -> memref<1x32x8x128xf32, #tpu.memory_space<vmem>>
        %parallel_loop3A_500 = tpu.memref_squeeze %parallel_loop3A_499 : memref<1x32x8x128xf32, #tpu.memory_space<vmem>> -> memref<32x8x128xf32, #tpu.memory_space<vmem>>
        %parallel_loop3A_501 = arith.index_cast %parallel_loop3A_495 : i32 to index
        %parallel_loop3A_502 = arith.index_cast %parallel_loop3A_386 : i32 to index
        %parallel_loop3A_503 = arith.index_cast %parallel_loop3A_404 : i32 to index
        %parallel_loop3A_504 = tpu.vector_load %parallel_loop3A_500[%parallel_loop3A_501, %parallel_loop3A_502, %parallel_loop3A_503] {strides = array<i32>} : memref<32x8x128xf32, #tpu.memory_space<vmem>>, vector<16xf32>,
        %parallel_loop3A_505 = arith.subf %parallel_loop3A_494, %parallel_loop3A_483 : vector<16xf32>
        %parallel_loop3A_506 = math.absf %parallel_loop3A_505 : vector<16xf32>
        %parallel_loop3A_507 = arith.addf %parallel_loop3A_442, %parallel_loop3A_506 : vector<16xf32>
        %parallel_loop3A_508 = arith.subf %parallel_loop3A_504, %parallel_loop3A_484 : vector<16xf32>
        %parallel_loop3A_509 = math.absf %parallel_loop3A_508 : vector<16xf32>
        %parallel_loop3A_510 = arith.addf %parallel_loop3A_444, %parallel_loop3A_509 : vector<16xf32>
        %parallel_loop3A_511 = arith.constant 512 : i32
        %parallel_loop3A_512 = vector.broadcast %parallel_loop3A_511 : i32 to vector<16xi32>
        %parallel_loop3A_513 = arith.addi %parallel_loop3A_436, %parallel_loop3A_512 : vector<16xi32>
        %parallel_loop3A_514 = tpu.vector_load_idx %arg6[%parallel_loop3A_513] : memref<32768xi32, #tpu.memory_space<vmem>>[vector<16xi32>], vector<16xi32>,
        %parallel_loop3A_515 = vector.bitcast %parallel_loop3A_514 : vector<16xi32> to vector<32xbf16>
        %parallel_loop3A_516 = tpu.unpack_subelements %parallel_loop3A_515, 0 {pack_format = #tpu.pack_format<interleaved>} : vector<32xbf16> -> vector<16xf32>
        %parallel_loop3A_517 = tpu.unpack_subelements %parallel_loop3A_515, 1 {pack_format = #tpu.pack_format<interleaved>} : vector<32xbf16> -> vector<16xf32>
        %parallel_loop3A_518 = arith.constant 4 : i32
        %parallel_loop3A_519 = arith.constant 0 : i32
        %parallel_loop3A_520 = arith.constant 0 : i32
        %parallel_loop3A_521 = arith.constant 0 : i32
        %parallel_loop3A_522 = tpu.memref_slice %arg9[%parallel_loop3A_248, %parallel_loop3A_519, %parallel_loop3A_520, %parallel_loop3A_521] : memref<2x32x8x128xf32, #tpu.memory_space<vmem>> -> memref<1x32x8x128xf32, #tpu.memory_space<vmem>>
        %parallel_loop3A_523 = tpu.memref_squeeze %parallel_loop3A_522 : memref<1x32x8x128xf32, #tpu.memory_space<vmem>> -> memref<32x8x128xf32, #tpu.memory_space<vmem>>
        %parallel_loop3A_524 = arith.index_cast %parallel_loop3A_518 : i32 to index
        %parallel_loop3A_525 = arith.index_cast %parallel_loop3A_386 : i32 to index
        %parallel_loop3A_526 = arith.index_cast %parallel_loop3A_404 : i32 to index
        %parallel_loop3A_527 = tpu.vector_load %parallel_loop3A_523[%parallel_loop3A_524, %parallel_loop3A_525, %parallel_loop3A_526] {strides = array<i32>} : memref<32x8x128xf32, #tpu.memory_space<vmem>>, vector<16xf32>,
        %parallel_loop3A_528 = arith.constant 5 : i32
        %parallel_loop3A_529 = arith.constant 0 : i32
        %parallel_loop3A_530 = arith.constant 0 : i32
        %parallel_loop3A_531 = arith.constant 0 : i32
        %parallel_loop3A_532 = tpu.memref_slice %arg9[%parallel_loop3A_248, %parallel_loop3A_529, %parallel_loop3A_530, %parallel_loop3A_531] : memref<2x32x8x128xf32, #tpu.memory_space<vmem>> -> memref<1x32x8x128xf32, #tpu.memory_space<vmem>>
        %parallel_loop3A_533 = tpu.memref_squeeze %parallel_loop3A_532 : memref<1x32x8x128xf32, #tpu.memory_space<vmem>> -> memref<32x8x128xf32, #tpu.memory_space<vmem>>
        %parallel_loop3A_534 = arith.index_cast %parallel_loop3A_528 : i32 to index
        %parallel_loop3A_535 = arith.index_cast %parallel_loop3A_386 : i32 to index
        %parallel_loop3A_536 = arith.index_cast %parallel_loop3A_404 : i32 to index
        %parallel_loop3A_537 = tpu.vector_load %parallel_loop3A_533[%parallel_loop3A_534, %parallel_loop3A_535, %parallel_loop3A_536] {strides = array<i32>} : memref<32x8x128xf32, #tpu.memory_space<vmem>>, vector<16xf32>,
        %parallel_loop3A_538 = arith.subf %parallel_loop3A_527, %parallel_loop3A_516 : vector<16xf32>
        %parallel_loop3A_539 = math.absf %parallel_loop3A_538 : vector<16xf32>
        %parallel_loop3A_540 = arith.addf %parallel_loop3A_474, %parallel_loop3A_539 : vector<16xf32>
        %parallel_loop3A_541 = arith.subf %parallel_loop3A_537, %parallel_loop3A_517 : vector<16xf32>
        %parallel_loop3A_542 = math.absf %parallel_loop3A_541 : vector<16xf32>
        %parallel_loop3A_543 = arith.addf %parallel_loop3A_477, %parallel_loop3A_542 : vector<16xf32>
        %parallel_loop3A_544 = arith.constant 768 : i32
        %parallel_loop3A_545 = vector.broadcast %parallel_loop3A_544 : i32 to vector<16xi32>
        %parallel_loop3A_546 = arith.addi %parallel_loop3A_436, %parallel_loop3A_545 : vector<16xi32>
        %parallel_loop3A_547 = tpu.vector_load_idx %arg6[%parallel_loop3A_546] : memref<32768xi32, #tpu.memory_space<vmem>>[vector<16xi32>], vector<16xi32>,
        %parallel_loop3A_548 = vector.bitcast %parallel_loop3A_547 : vector<16xi32> to vector<32xbf16>
        %parallel_loop3A_549 = tpu.unpack_subelements %parallel_loop3A_548, 0 {pack_format = #tpu.pack_format<interleaved>} : vector<32xbf16> -> vector<16xf32>
        %parallel_loop3A_550 = tpu.unpack_subelements %parallel_loop3A_548, 1 {pack_format = #tpu.pack_format<interleaved>} : vector<32xbf16> -> vector<16xf32>
        %parallel_loop3A_551 = arith.constant 6 : i32
        %parallel_loop3A_552 = arith.constant 0 : i32
        %parallel_loop3A_553 = arith.constant 0 : i32
        %parallel_loop3A_554 = arith.constant 0 : i32
        %parallel_loop3A_555 = tpu.memref_slice %arg9[%parallel_loop3A_248, %parallel_loop3A_552, %parallel_loop3A_553, %parallel_loop3A_554] : memref<2x32x8x128xf32, #tpu.memory_space<vmem>> -> memref<1x32x8x128xf32, #tpu.memory_space<vmem>>
        %parallel_loop3A_556 = tpu.memref_squeeze %parallel_loop3A_555 : memref<1x32x8x128xf32, #tpu.memory_space<vmem>> -> memref<32x8x128xf32, #tpu.memory_space<vmem>>
        %parallel_loop3A_557 = arith.index_cast %parallel_loop3A_551 : i32 to index
        %parallel_loop3A_558 = arith.index_cast %parallel_loop3A_386 : i32 to index
        %parallel_loop3A_559 = arith.index_cast %parallel_loop3A_404 : i32 to index
        %parallel_loop3A_560 = tpu.vector_load %parallel_loop3A_556[%parallel_loop3A_557, %parallel_loop3A_558, %parallel_loop3A_559] {strides = array<i32>} : memref<32x8x128xf32, #tpu.memory_space<vmem>>, vector<16xf32>,
        %parallel_loop3A_561 = arith.constant 7 : i32
        %parallel_loop3A_562 = arith.constant 0 : i32
        %parallel_loop3A_563 = arith.constant 0 : i32
        %parallel_loop3A_564 = arith.constant 0 : i32
        %parallel_loop3A_565 = tpu.memref_slice %arg9[%parallel_loop3A_248, %parallel_loop3A_562, %parallel_loop3A_563, %parallel_loop3A_564] : memref<2x32x8x128xf32, #tpu.memory_space<vmem>> -> memref<1x32x8x128xf32, #tpu.memory_space<vmem>>
        %parallel_loop3A_566 = tpu.memref_squeeze %parallel_loop3A_565 : memref<1x32x8x128xf32, #tpu.memory_space<vmem>> -> memref<32x8x128xf32, #tpu.memory_space<vmem>>
        %parallel_loop3A_567 = arith.index_cast %parallel_loop3A_561 : i32 to index
        %parallel_loop3A_568 = arith.index_cast %parallel_loop3A_386 : i32 to index
        %parallel_loop3A_569 = arith.index_cast %parallel_loop3A_404 : i32 to index
        %parallel_loop3A_570 = tpu.vector_load %parallel_loop3A_566[%parallel_loop3A_567, %parallel_loop3A_568, %parallel_loop3A_569] {strides = array<i32>} : memref<32x8x128xf32, #tpu.memory_space<vmem>>, vector<16xf32>,
        %parallel_loop3A_571 = arith.subf %parallel_loop3A_560, %parallel_loop3A_549 : vector<16xf32>
        %parallel_loop3A_572 = math.absf %parallel_loop3A_571 : vector<16xf32>
        %parallel_loop3A_573 = arith.addf %parallel_loop3A_507, %parallel_loop3A_572 : vector<16xf32>
        %parallel_loop3A_574 = arith.subf %parallel_loop3A_570, %parallel_loop3A_550 : vector<16xf32>
        %parallel_loop3A_575 = math.absf %parallel_loop3A_574 : vector<16xf32>
        %parallel_loop3A_576 = arith.addf %parallel_loop3A_510, %parallel_loop3A_575 : vector<16xf32>
        %parallel_loop3A_577 = arith.constant 1024 : i32
        %parallel_loop3A_578 = vector.broadcast %parallel_loop3A_577 : i32 to vector<16xi32>
        %parallel_loop3A_579 = arith.addi %parallel_loop3A_436, %parallel_loop3A_578 : vector<16xi32>
        %parallel_loop3A_580 = tpu.vector_load_idx %arg6[%parallel_loop3A_579] : memref<32768xi32, #tpu.memory_space<vmem>>[vector<16xi32>], vector<16xi32>,
        %parallel_loop3A_581 = vector.bitcast %parallel_loop3A_580 : vector<16xi32> to vector<32xbf16>
        %parallel_loop3A_582 = tpu.unpack_subelements %parallel_loop3A_581, 0 {pack_format = #tpu.pack_format<interleaved>} : vector<32xbf16> -> vector<16xf32>
        %parallel_loop3A_583 = tpu.unpack_subelements %parallel_loop3A_581, 1 {pack_format = #tpu.pack_format<interleaved>} : vector<32xbf16> -> vector<16xf32>
        %parallel_loop3A_584 = arith.constant 8 : i32
        %parallel_loop3A_585 = arith.constant 0 : i32
        %parallel_loop3A_586 = arith.constant 0 : i32
        %parallel_loop3A_587 = arith.constant 0 : i32
        %parallel_loop3A_588 = tpu.memref_slice %arg9[%parallel_loop3A_248, %parallel_loop3A_585, %parallel_loop3A_586, %parallel_loop3A_587] : memref<2x32x8x128xf32, #tpu.memory_space<vmem>> -> memref<1x32x8x128xf32, #tpu.memory_space<vmem>>
        %parallel_loop3A_589 = tpu.memref_squeeze %parallel_loop3A_588 : memref<1x32x8x128xf32, #tpu.memory_space<vmem>> -> memref<32x8x128xf32, #tpu.memory_space<vmem>>
        %parallel_loop3A_590 = arith.index_cast %parallel_loop3A_584 : i32 to index
        %parallel_loop3A_591 = arith.index_cast %parallel_loop3A_386 : i32 to index
        %parallel_loop3A_592 = arith.index_cast %parallel_loop3A_404 : i32 to index
        %parallel_loop3A_593 = tpu.vector_load %parallel_loop3A_589[%parallel_loop3A_590, %parallel_loop3A_591, %parallel_loop3A_592] {strides = array<i32>} : memref<32x8x128xf32, #tpu.memory_space<vmem>>, vector<16xf32>,
        %parallel_loop3A_594 = arith.constant 9 : i32
        %parallel_loop3A_595 = arith.constant 0 : i32
        %parallel_loop3A_596 = arith.constant 0 : i32
        %parallel_loop3A_597 = arith.constant 0 : i32
        %parallel_loop3A_598 = tpu.memref_slice %arg9[%parallel_loop3A_248, %parallel_loop3A_595, %parallel_loop3A_596, %parallel_loop3A_597] : memref<2x32x8x128xf32, #tpu.memory_space<vmem>> -> memref<1x32x8x128xf32, #tpu.memory_space<vmem>>
        %parallel_loop3A_599 = tpu.memref_squeeze %parallel_loop3A_598 : memref<1x32x8x128xf32, #tpu.memory_space<vmem>> -> memref<32x8x128xf32, #tpu.memory_space<vmem>>
        %parallel_loop3A_600 = arith.index_cast %parallel_loop3A_594 : i32 to index
        %parallel_loop3A_601 = arith.index_cast %parallel_loop3A_386 : i32 to index
        %parallel_loop3A_602 = arith.index_cast %parallel_loop3A_404 : i32 to index
        %parallel_loop3A_603 = tpu.vector_load %parallel_loop3A_599[%parallel_loop3A_600, %parallel_loop3A_601, %parallel_loop3A_602] {strides = array<i32>} : memref<32x8x128xf32, #tpu.memory_space<vmem>>, vector<16xf32>,
        %parallel_loop3A_604 = arith.subf %parallel_loop3A_593, %parallel_loop3A_582 : vector<16xf32>
        %parallel_loop3A_605 = math.absf %parallel_loop3A_604 : vector<16xf32>
        %parallel_loop3A_606 = arith.addf %parallel_loop3A_540, %parallel_loop3A_605 : vector<16xf32>
        %parallel_loop3A_607 = arith.subf %parallel_loop3A_603, %parallel_loop3A_583 : vector<16xf32>
        %parallel_loop3A_608 = math.absf %parallel_loop3A_607 : vector<16xf32>
        %parallel_loop3A_609 = arith.addf %parallel_loop3A_543, %parallel_loop3A_608 : vector<16xf32>
        %parallel_loop3A_610 = arith.constant 1280 : i32
        %parallel_loop3A_611 = vector.broadcast %parallel_loop3A_610 : i32 to vector<16xi32>
        %parallel_loop3A_612 = arith.addi %parallel_loop3A_436, %parallel_loop3A_611 : vector<16xi32>
        %parallel_loop3A_613 = tpu.vector_load_idx %arg6[%parallel_loop3A_612] : memref<32768xi32, #tpu.memory_space<vmem>>[vector<16xi32>], vector<16xi32>,
        %parallel_loop3A_614 = vector.bitcast %parallel_loop3A_613 : vector<16xi32> to vector<32xbf16>
        %parallel_loop3A_615 = tpu.unpack_subelements %parallel_loop3A_614, 0 {pack_format = #tpu.pack_format<interleaved>} : vector<32xbf16> -> vector<16xf32>
        %parallel_loop3A_616 = tpu.unpack_subelements %parallel_loop3A_614, 1 {pack_format = #tpu.pack_format<interleaved>} : vector<32xbf16> -> vector<16xf32>
        %parallel_loop3A_617 = arith.constant 10 : i32
        %parallel_loop3A_618 = arith.constant 0 : i32
        %parallel_loop3A_619 = arith.constant 0 : i32
        %parallel_loop3A_620 = arith.constant 0 : i32
        %parallel_loop3A_621 = tpu.memref_slice %arg9[%parallel_loop3A_248, %parallel_loop3A_618, %parallel_loop3A_619, %parallel_loop3A_620] : memref<2x32x8x128xf32, #tpu.memory_space<vmem>> -> memref<1x32x8x128xf32, #tpu.memory_space<vmem>>
        %parallel_loop3A_622 = tpu.memref_squeeze %parallel_loop3A_621 : memref<1x32x8x128xf32, #tpu.memory_space<vmem>> -> memref<32x8x128xf32, #tpu.memory_space<vmem>>
        %parallel_loop3A_623 = arith.index_cast %parallel_loop3A_617 : i32 to index
        %parallel_loop3A_624 = arith.index_cast %parallel_loop3A_386 : i32 to index
        %parallel_loop3A_625 = arith.index_cast %parallel_loop3A_404 : i32 to index
        %parallel_loop3A_626 = tpu.vector_load %parallel_loop3A_622[%parallel_loop3A_623, %parallel_loop3A_624, %parallel_loop3A_625] {strides = array<i32>} : memref<32x8x128xf32, #tpu.memory_space<vmem>>, vector<16xf32>,
        %parallel_loop3A_627 = arith.constant 11 : i32
        %parallel_loop3A_628 = arith.constant 0 : i32
        %parallel_loop3A_629 = arith.constant 0 : i32
        %parallel_loop3A_630 = arith.constant 0 : i32
        %parallel_loop3A_631 = tpu.memref_slice %arg9[%parallel_loop3A_248, %parallel_loop3A_628, %parallel_loop3A_629, %parallel_loop3A_630] : memref<2x32x8x128xf32, #tpu.memory_space<vmem>> -> memref<1x32x8x128xf32, #tpu.memory_space<vmem>>
        %parallel_loop3A_632 = tpu.memref_squeeze %parallel_loop3A_631 : memref<1x32x8x128xf32, #tpu.memory_space<vmem>> -> memref<32x8x128xf32, #tpu.memory_space<vmem>>
        %parallel_loop3A_633 = arith.index_cast %parallel_loop3A_627 : i32 to index
        %parallel_loop3A_634 = arith.index_cast %parallel_loop3A_386 : i32 to index
        %parallel_loop3A_635 = arith.index_cast %parallel_loop3A_404 : i32 to index
        %parallel_loop3A_636 = tpu.vector_load %parallel_loop3A_632[%parallel_loop3A_633, %parallel_loop3A_634, %parallel_loop3A_635] {strides = array<i32>} : memref<32x8x128xf32, #tpu.memory_space<vmem>>, vector<16xf32>,
        %parallel_loop3A_637 = arith.subf %parallel_loop3A_626, %parallel_loop3A_615 : vector<16xf32>
        %parallel_loop3A_638 = math.absf %parallel_loop3A_637 : vector<16xf32>
        %parallel_loop3A_639 = arith.addf %parallel_loop3A_573, %parallel_loop3A_638 : vector<16xf32>
        %parallel_loop3A_640 = arith.subf %parallel_loop3A_636, %parallel_loop3A_616 : vector<16xf32>
        %parallel_loop3A_641 = math.absf %parallel_loop3A_640 : vector<16xf32>
        %parallel_loop3A_642 = arith.addf %parallel_loop3A_576, %parallel_loop3A_641 : vector<16xf32>
        %parallel_loop3A_643 = arith.constant 1536 : i32
        %parallel_loop3A_644 = vector.broadcast %parallel_loop3A_643 : i32 to vector<16xi32>
        %parallel_loop3A_645 = arith.addi %parallel_loop3A_436, %parallel_loop3A_644 : vector<16xi32>
        %parallel_loop3A_646 = tpu.vector_load_idx %arg6[%parallel_loop3A_645] : memref<32768xi32, #tpu.memory_space<vmem>>[vector<16xi32>], vector<16xi32>,
        %parallel_loop3A_647 = vector.bitcast %parallel_loop3A_646 : vector<16xi32> to vector<32xbf16>
        %parallel_loop3A_648 = tpu.unpack_subelements %parallel_loop3A_647, 0 {pack_format = #tpu.pack_format<interleaved>} : vector<32xbf16> -> vector<16xf32>
        %parallel_loop3A_649 = tpu.unpack_subelements %parallel_loop3A_647, 1 {pack_format = #tpu.pack_format<interleaved>} : vector<32xbf16> -> vector<16xf32>
        %parallel_loop3A_650 = arith.constant 12 : i32
        %parallel_loop3A_651 = arith.constant 0 : i32
        %parallel_loop3A_652 = arith.constant 0 : i32
        %parallel_loop3A_653 = arith.constant 0 : i32
        %parallel_loop3A_654 = tpu.memref_slice %arg9[%parallel_loop3A_248, %parallel_loop3A_651, %parallel_loop3A_652, %parallel_loop3A_653] : memref<2x32x8x128xf32, #tpu.memory_space<vmem>> -> memref<1x32x8x128xf32, #tpu.memory_space<vmem>>
        %parallel_loop3A_655 = tpu.memref_squeeze %parallel_loop3A_654 : memref<1x32x8x128xf32, #tpu.memory_space<vmem>> -> memref<32x8x128xf32, #tpu.memory_space<vmem>>
        %parallel_loop3A_656 = arith.index_cast %parallel_loop3A_650 : i32 to index
        %parallel_loop3A_657 = arith.index_cast %parallel_loop3A_386 : i32 to index
        %parallel_loop3A_658 = arith.index_cast %parallel_loop3A_404 : i32 to index
        %parallel_loop3A_659 = tpu.vector_load %parallel_loop3A_655[%parallel_loop3A_656, %parallel_loop3A_657, %parallel_loop3A_658] {strides = array<i32>} : memref<32x8x128xf32, #tpu.memory_space<vmem>>, vector<16xf32>,
        %parallel_loop3A_660 = arith.constant 13 : i32
        %parallel_loop3A_661 = arith.constant 0 : i32
        %parallel_loop3A_662 = arith.constant 0 : i32
        %parallel_loop3A_663 = arith.constant 0 : i32
        %parallel_loop3A_664 = tpu.memref_slice %arg9[%parallel_loop3A_248, %parallel_loop3A_661, %parallel_loop3A_662, %parallel_loop3A_663] : memref<2x32x8x128xf32, #tpu.memory_space<vmem>> -> memref<1x32x8x128xf32, #tpu.memory_space<vmem>>
        %parallel_loop3A_665 = tpu.memref_squeeze %parallel_loop3A_664 : memref<1x32x8x128xf32, #tpu.memory_space<vmem>> -> memref<32x8x128xf32, #tpu.memory_space<vmem>>
        %parallel_loop3A_666 = arith.index_cast %parallel_loop3A_660 : i32 to index
        %parallel_loop3A_667 = arith.index_cast %parallel_loop3A_386 : i32 to index
        %parallel_loop3A_668 = arith.index_cast %parallel_loop3A_404 : i32 to index
        %parallel_loop3A_669 = tpu.vector_load %parallel_loop3A_665[%parallel_loop3A_666, %parallel_loop3A_667, %parallel_loop3A_668] {strides = array<i32>} : memref<32x8x128xf32, #tpu.memory_space<vmem>>, vector<16xf32>,
        %parallel_loop3A_670 = arith.subf %parallel_loop3A_659, %parallel_loop3A_648 : vector<16xf32>
        %parallel_loop3A_671 = math.absf %parallel_loop3A_670 : vector<16xf32>
        %parallel_loop3A_672 = arith.addf %parallel_loop3A_606, %parallel_loop3A_671 : vector<16xf32>
        %parallel_loop3A_673 = arith.subf %parallel_loop3A_669, %parallel_loop3A_649 : vector<16xf32>
        %parallel_loop3A_674 = math.absf %parallel_loop3A_673 : vector<16xf32>
        %parallel_loop3A_675 = arith.addf %parallel_loop3A_609, %parallel_loop3A_674 : vector<16xf32>
        %parallel_loop3A_676 = arith.constant 1792 : i32
        %parallel_loop3A_677 = vector.broadcast %parallel_loop3A_676 : i32 to vector<16xi32>
        %parallel_loop3A_678 = arith.addi %parallel_loop3A_436, %parallel_loop3A_677 : vector<16xi32>
        %parallel_loop3A_679 = tpu.vector_load_idx %arg6[%parallel_loop3A_678] : memref<32768xi32, #tpu.memory_space<vmem>>[vector<16xi32>], vector<16xi32>,
        %parallel_loop3A_680 = vector.bitcast %parallel_loop3A_679 : vector<16xi32> to vector<32xbf16>
        %parallel_loop3A_681 = tpu.unpack_subelements %parallel_loop3A_680, 0 {pack_format = #tpu.pack_format<interleaved>} : vector<32xbf16> -> vector<16xf32>
        %parallel_loop3A_682 = tpu.unpack_subelements %parallel_loop3A_680, 1 {pack_format = #tpu.pack_format<interleaved>} : vector<32xbf16> -> vector<16xf32>
        %parallel_loop3A_683 = arith.constant 14 : i32
        %parallel_loop3A_684 = arith.constant 0 : i32
        %parallel_loop3A_685 = arith.constant 0 : i32
        %parallel_loop3A_686 = arith.constant 0 : i32
        %parallel_loop3A_687 = tpu.memref_slice %arg9[%parallel_loop3A_248, %parallel_loop3A_684, %parallel_loop3A_685, %parallel_loop3A_686] : memref<2x32x8x128xf32, #tpu.memory_space<vmem>> -> memref<1x32x8x128xf32, #tpu.memory_space<vmem>>
        %parallel_loop3A_688 = tpu.memref_squeeze %parallel_loop3A_687 : memref<1x32x8x128xf32, #tpu.memory_space<vmem>> -> memref<32x8x128xf32, #tpu.memory_space<vmem>>
        %parallel_loop3A_689 = arith.index_cast %parallel_loop3A_683 : i32 to index
        %parallel_loop3A_690 = arith.index_cast %parallel_loop3A_386 : i32 to index
        %parallel_loop3A_691 = arith.index_cast %parallel_loop3A_404 : i32 to index
        %parallel_loop3A_692 = tpu.vector_load %parallel_loop3A_688[%parallel_loop3A_689, %parallel_loop3A_690, %parallel_loop3A_691] {strides = array<i32>} : memref<32x8x128xf32, #tpu.memory_space<vmem>>, vector<16xf32>,
        %parallel_loop3A_693 = arith.constant 15 : i32
        %parallel_loop3A_694 = arith.constant 0 : i32
        %parallel_loop3A_695 = arith.constant 0 : i32
        %parallel_loop3A_696 = arith.constant 0 : i32
        %parallel_loop3A_697 = tpu.memref_slice %arg9[%parallel_loop3A_248, %parallel_loop3A_694, %parallel_loop3A_695, %parallel_loop3A_696] : memref<2x32x8x128xf32, #tpu.memory_space<vmem>> -> memref<1x32x8x128xf32, #tpu.memory_space<vmem>>
        %parallel_loop3A_698 = tpu.memref_squeeze %parallel_loop3A_697 : memref<1x32x8x128xf32, #tpu.memory_space<vmem>> -> memref<32x8x128xf32, #tpu.memory_space<vmem>>
        %parallel_loop3A_699 = arith.index_cast %parallel_loop3A_693 : i32 to index
        %parallel_loop3A_700 = arith.index_cast %parallel_loop3A_386 : i32 to index
        %parallel_loop3A_701 = arith.index_cast %parallel_loop3A_404 : i32 to index
        %parallel_loop3A_702 = tpu.vector_load %parallel_loop3A_698[%parallel_loop3A_699, %parallel_loop3A_700, %parallel_loop3A_701] {strides = array<i32>} : memref<32x8x128xf32, #tpu.memory_space<vmem>>, vector<16xf32>,
        %parallel_loop3A_703 = arith.subf %parallel_loop3A_692, %parallel_loop3A_681 : vector<16xf32>
        %parallel_loop3A_704 = math.absf %parallel_loop3A_703 : vector<16xf32>
        %parallel_loop3A_705 = arith.addf %parallel_loop3A_639, %parallel_loop3A_704 : vector<16xf32>
        %parallel_loop3A_706 = arith.subf %parallel_loop3A_702, %parallel_loop3A_682 : vector<16xf32>
        %parallel_loop3A_707 = math.absf %parallel_loop3A_706 : vector<16xf32>
        %parallel_loop3A_708 = arith.addf %parallel_loop3A_642, %parallel_loop3A_707 : vector<16xf32>
        %parallel_loop3A_709 = arith.constant 2048 : i32
        %parallel_loop3A_710 = vector.broadcast %parallel_loop3A_709 : i32 to vector<16xi32>
        %parallel_loop3A_711 = arith.addi %parallel_loop3A_436, %parallel_loop3A_710 : vector<16xi32>
        %parallel_loop3A_712 = tpu.vector_load_idx %arg6[%parallel_loop3A_711] : memref<32768xi32, #tpu.memory_space<vmem>>[vector<16xi32>], vector<16xi32>,
        %parallel_loop3A_713 = vector.bitcast %parallel_loop3A_712 : vector<16xi32> to vector<32xbf16>
        %parallel_loop3A_714 = tpu.unpack_subelements %parallel_loop3A_713, 0 {pack_format = #tpu.pack_format<interleaved>} : vector<32xbf16> -> vector<16xf32>
        %parallel_loop3A_715 = tpu.unpack_subelements %parallel_loop3A_713, 1 {pack_format = #tpu.pack_format<interleaved>} : vector<32xbf16> -> vector<16xf32>
        %parallel_loop3A_716 = arith.constant 16 : i32
        %parallel_loop3A_717 = arith.constant 0 : i32
        %parallel_loop3A_718 = arith.constant 0 : i32
        %parallel_loop3A_719 = arith.constant 0 : i32
        %parallel_loop3A_720 = tpu.memref_slice %arg9[%parallel_loop3A_248, %parallel_loop3A_717, %parallel_loop3A_718, %parallel_loop3A_719] : memref<2x32x8x128xf32, #tpu.memory_space<vmem>> -> memref<1x32x8x128xf32, #tpu.memory_space<vmem>>
        %parallel_loop3A_721 = tpu.memref_squeeze %parallel_loop3A_720 : memref<1x32x8x128xf32, #tpu.memory_space<vmem>> -> memref<32x8x128xf32, #tpu.memory_space<vmem>>
        %parallel_loop3A_722 = arith.index_cast %parallel_loop3A_716 : i32 to index
        %parallel_loop3A_723 = arith.index_cast %parallel_loop3A_386 : i32 to index
        %parallel_loop3A_724 = arith.index_cast %parallel_loop3A_404 : i32 to index
        %parallel_loop3A_725 = tpu.vector_load %parallel_loop3A_721[%parallel_loop3A_722, %parallel_loop3A_723, %parallel_loop3A_724] {strides = array<i32>} : memref<32x8x128xf32, #tpu.memory_space<vmem>>, vector<16xf32>,
        %parallel_loop3A_726 = arith.constant 17 : i32
        %parallel_loop3A_727 = arith.constant 0 : i32
        %parallel_loop3A_728 = arith.constant 0 : i32
        %parallel_loop3A_729 = arith.constant 0 : i32
        %parallel_loop3A_730 = tpu.memref_slice %arg9[%parallel_loop3A_248, %parallel_loop3A_727, %parallel_loop3A_728, %parallel_loop3A_729] : memref<2x32x8x128xf32, #tpu.memory_space<vmem>> -> memref<1x32x8x128xf32, #tpu.memory_space<vmem>>
        %parallel_loop3A_731 = tpu.memref_squeeze %parallel_loop3A_730 : memref<1x32x8x128xf32, #tpu.memory_space<vmem>> -> memref<32x8x128xf32, #tpu.memory_space<vmem>>
        %parallel_loop3A_732 = arith.index_cast %parallel_loop3A_726 : i32 to index
        %parallel_loop3A_733 = arith.index_cast %parallel_loop3A_386 : i32 to index
        %parallel_loop3A_734 = arith.index_cast %parallel_loop3A_404 : i32 to index
        %parallel_loop3A_735 = tpu.vector_load %parallel_loop3A_731[%parallel_loop3A_732, %parallel_loop3A_733, %parallel_loop3A_734] {strides = array<i32>} : memref<32x8x128xf32, #tpu.memory_space<vmem>>, vector<16xf32>,
        %parallel_loop3A_736 = arith.subf %parallel_loop3A_725, %parallel_loop3A_714 : vector<16xf32>
        %parallel_loop3A_737 = math.absf %parallel_loop3A_736 : vector<16xf32>
        %parallel_loop3A_738 = arith.addf %parallel_loop3A_672, %parallel_loop3A_737 : vector<16xf32>
        %parallel_loop3A_739 = arith.subf %parallel_loop3A_735, %parallel_loop3A_715 : vector<16xf32>
        %parallel_loop3A_740 = math.absf %parallel_loop3A_739 : vector<16xf32>
        %parallel_loop3A_741 = arith.addf %parallel_loop3A_675, %parallel_loop3A_740 : vector<16xf32>
        %parallel_loop3A_742 = arith.constant 2304 : i32
        %parallel_loop3A_743 = vector.broadcast %parallel_loop3A_742 : i32 to vector<16xi32>
        %parallel_loop3A_744 = arith.addi %parallel_loop3A_436, %parallel_loop3A_743 : vector<16xi32>
        %parallel_loop3A_745 = tpu.vector_load_idx %arg6[%parallel_loop3A_744] : memref<32768xi32, #tpu.memory_space<vmem>>[vector<16xi32>], vector<16xi32>,
        %parallel_loop3A_746 = vector.bitcast %parallel_loop3A_745 : vector<16xi32> to vector<32xbf16>
        %parallel_loop3A_747 = tpu.unpack_subelements %parallel_loop3A_746, 0 {pack_format = #tpu.pack_format<interleaved>} : vector<32xbf16> -> vector<16xf32>
        %parallel_loop3A_748 = tpu.unpack_subelements %parallel_loop3A_746, 1 {pack_format = #tpu.pack_format<interleaved>} : vector<32xbf16> -> vector<16xf32>
        %parallel_loop3A_749 = arith.constant 18 : i32
        %parallel_loop3A_750 = arith.constant 0 : i32
        %parallel_loop3A_751 = arith.constant 0 : i32
        %parallel_loop3A_752 = arith.constant 0 : i32
        %parallel_loop3A_753 = tpu.memref_slice %arg9[%parallel_loop3A_248, %parallel_loop3A_750, %parallel_loop3A_751, %parallel_loop3A_752] : memref<2x32x8x128xf32, #tpu.memory_space<vmem>> -> memref<1x32x8x128xf32, #tpu.memory_space<vmem>>
        %parallel_loop3A_754 = tpu.memref_squeeze %parallel_loop3A_753 : memref<1x32x8x128xf32, #tpu.memory_space<vmem>> -> memref<32x8x128xf32, #tpu.memory_space<vmem>>
        %parallel_loop3A_755 = arith.index_cast %parallel_loop3A_749 : i32 to index
        %parallel_loop3A_756 = arith.index_cast %parallel_loop3A_386 : i32 to index
        %parallel_loop3A_757 = arith.index_cast %parallel_loop3A_404 : i32 to index
        %parallel_loop3A_758 = tpu.vector_load %parallel_loop3A_754[%parallel_loop3A_755, %parallel_loop3A_756, %parallel_loop3A_757] {strides = array<i32>} : memref<32x8x128xf32, #tpu.memory_space<vmem>>, vector<16xf32>,
        %parallel_loop3A_759 = arith.constant 19 : i32
        %parallel_loop3A_760 = arith.constant 0 : i32
        %parallel_loop3A_761 = arith.constant 0 : i32
        %parallel_loop3A_762 = arith.constant 0 : i32
        %parallel_loop3A_763 = tpu.memref_slice %arg9[%parallel_loop3A_248, %parallel_loop3A_760, %parallel_loop3A_761, %parallel_loop3A_762] : memref<2x32x8x128xf32, #tpu.memory_space<vmem>> -> memref<1x32x8x128xf32, #tpu.memory_space<vmem>>
        %parallel_loop3A_764 = tpu.memref_squeeze %parallel_loop3A_763 : memref<1x32x8x128xf32, #tpu.memory_space<vmem>> -> memref<32x8x128xf32, #tpu.memory_space<vmem>>
        %parallel_loop3A_765 = arith.index_cast %parallel_loop3A_759 : i32 to index
        %parallel_loop3A_766 = arith.index_cast %parallel_loop3A_386 : i32 to index
        %parallel_loop3A_767 = arith.index_cast %parallel_loop3A_404 : i32 to index
        %parallel_loop3A_768 = tpu.vector_load %parallel_loop3A_764[%parallel_loop3A_765, %parallel_loop3A_766, %parallel_loop3A_767] {strides = array<i32>} : memref<32x8x128xf32, #tpu.memory_space<vmem>>, vector<16xf32>,
        %parallel_loop3A_769 = arith.subf %parallel_loop3A_758, %parallel_loop3A_747 : vector<16xf32>
        %parallel_loop3A_770 = math.absf %parallel_loop3A_769 : vector<16xf32>
        %parallel_loop3A_771 = arith.addf %parallel_loop3A_705, %parallel_loop3A_770 : vector<16xf32>
        %parallel_loop3A_772 = arith.subf %parallel_loop3A_768, %parallel_loop3A_748 : vector<16xf32>
        %parallel_loop3A_773 = math.absf %parallel_loop3A_772 : vector<16xf32>
        %parallel_loop3A_774 = arith.addf %parallel_loop3A_708, %parallel_loop3A_773 : vector<16xf32>
        %parallel_loop3A_775 = arith.constant 2560 : i32
        %parallel_loop3A_776 = vector.broadcast %parallel_loop3A_775 : i32 to vector<16xi32>
        %parallel_loop3A_777 = arith.addi %parallel_loop3A_436, %parallel_loop3A_776 : vector<16xi32>
        %parallel_loop3A_778 = tpu.vector_load_idx %arg6[%parallel_loop3A_777] : memref<32768xi32, #tpu.memory_space<vmem>>[vector<16xi32>], vector<16xi32>,
        %parallel_loop3A_779 = vector.bitcast %parallel_loop3A_778 : vector<16xi32> to vector<32xbf16>
        %parallel_loop3A_780 = tpu.unpack_subelements %parallel_loop3A_779, 0 {pack_format = #tpu.pack_format<interleaved>} : vector<32xbf16> -> vector<16xf32>
        %parallel_loop3A_781 = tpu.unpack_subelements %parallel_loop3A_779, 1 {pack_format = #tpu.pack_format<interleaved>} : vector<32xbf16> -> vector<16xf32>
        %parallel_loop3A_782 = arith.constant 20 : i32
        %parallel_loop3A_783 = arith.constant 0 : i32
        %parallel_loop3A_784 = arith.constant 0 : i32
        %parallel_loop3A_785 = arith.constant 0 : i32
        %parallel_loop3A_786 = tpu.memref_slice %arg9[%parallel_loop3A_248, %parallel_loop3A_783, %parallel_loop3A_784, %parallel_loop3A_785] : memref<2x32x8x128xf32, #tpu.memory_space<vmem>> -> memref<1x32x8x128xf32, #tpu.memory_space<vmem>>
        %parallel_loop3A_787 = tpu.memref_squeeze %parallel_loop3A_786 : memref<1x32x8x128xf32, #tpu.memory_space<vmem>> -> memref<32x8x128xf32, #tpu.memory_space<vmem>>
        %parallel_loop3A_788 = arith.index_cast %parallel_loop3A_782 : i32 to index
        %parallel_loop3A_789 = arith.index_cast %parallel_loop3A_386 : i32 to index
        %parallel_loop3A_790 = arith.index_cast %parallel_loop3A_404 : i32 to index
        %parallel_loop3A_791 = tpu.vector_load %parallel_loop3A_787[%parallel_loop3A_788, %parallel_loop3A_789, %parallel_loop3A_790] {strides = array<i32>} : memref<32x8x128xf32, #tpu.memory_space<vmem>>, vector<16xf32>,
        %parallel_loop3A_792 = arith.constant 21 : i32
        %parallel_loop3A_793 = arith.constant 0 : i32
        %parallel_loop3A_794 = arith.constant 0 : i32
        %parallel_loop3A_795 = arith.constant 0 : i32
        %parallel_loop3A_796 = tpu.memref_slice %arg9[%parallel_loop3A_248, %parallel_loop3A_793, %parallel_loop3A_794, %parallel_loop3A_795] : memref<2x32x8x128xf32, #tpu.memory_space<vmem>> -> memref<1x32x8x128xf32, #tpu.memory_space<vmem>>
        %parallel_loop3A_797 = tpu.memref_squeeze %parallel_loop3A_796 : memref<1x32x8x128xf32, #tpu.memory_space<vmem>> -> memref<32x8x128xf32, #tpu.memory_space<vmem>>
        %parallel_loop3A_798 = arith.index_cast %parallel_loop3A_792 : i32 to index
        %parallel_loop3A_799 = arith.index_cast %parallel_loop3A_386 : i32 to index
        %parallel_loop3A_800 = arith.index_cast %parallel_loop3A_404 : i32 to index
        %parallel_loop3A_801 = tpu.vector_load %parallel_loop3A_797[%parallel_loop3A_798, %parallel_loop3A_799, %parallel_loop3A_800] {strides = array<i32>} : memref<32x8x128xf32, #tpu.memory_space<vmem>>, vector<16xf32>,
        %parallel_loop3A_802 = arith.subf %parallel_loop3A_791, %parallel_loop3A_780 : vector<16xf32>
        %parallel_loop3A_803 = math.absf %parallel_loop3A_802 : vector<16xf32>
        %parallel_loop3A_804 = arith.addf %parallel_loop3A_738, %parallel_loop3A_803 : vector<16xf32>
        %parallel_loop3A_805 = arith.subf %parallel_loop3A_801, %parallel_loop3A_781 : vector<16xf32>
        %parallel_loop3A_806 = math.absf %parallel_loop3A_805 : vector<16xf32>
        %parallel_loop3A_807 = arith.addf %parallel_loop3A_741, %parallel_loop3A_806 : vector<16xf32>
        %parallel_loop3A_808 = arith.constant 2816 : i32
        %parallel_loop3A_809 = vector.broadcast %parallel_loop3A_808 : i32 to vector<16xi32>
        %parallel_loop3A_810 = arith.addi %parallel_loop3A_436, %parallel_loop3A_809 : vector<16xi32>
        %parallel_loop3A_811 = tpu.vector_load_idx %arg6[%parallel_loop3A_810] : memref<32768xi32, #tpu.memory_space<vmem>>[vector<16xi32>], vector<16xi32>,
        %parallel_loop3A_812 = vector.bitcast %parallel_loop3A_811 : vector<16xi32> to vector<32xbf16>
        %parallel_loop3A_813 = tpu.unpack_subelements %parallel_loop3A_812, 0 {pack_format = #tpu.pack_format<interleaved>} : vector<32xbf16> -> vector<16xf32>
        %parallel_loop3A_814 = tpu.unpack_subelements %parallel_loop3A_812, 1 {pack_format = #tpu.pack_format<interleaved>} : vector<32xbf16> -> vector<16xf32>
        %parallel_loop3A_815 = arith.constant 22 : i32
        %parallel_loop3A_816 = arith.constant 0 : i32
        %parallel_loop3A_817 = arith.constant 0 : i32
        %parallel_loop3A_818 = arith.constant 0 : i32
        %parallel_loop3A_819 = tpu.memref_slice %arg9[%parallel_loop3A_248, %parallel_loop3A_816, %parallel_loop3A_817, %parallel_loop3A_818] : memref<2x32x8x128xf32, #tpu.memory_space<vmem>> -> memref<1x32x8x128xf32, #tpu.memory_space<vmem>>
        %parallel_loop3A_820 = tpu.memref_squeeze %parallel_loop3A_819 : memref<1x32x8x128xf32, #tpu.memory_space<vmem>> -> memref<32x8x128xf32, #tpu.memory_space<vmem>>
        %parallel_loop3A_821 = arith.index_cast %parallel_loop3A_815 : i32 to index
        %parallel_loop3A_822 = arith.index_cast %parallel_loop3A_386 : i32 to index
        %parallel_loop3A_823 = arith.index_cast %parallel_loop3A_404 : i32 to index
        %parallel_loop3A_824 = tpu.vector_load %parallel_loop3A_820[%parallel_loop3A_821, %parallel_loop3A_822, %parallel_loop3A_823] {strides = array<i32>} : memref<32x8x128xf32, #tpu.memory_space<vmem>>, vector<16xf32>,
        %parallel_loop3A_825 = arith.constant 23 : i32
        %parallel_loop3A_826 = arith.constant 0 : i32
        %parallel_loop3A_827 = arith.constant 0 : i32
        %parallel_loop3A_828 = arith.constant 0 : i32
        %parallel_loop3A_829 = tpu.memref_slice %arg9[%parallel_loop3A_248, %parallel_loop3A_826, %parallel_loop3A_827, %parallel_loop3A_828] : memref<2x32x8x128xf32, #tpu.memory_space<vmem>> -> memref<1x32x8x128xf32, #tpu.memory_space<vmem>>
        %parallel_loop3A_830 = tpu.memref_squeeze %parallel_loop3A_829 : memref<1x32x8x128xf32, #tpu.memory_space<vmem>> -> memref<32x8x128xf32, #tpu.memory_space<vmem>>
        %parallel_loop3A_831 = arith.index_cast %parallel_loop3A_825 : i32 to index
        %parallel_loop3A_832 = arith.index_cast %parallel_loop3A_386 : i32 to index
        %parallel_loop3A_833 = arith.index_cast %parallel_loop3A_404 : i32 to index
        %parallel_loop3A_834 = tpu.vector_load %parallel_loop3A_830[%parallel_loop3A_831, %parallel_loop3A_832, %parallel_loop3A_833] {strides = array<i32>} : memref<32x8x128xf32, #tpu.memory_space<vmem>>, vector<16xf32>,
        %parallel_loop3A_835 = arith.subf %parallel_loop3A_824, %parallel_loop3A_813 : vector<16xf32>
        %parallel_loop3A_836 = math.absf %parallel_loop3A_835 : vector<16xf32>
        %parallel_loop3A_837 = arith.addf %parallel_loop3A_771, %parallel_loop3A_836 : vector<16xf32>
        %parallel_loop3A_838 = arith.subf %parallel_loop3A_834, %parallel_loop3A_814 : vector<16xf32>
        %parallel_loop3A_839 = math.absf %parallel_loop3A_838 : vector<16xf32>
        %parallel_loop3A_840 = arith.addf %parallel_loop3A_774, %parallel_loop3A_839 : vector<16xf32>
        %parallel_loop3A_841 = arith.constant 3072 : i32
        %parallel_loop3A_842 = vector.broadcast %parallel_loop3A_841 : i32 to vector<16xi32>
        %parallel_loop3A_843 = arith.addi %parallel_loop3A_436, %parallel_loop3A_842 : vector<16xi32>
        %parallel_loop3A_844 = tpu.vector_load_idx %arg6[%parallel_loop3A_843] : memref<32768xi32, #tpu.memory_space<vmem>>[vector<16xi32>], vector<16xi32>,
        %parallel_loop3A_845 = vector.bitcast %parallel_loop3A_844 : vector<16xi32> to vector<32xbf16>
        %parallel_loop3A_846 = tpu.unpack_subelements %parallel_loop3A_845, 0 {pack_format = #tpu.pack_format<interleaved>} : vector<32xbf16> -> vector<16xf32>
        %parallel_loop3A_847 = tpu.unpack_subelements %parallel_loop3A_845, 1 {pack_format = #tpu.pack_format<interleaved>} : vector<32xbf16> -> vector<16xf32>
        %parallel_loop3A_848 = arith.constant 24 : i32
        %parallel_loop3A_849 = arith.constant 0 : i32
        %parallel_loop3A_850 = arith.constant 0 : i32
        %parallel_loop3A_851 = arith.constant 0 : i32
        %parallel_loop3A_852 = tpu.memref_slice %arg9[%parallel_loop3A_248, %parallel_loop3A_849, %parallel_loop3A_850, %parallel_loop3A_851] : memref<2x32x8x128xf32, #tpu.memory_space<vmem>> -> memref<1x32x8x128xf32, #tpu.memory_space<vmem>>
        %parallel_loop3A_853 = tpu.memref_squeeze %parallel_loop3A_852 : memref<1x32x8x128xf32, #tpu.memory_space<vmem>> -> memref<32x8x128xf32, #tpu.memory_space<vmem>>
        %parallel_loop3A_854 = arith.index_cast %parallel_loop3A_848 : i32 to index
        %parallel_loop3A_855 = arith.index_cast %parallel_loop3A_386 : i32 to index
        %parallel_loop3A_856 = arith.index_cast %parallel_loop3A_404 : i32 to index
        %parallel_loop3A_857 = tpu.vector_load %parallel_loop3A_853[%parallel_loop3A_854, %parallel_loop3A_855, %parallel_loop3A_856] {strides = array<i32>} : memref<32x8x128xf32, #tpu.memory_space<vmem>>, vector<16xf32>,
        %parallel_loop3A_858 = arith.constant 25 : i32
        %parallel_loop3A_859 = arith.constant 0 : i32
        %parallel_loop3A_860 = arith.constant 0 : i32
        %parallel_loop3A_861 = arith.constant 0 : i32
        %parallel_loop3A_862 = tpu.memref_slice %arg9[%parallel_loop3A_248, %parallel_loop3A_859, %parallel_loop3A_860, %parallel_loop3A_861] : memref<2x32x8x128xf32, #tpu.memory_space<vmem>> -> memref<1x32x8x128xf32, #tpu.memory_space<vmem>>
        %parallel_loop3A_863 = tpu.memref_squeeze %parallel_loop3A_862 : memref<1x32x8x128xf32, #tpu.memory_space<vmem>> -> memref<32x8x128xf32, #tpu.memory_space<vmem>>
        %parallel_loop3A_864 = arith.index_cast %parallel_loop3A_858 : i32 to index
        %parallel_loop3A_865 = arith.index_cast %parallel_loop3A_386 : i32 to index
        %parallel_loop3A_866 = arith.index_cast %parallel_loop3A_404 : i32 to index
        %parallel_loop3A_867 = tpu.vector_load %parallel_loop3A_863[%parallel_loop3A_864, %parallel_loop3A_865, %parallel_loop3A_866] {strides = array<i32>} : memref<32x8x128xf32, #tpu.memory_space<vmem>>, vector<16xf32>,
        %parallel_loop3A_868 = arith.subf %parallel_loop3A_857, %parallel_loop3A_846 : vector<16xf32>
        %parallel_loop3A_869 = math.absf %parallel_loop3A_868 : vector<16xf32>
        %parallel_loop3A_870 = arith.addf %parallel_loop3A_804, %parallel_loop3A_869 : vector<16xf32>
        %parallel_loop3A_871 = arith.subf %parallel_loop3A_867, %parallel_loop3A_847 : vector<16xf32>
        %parallel_loop3A_872 = math.absf %parallel_loop3A_871 : vector<16xf32>
        %parallel_loop3A_873 = arith.addf %parallel_loop3A_807, %parallel_loop3A_872 : vector<16xf32>
        %parallel_loop3A_874 = arith.constant 3328 : i32
        %parallel_loop3A_875 = vector.broadcast %parallel_loop3A_874 : i32 to vector<16xi32>
        %parallel_loop3A_876 = arith.addi %parallel_loop3A_436, %parallel_loop3A_875 : vector<16xi32>
        %parallel_loop3A_877 = tpu.vector_load_idx %arg6[%parallel_loop3A_876] : memref<32768xi32, #tpu.memory_space<vmem>>[vector<16xi32>], vector<16xi32>,
        %parallel_loop3A_878 = vector.bitcast %parallel_loop3A_877 : vector<16xi32> to vector<32xbf16>
        %parallel_loop3A_879 = tpu.unpack_subelements %parallel_loop3A_878, 0 {pack_format = #tpu.pack_format<interleaved>} : vector<32xbf16> -> vector<16xf32>
        %parallel_loop3A_880 = tpu.unpack_subelements %parallel_loop3A_878, 1 {pack_format = #tpu.pack_format<interleaved>} : vector<32xbf16> -> vector<16xf32>
        %parallel_loop3A_881 = arith.constant 26 : i32
        %parallel_loop3A_882 = arith.constant 0 : i32
        %parallel_loop3A_883 = arith.constant 0 : i32
        %parallel_loop3A_884 = arith.constant 0 : i32
        %parallel_loop3A_885 = tpu.memref_slice %arg9[%parallel_loop3A_248, %parallel_loop3A_882, %parallel_loop3A_883, %parallel_loop3A_884] : memref<2x32x8x128xf32, #tpu.memory_space<vmem>> -> memref<1x32x8x128xf32, #tpu.memory_space<vmem>>
        %parallel_loop3A_886 = tpu.memref_squeeze %parallel_loop3A_885 : memref<1x32x8x128xf32, #tpu.memory_space<vmem>> -> memref<32x8x128xf32, #tpu.memory_space<vmem>>
        %parallel_loop3A_887 = arith.index_cast %parallel_loop3A_881 : i32 to index
        %parallel_loop3A_888 = arith.index_cast %parallel_loop3A_386 : i32 to index
        %parallel_loop3A_889 = arith.index_cast %parallel_loop3A_404 : i32 to index
        %parallel_loop3A_890 = tpu.vector_load %parallel_loop3A_886[%parallel_loop3A_887, %parallel_loop3A_888, %parallel_loop3A_889] {strides = array<i32>} : memref<32x8x128xf32, #tpu.memory_space<vmem>>, vector<16xf32>,
        %parallel_loop3A_891 = arith.constant 27 : i32
        %parallel_loop3A_892 = arith.constant 0 : i32
        %parallel_loop3A_893 = arith.constant 0 : i32
        %parallel_loop3A_894 = arith.constant 0 : i32
        %parallel_loop3A_895 = tpu.memref_slice %arg9[%parallel_loop3A_248, %parallel_loop3A_892, %parallel_loop3A_893, %parallel_loop3A_894] : memref<2x32x8x128xf32, #tpu.memory_space<vmem>> -> memref<1x32x8x128xf32, #tpu.memory_space<vmem>>
        %parallel_loop3A_896 = tpu.memref_squeeze %parallel_loop3A_895 : memref<1x32x8x128xf32, #tpu.memory_space<vmem>> -> memref<32x8x128xf32, #tpu.memory_space<vmem>>
        %parallel_loop3A_897 = arith.index_cast %parallel_loop3A_891 : i32 to index
        %parallel_loop3A_898 = arith.index_cast %parallel_loop3A_386 : i32 to index
        %parallel_loop3A_899 = arith.index_cast %parallel_loop3A_404 : i32 to index
        %parallel_loop3A_900 = tpu.vector_load %parallel_loop3A_896[%parallel_loop3A_897, %parallel_loop3A_898, %parallel_loop3A_899] {strides = array<i32>} : memref<32x8x128xf32, #tpu.memory_space<vmem>>, vector<16xf32>,
        %parallel_loop3A_901 = arith.subf %parallel_loop3A_890, %parallel_loop3A_879 : vector<16xf32>
        %parallel_loop3A_902 = math.absf %parallel_loop3A_901 : vector<16xf32>
        %parallel_loop3A_903 = arith.addf %parallel_loop3A_837, %parallel_loop3A_902 : vector<16xf32>
        %parallel_loop3A_904 = arith.subf %parallel_loop3A_900, %parallel_loop3A_880 : vector<16xf32>
        %parallel_loop3A_905 = math.absf %parallel_loop3A_904 : vector<16xf32>
        %parallel_loop3A_906 = arith.addf %parallel_loop3A_840, %parallel_loop3A_905 : vector<16xf32>
        %parallel_loop3A_907 = arith.constant 3584 : i32
        %parallel_loop3A_908 = vector.broadcast %parallel_loop3A_907 : i32 to vector<16xi32>
        %parallel_loop3A_909 = arith.addi %parallel_loop3A_436, %parallel_loop3A_908 : vector<16xi32>
        %parallel_loop3A_910 = tpu.vector_load_idx %arg6[%parallel_loop3A_909] : memref<32768xi32, #tpu.memory_space<vmem>>[vector<16xi32>], vector<16xi32>,
        %parallel_loop3A_911 = vector.bitcast %parallel_loop3A_910 : vector<16xi32> to vector<32xbf16>
        %parallel_loop3A_912 = tpu.unpack_subelements %parallel_loop3A_911, 0 {pack_format = #tpu.pack_format<interleaved>} : vector<32xbf16> -> vector<16xf32>
        %parallel_loop3A_913 = tpu.unpack_subelements %parallel_loop3A_911, 1 {pack_format = #tpu.pack_format<interleaved>} : vector<32xbf16> -> vector<16xf32>
        %parallel_loop3A_914 = arith.constant 28 : i32
        %parallel_loop3A_915 = arith.constant 0 : i32
        %parallel_loop3A_916 = arith.constant 0 : i32
        %parallel_loop3A_917 = arith.constant 0 : i32
        %parallel_loop3A_918 = tpu.memref_slice %arg9[%parallel_loop3A_248, %parallel_loop3A_915, %parallel_loop3A_916, %parallel_loop3A_917] : memref<2x32x8x128xf32, #tpu.memory_space<vmem>> -> memref<1x32x8x128xf32, #tpu.memory_space<vmem>>
        %parallel_loop3A_919 = tpu.memref_squeeze %parallel_loop3A_918 : memref<1x32x8x128xf32, #tpu.memory_space<vmem>> -> memref<32x8x128xf32, #tpu.memory_space<vmem>>
        %parallel_loop3A_920 = arith.index_cast %parallel_loop3A_914 : i32 to index
        %parallel_loop3A_921 = arith.index_cast %parallel_loop3A_386 : i32 to index
        %parallel_loop3A_922 = arith.index_cast %parallel_loop3A_404 : i32 to index
        %parallel_loop3A_923 = tpu.vector_load %parallel_loop3A_919[%parallel_loop3A_920, %parallel_loop3A_921, %parallel_loop3A_922] {strides = array<i32>} : memref<32x8x128xf32, #tpu.memory_space<vmem>>, vector<16xf32>,
        %parallel_loop3A_924 = arith.constant 29 : i32
        %parallel_loop3A_925 = arith.constant 0 : i32
        %parallel_loop3A_926 = arith.constant 0 : i32
        %parallel_loop3A_927 = arith.constant 0 : i32
        %parallel_loop3A_928 = tpu.memref_slice %arg9[%parallel_loop3A_248, %parallel_loop3A_925, %parallel_loop3A_926, %parallel_loop3A_927] : memref<2x32x8x128xf32, #tpu.memory_space<vmem>> -> memref<1x32x8x128xf32, #tpu.memory_space<vmem>>
        %parallel_loop3A_929 = tpu.memref_squeeze %parallel_loop3A_928 : memref<1x32x8x128xf32, #tpu.memory_space<vmem>> -> memref<32x8x128xf32, #tpu.memory_space<vmem>>
        %parallel_loop3A_930 = arith.index_cast %parallel_loop3A_924 : i32 to index
        %parallel_loop3A_931 = arith.index_cast %parallel_loop3A_386 : i32 to index
        %parallel_loop3A_932 = arith.index_cast %parallel_loop3A_404 : i32 to index
        %parallel_loop3A_933 = tpu.vector_load %parallel_loop3A_929[%parallel_loop3A_930, %parallel_loop3A_931, %parallel_loop3A_932] {strides = array<i32>} : memref<32x8x128xf32, #tpu.memory_space<vmem>>, vector<16xf32>,
        %parallel_loop3A_934 = arith.subf %parallel_loop3A_923, %parallel_loop3A_912 : vector<16xf32>
        %parallel_loop3A_935 = math.absf %parallel_loop3A_934 : vector<16xf32>
        %parallel_loop3A_936 = arith.addf %parallel_loop3A_870, %parallel_loop3A_935 : vector<16xf32>
        %parallel_loop3A_937 = arith.subf %parallel_loop3A_933, %parallel_loop3A_913 : vector<16xf32>
        %parallel_loop3A_938 = math.absf %parallel_loop3A_937 : vector<16xf32>
        %parallel_loop3A_939 = arith.addf %parallel_loop3A_873, %parallel_loop3A_938 : vector<16xf32>
        %parallel_loop3A_940 = arith.constant 3840 : i32
        %parallel_loop3A_941 = vector.broadcast %parallel_loop3A_940 : i32 to vector<16xi32>
        %parallel_loop3A_942 = arith.addi %parallel_loop3A_436, %parallel_loop3A_941 : vector<16xi32>
        %parallel_loop3A_943 = tpu.vector_load_idx %arg6[%parallel_loop3A_942] : memref<32768xi32, #tpu.memory_space<vmem>>[vector<16xi32>], vector<16xi32>,
        %parallel_loop3A_944 = vector.bitcast %parallel_loop3A_943 : vector<16xi32> to vector<32xbf16>
        %parallel_loop3A_945 = tpu.unpack_subelements %parallel_loop3A_944, 0 {pack_format = #tpu.pack_format<interleaved>} : vector<32xbf16> -> vector<16xf32>
        %parallel_loop3A_946 = tpu.unpack_subelements %parallel_loop3A_944, 1 {pack_format = #tpu.pack_format<interleaved>} : vector<32xbf16> -> vector<16xf32>
        %parallel_loop3A_947 = arith.constant 30 : i32
        %parallel_loop3A_948 = arith.constant 0 : i32
        %parallel_loop3A_949 = arith.constant 0 : i32
        %parallel_loop3A_950 = arith.constant 0 : i32
        %parallel_loop3A_951 = tpu.memref_slice %arg9[%parallel_loop3A_248, %parallel_loop3A_948, %parallel_loop3A_949, %parallel_loop3A_950] : memref<2x32x8x128xf32, #tpu.memory_space<vmem>> -> memref<1x32x8x128xf32, #tpu.memory_space<vmem>>
        %parallel_loop3A_952 = tpu.memref_squeeze %parallel_loop3A_951 : memref<1x32x8x128xf32, #tpu.memory_space<vmem>> -> memref<32x8x128xf32, #tpu.memory_space<vmem>>
        %parallel_loop3A_953 = arith.index_cast %parallel_loop3A_947 : i32 to index
        %parallel_loop3A_954 = arith.index_cast %parallel_loop3A_386 : i32 to index
        %parallel_loop3A_955 = arith.index_cast %parallel_loop3A_404 : i32 to index
        %parallel_loop3A_956 = tpu.vector_load %parallel_loop3A_952[%parallel_loop3A_953, %parallel_loop3A_954, %parallel_loop3A_955] {strides = array<i32>} : memref<32x8x128xf32, #tpu.memory_space<vmem>>, vector<16xf32>,
        %parallel_loop3A_957 = arith.constant 31 : i32
        %parallel_loop3A_958 = arith.constant 0 : i32
        %parallel_loop3A_959 = arith.constant 0 : i32
        %parallel_loop3A_960 = arith.constant 0 : i32
        %parallel_loop3A_961 = tpu.memref_slice %arg9[%parallel_loop3A_248, %parallel_loop3A_958, %parallel_loop3A_959, %parallel_loop3A_960] : memref<2x32x8x128xf32, #tpu.memory_space<vmem>> -> memref<1x32x8x128xf32, #tpu.memory_space<vmem>>
        %parallel_loop3A_962 = tpu.memref_squeeze %parallel_loop3A_961 : memref<1x32x8x128xf32, #tpu.memory_space<vmem>> -> memref<32x8x128xf32, #tpu.memory_space<vmem>>
        %parallel_loop3A_963 = arith.index_cast %parallel_loop3A_957 : i32 to index
        %parallel_loop3A_964 = arith.index_cast %parallel_loop3A_386 : i32 to index
        %parallel_loop3A_965 = arith.index_cast %parallel_loop3A_404 : i32 to index
        %parallel_loop3A_966 = tpu.vector_load %parallel_loop3A_962[%parallel_loop3A_963, %parallel_loop3A_964, %parallel_loop3A_965] {strides = array<i32>} : memref<32x8x128xf32, #tpu.memory_space<vmem>>, vector<16xf32>,
        %parallel_loop3A_967 = arith.subf %parallel_loop3A_956, %parallel_loop3A_945 : vector<16xf32>
        %parallel_loop3A_968 = math.absf %parallel_loop3A_967 : vector<16xf32>
        %parallel_loop3A_969 = arith.addf %parallel_loop3A_903, %parallel_loop3A_968 : vector<16xf32>
        %parallel_loop3A_970 = arith.subf %parallel_loop3A_966, %parallel_loop3A_946 : vector<16xf32>
        %parallel_loop3A_971 = math.absf %parallel_loop3A_970 : vector<16xf32>
        %parallel_loop3A_972 = arith.addf %parallel_loop3A_906, %parallel_loop3A_971 : vector<16xf32>
        %parallel_loop3A_973 = arith.addf %parallel_loop3A_936, %parallel_loop3A_939 : vector<16xf32>
        %parallel_loop3A_974 = arith.addf %parallel_loop3A_969, %parallel_loop3A_972 : vector<16xf32>
        %parallel_loop3A_975 = arith.addf %parallel_loop3A_973, %parallel_loop3A_974 : vector<16xf32>
        %parallel_loop3A_976 = arith.addi %mul3A_245, %parallel_loop3A_386 : i32
        %parallel_loop3A_977 = arith.index_cast %parallel_loop3A_976 : i32 to index
        %parallel_loop3A_978 = arith.index_cast %parallel_loop3A_404 : i32 to index
        %parallel_loop3A_979 = tpu.vector_load %arg8[%parallel_loop3A_977, %parallel_loop3A_978] {strides = array<i32>} : memref<16x128xf32, #tpu.memory_space<vmem>>, vector<16xf32>,
        %parallel_loop3A_980 = arith.addf %parallel_loop3A_979, %parallel_loop3A_975 : vector<16xf32>
        %parallel_loop3A_981 = arith.addi %mul3A_245, %parallel_loop3A_386 : i32
        %parallel_loop3A_982 = arith.index_cast %parallel_loop3A_981 : i32 to index
        %parallel_loop3A_983 = arith.index_cast %parallel_loop3A_404 : i32 to index
        %parallel_loop3A_984 = tpu.vector_load %arg8[%parallel_loop3A_982, %parallel_loop3A_983] {strides = array<i32>} : memref<16x128xf32, #tpu.memory_space<vmem>>, vector<16xf32>,
        tpu.vector_store %arg8[%parallel_loop3A_982, %parallel_loop3A_983], %parallel_loop3A_980 {strides = array<i32>} : memref<16x128xf32, #tpu.memory_space<vmem>>, vector<16xf32>,
      } {sc.loop_unroll_factor = 2 : i64, sc.parallel_access}
      %jit3A_249 = arith.constant 8 : i32
      %eq3A_250 = arith.constant 0 : i32
      %eq3A_251 = arith.cmpi eq, %jit3A_249, %eq3A_250 : i32
      %jit3A_252 = arith.constant 1 : i32
      %select_n3A_253 = arith.select %eq3A_251, %jit3A_252, %jit3A_249 : i32
      %rem3A_254 = arith.remsi %add3A_78, %select_n3A_253 : i32
      %ne3A_255 = arith.constant 0 : i32
      %ne3A_256 = arith.cmpi ne, %rem3A_254, %ne3A_255 : i32
      %lt3A_257 = arith.constant 0 : i32
      %lt3A_258 = arith.cmpi slt, %rem3A_254, %lt3A_257 : i32
      %lt3A_259 = arith.constant 0 : i32
      %lt3A_260 = arith.cmpi slt, %select_n3A_253, %lt3A_259 : i32
      %ne3A_261 = arith.xori %lt3A_258, %lt3A_260 : i1
      %and3A_262 = arith.andi %ne3A_261, %ne3A_256 : i1
      %add3A_263 = arith.addi %rem3A_254, %select_n3A_253 : i32
      %select_n3A_264 = arith.select %and3A_262, %add3A_263, %rem3A_254 : i32
      %jit3A_265 = arith.constant 8 : i32
      %div3A_266 = arith.divsi %add3A_78, %jit3A_265 : i32
      %sign3A_267 = arith.constant 0 : i32
      %sign3A_268 = arith.cmpi sgt, %add3A_78, %sign3A_267 : i32
      %sign3A_269 = arith.extui %sign3A_268 : i1 to i32
      %sign3A_270 = arith.constant 0 : i32
      %sign3A_271 = arith.cmpi slt, %add3A_78, %sign3A_270 : i32
      %sign3A_272 = arith.extui %sign3A_271 : i1 to i32
      %sign3A_273 = arith.subi %sign3A_269, %sign3A_272 : i32
      %sign3A_274 = arith.constant 0 : i32
      %sign3A_275 = arith.cmpi sgt, %jit3A_265, %sign3A_274 : i32
      %sign3A_276 = arith.extui %sign3A_275 : i1 to i32
      %sign3A_277 = arith.constant 0 : i32
      %sign3A_278 = arith.cmpi slt, %jit3A_265, %sign3A_277 : i32
      %sign3A_279 = arith.extui %sign3A_278 : i1 to i32
      %sign3A_280 = arith.subi %sign3A_276, %sign3A_279 : i32
      %ne3A_281 = arith.cmpi ne, %sign3A_273, %sign3A_280 : i32
      %rem3A_282 = arith.remsi %add3A_78, %jit3A_265 : i32
      %ne3A_283 = arith.constant 0 : i32
      %ne3A_284 = arith.cmpi ne, %rem3A_282, %ne3A_283 : i32
      %and3A_285 = arith.andi %ne3A_281, %ne3A_284 : i1
      %sub3A_286 = arith.constant 1 : i32
      %sub3A_287 = arith.subi %div3A_266, %sub3A_286 : i32
      %select_n3A_288 = arith.select %and3A_285, %sub3A_287, %div3A_266 : i32
      %mul3A_289 = arith.constant 32 : i32
      %mul3A_290 = arith.muli %select_n3A_264, %mul3A_289 : i32
      %mul3A_291 = arith.constant 8 : i32
      %mul3A_292 = arith.muli %select_n3A_288, %mul3A_291 : i32
      %add3A_293 = arith.addi %mul3A_32, %mul3A_292 : i32
      %dma_wait3A_294 = arith.constant 1 : i32
      %dma_wait3A_295 = arith.constant 0 : i32
      %dma_wait3A_296 = arith.constant 0 : i32
      %dma_wait3A_297 = arith.constant 0 : i32
      %dma_wait3A_298 = tpu.memref_slice %arg9[%dma_wait3A_294, %dma_wait3A_295, %dma_wait3A_296, %dma_wait3A_297] : memref<2x32x8x128xf32, #tpu.memory_space<vmem>> -> memref<1x32x8x128xf32, #tpu.memory_space<vmem>>
      %dma_wait3A_299 = tpu.memref_squeeze %dma_wait3A_298 : memref<1x32x8x128xf32, #tpu.memory_space<vmem>> -> memref<32x8x128xf32, #tpu.memory_space<vmem>>
      %dma_wait3A_300 = arith.constant 0 : i32
      %dma_wait3A_301 = tpu.memref_slice %arg2[%select_n3A, %mul3A_290, %add3A_293, %dma_wait3A_300] : memref<8x256x128x128xf32, #tpu.memory_space<hbm>> -> memref<1x32x8x128xf32, #tpu.memory_space<hbm>>
      %dma_wait3A_302 = tpu.memref_squeeze %dma_wait3A_301 : memref<1x32x8x128xf32, #tpu.memory_space<hbm>> -> memref<32x8x128xf32, #tpu.memory_space<hbm>>
      %dma_wait3A_303 = arith.constant 0 : i32
      %dma_wait3A_304 = arith.constant 0 : i32
      %dma_wait3A_305 = arith.constant 0 : i32
      %dma_wait3A_306 = tpu.memref_slice %arg9[%dma_wait3A_294, %dma_wait3A_303, %dma_wait3A_304, %dma_wait3A_305] : memref<2x32x8x128xf32, #tpu.memory_space<vmem>> -> memref<1x32x8x128xf32, #tpu.memory_space<vmem>>
      %dma_wait3A_307 = tpu.memref_squeeze %dma_wait3A_306 : memref<1x32x8x128xf32, #tpu.memory_space<vmem>> -> memref<32x8x128xf32, #tpu.memory_space<vmem>>
      %dma_wait3A_308 = arith.constant 0 : i32
      %dma_wait3A_309 = tpu.memref_slice %arg2[%select_n3A, %mul3A_290, %add3A_293, %dma_wait3A_308] : memref<8x256x128x128xf32, #tpu.memory_space<hbm>> -> memref<1x32x8x128xf32, #tpu.memory_space<hbm>>
      %dma_wait3A_310 = tpu.memref_squeeze %dma_wait3A_309 : memref<1x32x8x128xf32, #tpu.memory_space<hbm>> -> memref<32x8x128xf32, #tpu.memory_space<hbm>>
      tpu.wait_dma2 semaphore(%arg12 : memref<!tpu.dma_semaphore, #tpu.memory_space<semaphore_mem>>) src(%dma_wait3A_310 : memref<32x8x128xf32, #tpu.memory_space<hbm>>) dst(%dma_wait3A_307 : memref<32x8x128xf32, #tpu.memory_space<vmem>>)
      %lt3A_311 = arith.constant 7 : i32
      %lt3A_312 = arith.cmpi slt, %scan3A_74, %lt3A_311 : i32
      %convert_element_type3A = arith.extui %lt3A_312 : i1 to i32
      %cond3A = arith.constant 0 : i32
      %cond3A_313 = arith.cmpi ne, %convert_element_type3A, %cond3A : i32
      scf.if %cond3A_313 {
        %add3A_362 = arith.constant 2 : i32
        %add3A_363 = arith.addi %mul3A_76, %add3A_362 : i32
        %jit3A_364 = arith.constant 8 : i32
        %eq3A_365 = arith.constant 0 : i32
        %eq3A_366 = arith.cmpi eq, %jit3A_364, %eq3A_365 : i32
        %jit3A_367 = arith.constant 1 : i32
        %select_n3A_368 = arith.select %eq3A_366, %jit3A_367, %jit3A_364 : i32
        %rem3A_369 = arith.remsi %add3A_363, %select_n3A_368 : i32
        %ne3A_370 = arith.constant 0 : i32
        %ne3A_371 = arith.cmpi ne, %rem3A_369, %ne3A_370 : i32
        %lt3A_372 = arith.constant 0 : i32
        %lt3A_373 = arith.cmpi slt, %rem3A_369, %lt3A_372 : i32
        %lt3A_374 = arith.constant 0 : i32
        %lt3A_375 = arith.cmpi slt, %select_n3A_368, %lt3A_374 : i32
        %ne3A_376 = arith.xori %lt3A_373, %lt3A_375 : i1
        %and3A_377 = arith.andi %ne3A_376, %ne3A_371 : i1
        %add3A_378 = arith.addi %rem3A_369, %select_n3A_368 : i32
        %select_n3A_379 = arith.select %and3A_377, %add3A_378, %rem3A_369 : i32
        %jit3A_380 = arith.constant 8 : i32
        %div3A_381 = arith.divsi %add3A_363, %jit3A_380 : i32
        %sign3A_382 = arith.constant 0 : i32
        %sign3A_383 = arith.cmpi sgt, %add3A_363, %sign3A_382 : i32
        %sign3A_384 = arith.extui %sign3A_383 : i1 to i32
        %sign3A_385 = arith.constant 0 : i32
        %sign3A_386 = arith.cmpi slt, %add3A_363, %sign3A_385 : i32
        %sign3A_387 = arith.extui %sign3A_386 : i1 to i32
        %sign3A_388 = arith.subi %sign3A_384, %sign3A_387 : i32
        %sign3A_389 = arith.constant 0 : i32
        %sign3A_390 = arith.cmpi sgt, %jit3A_380, %sign3A_389 : i32
        %sign3A_391 = arith.extui %sign3A_390 : i1 to i32
        %sign3A_392 = arith.constant 0 : i32
        %sign3A_393 = arith.cmpi slt, %jit3A_380, %sign3A_392 : i32
        %sign3A_394 = arith.extui %sign3A_393 : i1 to i32
        %sign3A_395 = arith.subi %sign3A_391, %sign3A_394 : i32
        %ne3A_396 = arith.cmpi ne, %sign3A_388, %sign3A_395 : i32
        %rem3A_397 = arith.remsi %add3A_363, %jit3A_380 : i32
        %ne3A_398 = arith.constant 0 : i32
        %ne3A_399 = arith.cmpi ne, %rem3A_397, %ne3A_398 : i32
        %and3A_400 = arith.andi %ne3A_396, %ne3A_399 : i1
        %sub3A_401 = arith.constant 1 : i32
        %sub3A_402 = arith.subi %div3A_381, %sub3A_401 : i32
        %select_n3A_403 = arith.select %and3A_400, %sub3A_402, %div3A_381 : i32
        %mul3A_404 = arith.constant 32 : i32
        %mul3A_405 = arith.muli %select_n3A_379, %mul3A_404 : i32
        %mul3A_406 = arith.constant 8 : i32
        %mul3A_407 = arith.muli %select_n3A_403, %mul3A_406 : i32
        %add3A_408 = arith.addi %mul3A_32, %mul3A_407 : i32
        %dma_start3A_409 = arith.constant 0 : i32
        %dma_start3A_410 = arith.constant 0 : i32
        %dma_start3A_411 = arith.constant 0 : i32
        %dma_start3A_412 = arith.constant 0 : i32
        %dma_start3A_413 = tpu.memref_slice %arg9[%dma_start3A_409, %dma_start3A_410, %dma_start3A_411, %dma_start3A_412] : memref<2x32x8x128xf32, #tpu.memory_space<vmem>> -> memref<1x32x8x128xf32, #tpu.memory_space<vmem>>
        %dma_start3A_414 = tpu.memref_squeeze %dma_start3A_413 : memref<1x32x8x128xf32, #tpu.memory_space<vmem>> -> memref<32x8x128xf32, #tpu.memory_space<vmem>>
        %dma_start3A_415 = arith.constant 0 : i32
        %dma_start3A_416 = tpu.memref_slice %arg2[%select_n3A, %mul3A_405, %add3A_408, %dma_start3A_415] : memref<8x256x128x128xf32, #tpu.memory_space<hbm>> -> memref<1x32x8x128xf32, #tpu.memory_space<hbm>>
        %dma_start3A_417 = tpu.memref_squeeze %dma_start3A_416 : memref<1x32x8x128xf32, #tpu.memory_space<hbm>> -> memref<32x8x128xf32, #tpu.memory_space<hbm>>
        %dma_start3A_418 = arith.constant 0 : i32
        %dma_start3A_419 = arith.constant 0 : i32
        %dma_start3A_420 = arith.constant 0 : i32
        %dma_start3A_421 = tpu.memref_slice %arg9[%dma_start3A_409, %dma_start3A_418, %dma_start3A_419, %dma_start3A_420] : memref<2x32x8x128xf32, #tpu.memory_space<vmem>> -> memref<1x32x8x128xf32, #tpu.memory_space<vmem>>
        %dma_start3A_422 = tpu.memref_squeeze %dma_start3A_421 : memref<1x32x8x128xf32, #tpu.memory_space<vmem>> -> memref<32x8x128xf32, #tpu.memory_space<vmem>>
        %dma_start3A_423 = arith.constant 0 : i32
        %dma_start3A_424 = tpu.memref_slice %arg2[%select_n3A, %mul3A_405, %add3A_408, %dma_start3A_423] : memref<8x256x128x128xf32, #tpu.memory_space<hbm>> -> memref<1x32x8x128xf32, #tpu.memory_space<hbm>>
        %dma_start3A_425 = tpu.memref_squeeze %dma_start3A_424 : memref<1x32x8x128xf32, #tpu.memory_space<hbm>> -> memref<32x8x128xf32, #tpu.memory_space<hbm>>
        tpu.enqueue_dma source(%dma_start3A_425 : memref<32x8x128xf32, #tpu.memory_space<hbm>>) target(%dma_start3A_422 : memref<32x8x128xf32, #tpu.memory_space<vmem>>) target_semaphore(%arg11 : memref<!tpu.dma_semaphore, #tpu.memory_space<semaphore_mem>>)
      } else {
      }
      %jit3A_314 = arith.constant 8 : i32
      %eq3A_315 = arith.constant 0 : i32
      %eq3A_316 = arith.cmpi eq, %jit3A_314, %eq3A_315 : i32
      %jit3A_317 = arith.constant 1 : i32
      %select_n3A_318 = arith.select %eq3A_316, %jit3A_317, %jit3A_314 : i32
      %rem3A_319 = arith.remsi %add3A_78, %select_n3A_318 : i32
      %ne3A_320 = arith.constant 0 : i32
      %ne3A_321 = arith.cmpi ne, %rem3A_319, %ne3A_320 : i32
      %lt3A_322 = arith.constant 0 : i32
      %lt3A_323 = arith.cmpi slt, %rem3A_319, %lt3A_322 : i32
      %lt3A_324 = arith.constant 0 : i32
      %lt3A_325 = arith.cmpi slt, %select_n3A_318, %lt3A_324 : i32
      %ne3A_326 = arith.xori %lt3A_323, %lt3A_325 : i1
      %and3A_327 = arith.andi %ne3A_326, %ne3A_321 : i1
      %add3A_328 = arith.addi %rem3A_319, %select_n3A_318 : i32
      %select_n3A_329 = arith.select %and3A_327, %add3A_328, %rem3A_319 : i32
      %mul3A_330 = arith.constant 32 : i32
      %mul3A_331 = arith.muli %select_n3A_329, %mul3A_330 : i32
      %jit3A_332 = arith.constant 8 : i32
      %div3A_333 = arith.divsi %add3A_78, %jit3A_332 : i32
      %sign3A_334 = arith.constant 0 : i32
      %sign3A_335 = arith.cmpi sgt, %add3A_78, %sign3A_334 : i32
      %sign3A_336 = arith.extui %sign3A_335 : i1 to i32
      %sign3A_337 = arith.constant 0 : i32
      %sign3A_338 = arith.cmpi slt, %add3A_78, %sign3A_337 : i32
      %sign3A_339 = arith.extui %sign3A_338 : i1 to i32
      %sign3A_340 = arith.subi %sign3A_336, %sign3A_339 : i32
      %sign3A_341 = arith.constant 0 : i32
      %sign3A_342 = arith.cmpi sgt, %jit3A_332, %sign3A_341 : i32
      %sign3A_343 = arith.extui %sign3A_342 : i1 to i32
      %sign3A_344 = arith.constant 0 : i32
      %sign3A_345 = arith.cmpi slt, %jit3A_332, %sign3A_344 : i32
      %sign3A_346 = arith.extui %sign3A_345 : i1 to i32
      %sign3A_347 = arith.subi %sign3A_343, %sign3A_346 : i32
      %ne3A_348 = arith.cmpi ne, %sign3A_340, %sign3A_347 : i32
      %rem3A_349 = arith.remsi %add3A_78, %jit3A_332 : i32
      %ne3A_350 = arith.constant 0 : i32
      %ne3A_351 = arith.cmpi ne, %rem3A_349, %ne3A_350 : i32
      %and3A_352 = arith.andi %ne3A_348, %ne3A_351 : i1
      %sub3A_353 = arith.constant 1 : i32
      %sub3A_354 = arith.subi %div3A_333, %sub3A_353 : i32
      %select_n3A_355 = arith.select %and3A_352, %sub3A_354, %div3A_333 : i32
      %mul3A_356 = arith.constant 8 : i32
      %mul3A_357 = arith.muli %select_n3A_355, %mul3A_356 : i32
      %parallel_loop3A_358 = arith.constant 0 : i32
      %parallel_loop3A_359 = arith.constant 64 : i32
      %parallel_loop3A_360 = arith.constant 1 : i32
      %parallel_loop3A_361 = arith.constant 1 : i32
      scf.for %parallel_loop3A_362 = %parallel_loop3A_358 to %parallel_loop3A_359 step %parallel_loop3A_360  : i32 {
        %parallel_loop3A_363 = arith.constant 8 : i32
        %parallel_loop3A_364 = arith.divsi %parallel_loop3A_362, %parallel_loop3A_363 : i32
        %parallel_loop3A_365 = arith.constant 0 : i32
        %parallel_loop3A_366 = arith.cmpi sgt, %parallel_loop3A_362, %parallel_loop3A_365 : i32
        %parallel_loop3A_367 = arith.extui %parallel_loop3A_366 : i1 to i32
        %parallel_loop3A_368 = arith.constant 0 : i32
        %parallel_loop3A_369 = arith.cmpi slt, %parallel_loop3A_362, %parallel_loop3A_368 : i32
        %parallel_loop3A_370 = arith.extui %parallel_loop3A_369 : i1 to i32
        %parallel_loop3A_371 = arith.subi %parallel_loop3A_367, %parallel_loop3A_370 : i32
        %parallel_loop3A_372 = arith.constant 0 : i32
        %parallel_loop3A_373 = arith.cmpi sgt, %parallel_loop3A_363, %parallel_loop3A_372 : i32
        %parallel_loop3A_374 = arith.extui %parallel_loop3A_373 : i1 to i32
        %parallel_loop3A_375 = arith.constant 0 : i32
        %parallel_loop3A_376 = arith.cmpi slt, %parallel_loop3A_363, %parallel_loop3A_375 : i32
        %parallel_loop3A_377 = arith.extui %parallel_loop3A_376 : i1 to i32
        %parallel_loop3A_378 = arith.subi %parallel_loop3A_374, %parallel_loop3A_377 : i32
        %parallel_loop3A_379 = arith.cmpi ne, %parallel_loop3A_371, %parallel_loop3A_378 : i32
        %parallel_loop3A_380 = arith.remsi %parallel_loop3A_362, %parallel_loop3A_363 : i32
        %parallel_loop3A_381 = arith.constant 0 : i32
        %parallel_loop3A_382 = arith.cmpi ne, %parallel_loop3A_380, %parallel_loop3A_381 : i32
        %parallel_loop3A_383 = arith.andi %parallel_loop3A_379, %parallel_loop3A_382 : i1
        %parallel_loop3A_384 = arith.constant 1 : i32
        %parallel_loop3A_385 = arith.subi %parallel_loop3A_364, %parallel_loop3A_384 : i32
        %parallel_loop3A_386 = arith.select %parallel_loop3A_383, %parallel_loop3A_385, %parallel_loop3A_364 : i32
        %parallel_loop3A_387 = arith.constant 8 : i32
        %parallel_loop3A_388 = arith.constant 0 : i32
        %parallel_loop3A_389 = arith.cmpi eq, %parallel_loop3A_387, %parallel_loop3A_388 : i32
        %parallel_loop3A_390 = arith.constant 1 : i32
        %parallel_loop3A_391 = arith.select %parallel_loop3A_389, %parallel_loop3A_390, %parallel_loop3A_387 : i32
        %parallel_loop3A_392 = arith.remsi %parallel_loop3A_362, %parallel_loop3A_391 : i32
        %parallel_loop3A_393 = arith.constant 0 : i32
        %parallel_loop3A_394 = arith.cmpi ne, %parallel_loop3A_392, %parallel_loop3A_393 : i32
        %parallel_loop3A_395 = arith.constant 0 : i32
        %parallel_loop3A_396 = arith.cmpi slt, %parallel_loop3A_392, %parallel_loop3A_395 : i32
        %parallel_loop3A_397 = arith.constant 0 : i32
        %parallel_loop3A_398 = arith.cmpi slt, %parallel_loop3A_391, %parallel_loop3A_397 : i32
        %parallel_loop3A_399 = arith.xori %parallel_loop3A_396, %parallel_loop3A_398 : i1
        %parallel_loop3A_400 = arith.andi %parallel_loop3A_399, %parallel_loop3A_394 : i1
        %parallel_loop3A_401 = arith.addi %parallel_loop3A_392, %parallel_loop3A_391 : i32
        %parallel_loop3A_402 = arith.select %parallel_loop3A_400, %parallel_loop3A_401, %parallel_loop3A_392 : i32
        %parallel_loop3A_403 = arith.constant 16 : i32
        %parallel_loop3A_404 = arith.muli %parallel_loop3A_402, %parallel_loop3A_403 : i32
        %parallel_loop3A_405 = arith.addi %mul3A_357, %parallel_loop3A_386 : i32
        %parallel_loop3A_406 = arith.index_cast %parallel_loop3A_405 : i32 to index
        %parallel_loop3A_407 = arith.index_cast %parallel_loop3A_404 : i32 to index
        %parallel_loop3A_408 = tpu.vector_load %arg7[%parallel_loop3A_406, %parallel_loop3A_407] {strides = array<i32>} : memref<16x128xi32, #tpu.memory_space<vmem>>, vector<16xi32>,
        %parallel_loop3A_409 = arith.constant 2 : i32
        %parallel_loop3A_410 = arith.divsi %mul3A_331, %parallel_loop3A_409 : i32
        %parallel_loop3A_411 = arith.constant 0 : i32
        %parallel_loop3A_412 = arith.cmpi sgt, %mul3A_331, %parallel_loop3A_411 : i32
        %parallel_loop3A_413 = arith.extui %parallel_loop3A_412 : i1 to i32
        %parallel_loop3A_414 = arith.constant 0 : i32
        %parallel_loop3A_415 = arith.cmpi slt, %mul3A_331, %parallel_loop3A_414 : i32
        %parallel_loop3A_416 = arith.extui %parallel_loop3A_415 : i1 to i32
        %parallel_loop3A_417 = arith.subi %parallel_loop3A_413, %parallel_loop3A_416 : i32
        %parallel_loop3A_418 = arith.constant 0 : i32
        %parallel_loop3A_419 = arith.cmpi sgt, %parallel_loop3A_409, %parallel_loop3A_418 : i32
        %parallel_loop3A_420 = arith.extui %parallel_loop3A_419 : i1 to i32
        %parallel_loop3A_421 = arith.constant 0 : i32
        %parallel_loop3A_422 = arith.cmpi slt, %parallel_loop3A_409, %parallel_loop3A_421 : i32
        %parallel_loop3A_423 = arith.extui %parallel_loop3A_422 : i1 to i32
        %parallel_loop3A_424 = arith.subi %parallel_loop3A_420, %parallel_loop3A_423 : i32
        %parallel_loop3A_425 = arith.cmpi ne, %parallel_loop3A_417, %parallel_loop3A_424 : i32
        %parallel_loop3A_426 = arith.remsi %mul3A_331, %parallel_loop3A_409 : i32
        %parallel_loop3A_427 = arith.constant 0 : i32
        %parallel_loop3A_428 = arith.cmpi ne, %parallel_loop3A_426, %parallel_loop3A_427 : i32
        %parallel_loop3A_429 = arith.andi %parallel_loop3A_425, %parallel_loop3A_428 : i1
        %parallel_loop3A_430 = arith.constant 1 : i32
        %parallel_loop3A_431 = arith.subi %parallel_loop3A_410, %parallel_loop3A_430 : i32
        %parallel_loop3A_432 = arith.select %parallel_loop3A_429, %parallel_loop3A_431, %parallel_loop3A_410 : i32
        %parallel_loop3A_433 = arith.constant 256 : i32
        %parallel_loop3A_434 = arith.muli %parallel_loop3A_432, %parallel_loop3A_433 : i32
        %parallel_loop3A_435 = vector.broadcast %parallel_loop3A_434 : i32 to vector<16xi32>
        %parallel_loop3A_436 = arith.addi %parallel_loop3A_408, %parallel_loop3A_435 : vector<16xi32>
        %parallel_loop3A_437 = arith.constant 0.000000e+00 : f32
        %parallel_loop3A_438 = vector.broadcast %parallel_loop3A_437 : f32 to vector<16xf32>
        %parallel_loop3A_439 = arith.constant 0.000000e+00 : f32
        %parallel_loop3A_440 = vector.broadcast %parallel_loop3A_439 : f32 to vector<16xf32>
        %parallel_loop3A_441 = arith.constant 0.000000e+00 : f32
        %parallel_loop3A_442 = vector.broadcast %parallel_loop3A_441 : f32 to vector<16xf32>
        %parallel_loop3A_443 = arith.constant 0.000000e+00 : f32
        %parallel_loop3A_444 = vector.broadcast %parallel_loop3A_443 : f32 to vector<16xf32>
        %parallel_loop3A_445 = arith.constant 0 : i32
        %parallel_loop3A_446 = vector.broadcast %parallel_loop3A_445 : i32 to vector<16xi32>
        %parallel_loop3A_447 = arith.addi %parallel_loop3A_436, %parallel_loop3A_446 : vector<16xi32>
        %parallel_loop3A_448 = tpu.vector_load_idx %arg6[%parallel_loop3A_447] : memref<32768xi32, #tpu.memory_space<vmem>>[vector<16xi32>], vector<16xi32>,
        %parallel_loop3A_449 = vector.bitcast %parallel_loop3A_448 : vector<16xi32> to vector<32xbf16>
        %parallel_loop3A_450 = tpu.unpack_subelements %parallel_loop3A_449, 0 {pack_format = #tpu.pack_format<interleaved>} : vector<32xbf16> -> vector<16xf32>
        %parallel_loop3A_451 = tpu.unpack_subelements %parallel_loop3A_449, 1 {pack_format = #tpu.pack_format<interleaved>} : vector<32xbf16> -> vector<16xf32>
        %parallel_loop3A_452 = arith.constant 0 : i32
        %parallel_loop3A_453 = arith.constant 0 : i32
        %parallel_loop3A_454 = arith.constant 0 : i32
        %parallel_loop3A_455 = arith.constant 0 : i32
        %parallel_loop3A_456 = tpu.memref_slice %arg9[%parallel_loop3A_361, %parallel_loop3A_453, %parallel_loop3A_454, %parallel_loop3A_455] : memref<2x32x8x128xf32, #tpu.memory_space<vmem>> -> memref<1x32x8x128xf32, #tpu.memory_space<vmem>>
        %parallel_loop3A_457 = tpu.memref_squeeze %parallel_loop3A_456 : memref<1x32x8x128xf32, #tpu.memory_space<vmem>> -> memref<32x8x128xf32, #tpu.memory_space<vmem>>
        %parallel_loop3A_458 = arith.index_cast %parallel_loop3A_452 : i32 to index
        %parallel_loop3A_459 = arith.index_cast %parallel_loop3A_386 : i32 to index
        %parallel_loop3A_460 = arith.index_cast %parallel_loop3A_404 : i32 to index
        %parallel_loop3A_461 = tpu.vector_load %parallel_loop3A_457[%parallel_loop3A_458, %parallel_loop3A_459, %parallel_loop3A_460] {strides = array<i32>} : memref<32x8x128xf32, #tpu.memory_space<vmem>>, vector<16xf32>,
        %parallel_loop3A_462 = arith.constant 1 : i32
        %parallel_loop3A_463 = arith.constant 0 : i32
        %parallel_loop3A_464 = arith.constant 0 : i32
        %parallel_loop3A_465 = arith.constant 0 : i32
        %parallel_loop3A_466 = tpu.memref_slice %arg9[%parallel_loop3A_361, %parallel_loop3A_463, %parallel_loop3A_464, %parallel_loop3A_465] : memref<2x32x8x128xf32, #tpu.memory_space<vmem>> -> memref<1x32x8x128xf32, #tpu.memory_space<vmem>>
        %parallel_loop3A_467 = tpu.memref_squeeze %parallel_loop3A_466 : memref<1x32x8x128xf32, #tpu.memory_space<vmem>> -> memref<32x8x128xf32, #tpu.memory_space<vmem>>
        %parallel_loop3A_468 = arith.index_cast %parallel_loop3A_462 : i32 to index
        %parallel_loop3A_469 = arith.index_cast %parallel_loop3A_386 : i32 to index
        %parallel_loop3A_470 = arith.index_cast %parallel_loop3A_404 : i32 to index
        %parallel_loop3A_471 = tpu.vector_load %parallel_loop3A_467[%parallel_loop3A_468, %parallel_loop3A_469, %parallel_loop3A_470] {strides = array<i32>} : memref<32x8x128xf32, #tpu.memory_space<vmem>>, vector<16xf32>,
        %parallel_loop3A_472 = arith.subf %parallel_loop3A_461, %parallel_loop3A_450 : vector<16xf32>
        %parallel_loop3A_473 = math.absf %parallel_loop3A_472 : vector<16xf32>
        %parallel_loop3A_474 = arith.addf %parallel_loop3A_438, %parallel_loop3A_473 : vector<16xf32>
        %parallel_loop3A_475 = arith.subf %parallel_loop3A_471, %parallel_loop3A_451 : vector<16xf32>
        %parallel_loop3A_476 = math.absf %parallel_loop3A_475 : vector<16xf32>
        %parallel_loop3A_477 = arith.addf %parallel_loop3A_440, %parallel_loop3A_476 : vector<16xf32>
        %parallel_loop3A_478 = arith.constant 256 : i32
        %parallel_loop3A_479 = vector.broadcast %parallel_loop3A_478 : i32 to vector<16xi32>
        %parallel_loop3A_480 = arith.addi %parallel_loop3A_436, %parallel_loop3A_479 : vector<16xi32>
        %parallel_loop3A_481 = tpu.vector_load_idx %arg6[%parallel_loop3A_480] : memref<32768xi32, #tpu.memory_space<vmem>>[vector<16xi32>], vector<16xi32>,
        %parallel_loop3A_482 = vector.bitcast %parallel_loop3A_481 : vector<16xi32> to vector<32xbf16>
        %parallel_loop3A_483 = tpu.unpack_subelements %parallel_loop3A_482, 0 {pack_format = #tpu.pack_format<interleaved>} : vector<32xbf16> -> vector<16xf32>
        %parallel_loop3A_484 = tpu.unpack_subelements %parallel_loop3A_482, 1 {pack_format = #tpu.pack_format<interleaved>} : vector<32xbf16> -> vector<16xf32>
        %parallel_loop3A_485 = arith.constant 2 : i32
        %parallel_loop3A_486 = arith.constant 0 : i32
        %parallel_loop3A_487 = arith.constant 0 : i32
        %parallel_loop3A_488 = arith.constant 0 : i32
        %parallel_loop3A_489 = tpu.memref_slice %arg9[%parallel_loop3A_361, %parallel_loop3A_486, %parallel_loop3A_487, %parallel_loop3A_488] : memref<2x32x8x128xf32, #tpu.memory_space<vmem>> -> memref<1x32x8x128xf32, #tpu.memory_space<vmem>>
        %parallel_loop3A_490 = tpu.memref_squeeze %parallel_loop3A_489 : memref<1x32x8x128xf32, #tpu.memory_space<vmem>> -> memref<32x8x128xf32, #tpu.memory_space<vmem>>
        %parallel_loop3A_491 = arith.index_cast %parallel_loop3A_485 : i32 to index
        %parallel_loop3A_492 = arith.index_cast %parallel_loop3A_386 : i32 to index
        %parallel_loop3A_493 = arith.index_cast %parallel_loop3A_404 : i32 to index
        %parallel_loop3A_494 = tpu.vector_load %parallel_loop3A_490[%parallel_loop3A_491, %parallel_loop3A_492, %parallel_loop3A_493] {strides = array<i32>} : memref<32x8x128xf32, #tpu.memory_space<vmem>>, vector<16xf32>,
        %parallel_loop3A_495 = arith.constant 3 : i32
        %parallel_loop3A_496 = arith.constant 0 : i32
        %parallel_loop3A_497 = arith.constant 0 : i32
        %parallel_loop3A_498 = arith.constant 0 : i32
        %parallel_loop3A_499 = tpu.memref_slice %arg9[%parallel_loop3A_361, %parallel_loop3A_496, %parallel_loop3A_497, %parallel_loop3A_498] : memref<2x32x8x128xf32, #tpu.memory_space<vmem>> -> memref<1x32x8x128xf32, #tpu.memory_space<vmem>>
        %parallel_loop3A_500 = tpu.memref_squeeze %parallel_loop3A_499 : memref<1x32x8x128xf32, #tpu.memory_space<vmem>> -> memref<32x8x128xf32, #tpu.memory_space<vmem>>
        %parallel_loop3A_501 = arith.index_cast %parallel_loop3A_495 : i32 to index
        %parallel_loop3A_502 = arith.index_cast %parallel_loop3A_386 : i32 to index
        %parallel_loop3A_503 = arith.index_cast %parallel_loop3A_404 : i32 to index
        %parallel_loop3A_504 = tpu.vector_load %parallel_loop3A_500[%parallel_loop3A_501, %parallel_loop3A_502, %parallel_loop3A_503] {strides = array<i32>} : memref<32x8x128xf32, #tpu.memory_space<vmem>>, vector<16xf32>,
        %parallel_loop3A_505 = arith.subf %parallel_loop3A_494, %parallel_loop3A_483 : vector<16xf32>
        %parallel_loop3A_506 = math.absf %parallel_loop3A_505 : vector<16xf32>
        %parallel_loop3A_507 = arith.addf %parallel_loop3A_442, %parallel_loop3A_506 : vector<16xf32>
        %parallel_loop3A_508 = arith.subf %parallel_loop3A_504, %parallel_loop3A_484 : vector<16xf32>
        %parallel_loop3A_509 = math.absf %parallel_loop3A_508 : vector<16xf32>
        %parallel_loop3A_510 = arith.addf %parallel_loop3A_444, %parallel_loop3A_509 : vector<16xf32>
        %parallel_loop3A_511 = arith.constant 512 : i32
        %parallel_loop3A_512 = vector.broadcast %parallel_loop3A_511 : i32 to vector<16xi32>
        %parallel_loop3A_513 = arith.addi %parallel_loop3A_436, %parallel_loop3A_512 : vector<16xi32>
        %parallel_loop3A_514 = tpu.vector_load_idx %arg6[%parallel_loop3A_513] : memref<32768xi32, #tpu.memory_space<vmem>>[vector<16xi32>], vector<16xi32>,
        %parallel_loop3A_515 = vector.bitcast %parallel_loop3A_514 : vector<16xi32> to vector<32xbf16>
        %parallel_loop3A_516 = tpu.unpack_subelements %parallel_loop3A_515, 0 {pack_format = #tpu.pack_format<interleaved>} : vector<32xbf16> -> vector<16xf32>
        %parallel_loop3A_517 = tpu.unpack_subelements %parallel_loop3A_515, 1 {pack_format = #tpu.pack_format<interleaved>} : vector<32xbf16> -> vector<16xf32>
        %parallel_loop3A_518 = arith.constant 4 : i32
        %parallel_loop3A_519 = arith.constant 0 : i32
        %parallel_loop3A_520 = arith.constant 0 : i32
        %parallel_loop3A_521 = arith.constant 0 : i32
        %parallel_loop3A_522 = tpu.memref_slice %arg9[%parallel_loop3A_361, %parallel_loop3A_519, %parallel_loop3A_520, %parallel_loop3A_521] : memref<2x32x8x128xf32, #tpu.memory_space<vmem>> -> memref<1x32x8x128xf32, #tpu.memory_space<vmem>>
        %parallel_loop3A_523 = tpu.memref_squeeze %parallel_loop3A_522 : memref<1x32x8x128xf32, #tpu.memory_space<vmem>> -> memref<32x8x128xf32, #tpu.memory_space<vmem>>
        %parallel_loop3A_524 = arith.index_cast %parallel_loop3A_518 : i32 to index
        %parallel_loop3A_525 = arith.index_cast %parallel_loop3A_386 : i32 to index
        %parallel_loop3A_526 = arith.index_cast %parallel_loop3A_404 : i32 to index
        %parallel_loop3A_527 = tpu.vector_load %parallel_loop3A_523[%parallel_loop3A_524, %parallel_loop3A_525, %parallel_loop3A_526] {strides = array<i32>} : memref<32x8x128xf32, #tpu.memory_space<vmem>>, vector<16xf32>,
        %parallel_loop3A_528 = arith.constant 5 : i32
        %parallel_loop3A_529 = arith.constant 0 : i32
        %parallel_loop3A_530 = arith.constant 0 : i32
        %parallel_loop3A_531 = arith.constant 0 : i32
        %parallel_loop3A_532 = tpu.memref_slice %arg9[%parallel_loop3A_361, %parallel_loop3A_529, %parallel_loop3A_530, %parallel_loop3A_531] : memref<2x32x8x128xf32, #tpu.memory_space<vmem>> -> memref<1x32x8x128xf32, #tpu.memory_space<vmem>>
        %parallel_loop3A_533 = tpu.memref_squeeze %parallel_loop3A_532 : memref<1x32x8x128xf32, #tpu.memory_space<vmem>> -> memref<32x8x128xf32, #tpu.memory_space<vmem>>
        %parallel_loop3A_534 = arith.index_cast %parallel_loop3A_528 : i32 to index
        %parallel_loop3A_535 = arith.index_cast %parallel_loop3A_386 : i32 to index
        %parallel_loop3A_536 = arith.index_cast %parallel_loop3A_404 : i32 to index
        %parallel_loop3A_537 = tpu.vector_load %parallel_loop3A_533[%parallel_loop3A_534, %parallel_loop3A_535, %parallel_loop3A_536] {strides = array<i32>} : memref<32x8x128xf32, #tpu.memory_space<vmem>>, vector<16xf32>,
        %parallel_loop3A_538 = arith.subf %parallel_loop3A_527, %parallel_loop3A_516 : vector<16xf32>
        %parallel_loop3A_539 = math.absf %parallel_loop3A_538 : vector<16xf32>
        %parallel_loop3A_540 = arith.addf %parallel_loop3A_474, %parallel_loop3A_539 : vector<16xf32>
        %parallel_loop3A_541 = arith.subf %parallel_loop3A_537, %parallel_loop3A_517 : vector<16xf32>
        %parallel_loop3A_542 = math.absf %parallel_loop3A_541 : vector<16xf32>
        %parallel_loop3A_543 = arith.addf %parallel_loop3A_477, %parallel_loop3A_542 : vector<16xf32>
        %parallel_loop3A_544 = arith.constant 768 : i32
        %parallel_loop3A_545 = vector.broadcast %parallel_loop3A_544 : i32 to vector<16xi32>
        %parallel_loop3A_546 = arith.addi %parallel_loop3A_436, %parallel_loop3A_545 : vector<16xi32>
        %parallel_loop3A_547 = tpu.vector_load_idx %arg6[%parallel_loop3A_546] : memref<32768xi32, #tpu.memory_space<vmem>>[vector<16xi32>], vector<16xi32>,
        %parallel_loop3A_548 = vector.bitcast %parallel_loop3A_547 : vector<16xi32> to vector<32xbf16>
        %parallel_loop3A_549 = tpu.unpack_subelements %parallel_loop3A_548, 0 {pack_format = #tpu.pack_format<interleaved>} : vector<32xbf16> -> vector<16xf32>
        %parallel_loop3A_550 = tpu.unpack_subelements %parallel_loop3A_548, 1 {pack_format = #tpu.pack_format<interleaved>} : vector<32xbf16> -> vector<16xf32>
        %parallel_loop3A_551 = arith.constant 6 : i32
        %parallel_loop3A_552 = arith.constant 0 : i32
        %parallel_loop3A_553 = arith.constant 0 : i32
        %parallel_loop3A_554 = arith.constant 0 : i32
        %parallel_loop3A_555 = tpu.memref_slice %arg9[%parallel_loop3A_361, %parallel_loop3A_552, %parallel_loop3A_553, %parallel_loop3A_554] : memref<2x32x8x128xf32, #tpu.memory_space<vmem>> -> memref<1x32x8x128xf32, #tpu.memory_space<vmem>>
        %parallel_loop3A_556 = tpu.memref_squeeze %parallel_loop3A_555 : memref<1x32x8x128xf32, #tpu.memory_space<vmem>> -> memref<32x8x128xf32, #tpu.memory_space<vmem>>
        %parallel_loop3A_557 = arith.index_cast %parallel_loop3A_551 : i32 to index
        %parallel_loop3A_558 = arith.index_cast %parallel_loop3A_386 : i32 to index
        %parallel_loop3A_559 = arith.index_cast %parallel_loop3A_404 : i32 to index
        %parallel_loop3A_560 = tpu.vector_load %parallel_loop3A_556[%parallel_loop3A_557, %parallel_loop3A_558, %parallel_loop3A_559] {strides = array<i32>} : memref<32x8x128xf32, #tpu.memory_space<vmem>>, vector<16xf32>,
        %parallel_loop3A_561 = arith.constant 7 : i32
        %parallel_loop3A_562 = arith.constant 0 : i32
        %parallel_loop3A_563 = arith.constant 0 : i32
        %parallel_loop3A_564 = arith.constant 0 : i32
        %parallel_loop3A_565 = tpu.memref_slice %arg9[%parallel_loop3A_361, %parallel_loop3A_562, %parallel_loop3A_563, %parallel_loop3A_564] : memref<2x32x8x128xf32, #tpu.memory_space<vmem>> -> memref<1x32x8x128xf32, #tpu.memory_space<vmem>>
        %parallel_loop3A_566 = tpu.memref_squeeze %parallel_loop3A_565 : memref<1x32x8x128xf32, #tpu.memory_space<vmem>> -> memref<32x8x128xf32, #tpu.memory_space<vmem>>
        %parallel_loop3A_567 = arith.index_cast %parallel_loop3A_561 : i32 to index
        %parallel_loop3A_568 = arith.index_cast %parallel_loop3A_386 : i32 to index
        %parallel_loop3A_569 = arith.index_cast %parallel_loop3A_404 : i32 to index
        %parallel_loop3A_570 = tpu.vector_load %parallel_loop3A_566[%parallel_loop3A_567, %parallel_loop3A_568, %parallel_loop3A_569] {strides = array<i32>} : memref<32x8x128xf32, #tpu.memory_space<vmem>>, vector<16xf32>,
        %parallel_loop3A_571 = arith.subf %parallel_loop3A_560, %parallel_loop3A_549 : vector<16xf32>
        %parallel_loop3A_572 = math.absf %parallel_loop3A_571 : vector<16xf32>
        %parallel_loop3A_573 = arith.addf %parallel_loop3A_507, %parallel_loop3A_572 : vector<16xf32>
        %parallel_loop3A_574 = arith.subf %parallel_loop3A_570, %parallel_loop3A_550 : vector<16xf32>
        %parallel_loop3A_575 = math.absf %parallel_loop3A_574 : vector<16xf32>
        %parallel_loop3A_576 = arith.addf %parallel_loop3A_510, %parallel_loop3A_575 : vector<16xf32>
        %parallel_loop3A_577 = arith.constant 1024 : i32
        %parallel_loop3A_578 = vector.broadcast %parallel_loop3A_577 : i32 to vector<16xi32>
        %parallel_loop3A_579 = arith.addi %parallel_loop3A_436, %parallel_loop3A_578 : vector<16xi32>
        %parallel_loop3A_580 = tpu.vector_load_idx %arg6[%parallel_loop3A_579] : memref<32768xi32, #tpu.memory_space<vmem>>[vector<16xi32>], vector<16xi32>,
        %parallel_loop3A_581 = vector.bitcast %parallel_loop3A_580 : vector<16xi32> to vector<32xbf16>
        %parallel_loop3A_582 = tpu.unpack_subelements %parallel_loop3A_581, 0 {pack_format = #tpu.pack_format<interleaved>} : vector<32xbf16> -> vector<16xf32>
        %parallel_loop3A_583 = tpu.unpack_subelements %parallel_loop3A_581, 1 {pack_format = #tpu.pack_format<interleaved>} : vector<32xbf16> -> vector<16xf32>
        %parallel_loop3A_584 = arith.constant 8 : i32
        %parallel_loop3A_585 = arith.constant 0 : i32
        %parallel_loop3A_586 = arith.constant 0 : i32
        %parallel_loop3A_587 = arith.constant 0 : i32
        %parallel_loop3A_588 = tpu.memref_slice %arg9[%parallel_loop3A_361, %parallel_loop3A_585, %parallel_loop3A_586, %parallel_loop3A_587] : memref<2x32x8x128xf32, #tpu.memory_space<vmem>> -> memref<1x32x8x128xf32, #tpu.memory_space<vmem>>
        %parallel_loop3A_589 = tpu.memref_squeeze %parallel_loop3A_588 : memref<1x32x8x128xf32, #tpu.memory_space<vmem>> -> memref<32x8x128xf32, #tpu.memory_space<vmem>>
        %parallel_loop3A_590 = arith.index_cast %parallel_loop3A_584 : i32 to index
        %parallel_loop3A_591 = arith.index_cast %parallel_loop3A_386 : i32 to index
        %parallel_loop3A_592 = arith.index_cast %parallel_loop3A_404 : i32 to index
        %parallel_loop3A_593 = tpu.vector_load %parallel_loop3A_589[%parallel_loop3A_590, %parallel_loop3A_591, %parallel_loop3A_592] {strides = array<i32>} : memref<32x8x128xf32, #tpu.memory_space<vmem>>, vector<16xf32>,
        %parallel_loop3A_594 = arith.constant 9 : i32
        %parallel_loop3A_595 = arith.constant 0 : i32
        %parallel_loop3A_596 = arith.constant 0 : i32
        %parallel_loop3A_597 = arith.constant 0 : i32
        %parallel_loop3A_598 = tpu.memref_slice %arg9[%parallel_loop3A_361, %parallel_loop3A_595, %parallel_loop3A_596, %parallel_loop3A_597] : memref<2x32x8x128xf32, #tpu.memory_space<vmem>> -> memref<1x32x8x128xf32, #tpu.memory_space<vmem>>
        %parallel_loop3A_599 = tpu.memref_squeeze %parallel_loop3A_598 : memref<1x32x8x128xf32, #tpu.memory_space<vmem>> -> memref<32x8x128xf32, #tpu.memory_space<vmem>>
        %parallel_loop3A_600 = arith.index_cast %parallel_loop3A_594 : i32 to index
        %parallel_loop3A_601 = arith.index_cast %parallel_loop3A_386 : i32 to index
        %parallel_loop3A_602 = arith.index_cast %parallel_loop3A_404 : i32 to index
        %parallel_loop3A_603 = tpu.vector_load %parallel_loop3A_599[%parallel_loop3A_600, %parallel_loop3A_601, %parallel_loop3A_602] {strides = array<i32>} : memref<32x8x128xf32, #tpu.memory_space<vmem>>, vector<16xf32>,
        %parallel_loop3A_604 = arith.subf %parallel_loop3A_593, %parallel_loop3A_582 : vector<16xf32>
        %parallel_loop3A_605 = math.absf %parallel_loop3A_604 : vector<16xf32>
        %parallel_loop3A_606 = arith.addf %parallel_loop3A_540, %parallel_loop3A_605 : vector<16xf32>
        %parallel_loop3A_607 = arith.subf %parallel_loop3A_603, %parallel_loop3A_583 : vector<16xf32>
        %parallel_loop3A_608 = math.absf %parallel_loop3A_607 : vector<16xf32>
        %parallel_loop3A_609 = arith.addf %parallel_loop3A_543, %parallel_loop3A_608 : vector<16xf32>
        %parallel_loop3A_610 = arith.constant 1280 : i32
        %parallel_loop3A_611 = vector.broadcast %parallel_loop3A_610 : i32 to vector<16xi32>
        %parallel_loop3A_612 = arith.addi %parallel_loop3A_436, %parallel_loop3A_611 : vector<16xi32>
        %parallel_loop3A_613 = tpu.vector_load_idx %arg6[%parallel_loop3A_612] : memref<32768xi32, #tpu.memory_space<vmem>>[vector<16xi32>], vector<16xi32>,
        %parallel_loop3A_614 = vector.bitcast %parallel_loop3A_613 : vector<16xi32> to vector<32xbf16>
        %parallel_loop3A_615 = tpu.unpack_subelements %parallel_loop3A_614, 0 {pack_format = #tpu.pack_format<interleaved>} : vector<32xbf16> -> vector<16xf32>
        %parallel_loop3A_616 = tpu.unpack_subelements %parallel_loop3A_614, 1 {pack_format = #tpu.pack_format<interleaved>} : vector<32xbf16> -> vector<16xf32>
        %parallel_loop3A_617 = arith.constant 10 : i32
        %parallel_loop3A_618 = arith.constant 0 : i32
        %parallel_loop3A_619 = arith.constant 0 : i32
        %parallel_loop3A_620 = arith.constant 0 : i32
        %parallel_loop3A_621 = tpu.memref_slice %arg9[%parallel_loop3A_361, %parallel_loop3A_618, %parallel_loop3A_619, %parallel_loop3A_620] : memref<2x32x8x128xf32, #tpu.memory_space<vmem>> -> memref<1x32x8x128xf32, #tpu.memory_space<vmem>>
        %parallel_loop3A_622 = tpu.memref_squeeze %parallel_loop3A_621 : memref<1x32x8x128xf32, #tpu.memory_space<vmem>> -> memref<32x8x128xf32, #tpu.memory_space<vmem>>
        %parallel_loop3A_623 = arith.index_cast %parallel_loop3A_617 : i32 to index
        %parallel_loop3A_624 = arith.index_cast %parallel_loop3A_386 : i32 to index
        %parallel_loop3A_625 = arith.index_cast %parallel_loop3A_404 : i32 to index
        %parallel_loop3A_626 = tpu.vector_load %parallel_loop3A_622[%parallel_loop3A_623, %parallel_loop3A_624, %parallel_loop3A_625] {strides = array<i32>} : memref<32x8x128xf32, #tpu.memory_space<vmem>>, vector<16xf32>,
        %parallel_loop3A_627 = arith.constant 11 : i32
        %parallel_loop3A_628 = arith.constant 0 : i32
        %parallel_loop3A_629 = arith.constant 0 : i32
        %parallel_loop3A_630 = arith.constant 0 : i32
        %parallel_loop3A_631 = tpu.memref_slice %arg9[%parallel_loop3A_361, %parallel_loop3A_628, %parallel_loop3A_629, %parallel_loop3A_630] : memref<2x32x8x128xf32, #tpu.memory_space<vmem>> -> memref<1x32x8x128xf32, #tpu.memory_space<vmem>>
        %parallel_loop3A_632 = tpu.memref_squeeze %parallel_loop3A_631 : memref<1x32x8x128xf32, #tpu.memory_space<vmem>> -> memref<32x8x128xf32, #tpu.memory_space<vmem>>
        %parallel_loop3A_633 = arith.index_cast %parallel_loop3A_627 : i32 to index
        %parallel_loop3A_634 = arith.index_cast %parallel_loop3A_386 : i32 to index
        %parallel_loop3A_635 = arith.index_cast %parallel_loop3A_404 : i32 to index
        %parallel_loop3A_636 = tpu.vector_load %parallel_loop3A_632[%parallel_loop3A_633, %parallel_loop3A_634, %parallel_loop3A_635] {strides = array<i32>} : memref<32x8x128xf32, #tpu.memory_space<vmem>>, vector<16xf32>,
        %parallel_loop3A_637 = arith.subf %parallel_loop3A_626, %parallel_loop3A_615 : vector<16xf32>
        %parallel_loop3A_638 = math.absf %parallel_loop3A_637 : vector<16xf32>
        %parallel_loop3A_639 = arith.addf %parallel_loop3A_573, %parallel_loop3A_638 : vector<16xf32>
        %parallel_loop3A_640 = arith.subf %parallel_loop3A_636, %parallel_loop3A_616 : vector<16xf32>
        %parallel_loop3A_641 = math.absf %parallel_loop3A_640 : vector<16xf32>
        %parallel_loop3A_642 = arith.addf %parallel_loop3A_576, %parallel_loop3A_641 : vector<16xf32>
        %parallel_loop3A_643 = arith.constant 1536 : i32
        %parallel_loop3A_644 = vector.broadcast %parallel_loop3A_643 : i32 to vector<16xi32>
        %parallel_loop3A_645 = arith.addi %parallel_loop3A_436, %parallel_loop3A_644 : vector<16xi32>
        %parallel_loop3A_646 = tpu.vector_load_idx %arg6[%parallel_loop3A_645] : memref<32768xi32, #tpu.memory_space<vmem>>[vector<16xi32>], vector<16xi32>,
        %parallel_loop3A_647 = vector.bitcast %parallel_loop3A_646 : vector<16xi32> to vector<32xbf16>
        %parallel_loop3A_648 = tpu.unpack_subelements %parallel_loop3A_647, 0 {pack_format = #tpu.pack_format<interleaved>} : vector<32xbf16> -> vector<16xf32>
        %parallel_loop3A_649 = tpu.unpack_subelements %parallel_loop3A_647, 1 {pack_format = #tpu.pack_format<interleaved>} : vector<32xbf16> -> vector<16xf32>
        %parallel_loop3A_650 = arith.constant 12 : i32
        %parallel_loop3A_651 = arith.constant 0 : i32
        %parallel_loop3A_652 = arith.constant 0 : i32
        %parallel_loop3A_653 = arith.constant 0 : i32
        %parallel_loop3A_654 = tpu.memref_slice %arg9[%parallel_loop3A_361, %parallel_loop3A_651, %parallel_loop3A_652, %parallel_loop3A_653] : memref<2x32x8x128xf32, #tpu.memory_space<vmem>> -> memref<1x32x8x128xf32, #tpu.memory_space<vmem>>
        %parallel_loop3A_655 = tpu.memref_squeeze %parallel_loop3A_654 : memref<1x32x8x128xf32, #tpu.memory_space<vmem>> -> memref<32x8x128xf32, #tpu.memory_space<vmem>>
        %parallel_loop3A_656 = arith.index_cast %parallel_loop3A_650 : i32 to index
        %parallel_loop3A_657 = arith.index_cast %parallel_loop3A_386 : i32 to index
        %parallel_loop3A_658 = arith.index_cast %parallel_loop3A_404 : i32 to index
        %parallel_loop3A_659 = tpu.vector_load %parallel_loop3A_655[%parallel_loop3A_656, %parallel_loop3A_657, %parallel_loop3A_658] {strides = array<i32>} : memref<32x8x128xf32, #tpu.memory_space<vmem>>, vector<16xf32>,
        %parallel_loop3A_660 = arith.constant 13 : i32
        %parallel_loop3A_661 = arith.constant 0 : i32
        %parallel_loop3A_662 = arith.constant 0 : i32
        %parallel_loop3A_663 = arith.constant 0 : i32
        %parallel_loop3A_664 = tpu.memref_slice %arg9[%parallel_loop3A_361, %parallel_loop3A_661, %parallel_loop3A_662, %parallel_loop3A_663] : memref<2x32x8x128xf32, #tpu.memory_space<vmem>> -> memref<1x32x8x128xf32, #tpu.memory_space<vmem>>
        %parallel_loop3A_665 = tpu.memref_squeeze %parallel_loop3A_664 : memref<1x32x8x128xf32, #tpu.memory_space<vmem>> -> memref<32x8x128xf32, #tpu.memory_space<vmem>>
        %parallel_loop3A_666 = arith.index_cast %parallel_loop3A_660 : i32 to index
        %parallel_loop3A_667 = arith.index_cast %parallel_loop3A_386 : i32 to index
        %parallel_loop3A_668 = arith.index_cast %parallel_loop3A_404 : i32 to index
        %parallel_loop3A_669 = tpu.vector_load %parallel_loop3A_665[%parallel_loop3A_666, %parallel_loop3A_667, %parallel_loop3A_668] {strides = array<i32>} : memref<32x8x128xf32, #tpu.memory_space<vmem>>, vector<16xf32>,
        %parallel_loop3A_670 = arith.subf %parallel_loop3A_659, %parallel_loop3A_648 : vector<16xf32>
        %parallel_loop3A_671 = math.absf %parallel_loop3A_670 : vector<16xf32>
        %parallel_loop3A_672 = arith.addf %parallel_loop3A_606, %parallel_loop3A_671 : vector<16xf32>
        %parallel_loop3A_673 = arith.subf %parallel_loop3A_669, %parallel_loop3A_649 : vector<16xf32>
        %parallel_loop3A_674 = math.absf %parallel_loop3A_673 : vector<16xf32>
        %parallel_loop3A_675 = arith.addf %parallel_loop3A_609, %parallel_loop3A_674 : vector<16xf32>
        %parallel_loop3A_676 = arith.constant 1792 : i32
        %parallel_loop3A_677 = vector.broadcast %parallel_loop3A_676 : i32 to vector<16xi32>
        %parallel_loop3A_678 = arith.addi %parallel_loop3A_436, %parallel_loop3A_677 : vector<16xi32>
        %parallel_loop3A_679 = tpu.vector_load_idx %arg6[%parallel_loop3A_678] : memref<32768xi32, #tpu.memory_space<vmem>>[vector<16xi32>], vector<16xi32>,
        %parallel_loop3A_680 = vector.bitcast %parallel_loop3A_679 : vector<16xi32> to vector<32xbf16>
        %parallel_loop3A_681 = tpu.unpack_subelements %parallel_loop3A_680, 0 {pack_format = #tpu.pack_format<interleaved>} : vector<32xbf16> -> vector<16xf32>
        %parallel_loop3A_682 = tpu.unpack_subelements %parallel_loop3A_680, 1 {pack_format = #tpu.pack_format<interleaved>} : vector<32xbf16> -> vector<16xf32>
        %parallel_loop3A_683 = arith.constant 14 : i32
        %parallel_loop3A_684 = arith.constant 0 : i32
        %parallel_loop3A_685 = arith.constant 0 : i32
        %parallel_loop3A_686 = arith.constant 0 : i32
        %parallel_loop3A_687 = tpu.memref_slice %arg9[%parallel_loop3A_361, %parallel_loop3A_684, %parallel_loop3A_685, %parallel_loop3A_686] : memref<2x32x8x128xf32, #tpu.memory_space<vmem>> -> memref<1x32x8x128xf32, #tpu.memory_space<vmem>>
        %parallel_loop3A_688 = tpu.memref_squeeze %parallel_loop3A_687 : memref<1x32x8x128xf32, #tpu.memory_space<vmem>> -> memref<32x8x128xf32, #tpu.memory_space<vmem>>
        %parallel_loop3A_689 = arith.index_cast %parallel_loop3A_683 : i32 to index
        %parallel_loop3A_690 = arith.index_cast %parallel_loop3A_386 : i32 to index
        %parallel_loop3A_691 = arith.index_cast %parallel_loop3A_404 : i32 to index
        %parallel_loop3A_692 = tpu.vector_load %parallel_loop3A_688[%parallel_loop3A_689, %parallel_loop3A_690, %parallel_loop3A_691] {strides = array<i32>} : memref<32x8x128xf32, #tpu.memory_space<vmem>>, vector<16xf32>,
        %parallel_loop3A_693 = arith.constant 15 : i32
        %parallel_loop3A_694 = arith.constant 0 : i32
        %parallel_loop3A_695 = arith.constant 0 : i32
        %parallel_loop3A_696 = arith.constant 0 : i32
        %parallel_loop3A_697 = tpu.memref_slice %arg9[%parallel_loop3A_361, %parallel_loop3A_694, %parallel_loop3A_695, %parallel_loop3A_696] : memref<2x32x8x128xf32, #tpu.memory_space<vmem>> -> memref<1x32x8x128xf32, #tpu.memory_space<vmem>>
        %parallel_loop3A_698 = tpu.memref_squeeze %parallel_loop3A_697 : memref<1x32x8x128xf32, #tpu.memory_space<vmem>> -> memref<32x8x128xf32, #tpu.memory_space<vmem>>
        %parallel_loop3A_699 = arith.index_cast %parallel_loop3A_693 : i32 to index
        %parallel_loop3A_700 = arith.index_cast %parallel_loop3A_386 : i32 to index
        %parallel_loop3A_701 = arith.index_cast %parallel_loop3A_404 : i32 to index
        %parallel_loop3A_702 = tpu.vector_load %parallel_loop3A_698[%parallel_loop3A_699, %parallel_loop3A_700, %parallel_loop3A_701] {strides = array<i32>} : memref<32x8x128xf32, #tpu.memory_space<vmem>>, vector<16xf32>,
        %parallel_loop3A_703 = arith.subf %parallel_loop3A_692, %parallel_loop3A_681 : vector<16xf32>
        %parallel_loop3A_704 = math.absf %parallel_loop3A_703 : vector<16xf32>
        %parallel_loop3A_705 = arith.addf %parallel_loop3A_639, %parallel_loop3A_704 : vector<16xf32>
        %parallel_loop3A_706 = arith.subf %parallel_loop3A_702, %parallel_loop3A_682 : vector<16xf32>
        %parallel_loop3A_707 = math.absf %parallel_loop3A_706 : vector<16xf32>
        %parallel_loop3A_708 = arith.addf %parallel_loop3A_642, %parallel_loop3A_707 : vector<16xf32>
        %parallel_loop3A_709 = arith.constant 2048 : i32
        %parallel_loop3A_710 = vector.broadcast %parallel_loop3A_709 : i32 to vector<16xi32>
        %parallel_loop3A_711 = arith.addi %parallel_loop3A_436, %parallel_loop3A_710 : vector<16xi32>
        %parallel_loop3A_712 = tpu.vector_load_idx %arg6[%parallel_loop3A_711] : memref<32768xi32, #tpu.memory_space<vmem>>[vector<16xi32>], vector<16xi32>,
        %parallel_loop3A_713 = vector.bitcast %parallel_loop3A_712 : vector<16xi32> to vector<32xbf16>
        %parallel_loop3A_714 = tpu.unpack_subelements %parallel_loop3A_713, 0 {pack_format = #tpu.pack_format<interleaved>} : vector<32xbf16> -> vector<16xf32>
        %parallel_loop3A_715 = tpu.unpack_subelements %parallel_loop3A_713, 1 {pack_format = #tpu.pack_format<interleaved>} : vector<32xbf16> -> vector<16xf32>
        %parallel_loop3A_716 = arith.constant 16 : i32
        %parallel_loop3A_717 = arith.constant 0 : i32
        %parallel_loop3A_718 = arith.constant 0 : i32
        %parallel_loop3A_719 = arith.constant 0 : i32
        %parallel_loop3A_720 = tpu.memref_slice %arg9[%parallel_loop3A_361, %parallel_loop3A_717, %parallel_loop3A_718, %parallel_loop3A_719] : memref<2x32x8x128xf32, #tpu.memory_space<vmem>> -> memref<1x32x8x128xf32, #tpu.memory_space<vmem>>
        %parallel_loop3A_721 = tpu.memref_squeeze %parallel_loop3A_720 : memref<1x32x8x128xf32, #tpu.memory_space<vmem>> -> memref<32x8x128xf32, #tpu.memory_space<vmem>>
        %parallel_loop3A_722 = arith.index_cast %parallel_loop3A_716 : i32 to index
        %parallel_loop3A_723 = arith.index_cast %parallel_loop3A_386 : i32 to index
        %parallel_loop3A_724 = arith.index_cast %parallel_loop3A_404 : i32 to index
        %parallel_loop3A_725 = tpu.vector_load %parallel_loop3A_721[%parallel_loop3A_722, %parallel_loop3A_723, %parallel_loop3A_724] {strides = array<i32>} : memref<32x8x128xf32, #tpu.memory_space<vmem>>, vector<16xf32>,
        %parallel_loop3A_726 = arith.constant 17 : i32
        %parallel_loop3A_727 = arith.constant 0 : i32
        %parallel_loop3A_728 = arith.constant 0 : i32
        %parallel_loop3A_729 = arith.constant 0 : i32
        %parallel_loop3A_730 = tpu.memref_slice %arg9[%parallel_loop3A_361, %parallel_loop3A_727, %parallel_loop3A_728, %parallel_loop3A_729] : memref<2x32x8x128xf32, #tpu.memory_space<vmem>> -> memref<1x32x8x128xf32, #tpu.memory_space<vmem>>
        %parallel_loop3A_731 = tpu.memref_squeeze %parallel_loop3A_730 : memref<1x32x8x128xf32, #tpu.memory_space<vmem>> -> memref<32x8x128xf32, #tpu.memory_space<vmem>>
        %parallel_loop3A_732 = arith.index_cast %parallel_loop3A_726 : i32 to index
        %parallel_loop3A_733 = arith.index_cast %parallel_loop3A_386 : i32 to index
        %parallel_loop3A_734 = arith.index_cast %parallel_loop3A_404 : i32 to index
        %parallel_loop3A_735 = tpu.vector_load %parallel_loop3A_731[%parallel_loop3A_732, %parallel_loop3A_733, %parallel_loop3A_734] {strides = array<i32>} : memref<32x8x128xf32, #tpu.memory_space<vmem>>, vector<16xf32>,
        %parallel_loop3A_736 = arith.subf %parallel_loop3A_725, %parallel_loop3A_714 : vector<16xf32>
        %parallel_loop3A_737 = math.absf %parallel_loop3A_736 : vector<16xf32>
        %parallel_loop3A_738 = arith.addf %parallel_loop3A_672, %parallel_loop3A_737 : vector<16xf32>
        %parallel_loop3A_739 = arith.subf %parallel_loop3A_735, %parallel_loop3A_715 : vector<16xf32>
        %parallel_loop3A_740 = math.absf %parallel_loop3A_739 : vector<16xf32>
        %parallel_loop3A_741 = arith.addf %parallel_loop3A_675, %parallel_loop3A_740 : vector<16xf32>
        %parallel_loop3A_742 = arith.constant 2304 : i32
        %parallel_loop3A_743 = vector.broadcast %parallel_loop3A_742 : i32 to vector<16xi32>
        %parallel_loop3A_744 = arith.addi %parallel_loop3A_436, %parallel_loop3A_743 : vector<16xi32>
        %parallel_loop3A_745 = tpu.vector_load_idx %arg6[%parallel_loop3A_744] : memref<32768xi32, #tpu.memory_space<vmem>>[vector<16xi32>], vector<16xi32>,
        %parallel_loop3A_746 = vector.bitcast %parallel_loop3A_745 : vector<16xi32> to vector<32xbf16>
        %parallel_loop3A_747 = tpu.unpack_subelements %parallel_loop3A_746, 0 {pack_format = #tpu.pack_format<interleaved>} : vector<32xbf16> -> vector<16xf32>
        %parallel_loop3A_748 = tpu.unpack_subelements %parallel_loop3A_746, 1 {pack_format = #tpu.pack_format<interleaved>} : vector<32xbf16> -> vector<16xf32>
        %parallel_loop3A_749 = arith.constant 18 : i32
        %parallel_loop3A_750 = arith.constant 0 : i32
        %parallel_loop3A_751 = arith.constant 0 : i32
        %parallel_loop3A_752 = arith.constant 0 : i32
        %parallel_loop3A_753 = tpu.memref_slice %arg9[%parallel_loop3A_361, %parallel_loop3A_750, %parallel_loop3A_751, %parallel_loop3A_752] : memref<2x32x8x128xf32, #tpu.memory_space<vmem>> -> memref<1x32x8x128xf32, #tpu.memory_space<vmem>>
        %parallel_loop3A_754 = tpu.memref_squeeze %parallel_loop3A_753 : memref<1x32x8x128xf32, #tpu.memory_space<vmem>> -> memref<32x8x128xf32, #tpu.memory_space<vmem>>
        %parallel_loop3A_755 = arith.index_cast %parallel_loop3A_749 : i32 to index
        %parallel_loop3A_756 = arith.index_cast %parallel_loop3A_386 : i32 to index
        %parallel_loop3A_757 = arith.index_cast %parallel_loop3A_404 : i32 to index
        %parallel_loop3A_758 = tpu.vector_load %parallel_loop3A_754[%parallel_loop3A_755, %parallel_loop3A_756, %parallel_loop3A_757] {strides = array<i32>} : memref<32x8x128xf32, #tpu.memory_space<vmem>>, vector<16xf32>,
        %parallel_loop3A_759 = arith.constant 19 : i32
        %parallel_loop3A_760 = arith.constant 0 : i32
        %parallel_loop3A_761 = arith.constant 0 : i32
        %parallel_loop3A_762 = arith.constant 0 : i32
        %parallel_loop3A_763 = tpu.memref_slice %arg9[%parallel_loop3A_361, %parallel_loop3A_760, %parallel_loop3A_761, %parallel_loop3A_762] : memref<2x32x8x128xf32, #tpu.memory_space<vmem>> -> memref<1x32x8x128xf32, #tpu.memory_space<vmem>>
        %parallel_loop3A_764 = tpu.memref_squeeze %parallel_loop3A_763 : memref<1x32x8x128xf32, #tpu.memory_space<vmem>> -> memref<32x8x128xf32, #tpu.memory_space<vmem>>
        %parallel_loop3A_765 = arith.index_cast %parallel_loop3A_759 : i32 to index
        %parallel_loop3A_766 = arith.index_cast %parallel_loop3A_386 : i32 to index
        %parallel_loop3A_767 = arith.index_cast %parallel_loop3A_404 : i32 to index
        %parallel_loop3A_768 = tpu.vector_load %parallel_loop3A_764[%parallel_loop3A_765, %parallel_loop3A_766, %parallel_loop3A_767] {strides = array<i32>} : memref<32x8x128xf32, #tpu.memory_space<vmem>>, vector<16xf32>,
        %parallel_loop3A_769 = arith.subf %parallel_loop3A_758, %parallel_loop3A_747 : vector<16xf32>
        %parallel_loop3A_770 = math.absf %parallel_loop3A_769 : vector<16xf32>
        %parallel_loop3A_771 = arith.addf %parallel_loop3A_705, %parallel_loop3A_770 : vector<16xf32>
        %parallel_loop3A_772 = arith.subf %parallel_loop3A_768, %parallel_loop3A_748 : vector<16xf32>
        %parallel_loop3A_773 = math.absf %parallel_loop3A_772 : vector<16xf32>
        %parallel_loop3A_774 = arith.addf %parallel_loop3A_708, %parallel_loop3A_773 : vector<16xf32>
        %parallel_loop3A_775 = arith.constant 2560 : i32
        %parallel_loop3A_776 = vector.broadcast %parallel_loop3A_775 : i32 to vector<16xi32>
        %parallel_loop3A_777 = arith.addi %parallel_loop3A_436, %parallel_loop3A_776 : vector<16xi32>
        %parallel_loop3A_778 = tpu.vector_load_idx %arg6[%parallel_loop3A_777] : memref<32768xi32, #tpu.memory_space<vmem>>[vector<16xi32>], vector<16xi32>,
        %parallel_loop3A_779 = vector.bitcast %parallel_loop3A_778 : vector<16xi32> to vector<32xbf16>
        %parallel_loop3A_780 = tpu.unpack_subelements %parallel_loop3A_779, 0 {pack_format = #tpu.pack_format<interleaved>} : vector<32xbf16> -> vector<16xf32>
        %parallel_loop3A_781 = tpu.unpack_subelements %parallel_loop3A_779, 1 {pack_format = #tpu.pack_format<interleaved>} : vector<32xbf16> -> vector<16xf32>
        %parallel_loop3A_782 = arith.constant 20 : i32
        %parallel_loop3A_783 = arith.constant 0 : i32
        %parallel_loop3A_784 = arith.constant 0 : i32
        %parallel_loop3A_785 = arith.constant 0 : i32
        %parallel_loop3A_786 = tpu.memref_slice %arg9[%parallel_loop3A_361, %parallel_loop3A_783, %parallel_loop3A_784, %parallel_loop3A_785] : memref<2x32x8x128xf32, #tpu.memory_space<vmem>> -> memref<1x32x8x128xf32, #tpu.memory_space<vmem>>
        %parallel_loop3A_787 = tpu.memref_squeeze %parallel_loop3A_786 : memref<1x32x8x128xf32, #tpu.memory_space<vmem>> -> memref<32x8x128xf32, #tpu.memory_space<vmem>>
        %parallel_loop3A_788 = arith.index_cast %parallel_loop3A_782 : i32 to index
        %parallel_loop3A_789 = arith.index_cast %parallel_loop3A_386 : i32 to index
        %parallel_loop3A_790 = arith.index_cast %parallel_loop3A_404 : i32 to index
        %parallel_loop3A_791 = tpu.vector_load %parallel_loop3A_787[%parallel_loop3A_788, %parallel_loop3A_789, %parallel_loop3A_790] {strides = array<i32>} : memref<32x8x128xf32, #tpu.memory_space<vmem>>, vector<16xf32>,
        %parallel_loop3A_792 = arith.constant 21 : i32
        %parallel_loop3A_793 = arith.constant 0 : i32
        %parallel_loop3A_794 = arith.constant 0 : i32
        %parallel_loop3A_795 = arith.constant 0 : i32
        %parallel_loop3A_796 = tpu.memref_slice %arg9[%parallel_loop3A_361, %parallel_loop3A_793, %parallel_loop3A_794, %parallel_loop3A_795] : memref<2x32x8x128xf32, #tpu.memory_space<vmem>> -> memref<1x32x8x128xf32, #tpu.memory_space<vmem>>
        %parallel_loop3A_797 = tpu.memref_squeeze %parallel_loop3A_796 : memref<1x32x8x128xf32, #tpu.memory_space<vmem>> -> memref<32x8x128xf32, #tpu.memory_space<vmem>>
        %parallel_loop3A_798 = arith.index_cast %parallel_loop3A_792 : i32 to index
        %parallel_loop3A_799 = arith.index_cast %parallel_loop3A_386 : i32 to index
        %parallel_loop3A_800 = arith.index_cast %parallel_loop3A_404 : i32 to index
        %parallel_loop3A_801 = tpu.vector_load %parallel_loop3A_797[%parallel_loop3A_798, %parallel_loop3A_799, %parallel_loop3A_800] {strides = array<i32>} : memref<32x8x128xf32, #tpu.memory_space<vmem>>, vector<16xf32>,
        %parallel_loop3A_802 = arith.subf %parallel_loop3A_791, %parallel_loop3A_780 : vector<16xf32>
        %parallel_loop3A_803 = math.absf %parallel_loop3A_802 : vector<16xf32>
        %parallel_loop3A_804 = arith.addf %parallel_loop3A_738, %parallel_loop3A_803 : vector<16xf32>
        %parallel_loop3A_805 = arith.subf %parallel_loop3A_801, %parallel_loop3A_781 : vector<16xf32>
        %parallel_loop3A_806 = math.absf %parallel_loop3A_805 : vector<16xf32>
        %parallel_loop3A_807 = arith.addf %parallel_loop3A_741, %parallel_loop3A_806 : vector<16xf32>
        %parallel_loop3A_808 = arith.constant 2816 : i32
        %parallel_loop3A_809 = vector.broadcast %parallel_loop3A_808 : i32 to vector<16xi32>
        %parallel_loop3A_810 = arith.addi %parallel_loop3A_436, %parallel_loop3A_809 : vector<16xi32>
        %parallel_loop3A_811 = tpu.vector_load_idx %arg6[%parallel_loop3A_810] : memref<32768xi32, #tpu.memory_space<vmem>>[vector<16xi32>], vector<16xi32>,
        %parallel_loop3A_812 = vector.bitcast %parallel_loop3A_811 : vector<16xi32> to vector<32xbf16>
        %parallel_loop3A_813 = tpu.unpack_subelements %parallel_loop3A_812, 0 {pack_format = #tpu.pack_format<interleaved>} : vector<32xbf16> -> vector<16xf32>
        %parallel_loop3A_814 = tpu.unpack_subelements %parallel_loop3A_812, 1 {pack_format = #tpu.pack_format<interleaved>} : vector<32xbf16> -> vector<16xf32>
        %parallel_loop3A_815 = arith.constant 22 : i32
        %parallel_loop3A_816 = arith.constant 0 : i32
        %parallel_loop3A_817 = arith.constant 0 : i32
        %parallel_loop3A_818 = arith.constant 0 : i32
        %parallel_loop3A_819 = tpu.memref_slice %arg9[%parallel_loop3A_361, %parallel_loop3A_816, %parallel_loop3A_817, %parallel_loop3A_818] : memref<2x32x8x128xf32, #tpu.memory_space<vmem>> -> memref<1x32x8x128xf32, #tpu.memory_space<vmem>>
        %parallel_loop3A_820 = tpu.memref_squeeze %parallel_loop3A_819 : memref<1x32x8x128xf32, #tpu.memory_space<vmem>> -> memref<32x8x128xf32, #tpu.memory_space<vmem>>
        %parallel_loop3A_821 = arith.index_cast %parallel_loop3A_815 : i32 to index
        %parallel_loop3A_822 = arith.index_cast %parallel_loop3A_386 : i32 to index
        %parallel_loop3A_823 = arith.index_cast %parallel_loop3A_404 : i32 to index
        %parallel_loop3A_824 = tpu.vector_load %parallel_loop3A_820[%parallel_loop3A_821, %parallel_loop3A_822, %parallel_loop3A_823] {strides = array<i32>} : memref<32x8x128xf32, #tpu.memory_space<vmem>>, vector<16xf32>,
        %parallel_loop3A_825 = arith.constant 23 : i32
        %parallel_loop3A_826 = arith.constant 0 : i32
        %parallel_loop3A_827 = arith.constant 0 : i32
        %parallel_loop3A_828 = arith.constant 0 : i32
        %parallel_loop3A_829 = tpu.memref_slice %arg9[%parallel_loop3A_361, %parallel_loop3A_826, %parallel_loop3A_827, %parallel_loop3A_828] : memref<2x32x8x128xf32, #tpu.memory_space<vmem>> -> memref<1x32x8x128xf32, #tpu.memory_space<vmem>>
        %parallel_loop3A_830 = tpu.memref_squeeze %parallel_loop3A_829 : memref<1x32x8x128xf32, #tpu.memory_space<vmem>> -> memref<32x8x128xf32, #tpu.memory_space<vmem>>
        %parallel_loop3A_831 = arith.index_cast %parallel_loop3A_825 : i32 to index
        %parallel_loop3A_832 = arith.index_cast %parallel_loop3A_386 : i32 to index
        %parallel_loop3A_833 = arith.index_cast %parallel_loop3A_404 : i32 to index
        %parallel_loop3A_834 = tpu.vector_load %parallel_loop3A_830[%parallel_loop3A_831, %parallel_loop3A_832, %parallel_loop3A_833] {strides = array<i32>} : memref<32x8x128xf32, #tpu.memory_space<vmem>>, vector<16xf32>,
        %parallel_loop3A_835 = arith.subf %parallel_loop3A_824, %parallel_loop3A_813 : vector<16xf32>
        %parallel_loop3A_836 = math.absf %parallel_loop3A_835 : vector<16xf32>
        %parallel_loop3A_837 = arith.addf %parallel_loop3A_771, %parallel_loop3A_836 : vector<16xf32>
        %parallel_loop3A_838 = arith.subf %parallel_loop3A_834, %parallel_loop3A_814 : vector<16xf32>
        %parallel_loop3A_839 = math.absf %parallel_loop3A_838 : vector<16xf32>
        %parallel_loop3A_840 = arith.addf %parallel_loop3A_774, %parallel_loop3A_839 : vector<16xf32>
        %parallel_loop3A_841 = arith.constant 3072 : i32
        %parallel_loop3A_842 = vector.broadcast %parallel_loop3A_841 : i32 to vector<16xi32>
        %parallel_loop3A_843 = arith.addi %parallel_loop3A_436, %parallel_loop3A_842 : vector<16xi32>
        %parallel_loop3A_844 = tpu.vector_load_idx %arg6[%parallel_loop3A_843] : memref<32768xi32, #tpu.memory_space<vmem>>[vector<16xi32>], vector<16xi32>,
        %parallel_loop3A_845 = vector.bitcast %parallel_loop3A_844 : vector<16xi32> to vector<32xbf16>
        %parallel_loop3A_846 = tpu.unpack_subelements %parallel_loop3A_845, 0 {pack_format = #tpu.pack_format<interleaved>} : vector<32xbf16> -> vector<16xf32>
        %parallel_loop3A_847 = tpu.unpack_subelements %parallel_loop3A_845, 1 {pack_format = #tpu.pack_format<interleaved>} : vector<32xbf16> -> vector<16xf32>
        %parallel_loop3A_848 = arith.constant 24 : i32
        %parallel_loop3A_849 = arith.constant 0 : i32
        %parallel_loop3A_850 = arith.constant 0 : i32
        %parallel_loop3A_851 = arith.constant 0 : i32
        %parallel_loop3A_852 = tpu.memref_slice %arg9[%parallel_loop3A_361, %parallel_loop3A_849, %parallel_loop3A_850, %parallel_loop3A_851] : memref<2x32x8x128xf32, #tpu.memory_space<vmem>> -> memref<1x32x8x128xf32, #tpu.memory_space<vmem>>
        %parallel_loop3A_853 = tpu.memref_squeeze %parallel_loop3A_852 : memref<1x32x8x128xf32, #tpu.memory_space<vmem>> -> memref<32x8x128xf32, #tpu.memory_space<vmem>>
        %parallel_loop3A_854 = arith.index_cast %parallel_loop3A_848 : i32 to index
        %parallel_loop3A_855 = arith.index_cast %parallel_loop3A_386 : i32 to index
        %parallel_loop3A_856 = arith.index_cast %parallel_loop3A_404 : i32 to index
        %parallel_loop3A_857 = tpu.vector_load %parallel_loop3A_853[%parallel_loop3A_854, %parallel_loop3A_855, %parallel_loop3A_856] {strides = array<i32>} : memref<32x8x128xf32, #tpu.memory_space<vmem>>, vector<16xf32>,
        %parallel_loop3A_858 = arith.constant 25 : i32
        %parallel_loop3A_859 = arith.constant 0 : i32
        %parallel_loop3A_860 = arith.constant 0 : i32
        %parallel_loop3A_861 = arith.constant 0 : i32
        %parallel_loop3A_862 = tpu.memref_slice %arg9[%parallel_loop3A_361, %parallel_loop3A_859, %parallel_loop3A_860, %parallel_loop3A_861] : memref<2x32x8x128xf32, #tpu.memory_space<vmem>> -> memref<1x32x8x128xf32, #tpu.memory_space<vmem>>
        %parallel_loop3A_863 = tpu.memref_squeeze %parallel_loop3A_862 : memref<1x32x8x128xf32, #tpu.memory_space<vmem>> -> memref<32x8x128xf32, #tpu.memory_space<vmem>>
        %parallel_loop3A_864 = arith.index_cast %parallel_loop3A_858 : i32 to index
        %parallel_loop3A_865 = arith.index_cast %parallel_loop3A_386 : i32 to index
        %parallel_loop3A_866 = arith.index_cast %parallel_loop3A_404 : i32 to index
        %parallel_loop3A_867 = tpu.vector_load %parallel_loop3A_863[%parallel_loop3A_864, %parallel_loop3A_865, %parallel_loop3A_866] {strides = array<i32>} : memref<32x8x128xf32, #tpu.memory_space<vmem>>, vector<16xf32>,
        %parallel_loop3A_868 = arith.subf %parallel_loop3A_857, %parallel_loop3A_846 : vector<16xf32>
        %parallel_loop3A_869 = math.absf %parallel_loop3A_868 : vector<16xf32>
        %parallel_loop3A_870 = arith.addf %parallel_loop3A_804, %parallel_loop3A_869 : vector<16xf32>
        %parallel_loop3A_871 = arith.subf %parallel_loop3A_867, %parallel_loop3A_847 : vector<16xf32>
        %parallel_loop3A_872 = math.absf %parallel_loop3A_871 : vector<16xf32>
        %parallel_loop3A_873 = arith.addf %parallel_loop3A_807, %parallel_loop3A_872 : vector<16xf32>
        %parallel_loop3A_874 = arith.constant 3328 : i32
        %parallel_loop3A_875 = vector.broadcast %parallel_loop3A_874 : i32 to vector<16xi32>
        %parallel_loop3A_876 = arith.addi %parallel_loop3A_436, %parallel_loop3A_875 : vector<16xi32>
        %parallel_loop3A_877 = tpu.vector_load_idx %arg6[%parallel_loop3A_876] : memref<32768xi32, #tpu.memory_space<vmem>>[vector<16xi32>], vector<16xi32>,
        %parallel_loop3A_878 = vector.bitcast %parallel_loop3A_877 : vector<16xi32> to vector<32xbf16>
        %parallel_loop3A_879 = tpu.unpack_subelements %parallel_loop3A_878, 0 {pack_format = #tpu.pack_format<interleaved>} : vector<32xbf16> -> vector<16xf32>
        %parallel_loop3A_880 = tpu.unpack_subelements %parallel_loop3A_878, 1 {pack_format = #tpu.pack_format<interleaved>} : vector<32xbf16> -> vector<16xf32>
        %parallel_loop3A_881 = arith.constant 26 : i32
        %parallel_loop3A_882 = arith.constant 0 : i32
        %parallel_loop3A_883 = arith.constant 0 : i32
        %parallel_loop3A_884 = arith.constant 0 : i32
        %parallel_loop3A_885 = tpu.memref_slice %arg9[%parallel_loop3A_361, %parallel_loop3A_882, %parallel_loop3A_883, %parallel_loop3A_884] : memref<2x32x8x128xf32, #tpu.memory_space<vmem>> -> memref<1x32x8x128xf32, #tpu.memory_space<vmem>>
        %parallel_loop3A_886 = tpu.memref_squeeze %parallel_loop3A_885 : memref<1x32x8x128xf32, #tpu.memory_space<vmem>> -> memref<32x8x128xf32, #tpu.memory_space<vmem>>
        %parallel_loop3A_887 = arith.index_cast %parallel_loop3A_881 : i32 to index
        %parallel_loop3A_888 = arith.index_cast %parallel_loop3A_386 : i32 to index
        %parallel_loop3A_889 = arith.index_cast %parallel_loop3A_404 : i32 to index
        %parallel_loop3A_890 = tpu.vector_load %parallel_loop3A_886[%parallel_loop3A_887, %parallel_loop3A_888, %parallel_loop3A_889] {strides = array<i32>} : memref<32x8x128xf32, #tpu.memory_space<vmem>>, vector<16xf32>,
        %parallel_loop3A_891 = arith.constant 27 : i32
        %parallel_loop3A_892 = arith.constant 0 : i32
        %parallel_loop3A_893 = arith.constant 0 : i32
        %parallel_loop3A_894 = arith.constant 0 : i32
        %parallel_loop3A_895 = tpu.memref_slice %arg9[%parallel_loop3A_361, %parallel_loop3A_892, %parallel_loop3A_893, %parallel_loop3A_894] : memref<2x32x8x128xf32, #tpu.memory_space<vmem>> -> memref<1x32x8x128xf32, #tpu.memory_space<vmem>>
        %parallel_loop3A_896 = tpu.memref_squeeze %parallel_loop3A_895 : memref<1x32x8x128xf32, #tpu.memory_space<vmem>> -> memref<32x8x128xf32, #tpu.memory_space<vmem>>
        %parallel_loop3A_897 = arith.index_cast %parallel_loop3A_891 : i32 to index
        %parallel_loop3A_898 = arith.index_cast %parallel_loop3A_386 : i32 to index
        %parallel_loop3A_899 = arith.index_cast %parallel_loop3A_404 : i32 to index
        %parallel_loop3A_900 = tpu.vector_load %parallel_loop3A_896[%parallel_loop3A_897, %parallel_loop3A_898, %parallel_loop3A_899] {strides = array<i32>} : memref<32x8x128xf32, #tpu.memory_space<vmem>>, vector<16xf32>,
        %parallel_loop3A_901 = arith.subf %parallel_loop3A_890, %parallel_loop3A_879 : vector<16xf32>
        %parallel_loop3A_902 = math.absf %parallel_loop3A_901 : vector<16xf32>
        %parallel_loop3A_903 = arith.addf %parallel_loop3A_837, %parallel_loop3A_902 : vector<16xf32>
        %parallel_loop3A_904 = arith.subf %parallel_loop3A_900, %parallel_loop3A_880 : vector<16xf32>
        %parallel_loop3A_905 = math.absf %parallel_loop3A_904 : vector<16xf32>
        %parallel_loop3A_906 = arith.addf %parallel_loop3A_840, %parallel_loop3A_905 : vector<16xf32>
        %parallel_loop3A_907 = arith.constant 3584 : i32
        %parallel_loop3A_908 = vector.broadcast %parallel_loop3A_907 : i32 to vector<16xi32>
        %parallel_loop3A_909 = arith.addi %parallel_loop3A_436, %parallel_loop3A_908 : vector<16xi32>
        %parallel_loop3A_910 = tpu.vector_load_idx %arg6[%parallel_loop3A_909] : memref<32768xi32, #tpu.memory_space<vmem>>[vector<16xi32>], vector<16xi32>,
        %parallel_loop3A_911 = vector.bitcast %parallel_loop3A_910 : vector<16xi32> to vector<32xbf16>
        %parallel_loop3A_912 = tpu.unpack_subelements %parallel_loop3A_911, 0 {pack_format = #tpu.pack_format<interleaved>} : vector<32xbf16> -> vector<16xf32>
        %parallel_loop3A_913 = tpu.unpack_subelements %parallel_loop3A_911, 1 {pack_format = #tpu.pack_format<interleaved>} : vector<32xbf16> -> vector<16xf32>
        %parallel_loop3A_914 = arith.constant 28 : i32
        %parallel_loop3A_915 = arith.constant 0 : i32
        %parallel_loop3A_916 = arith.constant 0 : i32
        %parallel_loop3A_917 = arith.constant 0 : i32
        %parallel_loop3A_918 = tpu.memref_slice %arg9[%parallel_loop3A_361, %parallel_loop3A_915, %parallel_loop3A_916, %parallel_loop3A_917] : memref<2x32x8x128xf32, #tpu.memory_space<vmem>> -> memref<1x32x8x128xf32, #tpu.memory_space<vmem>>
        %parallel_loop3A_919 = tpu.memref_squeeze %parallel_loop3A_918 : memref<1x32x8x128xf32, #tpu.memory_space<vmem>> -> memref<32x8x128xf32, #tpu.memory_space<vmem>>
        %parallel_loop3A_920 = arith.index_cast %parallel_loop3A_914 : i32 to index
        %parallel_loop3A_921 = arith.index_cast %parallel_loop3A_386 : i32 to index
        %parallel_loop3A_922 = arith.index_cast %parallel_loop3A_404 : i32 to index
        %parallel_loop3A_923 = tpu.vector_load %parallel_loop3A_919[%parallel_loop3A_920, %parallel_loop3A_921, %parallel_loop3A_922] {strides = array<i32>} : memref<32x8x128xf32, #tpu.memory_space<vmem>>, vector<16xf32>,
        %parallel_loop3A_924 = arith.constant 29 : i32
        %parallel_loop3A_925 = arith.constant 0 : i32
        %parallel_loop3A_926 = arith.constant 0 : i32
        %parallel_loop3A_927 = arith.constant 0 : i32
        %parallel_loop3A_928 = tpu.memref_slice %arg9[%parallel_loop3A_361, %parallel_loop3A_925, %parallel_loop3A_926, %parallel_loop3A_927] : memref<2x32x8x128xf32, #tpu.memory_space<vmem>> -> memref<1x32x8x128xf32, #tpu.memory_space<vmem>>
        %parallel_loop3A_929 = tpu.memref_squeeze %parallel_loop3A_928 : memref<1x32x8x128xf32, #tpu.memory_space<vmem>> -> memref<32x8x128xf32, #tpu.memory_space<vmem>>
        %parallel_loop3A_930 = arith.index_cast %parallel_loop3A_924 : i32 to index
        %parallel_loop3A_931 = arith.index_cast %parallel_loop3A_386 : i32 to index
        %parallel_loop3A_932 = arith.index_cast %parallel_loop3A_404 : i32 to index
        %parallel_loop3A_933 = tpu.vector_load %parallel_loop3A_929[%parallel_loop3A_930, %parallel_loop3A_931, %parallel_loop3A_932] {strides = array<i32>} : memref<32x8x128xf32, #tpu.memory_space<vmem>>, vector<16xf32>,
        %parallel_loop3A_934 = arith.subf %parallel_loop3A_923, %parallel_loop3A_912 : vector<16xf32>
        %parallel_loop3A_935 = math.absf %parallel_loop3A_934 : vector<16xf32>
        %parallel_loop3A_936 = arith.addf %parallel_loop3A_870, %parallel_loop3A_935 : vector<16xf32>
        %parallel_loop3A_937 = arith.subf %parallel_loop3A_933, %parallel_loop3A_913 : vector<16xf32>
        %parallel_loop3A_938 = math.absf %parallel_loop3A_937 : vector<16xf32>
        %parallel_loop3A_939 = arith.addf %parallel_loop3A_873, %parallel_loop3A_938 : vector<16xf32>
        %parallel_loop3A_940 = arith.constant 3840 : i32
        %parallel_loop3A_941 = vector.broadcast %parallel_loop3A_940 : i32 to vector<16xi32>
        %parallel_loop3A_942 = arith.addi %parallel_loop3A_436, %parallel_loop3A_941 : vector<16xi32>
        %parallel_loop3A_943 = tpu.vector_load_idx %arg6[%parallel_loop3A_942] : memref<32768xi32, #tpu.memory_space<vmem>>[vector<16xi32>], vector<16xi32>,
        %parallel_loop3A_944 = vector.bitcast %parallel_loop3A_943 : vector<16xi32> to vector<32xbf16>
        %parallel_loop3A_945 = tpu.unpack_subelements %parallel_loop3A_944, 0 {pack_format = #tpu.pack_format<interleaved>} : vector<32xbf16> -> vector<16xf32>
        %parallel_loop3A_946 = tpu.unpack_subelements %parallel_loop3A_944, 1 {pack_format = #tpu.pack_format<interleaved>} : vector<32xbf16> -> vector<16xf32>
        %parallel_loop3A_947 = arith.constant 30 : i32
        %parallel_loop3A_948 = arith.constant 0 : i32
        %parallel_loop3A_949 = arith.constant 0 : i32
        %parallel_loop3A_950 = arith.constant 0 : i32
        %parallel_loop3A_951 = tpu.memref_slice %arg9[%parallel_loop3A_361, %parallel_loop3A_948, %parallel_loop3A_949, %parallel_loop3A_950] : memref<2x32x8x128xf32, #tpu.memory_space<vmem>> -> memref<1x32x8x128xf32, #tpu.memory_space<vmem>>
        %parallel_loop3A_952 = tpu.memref_squeeze %parallel_loop3A_951 : memref<1x32x8x128xf32, #tpu.memory_space<vmem>> -> memref<32x8x128xf32, #tpu.memory_space<vmem>>
        %parallel_loop3A_953 = arith.index_cast %parallel_loop3A_947 : i32 to index
        %parallel_loop3A_954 = arith.index_cast %parallel_loop3A_386 : i32 to index
        %parallel_loop3A_955 = arith.index_cast %parallel_loop3A_404 : i32 to index
        %parallel_loop3A_956 = tpu.vector_load %parallel_loop3A_952[%parallel_loop3A_953, %parallel_loop3A_954, %parallel_loop3A_955] {strides = array<i32>} : memref<32x8x128xf32, #tpu.memory_space<vmem>>, vector<16xf32>,
        %parallel_loop3A_957 = arith.constant 31 : i32
        %parallel_loop3A_958 = arith.constant 0 : i32
        %parallel_loop3A_959 = arith.constant 0 : i32
        %parallel_loop3A_960 = arith.constant 0 : i32
        %parallel_loop3A_961 = tpu.memref_slice %arg9[%parallel_loop3A_361, %parallel_loop3A_958, %parallel_loop3A_959, %parallel_loop3A_960] : memref<2x32x8x128xf32, #tpu.memory_space<vmem>> -> memref<1x32x8x128xf32, #tpu.memory_space<vmem>>
        %parallel_loop3A_962 = tpu.memref_squeeze %parallel_loop3A_961 : memref<1x32x8x128xf32, #tpu.memory_space<vmem>> -> memref<32x8x128xf32, #tpu.memory_space<vmem>>
        %parallel_loop3A_963 = arith.index_cast %parallel_loop3A_957 : i32 to index
        %parallel_loop3A_964 = arith.index_cast %parallel_loop3A_386 : i32 to index
        %parallel_loop3A_965 = arith.index_cast %parallel_loop3A_404 : i32 to index
        %parallel_loop3A_966 = tpu.vector_load %parallel_loop3A_962[%parallel_loop3A_963, %parallel_loop3A_964, %parallel_loop3A_965] {strides = array<i32>} : memref<32x8x128xf32, #tpu.memory_space<vmem>>, vector<16xf32>,
        %parallel_loop3A_967 = arith.subf %parallel_loop3A_956, %parallel_loop3A_945 : vector<16xf32>
        %parallel_loop3A_968 = math.absf %parallel_loop3A_967 : vector<16xf32>
        %parallel_loop3A_969 = arith.addf %parallel_loop3A_903, %parallel_loop3A_968 : vector<16xf32>
        %parallel_loop3A_970 = arith.subf %parallel_loop3A_966, %parallel_loop3A_946 : vector<16xf32>
        %parallel_loop3A_971 = math.absf %parallel_loop3A_970 : vector<16xf32>
        %parallel_loop3A_972 = arith.addf %parallel_loop3A_906, %parallel_loop3A_971 : vector<16xf32>
        %parallel_loop3A_973 = arith.addf %parallel_loop3A_936, %parallel_loop3A_939 : vector<16xf32>
        %parallel_loop3A_974 = arith.addf %parallel_loop3A_969, %parallel_loop3A_972 : vector<16xf32>
        %parallel_loop3A_975 = arith.addf %parallel_loop3A_973, %parallel_loop3A_974 : vector<16xf32>
        %parallel_loop3A_976 = arith.addi %mul3A_357, %parallel_loop3A_386 : i32
        %parallel_loop3A_977 = arith.index_cast %parallel_loop3A_976 : i32 to index
        %parallel_loop3A_978 = arith.index_cast %parallel_loop3A_404 : i32 to index
        %parallel_loop3A_979 = tpu.vector_load %arg8[%parallel_loop3A_977, %parallel_loop3A_978] {strides = array<i32>} : memref<16x128xf32, #tpu.memory_space<vmem>>, vector<16xf32>,
        %parallel_loop3A_980 = arith.addf %parallel_loop3A_979, %parallel_loop3A_975 : vector<16xf32>
        %parallel_loop3A_981 = arith.addi %mul3A_357, %parallel_loop3A_386 : i32
        %parallel_loop3A_982 = arith.index_cast %parallel_loop3A_981 : i32 to index
        %parallel_loop3A_983 = arith.index_cast %parallel_loop3A_404 : i32 to index
        %parallel_loop3A_984 = tpu.vector_load %arg8[%parallel_loop3A_982, %parallel_loop3A_983] {strides = array<i32>} : memref<16x128xf32, #tpu.memory_space<vmem>>, vector<16xf32>,
        tpu.vector_store %arg8[%parallel_loop3A_982, %parallel_loop3A_983], %parallel_loop3A_980 {strides = array<i32>} : memref<16x128xf32, #tpu.memory_space<vmem>>, vector<16xf32>,
      } {sc.loop_unroll_factor = 2 : i64, sc.parallel_access}
    }
    %scan3A_63 = arith.constant 8 : i32
    %broadcast_in_dim3A = arith.constant 0.000000e+00 : f32
    %broadcast_in_dim3A_64 = vector.broadcast %broadcast_in_dim3A : f32 to vector<16xf32>
    %scan3A_65 = arith.constant 0 : i32
    %scan3A_66 = arith.constant 128 : i32
    %scan3A_67 = arith.addi %scan3A_65, %scan3A_66 : i32
    %scan3A_68 = arith.constant 1 : i32
    %scan3A_69:2 = scf.for %scan3A_74 = %scan3A_65 to %scan3A_67 step %scan3A_68 iter_args(%scan3A_75 = %broadcast_in_dim3A_64, %scan3A_76 = %broadcast_in_dim3A_64) -> (vector<16xf32>, vector<16xf32>)  : i32 {
      %jit3A_77 = arith.constant 8 : i32
      %div3A_78 = arith.divsi %scan3A_74, %jit3A_77 : i32
      %sign3A_79 = arith.constant 0 : i32
      %sign3A_80 = arith.cmpi sgt, %scan3A_74, %sign3A_79 : i32
      %sign3A_81 = arith.extui %sign3A_80 : i1 to i32
      %sign3A_82 = arith.constant 0 : i32
      %sign3A_83 = arith.cmpi slt, %scan3A_74, %sign3A_82 : i32
      %sign3A_84 = arith.extui %sign3A_83 : i1 to i32
      %sign3A_85 = arith.subi %sign3A_81, %sign3A_84 : i32
      %sign3A_86 = arith.constant 0 : i32
      %sign3A_87 = arith.cmpi sgt, %jit3A_77, %sign3A_86 : i32
      %sign3A_88 = arith.extui %sign3A_87 : i1 to i32
      %sign3A_89 = arith.constant 0 : i32
      %sign3A_90 = arith.cmpi slt, %jit3A_77, %sign3A_89 : i32
      %sign3A_91 = arith.extui %sign3A_90 : i1 to i32
      %sign3A_92 = arith.subi %sign3A_88, %sign3A_91 : i32
      %ne3A_93 = arith.cmpi ne, %sign3A_85, %sign3A_92 : i32
      %rem3A_94 = arith.remsi %scan3A_74, %jit3A_77 : i32
      %ne3A_95 = arith.constant 0 : i32
      %ne3A_96 = arith.cmpi ne, %rem3A_94, %ne3A_95 : i32
      %and3A_97 = arith.andi %ne3A_93, %ne3A_96 : i1
      %sub3A_98 = arith.constant 1 : i32
      %sub3A_99 = arith.subi %div3A_78, %sub3A_98 : i32
      %select_n3A_100 = arith.select %and3A_97, %sub3A_99, %div3A_78 : i32
      %jit3A_101 = arith.constant 8 : i32
      %eq3A_102 = arith.constant 0 : i32
      %eq3A_103 = arith.cmpi eq, %jit3A_101, %eq3A_102 : i32
      %jit3A_104 = arith.constant 1 : i32
      %select_n3A_105 = arith.select %eq3A_103, %jit3A_104, %jit3A_101 : i32
      %rem3A_106 = arith.remsi %scan3A_74, %select_n3A_105 : i32
      %ne3A_107 = arith.constant 0 : i32
      %ne3A_108 = arith.cmpi ne, %rem3A_106, %ne3A_107 : i32
      %lt3A_109 = arith.constant 0 : i32
      %lt3A_110 = arith.cmpi slt, %rem3A_106, %lt3A_109 : i32
      %lt3A_111 = arith.constant 0 : i32
      %lt3A_112 = arith.cmpi slt, %select_n3A_105, %lt3A_111 : i32
      %ne3A_113 = arith.xori %lt3A_110, %lt3A_112 : i1
      %and3A_114 = arith.andi %ne3A_113, %ne3A_108 : i1
      %add3A_115 = arith.addi %rem3A_106, %select_n3A_105 : i32
      %select_n3A_116 = arith.select %and3A_114, %add3A_115, %rem3A_106 : i32
      %mul3A_117 = arith.constant 16 : i32
      %mul3A_118 = arith.muli %select_n3A_116, %mul3A_117 : i32
      %get3A = arith.index_cast %select_n3A_100 : i32 to index
      %get3A_119 = arith.index_cast %mul3A_118 : i32 to index
      %get3A_120 = tpu.vector_load %arg7[%get3A, %get3A_119] {strides = array<i32>} : memref<16x128xi32, #tpu.memory_space<vmem>>, vector<16xi32>,
      %ne3A_121 = arith.constant 255 : i32
      %ne3A_122 = vector.broadcast %ne3A_121 : i32 to vector<16xi32>
      %ne3A_123 = arith.cmpi ne, %get3A_120, %ne3A_122 : vector<16xi32>
      %get3A_124 = arith.index_cast %select_n3A_100 : i32 to index
      %get3A_125 = arith.index_cast %mul3A_118 : i32 to index
      %get3A_126 = tpu.vector_load %arg8[%get3A_124, %get3A_125] {strides = array<i32>} : memref<16x128xf32, #tpu.memory_space<vmem>>, vector<16xf32>,
      %jit3A_127 = arith.constant 0.000000e+00 : f32
      %broadcast_in_dim3A_128 = vector.broadcast %jit3A_127 : f32 to vector<16xf32>
      %select_n3A_129 = arith.select %ne3A_123, %get3A_126, %broadcast_in_dim3A_128 : vector<16xi1>, vector<16xf32>
      %add3A_130 = arith.addf %scan3A_75, %select_n3A_129 : vector<16xf32>
      %jit3A_131 = arith.constant 1.000000e+00 : f32
      %jit3A_132 = arith.constant 0.000000e+00 : f32
      %broadcast_in_dim3A_133 = vector.broadcast %jit3A_131 : f32 to vector<16xf32>
      %broadcast_in_dim3A_134 = vector.broadcast %jit3A_132 : f32 to vector<16xf32>
      %select_n3A_135 = arith.select %ne3A_123, %broadcast_in_dim3A_133, %broadcast_in_dim3A_134 : vector<16xi1>, vector<16xf32>
      %add3A_136 = arith.addf %scan3A_76, %select_n3A_135 : vector<16xf32>
      scf.yield %add3A_130, %add3A_136 : vector<16xf32>, vector<16xf32>
    }
    %scan3A_70 = arith.constant 128 : i32
    %swap3A = arith.constant 0 : index
    %swap3A_71 = tpu.vector_load %arg10[%swap3A] {strides = array<i32>} : memref<32xf32, #tpu.memory_space<vmem>>, vector<16xf32>,
    tpu.vector_store %arg10[%swap3A], %scan3A_69#0 {strides = array<i32>} : memref<32xf32, #tpu.memory_space<vmem>>, vector<16xf32>,
    %swap3A_72 = arith.constant 16 : index
    %swap3A_73 = tpu.vector_load %arg10[%swap3A_72] {strides = array<i32>} : memref<32xf32, #tpu.memory_space<vmem>>, vector<16xf32>,
    tpu.vector_store %arg10[%swap3A_72], %scan3A_69#1 {strides = array<i32>} : memref<32xf32, #tpu.memory_space<vmem>>, vector<16xf32>,
    "tpu.region"() ({
      %run_scoped3A = tpu.sem_alloc : memref<!tpu.dma_semaphore, #tpu.memory_space<semaphore_mem>>
      %dma_start3A_74 = arith.constant 0 : i32
      %dma_start3A_75 = tpu.memref_slice %arg5[%add3A, %dma_start3A_74] : memref<32x32xf32, #tpu.memory_space<hbm>> -> memref<1x32xf32, #tpu.memory_space<hbm>>
      %dma_start3A_76 = tpu.memref_squeeze %dma_start3A_75 : memref<1x32xf32, #tpu.memory_space<hbm>> -> memref<32xf32, #tpu.memory_space<hbm>>
      %dma_start3A_77 = arith.constant 0 : i32
      %dma_start3A_78 = tpu.memref_slice %arg5[%add3A, %dma_start3A_77] : memref<32x32xf32, #tpu.memory_space<hbm>> -> memref<1x32xf32, #tpu.memory_space<hbm>>
      %dma_start3A_79 = tpu.memref_squeeze %dma_start3A_78 : memref<1x32xf32, #tpu.memory_space<hbm>> -> memref<32xf32, #tpu.memory_space<hbm>>
      tpu.enqueue_dma source(%arg10 : memref<32xf32, #tpu.memory_space<vmem>>) target(%dma_start3A_79 : memref<32xf32, #tpu.memory_space<hbm>>) target_semaphore(%run_scoped3A : memref<!tpu.dma_semaphore, #tpu.memory_space<semaphore_mem>>)
      %dma_wait3A = arith.constant 0 : i32
      %dma_wait3A_80 = tpu.memref_slice %arg5[%add3A, %dma_wait3A] : memref<32x32xf32, #tpu.memory_space<hbm>> -> memref<1x32xf32, #tpu.memory_space<hbm>>
      %dma_wait3A_81 = tpu.memref_squeeze %dma_wait3A_80 : memref<1x32xf32, #tpu.memory_space<hbm>> -> memref<32xf32, #tpu.memory_space<hbm>>
      %dma_wait3A_82 = arith.constant 0 : i32
      %dma_wait3A_83 = tpu.memref_slice %arg5[%add3A, %dma_wait3A_82] : memref<32x32xf32, #tpu.memory_space<hbm>> -> memref<1x32xf32, #tpu.memory_space<hbm>>
      %dma_wait3A_84 = tpu.memref_squeeze %dma_wait3A_83 : memref<1x32xf32, #tpu.memory_space<hbm>> -> memref<32xf32, #tpu.memory_space<hbm>>
      tpu.wait_dma2 semaphore(%run_scoped3A : memref<!tpu.dma_semaphore, #tpu.memory_space<semaphore_mem>>) src(%arg10 : memref<32xf32, #tpu.memory_space<vmem>>) dst(%dma_wait3A_84 : memref<32xf32, #tpu.memory_space<hbm>>)
      tpu.yield
    }) : () -> ()
    return
  }
}

module attributes {stable_mosaic.version = 14 : i64} {
  func.func @_tc_body(%arg0: i32, %arg1: i32, %arg2: memref<1x256x16x128xf32, #tpu.memory_space<vmem>>, %arg3: memref<1x16x128xi32, #tpu.memory_space<vmem>>, %arg4: memref<256x256xbf16, #tpu.memory_space<vmem>>, %arg5: memref<8x128xf32, #tpu.memory_space<vmem>>, %arg6: memref<8x128xf32, #tpu.memory_space<vmem>>) attributes {dimension_semantics = [#tpu.dimension_semantics<arbitrary>, #tpu.dimension_semantics<arbitrary>], iteration_bounds = array<i64: 8, 4>, scalar_prefetch = 0 : i64, scratch_operands = 0 : i64, tpu.core_type = #tpu.core_type<tc>, window_params = [{transform_indices = @transform_0, window_bounds = array<i64: 1, 256, 16, 128>}, {transform_indices = @transform_1, window_bounds = array<i64: 1, 16, 128>}, {pipeline_mode = #tpu.pipeline_mode<synchronous>, transform_indices = @transform_2, window_bounds = array<i64: 256, 256>}, {pipeline_mode = #tpu.pipeline_mode<synchronous>, transform_indices = @transform_3, window_bounds = array<i64: 8, 128>}, {pipeline_mode = #tpu.pipeline_mode<synchronous>, transform_indices = @transform_4, window_bounds = array<i64: 8, 128>}]} {
    %get3A = arith.constant 0 : index
    %get3A_0 = arith.constant 0 : index
    %get3A_1 = arith.constant 0 : index
    %get3A_2 = arith.constant 0 : index
    %get3A_3 = vector.load %arg2[%get3A, %get3A_0, %get3A_1, %get3A_2] : memref<1x256x16x128xf32, #tpu.memory_space<vmem>>, vector<1x256x16x128xf32>
    %get3A_4 = vector.shape_cast %get3A_3 : vector<1x256x16x128xf32> to vector<256x16x128xf32>
    %reshape3A = vector.shape_cast %get3A_4 : vector<256x16x128xf32> to vector<256x2048xf32>
    %get3A_5 = arith.constant 0 : index
    %get3A_6 = arith.constant 0 : index
    %get3A_7 = arith.constant 0 : index
    %get3A_8 = vector.load %arg3[%get3A_5, %get3A_6, %get3A_7] : memref<1x16x128xi32, #tpu.memory_space<vmem>>, vector<1x16x128xi32>
    %get3A_9 = vector.shape_cast %get3A_8 : vector<1x16x128xi32> to vector<16x128xi32>
    %reshape3A_10 = vector.shape_cast %get3A_9 : vector<16x128xi32> to vector<1x2048xi32>
    %iota3A = tpu.iota {dimensions = array<i32: 0>} : vector<256x2048xi32>
    %eq3A = vector.broadcast %reshape3A_10 : vector<1x2048xi32> to vector<256x2048xi32>
    %eq3A_11 = arith.cmpi eq, %iota3A, %eq3A : vector<256x2048xi32>
    %convert_element_type3A = arith.extui %eq3A_11 : vector<256x2048xi1> to vector<256x2048xi32>
    %convert_element_type3A_12 = arith.sitofp %convert_element_type3A : vector<256x2048xi32> to vector<256x2048xf32>
    %convert_element_type3A_13 = arith.truncf %convert_element_type3A_12 : vector<256x2048xf32> to vector<256x2048xbf16>
    %get3A_14 = arith.constant 0 : index
    %get3A_15 = arith.constant 0 : index
    %get3A_16 = vector.load %arg4[%get3A_14, %get3A_15] : memref<256x256xbf16, #tpu.memory_space<vmem>>, vector<256x256xbf16>
    %dot_general3A = arith.constant dense<0.000000e+00> : vector<256x2048xf32>
    %dot_general3A_17 = tpu.matmul %get3A_16, %convert_element_type3A_13, %dot_general3A {dimension_numbers = #tpu.dot_dimension_numbers<[1], [0], [0], [1], [0, 0, 1, 1], [], []>, transpose_lhs_hint = false} : vector<256x256xbf16>, vector<256x2048xbf16>, vector<256x2048xf32> -> vector<256x2048xf32>
    %ne3A = arith.constant 255 : i32
    %ne3A_18 = vector.broadcast %ne3A : i32 to vector<1x2048xi32>
    %ne3A_19 = arith.cmpi ne, %reshape3A_10, %ne3A_18 : vector<1x2048xi32>
    %convert_element_type3A_20 = arith.extui %ne3A_19 : vector<1x2048xi1> to vector<1x2048xi32>
    %convert_element_type3A_21 = arith.sitofp %convert_element_type3A_20 : vector<1x2048xi32> to vector<1x2048xf32>
    %sub3A = arith.subf %reshape3A, %dot_general3A_17 : vector<256x2048xf32>
    %abs3A = math.absf %sub3A : vector<256x2048xf32>
    %mul3A = vector.broadcast %convert_element_type3A_21 : vector<1x2048xf32> to vector<256x2048xf32>
    %mul3A_22 = arith.mulf %abs3A, %mul3A : vector<256x2048xf32>
    %reduce_sum3A = arith.constant dense<0.000000e+00> : vector<2048xf32>
    %reduce_sum3A_23 = vector.multi_reduction <add>, %mul3A_22, %reduce_sum3A [0] : vector<256x2048xf32> to vector<2048xf32>
    %reshape3A_24 = vector.shape_cast %reduce_sum3A_23 : vector<2048xf32> to vector<16x128xf32>
    %slice3A = vector.extract_strided_slice %reshape3A_24 {offsets = [0, 0], sizes = [8, 128], strides = [1, 1]} : vector<16x128xf32> to vector<8x128xf32>
    %slice3A_25 = vector.extract_strided_slice %reshape3A_24 {offsets = [8, 0], sizes = [8, 128], strides = [1, 1]} : vector<16x128xf32> to vector<8x128xf32>
    %add3A = arith.addf %slice3A, %slice3A_25 : vector<8x128xf32>
    %reshape3A_26 = vector.shape_cast %convert_element_type3A_21 : vector<1x2048xf32> to vector<16x128xf32>
    %slice3A_27 = vector.extract_strided_slice %reshape3A_26 {offsets = [0, 0], sizes = [8, 128], strides = [1, 1]} : vector<16x128xf32> to vector<8x128xf32>
    %slice3A_28 = vector.extract_strided_slice %reshape3A_26 {offsets = [8, 0], sizes = [8, 128], strides = [1, 1]} : vector<16x128xf32> to vector<8x128xf32>
    %add3A_29 = arith.addf %slice3A_27, %slice3A_28 : vector<8x128xf32>
    %eq3A_30 = arith.constant 0 : i32
    %eq3A_31 = arith.cmpi eq, %arg0, %eq3A_30 : i32
    %eq3A_32 = arith.constant 0 : i32
    %eq3A_33 = arith.cmpi eq, %arg1, %eq3A_32 : i32
    %and3A = arith.andi %eq3A_31, %eq3A_33 : i1
    %convert_element_type3A_34 = arith.extui %and3A : i1 to i32
    %cond3A = arith.constant 0 : i32
    %cond3A_35 = arith.cmpi ne, %convert_element_type3A_34, %cond3A : i32
    scf.if %cond3A_35 {
      %swap3A = arith.constant 0 : index
      %swap3A_40 = arith.constant 0 : index
      %swap3A_41 = vector.load %arg5[%swap3A, %swap3A_40] : memref<8x128xf32, #tpu.memory_space<vmem>>, vector<8x128xf32>
      tpu.vector_store %arg5[%swap3A, %swap3A_40], %add3A {strides = array<i32>} : memref<8x128xf32, #tpu.memory_space<vmem>>, vector<8x128xf32>,
      %swap3A_42 = arith.constant 0 : index
      %swap3A_43 = arith.constant 0 : index
      %swap3A_44 = vector.load %arg6[%swap3A_42, %swap3A_43] : memref<8x128xf32, #tpu.memory_space<vmem>>, vector<8x128xf32>
      tpu.vector_store %arg6[%swap3A_42, %swap3A_43], %add3A_29 {strides = array<i32>} : memref<8x128xf32, #tpu.memory_space<vmem>>, vector<8x128xf32>,
    } else {
    }
    %not3A = arith.constant true
    %not3A_36 = arith.xori %and3A, %not3A : i1
    %convert_element_type3A_37 = arith.extui %not3A_36 : i1 to i32
    %cond3A_38 = arith.constant 0 : i32
    %cond3A_39 = arith.cmpi ne, %convert_element_type3A_37, %cond3A_38 : i32
    scf.if %cond3A_39 {
      %get3A_40 = arith.constant 0 : index
      %get3A_41 = arith.constant 0 : index
      %get3A_42 = vector.load %arg5[%get3A_40, %get3A_41] : memref<8x128xf32, #tpu.memory_space<vmem>>, vector<8x128xf32>
      %add3A_43 = arith.addf %get3A_42, %add3A : vector<8x128xf32>
      %swap3A = arith.constant 0 : index
      %swap3A_44 = arith.constant 0 : index
      %swap3A_45 = vector.load %arg5[%swap3A, %swap3A_44] : memref<8x128xf32, #tpu.memory_space<vmem>>, vector<8x128xf32>
      tpu.vector_store %arg5[%swap3A, %swap3A_44], %add3A_43 {strides = array<i32>} : memref<8x128xf32, #tpu.memory_space<vmem>>, vector<8x128xf32>,
      %get3A_46 = arith.constant 0 : index
      %get3A_47 = arith.constant 0 : index
      %get3A_48 = vector.load %arg6[%get3A_46, %get3A_47] : memref<8x128xf32, #tpu.memory_space<vmem>>, vector<8x128xf32>
      %add3A_49 = arith.addf %get3A_48, %add3A_29 : vector<8x128xf32>
      %swap3A_50 = arith.constant 0 : index
      %swap3A_51 = arith.constant 0 : index
      %swap3A_52 = vector.load %arg6[%swap3A_50, %swap3A_51] : memref<8x128xf32, #tpu.memory_space<vmem>>, vector<8x128xf32>
      tpu.vector_store %arg6[%swap3A_50, %swap3A_51], %add3A_49 {strides = array<i32>} : memref<8x128xf32, #tpu.memory_space<vmem>>, vector<8x128xf32>,
    } else {
    }
    return
  }
  func.func @transform_0(%arg0: i32, %arg1: i32) -> (i32, i32, i32, i32) {
    %add3A = arith.constant 4 : i32
    %add3A_0 = arith.addi %add3A, %arg1 : i32
    %c0_i32 = arith.constant 0 : i32
    %c0_i32_1 = arith.constant 0 : i32
    %c0_i32_2 = arith.constant 0 : i32
    return %arg0, %c0_i32, %add3A_0, %c0_i32_1 : i32, i32, i32, i32
  }
  func.func @transform_1(%arg0: i32, %arg1: i32) -> (i32, i32, i32) {
    %add3A = arith.constant 4 : i32
    %add3A_0 = arith.addi %add3A, %arg1 : i32
    %c0_i32 = arith.constant 0 : i32
    %c0_i32_1 = arith.constant 0 : i32
    return %arg0, %add3A_0, %c0_i32 : i32, i32, i32
  }
  func.func @transform_2(%arg0: i32, %arg1: i32) -> (i32, i32) {
    %c0_i32 = arith.constant 0 : i32
    %c0_i32_0 = arith.constant 0 : i32
    %c0_i32_1 = arith.constant 0 : i32
    return %c0_i32, %c0_i32_0 : i32, i32
  }
  func.func @transform_3(%arg0: i32, %arg1: i32) -> (i32, i32) {
    %c0_i32 = arith.constant 0 : i32
    %c0_i32_0 = arith.constant 0 : i32
    %c0_i32_1 = arith.constant 0 : i32
    return %c0_i32, %c0_i32_0 : i32, i32
  }
  func.func @transform_4(%arg0: i32, %arg1: i32) -> (i32, i32) {
    %c0_i32 = arith.constant 0 : i32
    %c0_i32_0 = arith.constant 0 : i32
    %c0_i32_1 = arith.constant 0 : i32
    return %c0_i32, %c0_i32_0 : i32, i32
  }
}

</mosaic_0001>

<sc_bundles>
// kernel: kernel.4.cloned.1.call-start
scs
__scs_entry_jumppad:
0x0: {  	(pc) =	sbr.rel $0x88, $3  }
0x1: {  	(tag) =	ssettag $0x0;
	lr =	simm.s32 $0x1  }
0x2: {  	[smem:$0x3F9E] =	sst lr;
	_ =	strace $0xD0000000  }
0x3: {  	_ = 	snop  }
0x4: {  	_ = 	snop  }
0x5: {  	_ = 	snop  }
0x6: {  	_ = 	snop  }
0x7: {  	_ = 	snop  }
__scs_overlays_trampoline_lowered:
0x8: {  	[smem:$0x3FAD] =	sst s0  }
0x9: {  	[smem:$0x3FAE] =	sst s1  }
0xa: {  	[smem:$0x3FAF] =	sst s2  }
0xb: {  	[smem:$0x3FB0] =	sst s3  }
0xc: {  	[smem:$0x3FB1] =	sst s4  }
0xd: {  	[smem:$0x3FB2] =	sst s5  }
0xe: {  	[smem:$0x3FB3] =	sst s6  }
0xf: {  	[smem:$0x3FB4] =	sst s7  }
0x10: {  	[smem:$0x3FB5] =	sst s8  }
0x11: {  	[smem:$0x3FB6] =	sst s9;
	s0 =	simm.s32 @!p0 $0x0  }
0x12: {  	s1 =	sld [smem:$0x3F9C];
	s0 =	simm.s32 @p0 $0x1  }
0x13: {  	[smem:$0x3FB7] =	sst s0;
	s0 =	simm.s32 @!p1 $0x0  }
0x14: {  	s2 =	sld [smem:$0x3F9B];
	s0 =	simm.s32 @p1 $0x1  }
0x15: {  	[smem:$0x3FB8] =	sst s0;
	s0 =	simm.s32 @!p2 $0x0  }
0x16: {  	s3 =	sld [smem:$0x3FDB];
	s0 =	simm.s32 @p2 $0x1  }
0x17: {  	s4 =	simm.s32 $0x1BF5;
	[smem:$0x3FBA] =	sst s0  }
0x18: {  	s0 =	sld [smem:$0x3F9D];
	_ =	swait.ge [sflag:s4], $0x0  }
0x19: {  	s7 =	sld [smem:$0x3F9E]  }
0x1a: {  	s8 =	sadd.s32 $0xFFFFE003, lr  }
0x1b: {  	s9 =	sadd.s32 $0xFFFFFEF7, lr;
	s5 =	simm.s32 $0xFFFFFFFF;
	p2 =	slt.u32 s8, $0xFFFFF086  }
0x1c: {  	p1 =	slt.u32 s9, $0xF7A;
	s5 =	simm.s32 @!p2 $0x0  }
0x1d: {  	s5 =	simm.s32 @p1 $0x1;
	p0 =	seq.s32 s7, s2  }
0x1e: {  	s7 =	smul.u32 @!p0 $0xF7A, s2;
	p2 =	seq.s32 @!p0 s5, $0x0  }
0x1f: {  	s9 =	smul.u32 $0xF7A, s1;
	s8 =	simm.s32 @!p0 $0x1BF5;
	p2 =	por !p2, p0  }
0x20: {  	[sflag:s8] =	ssyncset.s32 @!p0 $0xFFFFF086;
	s6 =	sadd.s32 @!p0 s3, s7;
	s7 =	simm.s32 @!p0 $0x108  }
0x21: {  	s3 =	sadd.s32 s3, s9;
	s6 =	sadd.s32 @!p0 $0x88, s6;
	s7 =	simm.s32 @p2 $0x1082  }
0x22: {  	[simem:s7], [sflag:s8] =	dma.local @!p0 [hbm:s6], $0xF7A  }
0x23: {  	s9 =	sor.u32 $0xD0000000, s2;
	s6 =	simm.s32 $0x108;
	_ =	swait.ge @!p0 [sflag:s8], $0x0  }
0x24: {  	s3 =	sadd.s32 $0x88, s3;
	s6 =	simm.s32 @!p1 $0x1082;
	[sflag:s4] =	ssyncset.s32 $0xFFFFF086  }
0x25: {  	[simem:s6], [sflag:s4] =	dma.local [hbm:s3], $0xF7A  }
0x26: {  	[smem:$0x3F9E] =	sst s1;
	(tag) =	ssettag s2;
	_ =	strace s9  }
0x27: {  	s1 =	sld [smem:$0x3FAE]  }
0x28: {  	s2 =	sld [smem:$0x3FAF]  }
0x29: {  	s4 =	sld [smem:$0x3FB1]  }
0x2a: {  	p0 =	seq.s32 s5, $0x0;
	s5 =	sld [smem:$0x3FB2]  }
0x2b: {  	s6 =	sld [smem:$0x3FB3]  }
0x2c: {  	s7 =	sld [smem:$0x3FB4]  }
0x2d: {  	s3 =	simm.s32 $0x108;
	s8 =	sld [smem:$0x3FB5]  }
0x2e: {  	s3 =	simm.s32 @!p0 $0x1082;
	s9 =	sld [smem:$0x3FB6]  }
0x2f: {  	lr =	sadd.s32 s0, s3;
	s0 =	sld [smem:$0x3FAD]  }
0x30: {  	s3 =	sld [smem:$0x3FB0]  }
0x31: {  	[smem:$0x3FB9] =	sst s10  }
0x32: {  	s10 =	sld [smem:$0x3FB7];
	_ =	sdelay $0x3  }
0x33: {  	p0 =	seq.s32 s10, $0x1;
	s10 =	sld [smem:$0x3FB9];
	_ =	sdelay $0x3  }
0x34: {  	[smem:$0x3FB9] =	sst s10  }
0x35: {  	s10 =	sld [smem:$0x3FB8];
	_ =	sdelay $0x3  }
0x36: {  	p1 =	seq.s32 s10, $0x1;
	s10 =	sld [smem:$0x3FB9];
	_ =	sdelay $0x3  }
0x37: {  	[smem:$0x3FB9] =	sst s10  }
0x38: {  	s10 =	sld [smem:$0x3FBA]  }
0x39: {  	_ = 	snop;
	(pc) =	sbr.ind lr, $3  }
0x3a: {  	_ = 	snop  }
0x3b: {  	_ = 	snop  }
0x3c: {  	p2 =	seq.s32 s10, $0x1;
	s10 =	sld [smem:$0x3FB9]  }
0x3d: {  	_ =	shalt  }
0x3e: {  	_ =	shalt  }
0x3f: {  	_ =	shalt  }
0x40: {  	_ =	shalt  }
0x41: {  	_ =	shalt  }
0x42: {  	_ =	shalt  }
0x43: {  	_ =	shalt  }
0x44: {  	_ =	shalt  }
0x45: {  	_ =	shalt  }
0x46: {  	_ =	shalt  }
0x47: {  	_ =	shalt  }
0x48: {  	_ =	shalt  }
0x49: {  	_ =	shalt  }
0x4a: {  	_ =	shalt  }
0x4b: {  	_ =	shalt  }
0x4c: {  	_ =	shalt  }
0x4d: {  	_ =	shalt  }
0x4e: {  	_ =	shalt  }
0x4f: {  	_ =	shalt  }
0x50: {  	_ =	shalt  }
0x51: {  	_ =	shalt  }
0x52: {  	_ =	shalt  }
0x53: {  	_ =	shalt  }
0x54: {  	_ =	shalt  }
0x55: {  	_ =	shalt  }
0x56: {  	_ =	shalt  }
0x57: {  	_ =	shalt  }
0x58: {  	_ =	shalt  }
0x59: {  	_ =	shalt  }
0x5a: {  	_ =	shalt  }
0x5b: {  	_ =	shalt  }
0x5c: {  	_ =	shalt  }
0x5d: {  	_ =	shalt  }
0x5e: {  	_ =	shalt  }
0x5f: {  	_ =	shalt  }
0x60: {  	_ =	shalt  }
0x61: {  	_ =	shalt  }
0x62: {  	_ =	shalt  }
0x63: {  	_ =	shalt  }
0x64: {  	_ =	shalt  }
0x65: {  	_ =	shalt  }
0x66: {  	_ =	shalt  }
0x67: {  	_ =	shalt  }
0x68: {  	_ =	shalt  }
0x69: {  	_ =	shalt  }
0x6a: {  	_ =	shalt  }
0x6b: {  	_ =	shalt  }
0x6c: {  	_ =	shalt  }
0x6d: {  	_ =	shalt  }
0x6e: {  	_ =	shalt  }
0x6f: {  	_ =	shalt  }
0x70: {  	_ =	shalt  }
0x71: {  	_ =	shalt  }
0x72: {  	_ =	shalt  }
0x73: {  	_ =	shalt  }
0x74: {  	_ =	shalt  }
0x75: {  	_ =	shalt  }
0x76: {  	_ =	shalt  }
0x77: {  	_ =	shalt  }
0x78: {  	_ =	shalt  }
0x79: {  	_ =	shalt  }
0x7a: {  	_ =	shalt  }
0x7b: {  	_ =	shalt  }
0x7c: {  	_ =	shalt  }
0x7d: {  	_ =	shalt  }
0x7e: {  	_ =	shalt  }
0x7f: {  	_ =	shalt  }
0x80: {  	_ =	shalt  }
0x81: {  	_ =	shalt  }
0x82: {  	_ =	shalt  }
0x83: {  	_ =	shalt  }
0x84: {  	_ =	shalt  }
0x85: {  	_ =	shalt  }
0x86: {  	_ =	shalt  }
0x87: {  	_ =	shalt  }
.Lfunc_end0:
.L_simem_size_0:
called_computation_lowered:
.L_overlay_start_0:
0x88: {  	s2 =	sld [smem:$0x3FD9]  }
0x89: {  	s3 =	sld [smem:$0x3FFE];
	_ =	sdelay $0x1  }
0x8a: {  	s1 =	srdreg.scid  }
0x8b: {  	s0 =	sand.u32 $0x1, s1  }
0x8c: {  	s17 =	sshll.u32 s0, $0xA;
	s2 =	sadd.s32 s3, s2  }
0x8d: {  	s2 =	sadd.s32 s2, s17  }
0x8e: {  	[smem:$0x3FC5] =	sst s2  }
0x8f: {  	_ = 	snop  }
0x90: {  	s2 =	sld [smem:$0x3FC9]  }
0x91: {  	s18 =	sld [smem:$0x3FC8];
	(tm) =	ssettm $0x1  }
0x92: {  	s4 =	sld [smem:$0x3FFB];
	_ =	sdelay $0x3  }
0x93: {  	_ =	strace s4  }
0x94: {  	s4 =	sld [smem:$0x3FFC];
	_ =	sdelay $0x3  }
0x95: {  	_ =	strace s4  }
0x96: {  	s4 =	sld [smem:$0x3FFD];
	_ =	sdelay $0x3  }
0x97: {  	_ =	strace s4  }
0x98: {  	_ =	strace $0x8FFFFFFF  }
0x99: {  	s19 =	sld [smem:$0x3FDB];
	_ =	sdelay $0x1  }
0x9a: {  	s5 =	simm.s32 $_scs_section_size  }
0x9b: {  	s6 =	simm.s32 $_size__tile_overlayer_lowered;
	s7 =	simm.s32 $_tile_overlayer_lowered  }
0x9c: {  	s22 =	simm.s32 $0x1BFF;
	s21 =	sshll.u32 s7, $0x1;
	s4 =	sadd.s32 s5, s19  }
0x9d: {  	s8 =	simm.s32 $0x0;
	s20 =	sshll.u32 s6, $0x1;
	s6 =	sadd.s32 s21, s4  }
0x9e: {  	[timem:s8], [sflag:s22] =	dma.local [hbm:s6], s20  }
0x9f: {  	_ =	swait.ge [sflag:s22], s20  }
0xa0: {  	s5 =	ssub.s32 $0x0, s20;
	[sflag:s22] =	ssyncset.done $0x0  }
0xa1: {  	[sflag:s22] =	ssyncadd.s32 s5;
	_ =	sdelay $0x1  }
0xa2: {  	s23 =	simm.s32 $0x1B8B  }
0xa3: {  	_ =	swait.ge [sflag:s23], $0x1  }
0xa4: {  	[sflag:s23] =	ssyncset.done $0x0  }
0xa5: {  	s25 =	simm.s32 $0x1B8E;
	s24 =	sld [smem:$0x3FFE];
	[sflag:s23] =	ssyncadd.s32 $0xFFFFFFFF  }
0xa6: {  	s26 =	simm.s32 $execute0_lowered;
	[smem:$0x3FD2] =	sst s25  }
0xa7: {  	s6 =	sshll.u32 s26, $0x1;
	_ =	strace $0x80000046;
	[dreg:$0x1] =	wrdreg $0xFFFFFFFF  }
0xa8: {  	s28 =	simm.s32 $_size_execute0_lowered;
	s4 =	sadd.s32 s4, s6;
	[dreg:$0x0] =	wrdreg $0x0  }
0xa9: {  	s6 =	sshll.u32 s28, $0x1;
	[dreg:$0x2] =	wrdreg s4  }
0xaa: {  	[dreg:$0x3] =	wrdreg s6  }
0xab: {  	[dreg:$0x4] =	wrdreg $0xC0  }
0xac: {  	_ =	task [dreg:s8], $0x5FFFF  }
0xad: {  	[dreg:$0x1] =	wrdreg $0xFFFFFFFF  }
0xae: {  	[dreg:$0x0] =	wrdreg $0x60  }
0xaf: {  	[dreg:$0x2] =	wrdreg s2  }
0xb0: {  	[dreg:$0x3] =	wrdreg s18  }
0xb1: {  	[dreg:$0x4] =	wrdreg s24  }
0xb2: {  	[dreg:$0x5] =	wrdreg $0x9  }
0xb3: {  	_ =	task.clear_ibuf [dreg:s8], $0x6FFFF;
	_ =	strace $0x90000046  }
0xb4: {  	s29 =	simm.s32 $0x9;
	_ =	strace $0x80000048  }
0xb5: {  	_ =	swait.ge [sflag:s29], $0x1  }
0xb6: {  	[sflag:s29] =	ssyncadd.s32 $0xFFFFFFFF  }
0xb7: {  	_ =	strace $0x90000048  }
0xb8: {  	_ =	sfence  }
0xb9: {  	s30 =	sld [smem:$0x0];
	_ =	sdelay $0x2  }
0xba: {  	s31 =	sshll.u32 s1, $0xD;
	s1 =	sshrl.u32 s1, $0x2  }
0xbb: {  	s3 =	sand.u32 $0x4000, s31;
	s1 =	sadd.s32 s1, s30  }
0xbc: {  	s0 =	sor.u32 s3, s0;
	s1 =	sshll.u32 s1, $0x11  }
0xbd: {  	s0 =	sor.u32 s1, s0  }
0xbe: {  	s0 =	sadd.s32 $0x8F2B, s0  }
0xbf: {  	[sflag:s0] =	ssyncadd.remote.s32 $0x1  }
0xc0: {  	_ =	sfence.sel $0xFFFF  }
0xc1: {  	[dreg:$0x0] =	wrdreg $0xFFFFFFFF;
	(pc) =	sbr.abs _section_cstart, $3  }
0xc2: {  	[dreg:$0x1] =	wrdreg $0xFFFFFFFF  }
0xc3: {  	_ =	task.clear_ibuf [dreg:s8], $0x2FFFF;
	_ =	strace $0x9FFFFFFF  }
0xc4: {  	(tm) =	ssettm $0x7FFFFFFF  }
0xc5: {  	_ =	shalt  }
tec
execute0_lowered:
.L_overlay_start_1:
0x0: {  	(tag) =	ssettag $0x1  }
0x1: {  	s7 =	rddreg [dreg:$0x0]  }
0x2: {  	s0 =	rddreg [dreg:$0x1]  }
0x3: {  	s6 =	rddreg [dreg:$0x2]  }
0x4: {  	s1 =	srdreg.scid;
	s5 =	stileid.u32;
	s4 =	simm.s32 $0x0  }
0x5: {  	s1 =	sand.u32 $0x1, s1;
	s2 =	sshll.u32 s5, $0x1;
	[smem:$0x7FF] =	sst s4  }
0x6: {  	s5 =	sshrl.u32 s5, $0x1;
	s2 =	sor.u32 s1, s2;
	_ =	strace $0x80000047  }
0x7: {  	s26 =	sshll.u32 s5, $0xE;
	s5 =	sshll.u32 s5, $0x16;
	s1 =	ssub.s32 $0x2, s1  }
0x8: {  	s3 =	sshll.u32 s2, $0x4;
	s2 =	sshll.u32 s2, $0xB;
	[dreg:$0x1e] =	wrdreg s5  }
0x9: {  	s28 =	sshrl.u32 s1, $0x1;
	s3 =	sadd.s32 s3, s6;
	s25 =	sand.u32 $0x1800, s2  }
0xa: {  	s1 =	ssub.s32 s1, s28;
	[dreg:$0x1d] =	wrdreg s25;
	s6 =	sor.u32 s5, s25  }
0xb: {  	s2 =	sor.u32 s26, s25;
	s30 =	sadd.s32 $0x1000, s3;
	[dreg:$0x1f] =	wrdreg s6  }
0xc: {  	s31 =	smax.u32 s1, $0x1;
	s2 =	sshrl.u32 s2, $0x3;
	[smem:$0x7FC] =	sst s30  }
0xd: {  	s6 =	sshrl.u32 s6, $0x3;
	[smem:$0x7FD] =	sst s31;
	s0 =	sadd.s32 s0, s2  }
0xe: {  	s29 =	sadd.s32 s7, s6;
	[smem:$0x7FA] =	sst s0  }
0xf: {  	v0 =	vimm.f32 $0.0e+00;
	s1 =	simm.s32 $0x3;
	s2 =	simm.s32 $0x0;
	[smem:$0x7FB] =	sst s29  }
.LBB2_1:
0x10: {  	[smem:$0x7F9] =	sst s2  }
0x11: {  	s0 =	rddreg [dreg:$0x2]  }
0x12: {  	[tilespmem:s4], [sflag:$0x3] =	stream.linear.gather [hbm4b:s0+s4], $0x8000, $0x38;
	[tilespmem:$0x19080] =	vst v63  }
0x13: {  	_ =	swait.ge [sflag:s1], $0x8000  }
0x14: {  	s26 =	sld [smem:$0x7FA]  }
0x15: {  	[sflag:s1] =	ssyncset.done $0x0  }
0x16: {  	s28 =	simm.s32 $0x8000;
	[sflag:s1] =	ssyncadd.s32 $0xFFFF8000  }
0x17: {  	[tilespmem:s28], [sflag:$0x3] =	stream.linear.gather [hbm4b:s26+s4], $0x800, $0x38;
	[tilespmem:$0x19080] =	vst v63  }
0x18: {  	s29 =	sand.u32 $0x1E00, s4;
	s30 =	sand.u32 $0x70, s4;
	_ =	swait.ge [sflag:s1], $0x800  }
0x19: {  	s31 =	sshrl.u32 s29, $0x2;
	s0 =	simm.s32 $0x40;
	[sflag:s1] =	ssyncset.done $0x0  }
0x1a: {  	s2 =	sor.u32 s30, s31;
	[sflag:s1] =	ssyncadd.s32 $0xFFFFF800;
	s1 =	simm.s32 $0x0  }
.LBB2_2:
0x1b: {  	p0 =	sne.s32 s0, $0x1FC0  }
0x1c: {  	[tilespmem:s2+$0x8800] =	vst v0;
	s1 =	sadd.s32 $0x10, s1;
	s2 =	smov.u32 s0;
	s0 =	sadd.s32 $0x40, s0  }
.Ltmp0:
0x1d: {  	(pc) =	sbr.rel @p0 .LBB2_2-.Ltmp0, $4  }
0x1e: {  	_ = 	snop  }
0x1f: {  	s2 =	sand.u32 $0x1E00, s2  }
0x20: {  	s3 =	sand.u32 $0x70, s1;
	s2 =	sshrl.u32 s2, $0x2  }
0x21: {  	s2 =	sor.u32 s3, s2  }
0x22: {  	s0 =	sld [smem:$0x7FB]  }
0x23: {  	s1 =	simm.s32 $0x400  }
0x24: {  	[tilespmem:s2+$0x8800] =	vst v0;
	s31 =	simm.s32 $0x4000;
	s3 =	simm.s32 $0x9000;
	s5 =	simm.s32 $0x0  }
0x25: {  	[tilespmem:s3], [sflag:$0x1] =	stream.strided.gather [hbm4b:s0+s1], $0x8000, s31, s1, $0x38;
	[tilespmem:$0x19080] =	vst v63  }
.LBB2_4:
0x26: {  	s0 =	sshll.u32 s5, $0x6;
	s1 =	sshll.u32 s5, $0x1  }
0x27: {  	s2 =	simm.s32 $0x1;
	s28 =	simm.s32 $0x400;
	s0 =	sand.u32 $0xC0, s0  }
0x28: {  	s30 =	simm.s32 $0x4000;
	[smem:$0x7E4] =	sst s1;
	s23 =	sor.u32 $0x20, s0  }
0x29: {  	s3 =	simm.s32 $0x11000;
	s10 =	sand.u32 $0x8, s1;
	[smem:$0x7E5] =	sst s23  }
0x2a: {  	s24 =	sshll.u32 s10, $0x7;
	s1 =	sshll.u32 s23, $0xE;
	_ =	swait.ge [sflag:s2], $0x8000  }
0x2b: {  	s0 =	sor.u32 s1, s24;
	s25 =	rddreg [dreg:$0x1f];
	[sflag:s2] =	ssyncset.done $0x0  }
0x2c: {  	s31 =	simm.s32 $0x0;
	s0 =	sor.u32 s25, s0;
	[sflag:s2] =	ssyncadd.s32 $0xFFFF8000  }
0x2d: {  	s24 =	sand.u32 $0x3FFFFF80, s31;
	s0 =	sshrl.u32 s0, $0x3;
	s26 =	rddreg [dreg:$0x0]  }
0x2e: {  	s6 =	sadd.s32 $0x10800, s24;
	s2 =	simm.s32 $0x0;
	s0 =	sadd.s32 s26, s0  }
0x2f: {  	[tilespmem:s3], [sflag:$0x2] =	stream.strided.gather [hbm4b:s0+s28], $0x8000, s30, s28, $0x38;
	[tilespmem:$0x19080] =	vst v63  }
0x30: {  	[smem:$0x7ED] =	sst s6;
	s2 =	sand.u32 $0x60, s2;
	s0 =	sadd.s32 $0x10000, s24  }
0x31: {  	s23 =	sor.u32 $0x10, s2;
	s3 =	sadd.s32 $0x10400, s24;
	[smem:$0x7EB] =	sst s0  }
0x32: {  	s8 =	sadd.s32 $0x10C00, s24;
	[smem:$0x7EC] =	sst s3;
	s0 =	sor.u32 s23, s0  }
0x33: {  	s11 =	sadd.s32 $0xF000, s24;
	s7 =	sor.u32 s23, s3;
	v4 =	vld [tilespmem:s0+$0x0];
	[smem:$0x7EE] =	sst s8  }
0x34: {  	s9 =	sor.u32 s23, s6;
	s6 =	sadd.s32 $0xF400, s24;
	v3 =	vld [tilespmem:s7+$0x0];
	[smem:$0x7E7] =	sst s11  }
0x35: {  	s14 =	sadd.s32 $0xF800, s24;
	s12 =	sor.u32 s23, s8;
	v6 =	vld [tilespmem:s9+$0x0];
	[smem:$0x7E8] =	sst s6  }
0x36: {  	s16 =	sadd.s32 $0xFC00, s24;
	s13 =	sor.u32 s23, s11;
	v5 =	vld [tilespmem:s12+$0x0];
	[smem:$0x7E9] =	sst s14  }
0x37: {  	s15 =	sor.u32 s23, s6;
	v8 =	vld [tilespmem:s13+$0x0];
	[smem:$0x7EA] =	sst s16  }
0x38: {  	s17 =	sor.u32 s23, s14;
	v7 =	vld [tilespmem:s15+$0x0]  }
0x39: {  	s18 =	sor.u32 s23, s16;
	s12 =	sadd.s32 $0xE400, s24;
	v9 =	vld [tilespmem:s17+$0x0]  }
0x3a: {  	s19 =	simm.s32 $0x0;
	s11 =	sadd.s32 $0xE800, s24;
	s22 =	sor.u32 s23, s12;
	v10 =	vld [tilespmem:s18+$0x0]  }
0x3b: {  	s21 =	sor.u32 s10, s19;
	s25 =	sor.u32 s23, s11;
	s13 =	sadd.s32 $0xE000, s24;
	v11 =	vld [tilespmem:s22+$0x0]  }
0x3c: {  	s20 =	sor.u32 s23, s13;
	s18 =	sshll.u32 s21, $0x7;
	v14 =	vld [tilespmem:s25+$0x0]  }
0x3d: {  	s8 =	sadd.s32 $0xEC00, s24;
	v12 =	vld [tilespmem:s20+$0x0];
	s7 =	sor.u32 s23, s18  }
0x3e: {  	s26 =	sor.u32 s23, s8;
	s17 =	sadd.s32 $0xD000, s24;
	v13 =	vld [tilespmem:s7+$0x8000];
	[smem:$0x7F4] =	sst s7  }
0x3f: {  	s16 =	sadd.s32 $0xD400, s24;
	s28 =	sor.u32 s23, s17;
	v15 =	vld [tilespmem:s26+$0x0]  }
0x40: {  	s15 =	sadd.s32 $0xD800, s24;
	s30 =	sor.u32 s23, s16;
	v18 =	vld [tilespmem:s28+$0x0]  }
0x41: {  	s14 =	sadd.s32 $0xDC00, s24;
	s31 =	sor.u32 s23, s15;
	v16 =	vld [tilespmem:s30+$0x0]  }
0x42: {  	s1 =	sor.u32 s23, s14;
	s22 =	sadd.s32 $0xC000, s24;
	v19 =	vld [tilespmem:s31+$0x0]  }
0x43: {  	s21 =	sadd.s32 $0xC400, s24;
	s3 =	sor.u32 s23, s22;
	v17 =	vld [tilespmem:s1+$0x0]  }
0x44: {  	s19 =	sadd.s32 $0xCC00, s24;
	s20 =	sadd.s32 $0xC800, s24;
	s6 =	sor.u32 s23, s21;
	v21 =	vld [tilespmem:s3+$0x0]  }
0x45: {  	s9 =	sshll.u32 s5, $0xD;
	s25 =	sor.u32 s23, s20;
	v20 =	vld [tilespmem:s6+$0x0];
	[smem:$0x7E6] =	sst s5  }
0x46: {  	s29 =	sadd.s32 $0xB000, s24;
	s0 =	sand.u32 $0x6000, s9;
	s26 =	sor.u32 s23, s19;
	v22 =	vld [tilespmem:s25+$0x0]  }
0x47: {  	v0 =	vmov s0;
	s31 =	sadd.s32 $0x9000, s24;
	s3 =	sor.u32 s23, s29;
	v24 =	vld [tilespmem:s26+$0x0]  }
0x48: {  	s30 =	sadd.s32 $0x9400, s24;
	s28 =	sor.u32 s23, s31;
	v28 =	vld [tilespmem:s3+$0x0];
	v25 =	vadd.s32 v0, v13  }
0x49: {  	s1 =	sor.u32 s23, s30;
	s25 =	sadd.s32 $0xB800, s24;
	v23 =	vld [tilespmem:s28+$0x0];
	v13 =	vand.u32 $0x7F, v13;
	v27 =	vand.u32 $0xFFFFFF80, v25  }
0x4a: {  	s26 =	sadd.s32 $0xBC00, s24;
	v26 =	vld [tilespmem:s1+$0x0];
	s6 =	sor.u32 s23, s25;
	v13 =	vor.u32 v13, v27  }
0x4b: {  	s9 =	sor.u32 s23, s26;
	v30 =	vld [tilespmem:s6+$0x0];
	s6 =	sadd.s32 $0x9800, s24;
	v29 =	vadd.s32 $0xE00, v13  }
0x4c: {  	s28 =	sadd.s32 $0xB400, s24;
	v32 =	vld [tilespmem:s9+$0x0];
	s1 =	sor.u32 s23, s6;
	v31 =	vadd.s32 $0xF00, v13  }
0x4d: {  	s5 =	sor.u32 s23, s28;
	v34 =	vld [tilespmem:s1+$0x0];
	v33 =	vadd.s32 $0xC00, v13  }
0x4e: {  	v27 =	vld [tilespmem:s5+$0x0];
	v35 =	vadd.s32 $0xD00, v13  }
0x4f: {  	v36 =	vadd.s32 $0xA00, v13;
	v25 =	vld.idx.msk [tilespmem:v25+s4+$0x0], $0xffff  }
0x50: {  	v37 =	vadd.s32 $0xB00, v13;
	v29 =	vld.idx.msk [tilespmem:v29+s4+$0x0], $0xffff  }
0x51: {  	v38 =	vadd.s32 $0x800, v13;
	v31 =	vld.idx.msk [tilespmem:v31+s4+$0x0], $0xffff  }
0x52: {  	v39 =	vadd.s32 $0x900, v13;
	v33 =	vld.idx.msk [tilespmem:v33+s4+$0x0], $0xffff  }
0x53: {  	v41 =	vadd.s32 $0x700, v13;
	v35 =	vld.idx.msk [tilespmem:v35+s4+$0x0], $0xffff  }
0x54: {  	v45 =	vadd.s32 $0x500, v13;
	v36 =	vld.idx.msk [tilespmem:v36+s4+$0x0], $0xffff  }
0x55: {  	v37 =	vld.idx.msk [tilespmem:v37+s4+$0x0], $0xffff  }
0x56: {  	v40 =	vadd.s32 $0x600, v13;
	v42 =	vadd.s32 $0x400, v13;
	v38 =	vld.idx.msk [tilespmem:v38+s4+$0x0], $0xffff  }
0x57: {  	v43 =	vadd.s32 $0x100, v13;
	v44 =	vadd.s32 $0x200, v13;
	v47 =	vadd.s32 $0x300, v13;
	v13 =	vld.idx.msk [tilespmem:v39+s4+$0x0], $0xffff  }
0x58: {  	s5 =	sadd.s32 $0x9C00, s24;
	v41 =	vld.idx.msk [tilespmem:v41+s4+$0x0], $0xffff;
	v46 =	vunpack.i.u.bf16.f32 v25;
	v25 =	vunpack.i.l.bf16.f32 v25  }
0x59: {  	s3 =	sor.u32 s23, s5;
	v63 =	vld.idx.msk [tilespmem:v45+s4+$0x0], $0xffff;
	v23 =	vsub.f32 v23, v25;
	v25 =	vsub.f32 v26, v46;
	v61 =	vunpack.i.u.bf16.f32 v29  }
0x5a: {  	v46 =	vld [tilespmem:s3+$0x0];
	s3 =	sadd.s32 $0xA000, s24;
	v29 =	vunpack.i.l.bf16.f32 v29;
	v62 =	vunpack.i.u.bf16.f32 v31;
	v31 =	vunpack.i.l.bf16.f32 v31  }
0x5b: {  	s0 =	sadd.s32 $0xA400, s24;
	v26 =	vld.idx.msk [tilespmem:v40+s4+$0x0], $0xffff;
	s9 =	sor.u32 s23, s3;
	v48 =	vunpack.i.u.bf16.f32 v33;
	v33 =	vunpack.i.l.bf16.f32 v33;
	v49 =	vunpack.i.u.bf16.f32 v35  }
0x5c: {  	v50 =	vunpack.i.u.bf16.f32 v36;
	v36 =	vunpack.i.l.bf16.f32 v36;
	v51 =	vld [tilespmem:s9+$0x0];
	v35 =	vunpack.i.l.bf16.f32 v35;
	s9 =	sor.u32 s23, s0  }
0x5d: {  	v53 =	vunpack.i.u.bf16.f32 v37;
	v55 =	vunpack.i.u.bf16.f32 v13;
	v54 =	vld [tilespmem:s9+$0x0];
	v59 =	vsub.f32 v4, v29  }
0x5e: {  	v57 =	vunpack.i.l.bf16.f32 v13;
	v29 =	vld.idx.msk [tilespmem:v42+s4+$0x0], $0xffff;
	v39 =	vsub.f32 v3, v61;
	v13 =	vsub.f32 v6, v31  }
0x5f: {  	v37 =	vunpack.i.l.bf16.f32 v37;
	v33 =	vsub.f32 v8, v33;
	v4 =	vsub.f32 v9, v35;
	v9 =	vld.idx.msk [tilespmem:v43+s4+$0x0], $0xffff  }
0x60: {  	s6 =	sor.u32 s2, s6;
	v52 =	vunpack.i.u.bf16.f32 v38;
	v14 =	vsub.f32 v14, v37;
	v37 =	vsub.f32 v15, v53;
	v15 =	vld.idx.msk [tilespmem:v44+s4+$0x0], $0xffff  }
0x61: {  	v38 =	vunpack.i.l.bf16.f32 v38;
	v5 =	vsub.f32 v5, v62;
	v48 =	vsub.f32 v7, v48;
	v8 =	vld [tilespmem:s6+$0x0]  }
0x62: {  	s1 =	sadd.s32 $0xA800, s24;
	s5 =	sor.u32 s2, s5;
	v60 =	vunpack.i.u.bf16.f32 v63;
	v12 =	vsub.f32 v12, v36;
	v43 =	vsub.f32 v17, v55;
	v17 =	vld.idx.msk [tilespmem:v47+s4+$0x0], $0xffff  }
0x63: {  	s9 =	sor.u32 s23, s1;
	v35 =	vand.u32 $0x7FFFFFFF, v23;
	v3 =	vsub.f32 v10, v49;
	v11 =	vsub.f32 v11, v50;
	v23 =	vld [tilespmem:s5+$0x0]  }
0x64: {  	v31 =	vunpack.i.u.bf16.f32 v41;
	v50 =	vsub.f32 v18, v38;
	v16 =	vsub.f32 v16, v52;
	v56 =	vld [tilespmem:s9+$0x0];
	s9 =	sadd.s32 $0xAC00, s24;
	s24 =	sor.u32 s2, s31  }
0x65: {  	v41 =	vunpack.i.l.bf16.f32 v41;
	v19 =	vsub.f32 v19, v57;
	v32 =	vsub.f32 v32, v60;
	s31 =	sor.u32 s2, s30;
	v6 =	vld [tilespmem:s24+$0x0]  }
0x66: {  	v10 =	vand.u32 $0x7FFFFFFF, v25;
	v22 =	vsub.f32 v22, v41;
	v24 =	vsub.f32 v24, v31;
	s23 =	sor.u32 s23, s9;
	v7 =	vld [tilespmem:s31+$0x0]  }
0x67: {  	s3 =	sor.u32 s2, s3;
	v58 =	vunpack.i.u.bf16.f32 v26;
	v26 =	vunpack.i.l.bf16.f32 v26;
	v12 =	vand.u32 $0x7FFFFFFF, v12;
	v42 =	vld [tilespmem:s23+$0x0]  }
0x68: {  	s30 =	sor.u32 s2, s9;
	v36 =	vand.u32 $0x7FFFFFFF, v50;
	v19 =	vand.u32 $0x7FFFFFFF, v19;
	v21 =	vsub.f32 v21, v26;
	v26 =	vld [tilespmem:s3+$0x0]  }
0x69: {  	s0 =	sor.u32 s2, s0;
	v31 =	vld [tilespmem:s30+$0x0];
	v25 =	vunpack.i.u.bf16.f32 v29;
	v18 =	vunpack.i.l.bf16.f32 v29;
	v29 =	vunpack.i.l.bf16.f32 v63  }
0x6a: {  	s24 =	sor.u32 s2, s1;
	v20 =	vsub.f32 v20, v58;
	v40 =	vand.u32 $0x7FFFFFFF, v22;
	v63 =	vsub.f32 v30, v29;
	v29 =	vld [tilespmem:s0+$0x0]  }
0x6b: {  	s3 =	sor.u32 s2, s25;
	v61 =	vunpack.i.u.bf16.f32 v9;
	v9 =	vunpack.i.l.bf16.f32 v9;
	v57 =	vand.u32 $0x7FFFFFFF, v21;
	v30 =	vld [tilespmem:s24+$0x0]  }
0x6c: {  	s5 =	sor.u32 s2, s26;
	v58 =	vand.u32 $0x7FFFFFFF, v20;
	v62 =	vsub.f32 v28, v18;
	v25 =	vsub.f32 v27, v25;
	v28 =	vld [tilespmem:s3+$0x0]  }
0x6d: {  	s31 =	sor.u32 s2, s29;
	v34 =	vsub.f32 v34, v9;
	v9 =	vunpack.i.l.bf16.f32 v15;
	v15 =	vunpack.i.u.bf16.f32 v15;
	v27 =	vld [tilespmem:s5+$0x0]  }
0x6e: {  	s6 =	sor.u32 s2, s18;
	s1 =	sor.u32 s2, s28;
	v52 =	vsub.f32 v46, v61;
	v18 =	vunpack.i.l.bf16.f32 v17;
	v53 =	vsub.f32 v51, v9;
	v9 =	vld [tilespmem:s31+$0x0]  }
0x6f: {  	v17 =	vunpack.i.u.bf16.f32 v17;
	v15 =	vsub.f32 v54, v15;
	v55 =	vsub.f32 v56, v18;
	v18 =	vld [tilespmem:s1+$0x0];
	[dreg:$0x7] =	wrdreg s6  }
0x70: {  	s23 =	sor.u32 s2, s16;
	v56 =	vand.u32 $0x7FFFFFFF, v16;
	v17 =	vsub.f32 v42, v17;
	v42 =	vand.u32 $0x7FFFFFFF, v59;
	v59 =	vld [tilespmem:s6+$0x8000]  }
0x71: {  	s9 =	sor.u32 s2, s22;
	v54 =	vand.u32 $0x7FFFFFFF, v3;
	v41 =	vand.u32 $0x7FFFFFFF, v62;
	v20 =	vand.u32 $0x7FFFFFFF, v34;
	v22 =	vld [tilespmem:s23+$0x0]  }
0x72: {  	s3 =	sld [smem:$0x7E7];
	v21 =	vand.u32 $0x7FFFFFFF, v52;
	v16 =	vand.u32 $0x7FFFFFFF, v53;
	v60 =	vand.u32 $0x7FFFFFFF, v15;
	v15 =	vld [tilespmem:s9+$0x0]  }
0x73: {  	s18 =	sor.u32 s2, s21;
	v25 =	vand.u32 $0x7FFFFFFF, v25;
	v61 =	vand.u32 $0x7FFFFFFF, v55;
	v53 =	vld [tilespmem:s7+$0x8800];
	v35 =	vadd.f32 v16, v35  }
0x74: {  	s21 =	sor.u32 s2, s19;
	v10 =	vadd.f32 v60, v10;
	v17 =	vand.u32 $0x7FFFFFFF, v17;
	v16 =	vld [tilespmem:s18+$0x0];
	v62 =	vadd.f32 v61, v20  }
0x75: {  	v63 =	vand.u32 $0x7FFFFFFF, v63;
	s1 =	sor.u32 s2, s3;
	v20 =	vld [tilespmem:s21+$0x0];
	v21 =	vadd.f32 v17, v21;
	v35 =	vadd.f32 v41, v35  }
0x76: {  	s20 =	sor.u32 s2, s20;
	v3 =	vld [tilespmem:s1+$0x0];
	v10 =	vadd.f32 v25, v10;
	v25 =	vand.u32 $0x7FFFFFFF, v32;
	v38 =	vadd.f32 v63, v62  }
0x77: {  	s22 =	sor.u32 s2, s17;
	v11 =	vand.u32 $0x7FFFFFFF, v11;
	v17 =	vld [tilespmem:s20+$0x0];
	v25 =	vadd.f32 v25, v21;
	v35 =	vadd.f32 v57, v35  }
0x78: {  	v24 =	vand.u32 $0x7FFFFFFF, v24;
	s24 =	sor.u32 s2, s15;
	v21 =	vld [tilespmem:s22+$0x0];
	v10 =	vadd.f32 v58, v10;
	v32 =	vadd.f32 v40, v38  }
0x79: {  	s25 =	sor.u32 s2, s14;
	v51 =	vadd.s32 v0, v59;
	v41 =	vadd.f32 v24, v25;
	v25 =	vld [tilespmem:s24+$0x0];
	v35 =	vadd.f32 v36, v35  }
0x7a: {  	s26 =	sor.u32 s2, s13;
	v24 =	vld [tilespmem:s25+$0x0];
	v44 =	vadd.f32 v56, v10;
	v10 =	vand.u32 $0x7FFFFFFF, v43;
	v19 =	vadd.f32 v19, v32  }
0x7b: {  	s28 =	sor.u32 s2, s12;
	v14 =	vand.u32 $0x7FFFFFFF, v14;
	v52 =	vand.u32 $0x7F, v59;
	v46 =	vadd.f32 v10, v41;
	v10 =	vld [tilespmem:s26+$0x0]  }
0x7c: {  	s30 =	sor.u32 s2, s11;
	s5 =	sld [smem:$0x7E8];
	v47 =	vadd.f32 v12, v35;
	v12 =	vld [tilespmem:s28+$0x0];
	v14 =	vadd.f32 v14, v19;
	v19 =	vand.u32 $0xFFFFFF80, v51  }
0x7d: {  	v45 =	vand.u32 $0x7FFFFFFF, v48;
	s6 =	sld [smem:$0x7E9];
	v48 =	vadd.f32 v11, v44;
	v11 =	vld [tilespmem:s30+$0x0];
	v34 =	vor.u32 v52, v19  }
0x7e: {  	v49 =	vand.u32 $0x7FFFFFFF, v37;
	s31 =	sor.u32 s2, s8;
	s7 =	sld [smem:$0x7EA];
	v37 =	vld.idx.msk [tilespmem:v51+s4+$0x0], $0xffff;
	v55 =	vadd.s32 $0x100, v34  }
0x7f: {  	v4 =	vand.u32 $0x7FFFFFFF, v4;
	s0 =	sor.u32 s2, s5;
	v19 =	vld [tilespmem:s31+$0x0];
	v56 =	vadd.s32 $0x200, v34  }
0x80: {  	v14 =	vadd.f32 v4, v14;
	v4 =	vld [tilespmem:s0+$0x0];
	s0 =	sor.u32 s2, s6;
	v58 =	vadd.s32 $0x300, v34  }
0x81: {  	v33 =	vand.u32 $0x7FFFFFFF, v33;
	s1 =	sor.u32 s2, s7;
	v57 =	vand.u32 $0x7FFFFFFF, v13;
	v59 =	vadd.s32 $0x400, v34;
	v13 =	vld [tilespmem:s0+$0x0]  }
0x82: {  	v32 =	vadd.f32 v49, v46;
	v60 =	vadd.s32 $0x500, v34;
	v41 =	vadd.f32 v57, v14;
	v14 =	vld [tilespmem:s1+$0x0]  }
0x83: {  	v39 =	vand.u32 $0x7FFFFFFF, v39;
	v33 =	vadd.f32 v33, v47;
	v61 =	vadd.s32 $0x600, v34;
	v40 =	vld.idx.msk [tilespmem:v55+s4+$0x0], $0xffff  }
0x84: {  	v35 =	vadd.f32 v45, v48;
	v62 =	vadd.s32 $0x700, v34;
	v32 =	vadd.f32 v54, v32;
	v36 =	vld.idx.msk [tilespmem:v56+s4+$0x0], $0xffff  }
0x85: {  	v5 =	vand.u32 $0x7FFFFFFF, v5;
	v63 =	vadd.s32 $0x800, v34;
	v33 =	vadd.f32 v42, v33;
	v42 =	vld.idx.msk [tilespmem:v58+s4+$0x0], $0xffff  }
0x86: {  	v49 =	vadd.s32 $0xA00, v34;
	v35 =	vadd.f32 v39, v35;
	v5 =	vadd.f32 v5, v32;
	v39 =	vld.idx.msk [tilespmem:v59+s4+$0x0], $0xffff  }
0x87: {  	v48 =	vadd.s32 $0x900, v34;
	v50 =	vadd.s32 $0xB00, v34;
	v51 =	vunpack.i.l.bf16.f32 v37;
	v32 =	vld.idx.msk [tilespmem:v60+s4+$0x0], $0xffff  }
0x88: {  	v37 =	vunpack.i.u.bf16.f32 v37;
	v33 =	vadd.f32 v35, v33;
	v5 =	vadd.f32 v5, v41;
	v43 =	vld.idx.msk [tilespmem:v61+s4+$0x0], $0xffff  }
0x89: {  	v52 =	vadd.s32 $0xC00, v34;
	v6 =	vsub.f32 v6, v51;
	v7 =	vsub.f32 v7, v37;
	v54 =	vld.idx.msk [tilespmem:v62+s4+$0x0], $0xffff  }
0x8a: {  	v41 =	vld.idx.msk [tilespmem:v63+s4+$0x0], $0xffff;
	v5 =	vadd.f32 v5, v33  }
0x8b: {  	s8 =	sld [smem:$0x7EB];
	v35 =	vadd.s32 $0xE00, v34;
	v44 =	vld.idx.msk [tilespmem:v49+s4+$0x0], $0xffff;
	v6 =	vand.u32 $0x7FFFFFFF, v6;
	v7 =	vand.u32 $0x7FFFFFFF, v7  }
0x8c: {  	s9 =	sld [smem:$0x7EC];
	v38 =	vld.idx.msk [tilespmem:v50+s4+$0x0], $0xffff;
	v5 =	vadd.f32 v5, v53;
	v53 =	vadd.s32 $0xD00, v34;
	v55 =	vunpack.i.l.bf16.f32 v40  }
0x8d: {  	s12 =	sld [smem:$0x7ED];
	v33 =	vld.idx.msk [tilespmem:v48+s4+$0x0], $0xffff;
	v40 =	vunpack.i.u.bf16.f32 v40;
	v56 =	vunpack.i.u.bf16.f32 v36;
	v36 =	vunpack.i.l.bf16.f32 v36  }
0x8e: {  	s0 =	sor.u32 s2, s8;
	v40 =	vsub.f32 v23, v40;
	v23 =	vunpack.i.u.bf16.f32 v42;
	v26 =	vsub.f32 v26, v36;
	v36 =	vld.idx.msk [tilespmem:v52+s4+$0x0], $0xffff  }
0x8f: {  	s11 =	simm.s32 $0x20;
	s14 =	sld [smem:$0x7EE];
	s1 =	sor.u32 s2, s9;
	v34 =	vadd.s32 $0xF00, v34;
	v29 =	vsub.f32 v29, v56;
	v31 =	vsub.f32 v31, v23;
	v23 =	vld [tilespmem:s0+$0x0]  }
0x90: {  	s19 =	sand.u32 $0x3FFFFF80, s11;
	s13 =	sor.u32 s2, s12;
	v57 =	vunpack.i.u.bf16.f32 v39;
	v39 =	vunpack.i.l.bf16.f32 v39;
	v59 =	vand.u32 $0x7FFFFFFF, v26;
	v26 =	vld [tilespmem:s1+$0x0]  }
0x91: {  	s29 =	simm.s32 $0x20;
	s16 =	sadd.s32 $0x10000, s19;
	s17 =	sadd.s32 $0x10400, s19;
	v58 =	vunpack.i.u.bf16.f32 v32;
	v32 =	vunpack.i.l.bf16.f32 v32;
	v60 =	vand.u32 $0x7FFFFFFF, v29;
	v29 =	vld [tilespmem:s13+$0x0]  }
0x92: {  	s15 =	sor.u32 s2, s14;
	s3 =	sand.u32 $0x60, s29;
	v62 =	vunpack.i.u.bf16.f32 v43;
	v43 =	vunpack.i.l.bf16.f32 v43;
	v8 =	vsub.f32 v8, v55;
	v37 =	vld.idx.msk [tilespmem:v53+s4+$0x0], $0xffff;
	[smem:$0x7F5] =	sst s16  }
0x93: {  	s21 =	sor.u32 $0x10, s3;
	s20 =	sadd.s32 $0x10800, s19;
	v39 =	vsub.f32 v9, v39;
	v18 =	vsub.f32 v18, v57;
	v9 =	vand.u32 $0x7FFFFFFF, v31;
	v31 =	vld [tilespmem:s15+$0x0];
	[smem:$0x7F6] =	sst s17  }
0x94: {  	s23 =	sadd.s32 $0x10C00, s19;
	s18 =	sor.u32 s21, s16;
	v42 =	vunpack.i.l.bf16.f32 v42;
	v28 =	vsub.f32 v28, v32;
	v27 =	vsub.f32 v27, v58;
	[smem:$0x7F7] =	sst s20  }
0x95: {  	s22 =	sor.u32 s21, s17;
	s25 =	sadd.s32 $0xF000, s19;
	v45 =	vunpack.i.l.bf16.f32 v54;
	v30 =	vsub.f32 v30, v42;
	v61 =	vadd.f32 v59, v6;
	v6 =	vld [tilespmem:s18+$0x0];
	[smem:$0x7F8] =	sst s23  }
0x96: {  	s24 =	sor.u32 s21, s20;
	s28 =	sadd.s32 $0xF400, s19;
	v43 =	vsub.f32 v15, v43;
	v40 =	vand.u32 $0x7FFFFFFF, v40;
	v63 =	vadd.f32 v60, v7;
	v7 =	vld [tilespmem:s22+$0x0];
	[smem:$0x7F0] =	sst s25  }
0x97: {  	s26 =	sor.u32 s21, s23;
	s31 =	sadd.s32 $0xF800, s19;
	v8 =	vand.u32 $0x7FFFFFFF, v8;
	v30 =	vand.u32 $0x7FFFFFFF, v30;
	v40 =	vadd.f32 v9, v40;
	v9 =	vld [tilespmem:s24+$0x0];
	[smem:$0x7F1] =	sst s28  }
0x98: {  	s7 =	sadd.s32 $0xFC00, s19;
	s30 =	sor.u32 s21, s25;
	v52 =	vunpack.i.u.bf16.f32 v54;
	v45 =	vsub.f32 v17, v45;
	v30 =	vadd.f32 v30, v8;
	v8 =	vld [tilespmem:s26+$0x0];
	[smem:$0x7F2] =	sst s31  }
0x99: {  	s6 =	sor.u32 s21, s28;
	s9 =	sadd.s32 $0xE000, s19;
	v42 =	vsub.f32 v16, v62;
	v47 =	vsub.f32 v20, v52;
	v39 =	vand.u32 $0x7FFFFFFF, v39;
	v16 =	vld [tilespmem:s30+$0x0];
	[smem:$0x7F3] =	sst s7  }
0x9a: {  	s8 =	sor.u32 s21, s31;
	v18 =	vand.u32 $0x7FFFFFFF, v18;
	v28 =	vand.u32 $0x7FFFFFFF, v28;
	v27 =	vand.u32 $0x7FFFFFFF, v27;
	v15 =	vld [tilespmem:s6+$0x0];
	[smem:$0x7EF] =	sst s9  }
0x9b: {  	s11 =	sor.u32 s21, s7;
	v55 =	vand.u32 $0x7FFFFFFF, v43;
	v56 =	vand.u32 $0x7FFFFFFF, v45;
	v53 =	vunpack.i.u.bf16.f32 v41;
	v17 =	vld [tilespmem:s8+$0x0]  }
0x9c: {  	s14 =	sadd.s32 $0xE400, s19;
	s12 =	sor.u32 s21, s9;
	v41 =	vunpack.i.l.bf16.f32 v41;
	v59 =	vunpack.i.u.bf16.f32 v44;
	v54 =	vadd.f32 v18, v63;
	v18 =	vld [tilespmem:s11+$0x0]  }
0x9d: {  	s13 =	sor.u32 s21, s14;
	v44 =	vunpack.i.l.bf16.f32 v44;
	s15 =	sadd.s32 $0xE800, s19;
	v41 =	vsub.f32 v21, v41;
	v58 =	vsub.f32 v22, v53;
	v20 =	vld [tilespmem:s12+$0x0]  }
0x9e: {  	v42 =	vand.u32 $0x7FFFFFFF, v42;
	v10 =	vsub.f32 v10, v44;
	v12 =	vsub.f32 v12, v59;
	s16 =	sor.u32 s21, s15;
	v21 =	vld [tilespmem:s13+$0x0];
	s11 =	sadd.s32 $0xEC00, s19  }
0x9f: {  	v28 =	vadd.f32 v28, v30;
	v30 =	vadd.f32 v27, v40;
	v27 =	vunpack.i.u.bf16.f32 v33;
	v22 =	vld [tilespmem:s16+$0x0];
	s8 =	sadd.s32 $0xD000, s19;
	s17 =	sor.u32 s21, s11  }
0xa0: {  	v57 =	vand.u32 $0x7FFFFFFF, v47;
	v32 =	vadd.f32 v39, v61;
	v24 =	vsub.f32 v24, v27;
	s6 =	sadd.s32 $0xD400, s19;
	s18 =	sor.u32 s21, s8;
	v27 =	vld [tilespmem:s17+$0x0]  }
0xa1: {  	v61 =	vunpack.i.u.bf16.f32 v38;
	v38 =	vunpack.i.l.bf16.f32 v38;
	v60 =	vadd.f32 v56, v28;
	s7 =	sadd.s32 $0xDC00, s19;
	s22 =	sor.u32 s21, s6;
	v28 =	vld [tilespmem:s18+$0x0];
	[dreg:$0x4] =	wrdreg s10  }
0xa2: {  	s20 =	simm.s32 $0x0;
	v62 =	vunpack.i.u.bf16.f32 v36;
	v33 =	vunpack.i.l.bf16.f32 v33;
	v45 =	vadd.f32 v57, v30;
	s24 =	sor.u32 s21, s7;
	v30 =	vld [tilespmem:s22+$0x0]  }
0xa3: {  	s1 =	sor.u32 s10, s20;
	v52 =	vunpack.i.l.bf16.f32 v36;
	v41 =	vand.u32 $0x7FFFFFFF, v41;
	v25 =	vsub.f32 v25, v33;
	v33 =	vld [tilespmem:s24+$0x0]  }
0xa4: {  	v46 =	vand.u32 $0x7FFFFFFF, v58;
	v38 =	vsub.f32 v11, v38;
	v43 =	vsub.f32 v19, v61;
	s18 =	sshll.u32 s1, $0x7;
	v35 =	vld.idx.msk [tilespmem:v35+s4+$0x0], $0xffff  }
0xa5: {  	v10 =	vand.u32 $0x7FFFFFFF, v10;
	v12 =	vand.u32 $0x7FFFFFFF, v12;
	v40 =	vadd.f32 v55, v32;
	s9 =	sadd.s32 $0x9000, s19;
	s20 =	sor.u32 s21, s18;
	v55 =	vld.idx.msk [tilespmem:v34+s4+$0x0], $0xffff  }
0xa6: {  	s5 =	sadd.s32 $0x9400, s19;
	v3 =	vsub.f32 v3, v52;
	v4 =	vsub.f32 v4, v62;
	v24 =	vand.u32 $0x7FFFFFFF, v24;
	s31 =	sor.u32 s21, s9;
	v63 =	vld [tilespmem:s20+$0x8000]  }
0xa7: {  	s0 =	sor.u32 s21, s5;
	v39 =	vadd.f32 v42, v54;
	v53 =	vunpack.i.u.bf16.f32 v37;
	v24 =	vadd.f32 v24, v45;
	s17 =	sadd.s32 $0xD800, s19;
	v45 =	vld [tilespmem:s31+$0x0]  }
0xa8: {  	v37 =	vunpack.i.l.bf16.f32 v37;
	v38 =	vand.u32 $0x7FFFFFFF, v38;
	v54 =	vand.u32 $0x7FFFFFFF, v43;
	s23 =	sor.u32 s21, s17;
	s22 =	sadd.s32 $0xC000, s19;
	v47 =	vld [tilespmem:s0+$0x0]  }
0xa9: {  	v3 =	vand.u32 $0x7FFFFFFF, v3;
	v4 =	vand.u32 $0x7FFFFFFF, v4;
	v40 =	vadd.f32 v41, v40;
	v32 =	vld [tilespmem:s23+$0x0];
	s23 =	sadd.s32 $0xC400, s19;
	s25 =	sor.u32 s21, s22  }
0xaa: {  	v25 =	vand.u32 $0x7FFFFFFF, v25;
	v39 =	vadd.f32 v46, v39;
	v37 =	vsub.f32 v13, v37;
	v11 =	vld [tilespmem:s25+$0x0];
	s25 =	sadd.s32 $0xC800, s19;
	s26 =	sor.u32 s21, s23  }
0xab: {  	v41 =	vsub.f32 v14, v53;
	v25 =	vadd.f32 v25, v60;
	v19 =	vld [tilespmem:s26+$0x0];
	s28 =	sor.u32 s21, s25;
	s26 =	sadd.s32 $0xCC00, s19;
	v56 =	vadd.s32 v0, v63  }
0xac: {  	v40 =	vadd.f32 v10, v40;
	v36 =	vld [tilespmem:s28+$0x0];
	s30 =	sor.u32 s21, s26;
	s28 =	sadd.s32 $0xB400, s19;
	v57 =	vand.u32 $0x7F, v63;
	v14 =	vand.u32 $0xFFFFFF80, v56  }
0xad: {  	v39 =	vadd.f32 v12, v39;
	v37 =	vand.u32 $0x7FFFFFFF, v37;
	s24 =	sadd.s32 $0xB000, s19;
	v13 =	vld [tilespmem:s30+$0x0];
	s10 =	sor.u32 s21, s28;
	v46 =	vor.u32 v57, v14  }
0xae: {  	v41 =	vand.u32 $0x7FFFFFFF, v41;
	v38 =	vadd.f32 v38, v25;
	s2 =	sor.u32 s21, s24;
	s30 =	sadd.s32 $0xB800, s19;
	v34 =	vld [tilespmem:s10+$0x0];
	v10 =	vadd.s32 $0xE00, v46  }
0xaf: {  	v42 =	vadd.f32 v54, v24;
	v3 =	vadd.f32 v3, v40;
	s12 =	sor.u32 s21, s30;
	v14 =	vld [tilespmem:s2+$0x0];
	s2 =	sadd.s32 $0xBC00, s19;
	v24 =	vadd.s32 $0xF00, v46  }
0xb0: {  	v12 =	vunpack.i.u.bf16.f32 v35;
	v25 =	vunpack.i.l.bf16.f32 v35;
	v49 =	vld [tilespmem:s12+$0x0];
	v59 =	vadd.s32 $0xC00, v46;
	s13 =	sor.u32 s21, s2  }
0xb1: {  	v58 =	vunpack.i.u.bf16.f32 v55;
	v43 =	vunpack.i.l.bf16.f32 v55;
	v60 =	vadd.s32 $0xD00, v46;
	v53 =	vld [tilespmem:s13+$0x0]  }
0xb2: {  	v61 =	vsub.f32 v23, v25;
	v25 =	vadd.f32 v4, v39;
	v51 =	vadd.s32 $0xA00, v46;
	v44 =	vld.idx.msk [tilespmem:v56+s4+$0x0], $0xffff  }
0xb3: {  	v4 =	vadd.f32 v37, v38;
	v23 =	vadd.f32 v41, v42;
	v62 =	vadd.s32 $0xB00, v46;
	v54 =	vld.idx.msk [tilespmem:v10+s4+$0x0], $0xffff  }
0xb4: {  	v41 =	vadd.s32 $0x400, v46;
	v48 =	vadd.s32 $0x100, v46;
	v10 =	vsub.f32 v26, v12;
	v57 =	vld.idx.msk [tilespmem:v24+s4+$0x0], $0xffff  }
0xb5: {  	v12 =	vsub.f32 v29, v43;
	v29 =	vadd.s32 $0x800, v46;
	v24 =	vsub.f32 v31, v58;
	v58 =	vld.idx.msk [tilespmem:v59+s4+$0x0], $0xffff  }
0xb6: {  	v50 =	vadd.s32 $0x200, v46;
	v31 =	vadd.s32 $0x900, v46;
	v59 =	vadd.s32 $0x600, v46;
	v63 =	vld.idx.msk [tilespmem:v60+s4+$0x0], $0xffff  }
0xb7: {  	v26 =	vand.u32 $0x7FFFFFFF, v61;
	v60 =	vadd.s32 $0x700, v46;
	v61 =	vld.idx.msk [tilespmem:v51+s4+$0x0], $0xffff;
	v51 =	vadd.s32 $0x500, v46  }
0xb8: {  	v42 =	vld.idx.msk [tilespmem:v62+s4+$0x0], $0xffff;
	v46 =	vadd.s32 $0x300, v46;
	v62 =	vunpack.i.u.bf16.f32 v44;
	v44 =	vunpack.i.l.bf16.f32 v44  }
0xb9: {  	v41 =	vld.idx.msk [tilespmem:v41+s4+$0x0], $0xffff;
	v26 =	vadd.f32 v26, v3;
	v24 =	vand.u32 $0x7FFFFFFF, v24;
	v44 =	vsub.f32 v45, v44  }
0xba: {  	v45 =	vsub.f32 v47, v62;
	v29 =	vld.idx.msk [tilespmem:v29+s4+$0x0], $0xffff;
	v47 =	vunpack.i.u.bf16.f32 v54;
	v52 =	vunpack.i.l.bf16.f32 v54  }
0xbb: {  	v31 =	vld.idx.msk [tilespmem:v31+s4+$0x0], $0xffff;
	v54 =	vunpack.i.u.bf16.f32 v57;
	v43 =	vunpack.i.l.bf16.f32 v57;
	v55 =	vunpack.i.u.bf16.f32 v58  }
0xbc: {  	s12 =	sadd.s32 $0x9800, s19;
	v37 =	vld.idx.msk [tilespmem:v59+s4+$0x0], $0xffff;
	v35 =	vunpack.i.l.bf16.f32 v58;
	v56 =	vunpack.i.u.bf16.f32 v63;
	v57 =	vunpack.i.u.bf16.f32 v61  }
0xbd: {  	s1 =	sadd.s32 $0x9C00, s19;
	s16 =	sor.u32 s21, s12;
	v39 =	vld.idx.msk [tilespmem:v60+s4+$0x0], $0xffff;
	v40 =	vunpack.i.l.bf16.f32 v61;
	v38 =	vunpack.i.l.bf16.f32 v63;
	v52 =	vsub.f32 v6, v52  }
0xbe: {  	s31 =	sor.u32 s21, s1;
	v58 =	vld [tilespmem:s16+$0x0];
	v60 =	vunpack.i.u.bf16.f32 v42;
	v47 =	vsub.f32 v7, v47;
	v6 =	vsub.f32 v9, v43  }
0xbf: {  	s0 =	sadd.s32 $0xA000, s19;
	v61 =	vld [tilespmem:s31+$0x0];
	v42 =	vunpack.i.l.bf16.f32 v42;
	v16 =	vsub.f32 v16, v35;
	v7 =	vsub.f32 v8, v54  }
0xc0: {  	s10 =	sor.u32 s21, s0;
	v51 =	vld.idx.msk [tilespmem:v51+s4+$0x0], $0xffff;
	v44 =	vand.u32 $0x7FFFFFFF, v44;
	v54 =	vsub.f32 v15, v55;
	v9 =	vsub.f32 v17, v38  }
0xc1: {  	v43 =	vld [tilespmem:s10+$0x0];
	v20 =	vsub.f32 v20, v40;
	v15 =	vsub.f32 v18, v56;
	v40 =	vunpack.i.u.bf16.f32 v41  }
0xc2: {  	s31 =	sadd.s32 $0xA400, s19;
	v17 =	vld.idx.msk [tilespmem:v48+s4+$0x0], $0xffff;
	v21 =	vsub.f32 v21, v57;
	v42 =	vsub.f32 v22, v42;
	v41 =	vunpack.i.l.bf16.f32 v41  }
0xc3: {  	s16 =	sadd.s32 $0xA800, s19;
	s13 =	sor.u32 s21, s31;
	v38 =	vand.u32 $0x7FFFFFFF, v45;
	v22 =	vld.idx.msk [tilespmem:v50+s4+$0x0], $0xffff;
	v48 =	vsub.f32 v27, v60;
	v14 =	vsub.f32 v14, v41  }
0xc4: {  	s10 =	sor.u32 s21, s16;
	v55 =	vld [tilespmem:s13+$0x0];
	s13 =	sadd.s32 $0xAC00, s19;
	v40 =	vsub.f32 v34, v40;
	v52 =	vand.u32 $0x7FFFFFFF, v52;
	v47 =	vand.u32 $0x7FFFFFFF, v47  }
0xc5: {  	v18 =	vld [tilespmem:s10+$0x0];
	s19 =	sor.u32 s21, s13;
	v54 =	vand.u32 $0x7FFFFFFF, v54;
	v42 =	vand.u32 $0x7FFFFFFF, v42;
	v50 =	vand.u32 $0x7FFFFFFF, v48  }
0xc6: {  	s21 =	sor.u32 s3, s24;
	s24 =	sor.u32 s3, s28;
	s28 =	sor.u32 s3, s30;
	v27 =	vld [tilespmem:s19+$0x0];
	v14 =	vand.u32 $0x7FFFFFFF, v14;
	v59 =	vunpack.i.u.bf16.f32 v29;
	v29 =	vunpack.i.l.bf16.f32 v29  }
0xc7: {  	v34 =	vld [tilespmem:s28+$0x0];
	v62 =	vunpack.i.u.bf16.f32 v31;
	v31 =	vunpack.i.l.bf16.f32 v31;
	v35 =	vunpack.i.u.bf16.f32 v37  }
0xc8: {  	s9 =	sor.u32 s3, s9;
	v37 =	vunpack.i.l.bf16.f32 v37;
	v8 =	vunpack.i.u.bf16.f32 v39;
	v57 =	vsub.f32 v32, v31;
	v31 =	vld.idx.msk [tilespmem:v46+s4+$0x0], $0xffff  }
0xc9: {  	s5 =	sor.u32 s3, s5;
	v39 =	vunpack.i.l.bf16.f32 v39;
	v63 =	vunpack.i.u.bf16.f32 v51;
	v45 =	vsub.f32 v28, v29;
	v28 =	vld [tilespmem:s9+$0x0]  }
0xca: {  	s10 =	sor.u32 s3, s12;
	v56 =	vsub.f32 v30, v59;
	v30 =	vunpack.i.l.bf16.f32 v51;
	v11 =	vsub.f32 v11, v37;
	v32 =	vld [tilespmem:s5+$0x0]  }
0xcb: {  	s0 =	sor.u32 s3, s0;
	v46 =	vsub.f32 v33, v62;
	v60 =	vunpack.i.u.bf16.f32 v17;
	v19 =	vsub.f32 v19, v35;
	v29 =	vld [tilespmem:s10+$0x0]  }
0xcc: {  	s12 =	sor.u32 s3, s31;
	v39 =	vsub.f32 v36, v39;
	v17 =	vunpack.i.l.bf16.f32 v17;
	v8 =	vsub.f32 v13, v8;
	v33 =	vld [tilespmem:s0+$0x0]  }
0xcd: {  	s16 =	sor.u32 s3, s16;
	v13 =	vunpack.i.u.bf16.f32 v22;
	v35 =	vld [tilespmem:s12+$0x0];
	v41 =	vsub.f32 v49, v30;
	v17 =	vsub.f32 v58, v17  }
0xce: {  	s19 =	sor.u32 s3, s13;
	v22 =	vunpack.i.l.bf16.f32 v22;
	v36 =	vld [tilespmem:s16+$0x0];
	v49 =	vsub.f32 v53, v63;
	v62 =	vsub.f32 v61, v60  }
0xcf: {  	s1 =	sor.u32 s3, s1;
	v37 =	vld [tilespmem:s19+$0x0];
	v51 =	vand.u32 $0x7FFFFFFF, v9;
	v43 =	vsub.f32 v43, v22;
	v13 =	vsub.f32 v55, v13  }
0xd0: {  	s12 =	sor.u32 s3, s6;
	s6 =	sor.u32 s3, s18;
	s18 =	sor.u32 s3, s14;
	v30 =	vld [tilespmem:s1+$0x0];
	v53 =	vand.u32 $0x7FFFFFFF, v20;
	v55 =	vand.u32 $0x7FFFFFFF, v16;
	v58 =	vand.u32 $0x7FFFFFFF, v21  }
0xd1: {  	v21 =	vand.u32 $0x7FFFFFFF, v40;
	s1 =	sor.u32 s3, s23;
	v9 =	vld [tilespmem:s18+$0x0];
	v16 =	vand.u32 $0x7FFFFFFF, v19;
	v19 =	vand.u32 $0x7FFFFFFF, v43  }
0xd2: {  	v43 =	vadd.f32 v19, v44;
	v19 =	vld [tilespmem:s1+$0x0];
	v22 =	vunpack.i.l.bf16.f32 v31;
	v31 =	vunpack.i.u.bf16.f32 v31  }
0xd3: {  	v45 =	vand.u32 $0x7FFFFFFF, v45;
	v13 =	vand.u32 $0x7FFFFFFF, v13;
	v63 =	vsub.f32 v27, v31;
	v31 =	vld [tilespmem:s21+$0x0]  }
0xd4: {  	s30 =	sor.u32 s3, s2;
	v11 =	vand.u32 $0x7FFFFFFF, v11;
	v20 =	vand.u32 $0x7FFFFFFF, v62;
	v13 =	vadd.f32 v13, v38;
	v27 =	vld [tilespmem:s24+$0x0]  }
0xd5: {  	s9 =	sor.u32 s3, s26;
	v18 =	vsub.f32 v18, v22;
	v22 =	vld [tilespmem:s30+$0x0];
	v14 =	vadd.f32 v14, v43;
	v60 =	vand.u32 $0x7FFFFFFF, v63  }
0xd6: {  	v17 =	vand.u32 $0x7FFFFFFF, v17;
	v62 =	vadd.f32 v21, v13;
	v21 =	vld [tilespmem:s9+$0x0];
	v38 =	vadd.f32 v60, v20  }
0xd7: {  	s31 =	sor.u32 s3, s22;
	v13 =	vand.u32 $0x7FFFFFFF, v49;
	v49 =	vld [tilespmem:s6+$0x8000];
	v59 =	vand.u32 $0x7FFFFFFF, v18;
	v11 =	vadd.f32 v11, v14  }
0xd8: {  	v8 =	vand.u32 $0x7FFFFFFF, v8;
	v18 =	vld [tilespmem:s31+$0x0];
	v17 =	vadd.f32 v59, v17;
	v38 =	vadd.f32 v13, v38  }
0xd9: {  	s13 =	sor.u32 s3, s17;
	v61 =	vand.u32 $0x7FFFFFFF, v41;
	v63 =	vadd.f32 v16, v62;
	v14 =	vld [tilespmem:s12+$0x0];
	v11 =	vadd.f32 v45, v11  }
0xda: {  	s2 =	sor.u32 s3, s25;
	v15 =	vand.u32 $0x7FFFFFFF, v15;
	v16 =	vld [tilespmem:s13+$0x0];
	v17 =	vadd.f32 v61, v17;
	v8 =	vadd.f32 v8, v38  }
0xdb: {  	s17 =	sld [smem:$0x7EF];
	s10 =	sor.u32 s3, s8;
	v39 =	vand.u32 $0x7FFFFFFF, v39;
	v46 =	vand.u32 $0x7FFFFFFF, v46;
	v20 =	vld [tilespmem:s2+$0x0];
	v11 =	vadd.f32 v53, v11  }
0xdc: {  	s19 =	sor.u32 s3, s15;
	v56 =	vand.u32 $0x7FFFFFFF, v56;
	v13 =	vld [tilespmem:s10+$0x0];
	v17 =	vadd.f32 v39, v17;
	v40 =	vadd.f32 v46, v8  }
0xdd: {  	s22 =	sld [smem:$0x7F0];
	s16 =	sor.u32 s3, s7;
	v44 =	vand.u32 $0x7FFFFFFF, v57;
	v45 =	vadd.f32 v56, v63;
	v53 =	vadd.f32 v55, v11;
	v11 =	vld [tilespmem:s19+$0x0]  }
0xde: {  	s0 =	sor.u32 s3, s17;
	v60 =	vand.u32 $0x7FFFFFFF, v10;
	v38 =	vadd.f32 v44, v17;
	v17 =	vld [tilespmem:s16+$0x0];
	v40 =	vadd.f32 v50, v40  }
0xdf: {  	s21 =	sor.u32 s3, s11;
	v41 =	vand.u32 $0x7F, v49;
	v39 =	vadd.f32 v58, v45;
	v55 =	vadd.s32 v0, v49;
	v8 =	vld [tilespmem:s0+$0x0]  }
0xe0: {  	s23 =	sld [smem:$0x7F1];
	s0 =	sor.u32 s3, s22;
	v59 =	vand.u32 $0xFFFFFF80, v55;
	v38 =	vadd.f32 v42, v38;
	v40 =	vadd.f32 v15, v40;
	v15 =	vld [tilespmem:s21+$0x0];
	[tilespmem:$0x1FFF0] =	vst v0  }
0xe1: {  	s5 =	rddreg [dreg:$0x7];
	v39 =	vadd.f32 v54, v39;
	v54 =	vand.u32 $0x7FFFFFFF, v6;
	v41 =	vor.u32 v41, v59;
	v6 =	vld [tilespmem:s0+$0x0]  }
0xe2: {  	s24 =	sld [smem:$0x7F2];
	v58 =	vand.u32 $0x7FFFFFFF, v7;
	v59 =	vadd.s32 $0x500, v41;
	v38 =	vadd.f32 v51, v38;
	v61 =	vld [tilespmem:s20+$0x8800]  }
0xe3: {  	v43 =	vadd.f32 v52, v53;
	v39 =	vadd.f32 v47, v39;
	v63 =	vadd.s32 $0x200, v41;
	s0 =	sor.u32 s3, s23;
	v3 =	vld [tilespmem:s5+$0x8800]  }
0xe4: {  	v57 =	vadd.s32 $0x400, v41;
	v7 =	vld [tilespmem:s0+$0x0];
	v38 =	vadd.f32 v54, v38;
	v40 =	vadd.f32 v58, v40  }
0xe5: {  	v25 =	vadd.f32 v60, v25;
	v45 =	vand.u32 $0x7FFFFFFF, v12;
	v62 =	vadd.s32 $0x100, v41;
	s0 =	sor.u32 s3, s24;
	v58 =	vld.idx.msk [tilespmem:v55+s4+$0x0], $0xffff  }
0xe6: {  	v56 =	vadd.s32 $0x300, v41;
	v39 =	vadd.f32 v39, v43;
	v10 =	vld [tilespmem:s0+$0x0];
	v38 =	vadd.f32 v40, v38  }
0xe7: {  	v23 =	vadd.f32 v24, v23;
	v4 =	vadd.f32 v45, v4;
	v48 =	vadd.s32 $0x600, v41;
	v44 =	vld.idx.msk [tilespmem:v59+s4+$0x0], $0xffff  }
0xe8: {  	v25 =	vadd.f32 v25, v26;
	v49 =	vadd.s32 $0x700, v41;
	v40 =	vld.idx.msk [tilespmem:v63+s4+$0x0], $0xffff;
	v38 =	vadd.f32 v38, v39  }
0xe9: {  	v4 =	vadd.f32 v23, v4;
	v50 =	vadd.s32 $0x800, v41;
	v60 =	vadd.s32 $0x900, v41;
	v63 =	vld.idx.msk [tilespmem:v57+s4+$0x0], $0xffff  }
0xea: {  	v46 =	vadd.s32 $0xA00, v41;
	v24 =	vadd.s32 $0xB00, v41;
	v52 =	vadd.f32 v38, v61;
	v61 =	vld.idx.msk [tilespmem:v62+s4+$0x0], $0xffff  }
0xeb: {  	v45 =	vadd.s32 $0xC00, v41;
	v23 =	vadd.s32 $0xE00, v41;
	v26 =	vunpack.i.l.bf16.f32 v58;
	v62 =	vld.idx.msk [tilespmem:v56+s4+$0x0], $0xffff  }
0xec: {  	s26 =	sld [smem:$0x7F4];
	v47 =	vadd.s32 $0xD00, v41;
	v55 =	vadd.s32 $0xF00, v41;
	v41 =	vld.idx.msk [tilespmem:v48+s4+$0x0], $0xffff;
	v26 =	vsub.f32 v28, v26  }
0xed: {  	s25 =	sld [smem:$0x7F3];
	v4 =	vadd.f32 v4, v25;
	v42 =	vld.idx.msk [tilespmem:v49+s4+$0x0], $0xffff;
	v39 =	vunpack.i.u.bf16.f32 v58;
	v28 =	vunpack.i.u.bf16.f32 v40  }
0xee: {  	v56 =	vsub.f32 v32, v39;
	v38 =	vld.idx.msk [tilespmem:v60+s4+$0x0], $0xffff;
	v43 =	vand.u32 $0x7FFFFFFF, v26;
	v60 =	vsub.f32 v35, v28  }
0xef: {  	[tilespmem:s26+$0x8800] =	vst v5;
	v28 =	vld.idx.msk [tilespmem:v24+s4+$0x0], $0xffff;
	v24 =	vunpack.i.l.bf16.f32 v44;
	v25 =	vunpack.i.u.bf16.f32 v61;
	v26 =	vunpack.i.l.bf16.f32 v61  }
0xf0: {  	s28 =	sld [smem:$0x7F6];
	s0 =	sor.u32 s3, s25;
	v23 =	vld.idx.msk [tilespmem:v23+s4+$0x0], $0xffff;
	v59 =	vunpack.i.l.bf16.f32 v62;
	v61 =	vunpack.i.u.bf16.f32 v63;
	v63 =	vunpack.i.l.bf16.f32 v63  }
0xf1: {  	s30 =	sld [smem:$0x7F7];
	v12 =	vld [tilespmem:s0+$0x0];
	v26 =	vsub.f32 v29, v26;
	v29 =	vunpack.i.l.bf16.f32 v40;
	v25 =	vsub.f32 v30, v25  }
0xf2: {  	s31 =	sld [smem:$0x7F8];
	v39 =	vld.idx.msk [tilespmem:v50+s4+$0x0], $0xffff;
	v30 =	vunpack.i.u.bf16.f32 v62;
	v62 =	vsub.f32 v36, v59;
	v36 =	vunpack.i.u.bf16.f32 v44  }
0xf3: {  	s0 =	sld [smem:$0x7F5];
	v40 =	vand.u32 $0x7FFFFFFF, v60;
	v5 =	vsub.f32 v31, v63;
	v33 =	vsub.f32 v33, v29;
	v29 =	vld.idx.msk [tilespmem:v46+s4+$0x0], $0xffff  }
0xf4: {  	v44 =	vsub.f32 v27, v61;
	v30 =	vsub.f32 v37, v30;
	v32 =	vand.u32 $0x7FFFFFFF, v26;
	v26 =	vld.idx.msk [tilespmem:v45+s4+$0x0], $0xffff  }
0xf5: {  	s16 =	simm.s32 $0x2;
	s2 =	sor.u32 s3, s30;
	v35 =	vand.u32 $0x7FFFFFFF, v25;
	v25 =	vld.idx.msk [tilespmem:v47+s4+$0x0], $0xffff;
	v45 =	vand.u32 $0x7FFFFFFF, v62;
	v46 =	vand.u32 $0x7FFFFFFF, v33  }
0xf6: {  	s13 =	sor.u32 s3, s0;
	s0 =	sor.u32 s3, s28;
	s3 =	sor.u32 s3, s31;
	[tilespmem:s20+$0x8800] =	vst v52;
	v37 =	vand.u32 $0x7FFFFFFF, v30;
	v30 =	vand.u32 $0x7FFFFFFF, v56;
	v33 =	vsub.f32 v34, v24;
	v24 =	vld.idx.msk [tilespmem:v55+s4+$0x0], $0xffff  }
.LBB2_5:
0xf7: {  	s16 =	sadd.s32 $0x2, s16;
	v27 =	vld [tilespmem:s13+$0x0];
	s29 =	sadd.s32 $0x20, s29  }
0xf8: {  	[dreg:$0x7] =	wrdreg s5;
	v34 =	vadd.f32 v46, v43;
	v40 =	vadd.f32 v40, v30;
	v30 =	vld [tilespmem:s0+$0x0];
	s1 =	sshll.u32 s16, $0x4;
	s18 =	sand.u32 $0x60, s29  }
0xf9: {  	v54 =	vadd.f32 v45, v32;
	v35 =	vadd.f32 v37, v35;
	v31 =	vld [tilespmem:s2+$0x0];
	s30 =	sshrl.u32 s16, $0x3;
	s15 =	sand.u32 $0x3FFFFF80, s1;
	s14 =	sor.u32 $0x10, s18  }
0xfa: {  	v32 =	vld [tilespmem:s3+$0x0];
	v22 =	vsub.f32 v22, v36;
	v58 =	vand.u32 $0x7FFFFFFF, v5;
	v44 =	vand.u32 $0x7FFFFFFF, v44;
	s1 =	sadd.s32 $0x10000, s15;
	s8 =	sadd.s32 $0x10400, s15;
	s10 =	sadd.s32 $0x10800, s15  }
0xfb: {  	v0 =	vld [tilespmem:s6+$0x8800];
	v33 =	vand.u32 $0x7FFFFFFF, v33;
	v34 =	vadd.f32 v58, v34;
	v40 =	vadd.f32 v44, v40;
	s11 =	sadd.s32 $0x10C00, s15;
	s12 =	sadd.s32 $0xF000, s15;
	s20 =	sadd.s32 $0xF400, s15  }
0xfc: {  	v5 =	vmovc v3;
	v3 =	vld [tilespmem:$0x1FFF0];
	v33 =	vadd.f32 v33, v54;
	v48 =	vunpack.i.u.bf16.f32 v29;
	s22 =	sadd.s32 $0xF800, s15;
	v55 =	vunpack.i.l.bf16.f32 v41;
	s13 =	sor.u32 s18, s1;
	s1 =	sor.u32 s14, s1  }
0xfd: {  	v50 =	vunpack.i.l.bf16.f32 v29;
	s24 =	sadd.s32 $0xFC00, s15;
	s25 =	sadd.s32 $0xE000, s15;
	v53 =	vunpack.i.u.bf16.f32 v41;
	s0 =	sor.u32 s14, s8;
	v41 =	vsub.f32 v18, v55;
	v18 =	vld [tilespmem:s1+$0x0]  }
0xfe: {  	v4 =	vadd.f32 v4, v5;
	s31 =	sadd.s32 $0xE400, s15;
	v57 =	vunpack.i.l.bf16.f32 v42;
	s9 =	sor.u32 s18, s8;
	s3 =	sor.u32 s14, s10;
	v36 =	vsub.f32 v19, v53;
	v19 =	vld [tilespmem:s0+$0x0]  }
0xff: {  	v22 =	vand.u32 $0x7FFFFFFF, v22;
	v56 =	vunpack.i.u.bf16.f32 v42;
	s2 =	sor.u32 s18, s10;
	s5 =	sor.u32 s14, s12;
	s8 =	rddreg [dreg:$0x4];
	v42 =	vsub.f32 v20, v57;
	v20 =	vld [tilespmem:s3+$0x0]  }
0x100: {  	v61 =	vunpack.i.u.bf16.f32 v38;
	v62 =	vunpack.i.l.bf16.f32 v38;
	s17 =	sor.u32 s18, s11;
	v35 =	vadd.f32 v22, v35;
	s28 =	sor.u32 s14, s24;
	[dreg:$0x18] =	wrdreg s9;
	v22 =	vld [tilespmem:s5+$0x0]  }
0x101: {  	v43 =	vsub.f32 v8, v50;
	v59 =	vunpack.i.u.bf16.f32 v39;
	s19 =	sor.u32 s18, s12;
	v38 =	vsub.f32 v16, v62;
	s7 =	sor.u32 s14, s25;
	[dreg:$0x13] =	wrdreg s17;
	v16 =	vld [tilespmem:s28+$0x0]  }
0x102: {  	v60 =	vunpack.i.l.bf16.f32 v39;
	s21 =	sor.u32 s18, s20;
	v49 =	vsub.f32 v17, v61;
	v51 =	vunpack.i.u.bf16.f32 v28;
	s10 =	sor.u32 s14, s31;
	[dreg:$0x9] =	wrdreg s19;
	v17 =	vld [tilespmem:s7+$0x0]  }
0x103: {  	s23 =	sor.u32 s18, s22;
	v58 =	vunpack.i.u.bf16.f32 v25;
	v37 =	vsub.f32 v21, v56;
	s1 =	sor.u32 s14, s11;
	[dreg:$0xd] =	wrdreg s21;
	v53 =	vunpack.i.l.bf16.f32 v28;
	v28 =	vld [tilespmem:s10+$0x0]  }
0x104: {  	s26 =	sor.u32 s18, s24;
	v25 =	vunpack.i.l.bf16.f32 v25;
	s3 =	sor.u32 s14, s20;
	v39 =	vsub.f32 v13, v60;
	[dreg:$0xb] =	wrdreg s23;
	v63 =	vsub.f32 v14, v59;
	v21 =	vld [tilespmem:s1+$0x0]  }
0x105: {  	s24 =	sadd.s32 $0xD800, s15;
	[tilespmem:$0x1FFE0] =	vst v0;
	[dreg:$0xf] =	wrdreg s26;
	s9 =	sor.u32 s8, s30;
	v55 =	vsub.f32 v9, v48;
	v56 =	vunpack.i.u.bf16.f32 v26;
	v26 =	vunpack.i.l.bf16.f32 v26;
	v13 =	vld [tilespmem:s3+$0x0]  }
0x106: {  	s11 =	sor.u32 s18, s25;
	s7 =	sadd.s32 $0xEC00, s15;
	v59 =	vand.u32 $0x7FFFFFFF, v43;
	v25 =	vsub.f32 v10, v25;
	s1 =	sor.u32 s14, s22;
	v38 =	vand.u32 $0x7FFFFFFF, v38;
	v5 =	vld [tilespmem:$0x1FFE0]  }
0x107: {  	s17 =	sadd.s32 $0xD000, s15;
	s19 =	sor.u32 s18, s31;
	s20 =	sor.u32 s14, s7;
	v6 =	vsub.f32 v6, v26;
	v7 =	vsub.f32 v7, v56;
	v41 =	vand.u32 $0x7FFFFFFF, v41;
	v14 =	vld [tilespmem:s1+$0x0]  }
0x108: {  	s26 =	sor.u32 s14, s24;
	s8 =	sor.u32 s14, s17;
	v36 =	vand.u32 $0x7FFFFFFF, v36;
	v42 =	vand.u32 $0x7FFFFFFF, v42;
	v37 =	vand.u32 $0x7FFFFFFF, v37;
	s1 =	sshll.u32 s9, $0x7;
	v8 =	vld [tilespmem:s20+$0x0]  }
0x109: {  	s3 =	sadd.s32 $0xE800, s15;
	[dreg:$0x14] =	wrdreg s11;
	v52 =	vand.u32 $0x7FFFFFFF, v39;
	v54 =	vand.u32 $0x7FFFFFFF, v63;
	v39 =	vsub.f32 v11, v53;
	v9 =	vld [tilespmem:s8+$0x0];
	s11 =	sor.u32 s14, s1  }
0x10a: {  	s31 =	sadd.s32 $0xC800, s15;
	s22 =	sadd.s32 $0xD400, s15;
	s12 =	sor.u32 s14, s3;
	v60 =	vand.u32 $0x7FFFFFFF, v55;
	v63 =	vunpack.i.u.bf16.f32 v23;
	v23 =	vunpack.i.l.bf16.f32 v23;
	v57 =	vld [tilespmem:s11+$0x8000]  }
0x10b: {  	s0 =	sadd.s32 $0xCC00, s15;
	[dreg:$0x16] =	wrdreg s19;
	s25 =	sor.u32 s14, s22;
	v55 =	vunpack.i.u.bf16.f32 v24;
	v24 =	vunpack.i.l.bf16.f32 v24;
	v34 =	vadd.f32 v41, v34;
	v29 =	vld [tilespmem:s12+$0x0]  }
0x10c: {  	s21 =	sor.u32 s18, s17;
	s17 =	sor.u32 s14, s0;
	s20 =	sadd.s32 $0x9400, s15;
	v25 =	vand.u32 $0x7FFFFFFF, v25;
	v36 =	vadd.f32 v36, v40;
	v33 =	vadd.f32 v42, v33;
	v11 =	vld [tilespmem:s25+$0x0]  }
0x10d: {  	[dreg:$0x19] =	wrdreg s21;
	s9 =	sadd.s32 $0xDC00, s15;
	v35 =	vadd.f32 v37, v35;
	v41 =	vand.u32 $0x7FFFFFFF, v49;
	v40 =	vsub.f32 v15, v51;
	v15 =	vld [tilespmem:s26+$0x0];
	s21 =	sor.u32 s14, s20  }
0x10e: {  	s23 =	sor.u32 s18, s22;
	s12 =	sadd.s32 $0xC000, s15;
	s28 =	sor.u32 s14, s9;
	v37 =	vsub.f32 v12, v58;
	v6 =	vand.u32 $0x7FFFFFFF, v6;
	v7 =	vand.u32 $0x7FFFFFFF, v7;
	v48 =	vld [tilespmem:s21+$0x0]  }
0x10f: {  	s22 =	sadd.s32 $0xB000, s15;
	v27 =	vsub.f32 v27, v23;
	s19 =	sor.u32 s18, s12;
	s12 =	sor.u32 s14, s12;
	v38 =	vadd.f32 v38, v33;
	v33 =	vld [tilespmem:s28+$0x0];
	v26 =	vadd.s32 v3, v57  }
0x110: {  	[dreg:$0x1b] =	wrdreg s23;
	s23 =	sor.u32 s18, s0;
	s0 =	sor.u32 s14, s22;
	v34 =	vadd.f32 v52, v34;
	v10 =	vld [tilespmem:s12+$0x0];
	v61 =	vand.u32 $0x7F, v57;
	v12 =	vand.u32 $0xFFFFFF80, v26  }
0x111: {  	s8 =	sor.u32 s14, s31;
	v30 =	vsub.f32 v30, v63;
	v35 =	vadd.f32 v41, v35;
	v52 =	vld [tilespmem:s0+$0x0];
	v43 =	vor.u32 v61, v12  }
0x112: {  	s30 =	sadd.s32 $0xC400, s15;
	s10 =	sor.u32 s18, s1;
	v40 =	vand.u32 $0x7FFFFFFF, v40;
	v41 =	vadd.f32 v59, v34;
	v34 =	vld [tilespmem:s8+$0x0];
	v62 =	vadd.s32 $0xE00, v43  }
0x113: {  	s5 =	sor.u32 s18, s9;
	s9 =	sor.u32 s14, s30;
	s1 =	sadd.s32 $0x9000, s15;
	v36 =	vadd.f32 v54, v36;
	v40 =	vadd.f32 v40, v35;
	v35 =	vld [tilespmem:s17+$0x0];
	v54 =	vadd.s32 $0xF00, v43  }
0x114: {  	v31 =	vsub.f32 v31, v24;
	v32 =	vsub.f32 v32, v55;
	v12 =	vld [tilespmem:s9+$0x0];
	s9 =	sor.u32 s14, s1;
	v47 =	vadd.s32 $0xC00, v43  }
0x115: {  	v39 =	vand.u32 $0x7FFFFFFF, v39;
	v36 =	vadd.f32 v60, v36;
	v56 =	vld [tilespmem:s9+$0x0];
	v49 =	vadd.s32 $0xD00, v43  }
0x116: {  	v37 =	vand.u32 $0x7FFFFFFF, v37;
	v38 =	vadd.f32 v39, v38;
	v57 =	vadd.s32 $0x800, v43;
	v50 =	vld.idx.msk [tilespmem:v26+s4+$0x0], $0xffff  }
0x117: {  	v41 =	vadd.f32 v6, v41;
	v6 =	vadd.f32 v7, v36;
	v59 =	vadd.s32 $0x600, v43;
	v39 =	vld.idx.msk [tilespmem:v62+s4+$0x0], $0xffff  }
0x118: {  	v23 =	vadd.f32 v25, v38;
	v24 =	vadd.f32 v37, v40;
	v26 =	vadd.s32 $0xA00, v43;
	v44 =	vld.idx.msk [tilespmem:v54+s4+$0x0], $0xffff  }
0x119: {  	v25 =	vand.u32 $0x7FFFFFFF, v27;
	v7 =	vand.u32 $0x7FFFFFFF, v30;
	v61 =	vadd.s32 $0x700, v43;
	v47 =	vld.idx.msk [tilespmem:v47+s4+$0x0], $0xffff  }
0x11a: {  	v27 =	vand.u32 $0x7FFFFFFF, v32;
	v25 =	vadd.f32 v25, v41;
	v51 =	vadd.s32 $0xB00, v43;
	v60 =	vld.idx.msk [tilespmem:v49+s4+$0x0], $0xffff  }
0x11b: {  	v58 =	vadd.s32 $0x900, v43;
	v30 =	vadd.s32 $0x400, v43;
	v32 =	vadd.s32 $0x100, v43;
	v42 =	vld.idx.msk [tilespmem:v57+s4+$0x0], $0xffff  }
0x11c: {  	v41 =	vadd.s32 $0x500, v43;
	v49 =	vadd.s32 $0x200, v43;
	v43 =	vadd.s32 $0x300, v43;
	v36 =	vld.idx.msk [tilespmem:v59+s4+$0x0], $0xffff  }
0x11d: {  	v62 =	vld.idx.msk [tilespmem:v26+s4+$0x0], $0xffff;
	v26 =	vand.u32 $0x7FFFFFFF, v31;
	v63 =	vunpack.i.u.bf16.f32 v50;
	v50 =	vunpack.i.l.bf16.f32 v50  }
0x11e: {  	s26 =	sor.u32 s18, s31;
	s31 =	sadd.s32 $0xB400, s15;
	v37 =	vld.idx.msk [tilespmem:v61+s4+$0x0], $0xffff;
	v46 =	vsub.f32 v56, v50;
	v48 =	vsub.f32 v48, v63;
	v50 =	vunpack.i.u.bf16.f32 v39  }
0x11f: {  	[dreg:$0x8] =	wrdreg s6;
	s8 =	sor.u32 s14, s31;
	v31 =	vld.idx.msk [tilespmem:v51+s4+$0x0], $0xffff;
	v39 =	vunpack.i.l.bf16.f32 v39;
	v51 =	vunpack.i.u.bf16.f32 v44;
	v44 =	vunpack.i.l.bf16.f32 v44  }
0x120: {  	s6 =	sor.u32 s18, s24;
	s24 =	sor.u32 s18, s1;
	v55 =	vld [tilespmem:s8+$0x0];
	s1 =	sadd.s32 $0xB800, s15;
	v53 =	vunpack.i.u.bf16.f32 v47;
	v47 =	vunpack.i.l.bf16.f32 v47;
	v54 =	vunpack.i.u.bf16.f32 v60  }
0x121: {  	s12 =	sor.u32 s14, s1;
	v45 =	vld.idx.msk [tilespmem:v58+s4+$0x0], $0xffff;
	v57 =	vunpack.i.l.bf16.f32 v60;
	v59 =	vunpack.i.u.bf16.f32 v42;
	v61 =	vunpack.i.l.bf16.f32 v42  }
0x122: {  	v58 =	vld [tilespmem:s12+$0x0];
	v0 =	vunpack.i.u.bf16.f32 v36;
	v18 =	vsub.f32 v18, v39;
	v19 =	vsub.f32 v19, v50  }
0x123: {  	v30 =	vld.idx.msk [tilespmem:v30+s4+$0x0], $0xffff;
	v1 =	vunpack.i.l.bf16.f32 v36;
	v36 =	vsub.f32 v20, v44;
	v22 =	vsub.f32 v22, v47  }
0x124: {  	s25 =	sor.u32 s18, s30;
	s21 =	sadd.s32 $0xBC00, s15;
	v32 =	vld.idx.msk [tilespmem:v32+s4+$0x0], $0xffff;
	v2 =	vunpack.i.u.bf16.f32 v37;
	v38 =	vsub.f32 v21, v51;
	v13 =	vsub.f32 v13, v53  }
0x125: {  	s30 =	sor.u32 s18, s22;
	s22 =	sadd.s32 $0x9800, s15;
	s9 =	sor.u32 s14, s21;
	v37 =	vunpack.i.l.bf16.f32 v37;
	v39 =	vld.idx.msk [tilespmem:v41+s4+$0x0], $0xffff;
	v41 =	vsub.f32 v14, v57;
	v42 =	vsub.f32 v16, v54  }
0x126: {  	s12 =	sor.u32 s14, s22;
	v63 =	vld [tilespmem:s9+$0x0];
	v21 =	vand.u32 $0x7FFFFFFF, v46;
	v9 =	vsub.f32 v9, v61;
	v11 =	vsub.f32 v11, v59  }
0x127: {  	s17 =	sor.u32 s18, s3;
	s3 =	sor.u32 s18, s31;
	s31 =	sadd.s32 $0xA400, s15;
	v20 =	vld [tilespmem:s12+$0x0];
	v14 =	vand.u32 $0x7FFFFFFF, v48;
	v1 =	vsub.f32 v10, v1;
	v0 =	vsub.f32 v12, v0  }
0x128: {  	s0 =	sor.u32 s14, s31;
	v16 =	vld.idx.msk [tilespmem:v49+s4+$0x0], $0xffff;
	v54 =	vunpack.i.u.bf16.f32 v30;
	v12 =	vsub.f32 v34, v37;
	v2 =	vsub.f32 v35, v2  }
0x129: {  	v61 =	vld [tilespmem:s0+$0x0];
	v56 =	vunpack.i.u.bf16.f32 v62;
	v40 =	vunpack.i.l.bf16.f32 v62;
	v60 =	vunpack.i.u.bf16.f32 v31  }
0x12a: {  	s8 =	sor.u32 s18, s21;
	s21 =	sadd.s32 $0x9C00, s15;
	s9 =	sor.u32 s18, s22;
	v49 =	vld [tilespmem:s10+$0x8000];
	v31 =	vunpack.i.l.bf16.f32 v31;
	v62 =	vunpack.i.u.bf16.f32 v45;
	v50 =	vsub.f32 v55, v54  }
0x12b: {  	s22 =	sadd.s32 $0xA000, s15;
	s12 =	sor.u32 s18, s21;
	s21 =	sor.u32 s14, s21;
	v35 =	vld [tilespmem:s24+$0x0];
	v45 =	vunpack.i.l.bf16.f32 v45;
	v17 =	vsub.f32 v17, v40;
	v46 =	vsub.f32 v28, v56  }
0x12c: {  	v44 =	vld [tilespmem:s21+$0x0];
	s21 =	sor.u32 s18, s22;
	s22 =	sor.u32 s14, s22;
	v47 =	vsub.f32 v29, v31;
	v29 =	vunpack.i.l.bf16.f32 v30;
	v8 =	vsub.f32 v8, v60  }
0x12d: {  	s28 =	sor.u32 s18, s20;
	s20 =	sor.u32 s18, s1;
	s1 =	sadd.s32 $0xA800, s15;
	v28 =	vld [tilespmem:s22+$0x0];
	v15 =	vsub.f32 v15, v45;
	v10 =	vsub.f32 v33, v62;
	v62 =	vunpack.i.u.bf16.f32 v32  }
0x12e: {  	s0 =	sor.u32 s14, s1;
	v30 =	vld.idx.msk [tilespmem:v43+s4+$0x0], $0xffff;
	v32 =	vunpack.i.l.bf16.f32 v32;
	v9 =	vand.u32 $0x7FFFFFFF, v9;
	v11 =	vand.u32 $0x7FFFFFFF, v11  }
0x12f: {  	s7 =	sor.u32 s18, s7;
	s15 =	sadd.s32 $0xAC00, s15;
	s22 =	sor.u32 s18, s31;
	v56 =	vld [tilespmem:s0+$0x0];
	v1 =	vand.u32 $0x7FFFFFFF, v1;
	v0 =	vand.u32 $0x7FFFFFFF, v0;
	v12 =	vand.u32 $0x7FFFFFFF, v12  }
0x130: {  	s31 =	sor.u32 s18, s1;
	s1 =	sor.u32 s18, s15;
	s18 =	sor.u32 s14, s15;
	v33 =	vld [tilespmem:s20+$0x0];
	v2 =	vand.u32 $0x7FFFFFFF, v2;
	v48 =	vsub.f32 v52, v29;
	v31 =	vunpack.i.u.bf16.f32 v39  }
0x131: {  	v57 =	vld [tilespmem:s18+$0x0];
	v39 =	vunpack.i.l.bf16.f32 v39;
	v29 =	vunpack.i.u.bf16.f32 v16;
	v20 =	vsub.f32 v20, v32  }
0x132: {  	v34 =	vld [tilespmem:s22+$0x0];
	v16 =	vunpack.i.l.bf16.f32 v16;
	v51 =	vsub.f32 v58, v39;
	v52 =	vsub.f32 v63, v31  }
0x133: {  	v37 =	vld [tilespmem:s31+$0x0];
	v31 =	vsub.f32 v44, v62;
	v59 =	vsub.f32 v61, v29;
	v62 =	vand.u32 $0x7FFFFFFF, v18  }
0x134: {  	v40 =	vld [tilespmem:s1+$0x0];
	v63 =	vand.u32 $0x7FFFFFFF, v19;
	v16 =	vsub.f32 v28, v16;
	v58 =	vunpack.i.l.bf16.f32 v30  }
0x135: {  	v32 =	vld [tilespmem:s21+$0x0];
	v30 =	vunpack.i.u.bf16.f32 v30;
	v18 =	vand.u32 $0x7FFFFFFF, v20;
	v20 =	vand.u32 $0x7FFFFFFF, v50  }
0x136: {  	v39 =	vld [tilespmem:s28+$0x0];
	v60 =	vsub.f32 v56, v58;
	v61 =	vsub.f32 v57, v30;
	v57 =	vand.u32 $0x7FFFFFFF, v22  }
0x137: {  	v29 =	vld [tilespmem:s12+$0x0];
	v58 =	vand.u32 $0x7FFFFFFF, v13;
	v13 =	vand.u32 $0x7FFFFFFF, v48;
	v22 =	vand.u32 $0x7FFFFFFF, v59  }
0x138: {  	v28 =	vld [tilespmem:s9+$0x0];
	v19 =	vand.u32 $0x7FFFFFFF, v31;
	v16 =	vand.u32 $0x7FFFFFFF, v16;
	v14 =	vadd.f32 v22, v14  }
0x139: {  	v30 =	vld [tilespmem:s30+$0x0];
	v43 =	vand.u32 $0x7FFFFFFF, v60;
	v16 =	vadd.f32 v16, v21;
	v21 =	vand.u32 $0x7FFFFFFF, v61  }
0x13a: {  	v31 =	vld [tilespmem:s3+$0x0];
	v43 =	vadd.f32 v43, v18;
	v19 =	vadd.f32 v21, v19;
	v21 =	vand.u32 $0x7FFFFFFF, v51  }
0x13b: {  	v22 =	vld [tilespmem:s8+$0x0];
	v14 =	vadd.f32 v20, v14;
	v13 =	vadd.f32 v13, v16;
	v16 =	vand.u32 $0x7FFFFFFF, v52  }
0x13c: {  	v17 =	vand.u32 $0x7FFFFFFF, v17;
	v60 =	vld [tilespmem:s11+$0x8800];
	v21 =	vadd.f32 v21, v43;
	v16 =	vadd.f32 v16, v19  }
0x13d: {  	v46 =	vand.u32 $0x7FFFFFFF, v46;
	v18 =	vld [tilespmem:s19+$0x0];
	v0 =	vadd.f32 v0, v14;
	v1 =	vadd.f32 v1, v13  }
0x13e: {  	v20 =	vld [tilespmem:s26+$0x0];
	v14 =	vand.u32 $0x7FFFFFFF, v15;
	v12 =	vadd.f32 v12, v21;
	v2 =	vadd.f32 v2, v16  }
0x13f: {  	s20 =	rddreg [dreg:$0x19];
	v19 =	vld [tilespmem:s25+$0x0];
	v0 =	vadd.f32 v11, v0;
	v1 =	vadd.f32 v9, v1;
	v9 =	vand.u32 $0x7FFFFFFF, v10  }
0x140: {  	v8 =	vand.u32 $0x7FFFFFFF, v8;
	v13 =	vld [tilespmem:s20+$0x0];
	v10 =	vadd.f32 v14, v12;
	v2 =	vadd.f32 v9, v2  }
0x141: {  	v21 =	vld [tilespmem:s23+$0x0];
	v9 =	vand.u32 $0x7FFFFFFF, v47;
	v0 =	vadd.f32 v46, v0;
	v1 =	vadd.f32 v17, v1  }
0x142: {  	s21 =	rddreg [dreg:$0x1b];
	v59 =	vadd.s32 v3, v49;
	v16 =	vld [tilespmem:s6+$0x0];
	v9 =	vadd.f32 v9, v10;
	v2 =	vadd.f32 v8, v2  }
0x143: {  	v14 =	vld [tilespmem:s21+$0x0];
	v10 =	vand.u32 $0x7FFFFFFF, v41;
	v0 =	vadd.f32 v58, v0;
	v41 =	vadd.f32 v7, v6  }
0x144: {  	s22 =	rddreg [dreg:$0x14];
	v11 =	vand.u32 $0x7FFFFFFF, v42;
	v17 =	vld [tilespmem:s5+$0x0];
	v1 =	vadd.f32 v57, v1;
	v10 =	vadd.f32 v10, v9  }
0x145: {  	s24 =	rddreg [dreg:$0x9];
	v12 =	vand.u32 $0x7FFFFFFF, v36;
	v8 =	vld [tilespmem:s22+$0x0];
	v2 =	vadd.f32 v11, v2;
	v0 =	vadd.f32 v63, v0  }
0x146: {  	v15 =	vand.u32 $0x7FFFFFFF, v38;
	s25 =	rddreg [dreg:$0xd];
	v6 =	vld [tilespmem:s24+$0x0];
	v1 =	vadd.f32 v62, v1;
	v10 =	vadd.f32 v12, v10  }
0x147: {  	s23 =	rddreg [dreg:$0x16];
	v7 =	vld [tilespmem:s25+$0x0];
	v2 =	vadd.f32 v15, v2;
	v12 =	vand.u32 $0xFFFFFF80, v59;
	v15 =	vand.u32 $0x7F, v49  }
0x148: {  	v9 =	vld [tilespmem:s23+$0x0];
	v61 =	vor.u32 v15, v12  }
0x149: {  	v11 =	vld [tilespmem:s17+$0x0];
	v0 =	vadd.f32 v0, v1;
	v1 =	vadd.f32 v2, v10;
	v2 =	vadd.s32 $0x100, v61  }
0x14a: {  	s28 =	rddreg [dreg:$0xf];
	v15 =	vld [tilespmem:s7+$0x0];
	v45 =	vadd.s32 $0x400, v61  }
0x14b: {  	v12 =	vld [tilespmem:s28+$0x0];
	v43 =	vadd.s32 $0x200, v61;
	v0 =	vadd.f32 v1, v0  }
0x14c: {  	s26 =	rddreg [dreg:$0xb];
	v44 =	vadd.s32 $0x300, v61;
	v1 =	vld.idx.msk [tilespmem:v59+s4+$0x0], $0xffff  }
0x14d: {  	v24 =	vadd.f32 v27, v24;
	v46 =	vadd.s32 $0x500, v61;
	v10 =	vld [tilespmem:s26+$0x0];
	v0 =	vadd.f32 v0, v60  }
0x14e: {  	v25 =	vadd.f32 v41, v25;
	v36 =	vadd.s32 $0x600, v61;
	v47 =	vadd.s32 $0x700, v61;
	v2 =	vld.idx.msk [tilespmem:v2+s4+$0x0], $0xffff  }
0x14f: {  	v48 =	vadd.s32 $0x800, v61;
	v62 =	vadd.s32 $0x900, v61;
	v27 =	vld.idx.msk [tilespmem:v45+s4+$0x0], $0xffff;
	[tilespmem:s11+$0x8800] =	vst v0;
	v0 =	vadd.f32 v26, v23  }
0x150: {  	v63 =	vadd.s32 $0xA00, v61;
	v57 =	vadd.s32 $0xB00, v61;
	v58 =	vadd.s32 $0xC00, v61;
	v23 =	vld.idx.msk [tilespmem:v43+s4+$0x0], $0xffff  }
0x151: {  	v3 =	vmovc v5;
	s30 =	rddreg [dreg:$0x7];
	v26 =	vld.idx.msk [tilespmem:v44+s4+$0x0], $0xffff;
	v5 =	vunpack.i.u.bf16.f32 v1;
	v1 =	vunpack.i.l.bf16.f32 v1;
	v0 =	vadd.f32 v24, v0  }
0x152: {  	v59 =	vadd.s32 $0xD00, v61;
	v1 =	vsub.f32 v35, v1;
	v24 =	vsub.f32 v39, v5;
	v5 =	vld.idx.msk [tilespmem:v46+s4+$0x0], $0xffff;
	[tilespmem:s30+$0x8800] =	vst v4  }
0x153: {  	v60 =	vadd.s32 $0xE00, v61;
	v61 =	vadd.s32 $0xF00, v61;
	v41 =	vld.idx.msk [tilespmem:v36+s4+$0x0], $0xffff;
	v4 =	vadd.f32 v0, v25  }
0x154: {  	v42 =	vld.idx.msk [tilespmem:v47+s4+$0x0], $0xffff;
	v43 =	vand.u32 $0x7FFFFFFF, v1;
	v0 =	vunpack.i.u.bf16.f32 v2;
	v1 =	vunpack.i.l.bf16.f32 v2  }
0x155: {  	v38 =	vld.idx.msk [tilespmem:v62+s4+$0x0], $0xffff;
	v62 =	vunpack.i.u.bf16.f32 v27;
	v1 =	vsub.f32 v28, v1;
	v2 =	vunpack.i.u.bf16.f32 v23  }
0x156: {  	v39 =	vld.idx.msk [tilespmem:v48+s4+$0x0], $0xffff;
	v23 =	vunpack.i.l.bf16.f32 v23;
	v0 =	vsub.f32 v29, v0;
	v25 =	vunpack.i.u.bf16.f32 v26  }
0x157: {  	p0 =	slt.u32 s16, $0x3E;
	v26 =	vunpack.i.l.bf16.f32 v26;
	v29 =	vld.idx.msk [tilespmem:v63+s4+$0x0], $0xffff;
	v44 =	vsub.f32 v31, v62;
	v23 =	vsub.f32 v32, v23  }
.Ltmp1:
0x158: {  	v27 =	vunpack.i.l.bf16.f32 v27;
	v28 =	vld.idx.msk [tilespmem:v57+s4+$0x0], $0xffff;
	v2 =	vsub.f32 v34, v2;
	v37 =	vsub.f32 v37, v26;
	(pc) =	sbr.rel @p0 .LBB2_5-.Ltmp1, $4  }
0x159: {  	v63 =	vsub.f32 v40, v25;
	v26 =	vld.idx.msk [tilespmem:v58+s4+$0x0], $0xffff;
	v32 =	vand.u32 $0x7FFFFFFF, v1;
	v36 =	vunpack.i.u.bf16.f32 v5  }
0x15a: {  	s0 =	rddreg [dreg:$0x18];
	v25 =	vld.idx.msk [tilespmem:v59+s4+$0x0], $0xffff;
	v1 =	vunpack.i.l.bf16.f32 v5;
	v35 =	vand.u32 $0x7FFFFFFF, v0;
	v5 =	vsub.f32 v30, v27  }
0x15b: {  	s31 =	rddreg [dreg:$0x8];
	v30 =	vand.u32 $0x7FFFFFFF, v24;
	v24 =	vld.idx.msk [tilespmem:v61+s4+$0x0], $0xffff;
	v46 =	vand.u32 $0x7FFFFFFF, v23;
	v40 =	vand.u32 $0x7FFFFFFF, v2  }
0x15c: {  	s3 =	rddreg [dreg:$0x13];
	s6 =	smov.u32 s10;
	s5 =	smov.u32 s31;
	v45 =	vand.u32 $0x7FFFFFFF, v37;
	v37 =	vand.u32 $0x7FFFFFFF, v63;
	v23 =	vld.idx.msk [tilespmem:v60+s4+$0x0], $0xffff;
	v33 =	vsub.f32 v33, v1  }
0x15d: {  	v0 =	vadd.f32 v46, v43  }
0x15e: {  	v1 =	vsub.f32 v22, v36;
	v2 =	vunpack.i.u.bf16.f32 v41;
	v22 =	vadd.f32 v40, v30  }
0x15f: {  	v27 =	vadd.f32 v45, v32;
	v30 =	vunpack.i.l.bf16.f32 v41;
	v31 =	vadd.f32 v37, v35  }
0x160: {  	v50 =	vunpack.i.u.bf16.f32 v42;
	v34 =	vunpack.i.l.bf16.f32 v42;
	v5 =	vand.u32 $0x7FFFFFFF, v5  }
0x161: {  	v51 =	vand.u32 $0x7FFFFFFF, v44;
	v18 =	vsub.f32 v18, v30;
	v2 =	vsub.f32 v19, v2  }
0x162: {  	v33 =	vand.u32 $0x7FFFFFFF, v33;
	v19 =	vsub.f32 v20, v34;
	v20 =	vsub.f32 v21, v50  }
0x163: {  	v21 =	vunpack.i.u.bf16.f32 v39;
	v30 =	vunpack.i.u.bf16.f32 v38;
	v1 =	vand.u32 $0x7FFFFFFF, v1  }
0x164: {  	v0 =	vadd.f32 v5, v0;
	v5 =	vadd.f32 v51, v22;
	v22 =	vunpack.i.l.bf16.f32 v39  }
0x165: {  	v27 =	vadd.f32 v33, v27;
	v14 =	vsub.f32 v14, v21;
	v21 =	vunpack.i.u.bf16.f32 v29  }
0x166: {  	v17 =	vsub.f32 v17, v30;
	v1 =	vadd.f32 v1, v31;
	v18 =	vand.u32 $0x7FFFFFFF, v18  }
0x167: {  	v2 =	vand.u32 $0x7FFFFFFF, v2;
	v31 =	vunpack.i.l.bf16.f32 v38;
	v19 =	vand.u32 $0x7FFFFFFF, v19  }
0x168: {  	v13 =	vsub.f32 v13, v22;
	v20 =	vand.u32 $0x7FFFFFFF, v20;
	v9 =	vsub.f32 v9, v21  }
0x169: {  	v16 =	vsub.f32 v16, v31;
	v0 =	vadd.f32 v18, v0;
	v18 =	vunpack.i.l.bf16.f32 v29  }
0x16a: {  	v2 =	vadd.f32 v2, v5;
	v5 =	vadd.f32 v19, v27;
	v19 =	vunpack.i.u.bf16.f32 v28  }
0x16b: {  	v14 =	vand.u32 $0x7FFFFFFF, v14;
	v17 =	vand.u32 $0x7FFFFFFF, v17;
	v1 =	vadd.f32 v20, v1  }
0x16c: {  	v13 =	vand.u32 $0x7FFFFFFF, v13;
	v20 =	vunpack.i.l.bf16.f32 v28;
	v8 =	vsub.f32 v8, v18  }
0x16d: {  	v18 =	vunpack.i.u.bf16.f32 v26;
	v15 =	vsub.f32 v15, v19;
	v19 =	vunpack.i.l.bf16.f32 v26  }
0x16e: {  	v9 =	vand.u32 $0x7FFFFFFF, v9;
	v11 =	vsub.f32 v11, v20;
	v0 =	vadd.f32 v13, v0  }
0x16f: {  	v16 =	vand.u32 $0x7FFFFFFF, v16;
	v2 =	vadd.f32 v14, v2;
	v6 =	vsub.f32 v6, v19  }
0x170: {  	v13 =	vunpack.i.u.bf16.f32 v25;
	v7 =	vsub.f32 v7, v18;
	v5 =	vadd.f32 v16, v5  }
0x171: {  	v14 =	vld [tilespmem:s13+$0x0];
	v1 =	vadd.f32 v17, v1;
	v16 =	vunpack.i.l.bf16.f32 v25;
	v8 =	vand.u32 $0x7FFFFFFF, v8  }
0x172: {  	v17 =	vld [tilespmem:s0+$0x0];
	v12 =	vsub.f32 v12, v13;
	v13 =	vand.u32 $0x7FFFFFFF, v15;
	v15 =	vunpack.i.l.bf16.f32 v24  }
0x173: {  	v10 =	vsub.f32 v10, v16;
	v16 =	vld [tilespmem:s2+$0x0];
	v11 =	vand.u32 $0x7FFFFFFF, v11;
	v0 =	vadd.f32 v8, v0  }
0x174: {  	v8 =	vld [tilespmem:s3+$0x0];
	v2 =	vadd.f32 v9, v2;
	v9 =	vunpack.i.u.bf16.f32 v23;
	v6 =	vand.u32 $0x7FFFFFFF, v6  }
0x175: {  	v7 =	vand.u32 $0x7FFFFFFF, v7;
	v5 =	vadd.f32 v11, v5;
	v1 =	vadd.f32 v13, v1  }
0x176: {  	v11 =	vunpack.i.l.bf16.f32 v23;
	v13 =	vunpack.i.u.bf16.f32 v24;
	v0 =	vadd.f32 v6, v0  }
0x177: {  	v6 =	vand.u32 $0x7FFFFFFF, v12;
	v2 =	vadd.f32 v7, v2;
	v11 =	vsub.f32 v14, v11  }
0x178: {  	v10 =	vand.u32 $0x7FFFFFFF, v10;
	v1 =	vadd.f32 v6, v1;
	v9 =	vsub.f32 v17, v9  }
0x179: {  	v14 =	vsub.f32 v16, v15;
	v8 =	vsub.f32 v8, v13;
	v6 =	vand.u32 $0x7FFFFFFF, v11  }
0x17a: {  	v5 =	vadd.f32 v10, v5;
	v7 =	vand.u32 $0x7FFFFFFF, v9;
	v0 =	vadd.f32 v6, v0  }
0x17b: {  	v9 =	vand.u32 $0x7FFFFFFF, v14;
	v6 =	vand.u32 $0x7FFFFFFF, v8;
	v2 =	vadd.f32 v7, v2  }
0x17c: {  	v5 =	vadd.f32 v9, v5;
	v1 =	vadd.f32 v6, v1  }
0x17d: {  	v6 =	vld [tilespmem:s6+$0x8800]  }
0x17e: {  	s3 =	sld [smem:$0x7E6];
	v0 =	vadd.f32 v2, v0;
	v1 =	vadd.f32 v1, v5  }
0x17f: {  	s0 =	sld [smem:$0x7E4]  }
0x180: {  	v0 =	vadd.f32 v1, v0  }
0x181: {  	p0 =	seq.s32 s3, $0x7;
	v1 =	vadd.f32 v4, v3  }
0x182: {  	s7 =	simm.s32 $0x0;
	s8 =	simm.s32 $0x0;
	s0 =	sadd.s32 @!p0 $0x2, s0;
	v0 =	vadd.f32 v0, v6  }
0x183: {  	s24 =	sand.u32 $0x3FFFFF80, s8;
	s1 =	sshll.u32 @!p0 s0, $0x7;
	s0 =	sshll.u32 @!p0 s0, $0x13;
	[tilespmem:s5+$0x8800] =	vst v1  }
0x184: {  	s1 =	sand.u32 @!p0 $0xC00, s1;
	s2 =	rddreg [dreg:$0x1d];
	[tilespmem:s6+$0x8800] =	vst v0;
	s6 =	simm.s32 $0x2  }
0x185: {  	s0 =	sand.u32 @!p0 $0x300000, s0;
	s1 =	sadd.s32 @!p0 s2, s1;
	_ =	swait.ge [sflag:s6], $0x8000  }
0x186: {  	s0 =	sor.u32 @!p0 s0, s1;
	s1 =	rddreg [dreg:$0x1e];
	[sflag:s6] =	ssyncset.done $0x0  }
0x187: {  	s9 =	sadd.s32 $0x18400, s24;
	s0 =	sor.u32 @!p0 s1, s0;
	[sflag:s6] =	ssyncadd.s32 $0xFFFF8000  }
0x188: {  	s3 =	simm.s32 @!p0 $0x9000;
	s0 =	sshrl.u32 @!p0 s0, $0x3;
	s1 =	rddreg [dreg:$0x0]  }
0x189: {  	s2 =	simm.s32 @!p0 $0x4000;
	s0 =	sadd.s32 @!p0 s1, s0;
	s1 =	simm.s32 @!p0 $0x400  }
0x18a: {  	[tilespmem:s3], [sflag:$0x1] =	stream.strided.gather @!p0 [hbm4b:s0+s1], $0x8000, s2, s1, $0x38;
	[tilespmem:$0x19080] =	vst v63  }
0x18b: {  	s10 =	sadd.s32 $0x18800, s24;
	[smem:$0x7D8] =	sst s9;
	s0 =	sand.u32 $0x60, s7  }
0x18c: {  	[smem:$0x7D9] =	sst s10;
	s1 =	sadd.s32 $0x18000, s24;
	s23 =	sor.u32 $0x10, s0  }
0x18d: {  	s12 =	sadd.s32 $0x18C00, s24;
	[smem:$0x7D7] =	sst s1;
	s1 =	sor.u32 s23, s1  }
0x18e: {  	s11 =	sor.u32 s23, s9;
	v4 =	vld [tilespmem:s1+$0x0];
	[smem:$0x7DA] =	sst s12  }
0x18f: {  	s15 =	sadd.s32 $0x17400, s24;
	s17 =	sadd.s32 $0x17800, s24;
	s13 =	sor.u32 s23, s10;
	v3 =	vld [tilespmem:s11+$0x0]  }
0x190: {  	s10 =	sadd.s32 $0x17000, s24;
	s14 =	sor.u32 s23, s12;
	v6 =	vld [tilespmem:s13+$0x0];
	[smem:$0x7D4] =	sst s15  }
0x191: {  	s19 =	sadd.s32 $0x17C00, s24;
	s16 =	sor.u32 s23, s10;
	v5 =	vld [tilespmem:s14+$0x0];
	[smem:$0x7D5] =	sst s17  }
0x192: {  	s18 =	sor.u32 s23, s15;
	v8 =	vld [tilespmem:s16+$0x0];
	[smem:$0x7D6] =	sst s19  }
0x193: {  	s20 =	sor.u32 s23, s17;
	v7 =	vld [tilespmem:s18+$0x0]  }
0x194: {  	s22 =	simm.s32 $0x0;
	s21 =	sor.u32 s23, s19;
	s13 =	sadd.s32 $0x16000, s24;
	v9 =	vld [tilespmem:s20+$0x0]  }
0x195: {  	s26 =	rddreg [dreg:$0x4];
	s12 =	sadd.s32 $0x16400, s24;
	s25 =	sor.u32 s23, s13;
	v10 =	vld [tilespmem:s21+$0x0]  }
0x196: {  	s1 =	sor.u32 s26, s22;
	s11 =	sadd.s32 $0x16800, s24;
	s28 =	sor.u32 s23, s12;
	v12 =	vld [tilespmem:s25+$0x0]  }
0x197: {  	s22 =	sshll.u32 s1, $0x7;
	s29 =	sor.u32 s23, s11;
	v11 =	vld [tilespmem:s28+$0x0]  }
0x198: {  	s8 =	sadd.s32 $0x16C00, s24;
	s7 =	sor.u32 s23, s22;
	v14 =	vld [tilespmem:s29+$0x0]  }
0x199: {  	s30 =	sor.u32 s23, s8;
	s17 =	sadd.s32 $0x15000, s24;
	v0 =	vld [tilespmem:s7+$0x8000];
	[smem:$0x7DF] =	sst s7  }
0x19a: {  	s16 =	sadd.s32 $0x15400, s24;
	s31 =	sor.u32 s23, s17;
	v15 =	vld [tilespmem:s30+$0x0]  }
0x19b: {  	s15 =	sadd.s32 $0x15800, s24;
	s3 =	sor.u32 s23, s16;
	v17 =	vld [tilespmem:s31+$0x0]  }
0x19c: {  	s14 =	sadd.s32 $0x15C00, s24;
	s5 =	sor.u32 s23, s15;
	v16 =	vld [tilespmem:s3+$0x0]  }
0x19d: {  	s6 =	sor.u32 s23, s14;
	s19 =	sadd.s32 $0x14800, s24;
	v18 =	vld [tilespmem:s5+$0x0]  }
0x19e: {  	s21 =	sadd.s32 $0x14000, s24;
	s25 =	sor.u32 s23, s19;
	v19 =	vld [tilespmem:s6+$0x0]  }
0x19f: {  	s20 =	sadd.s32 $0x14400, s24;
	s9 =	sor.u32 s23, s21;
	v21 =	vld [tilespmem:s25+$0x0]  }
0x1a0: {  	s26 =	sld [smem:$0x7E5];
	s18 =	sor.u32 s23, s20;
	s31 =	sadd.s32 $0x11000, s24;
	v22 =	vld [tilespmem:s9+$0x0]  }
0x1a1: {  	s30 =	sadd.s32 $0x11400, s24;
	v20 =	vld [tilespmem:s18+$0x0];
	s29 =	sor.u32 s23, s31  }
0x1a2: {  	s25 =	sadd.s32 $0x13800, s24;
	s2 =	sor.u32 s23, s30;
	v1 =	vld [tilespmem:s29+$0x0]  }
0x1a3: {  	s1 =	sshll.u32 s26, $0x7;
	s26 =	sadd.s32 $0x13C00, s24;
	s6 =	sor.u32 s23, s25;
	v24 =	vld [tilespmem:s2+$0x0]  }
0x1a4: {  	v2 =	vmov s1;
	s18 =	sadd.s32 $0x14C00, s24;
	s9 =	sor.u32 s23, s26;
	v28 =	vld [tilespmem:s6+$0x0]  }
0x1a5: {  	s28 =	sor.u32 s23, s18;
	s29 =	sadd.s32 $0x13000, s24;
	v30 =	vld [tilespmem:s9+$0x0];
	v13 =	vadd.s32 v2, v0  }
0x1a6: {  	v23 =	vld [tilespmem:s28+$0x0];
	s28 =	sadd.s32 $0x13400, s24;
	s3 =	sor.u32 s23, s29;
	v0 =	vand.u32 $0x7F, v0;
	v25 =	vand.u32 $0xFFFFFF80, v13  }
0x1a7: {  	s6 =	sadd.s32 $0x11800, s24;
	v26 =	vld [tilespmem:s3+$0x0];
	s5 =	sor.u32 s23, s28;
	v0 =	vor.u32 v0, v25  }
0x1a8: {  	s2 =	sor.u32 s23, s6;
	v27 =	vld [tilespmem:s5+$0x0];
	s5 =	sadd.s32 $0x11C00, s24;
	v25 =	vadd.s32 $0xE00, v0  }
0x1a9: {  	v32 =	vld [tilespmem:s2+$0x0];
	s3 =	sor.u32 s23, s5;
	v29 =	vadd.s32 $0xF00, v0  }
0x1aa: {  	v31 =	vadd.s32 $0xC00, v0;
	v45 =	vld [tilespmem:s3+$0x0];
	s3 =	sadd.s32 $0x12000, s24  }
0x1ab: {  	v52 =	vadd.s32 $0xD00, v0;
	s9 =	sor.u32 s23, s3;
	v13 =	vld.idx.msk [tilespmem:v13+s4+$0x0], $0xffff  }
0x1ac: {  	v53 =	vadd.s32 $0xA00, v0;
	v49 =	vld [tilespmem:s9+$0x0]  }
0x1ad: {  	v55 =	vadd.s32 $0x800, v0;
	v25 =	vld.idx.msk [tilespmem:v25+s4+$0x0], $0xffff  }
0x1ae: {  	v54 =	vadd.s32 $0xB00, v0;
	v29 =	vld.idx.msk [tilespmem:v29+s4+$0x0], $0xffff  }
0x1af: {  	v56 =	vadd.s32 $0x900, v0;
	v31 =	vld.idx.msk [tilespmem:v31+s4+$0x0], $0xffff  }
0x1b0: {  	v58 =	vadd.s32 $0x700, v0;
	v33 =	vld.idx.msk [tilespmem:v52+s4+$0x0], $0xffff  }
0x1b1: {  	v57 =	vadd.s32 $0x600, v0;
	v63 =	vadd.s32 $0x400, v0;
	v41 =	vadd.s32 $0x100, v0;
	v34 =	vld.idx.msk [tilespmem:v53+s4+$0x0], $0xffff  }
0x1b2: {  	v43 =	vadd.s32 $0x500, v0;
	v36 =	vld.idx.msk [tilespmem:v55+s4+$0x0], $0xffff;
	v59 =	vunpack.i.u.bf16.f32 v13;
	v13 =	vunpack.i.l.bf16.f32 v13  }
0x1b3: {  	v42 =	vadd.s32 $0x200, v0;
	v0 =	vadd.s32 $0x300, v0;
	v35 =	vld.idx.msk [tilespmem:v54+s4+$0x0], $0xffff;
	v1 =	vsub.f32 v1, v13  }
0x1b4: {  	s1 =	sadd.s32 $0x12400, s24;
	v37 =	vld.idx.msk [tilespmem:v56+s4+$0x0], $0xffff;
	v24 =	vsub.f32 v24, v59;
	v60 =	vunpack.i.u.bf16.f32 v25;
	v25 =	vunpack.i.l.bf16.f32 v25  }
0x1b5: {  	s9 =	sor.u32 s23, s1;
	v39 =	vld.idx.msk [tilespmem:v58+s4+$0x0], $0xffff;
	v61 =	vunpack.i.u.bf16.f32 v29;
	v29 =	vunpack.i.l.bf16.f32 v29;
	v62 =	vunpack.i.u.bf16.f32 v31  }
0x1b6: {  	v52 =	vld [tilespmem:s9+$0x0];
	v31 =	vunpack.i.l.bf16.f32 v31;
	v47 =	vunpack.i.u.bf16.f32 v33;
	v48 =	vunpack.i.u.bf16.f32 v34  }
0x1b7: {  	s2 =	sadd.s32 $0x12800, s24;
	v43 =	vld.idx.msk [tilespmem:v43+s4+$0x0], $0xffff;
	v34 =	vunpack.i.l.bf16.f32 v34;
	v33 =	vunpack.i.l.bf16.f32 v33;
	v50 =	vunpack.i.u.bf16.f32 v36  }
0x1b8: {  	s9 =	sor.u32 s23, s2;
	v0 =	vld.idx.msk [tilespmem:v0+s4+$0x0], $0xffff;
	v51 =	vunpack.i.u.bf16.f32 v35;
	v35 =	vunpack.i.l.bf16.f32 v35;
	v56 =	vsub.f32 v4, v25  }
0x1b9: {  	v54 =	vld [tilespmem:s9+$0x0];
	v36 =	vunpack.i.l.bf16.f32 v36;
	v38 =	vsub.f32 v3, v60;
	v31 =	vsub.f32 v8, v31  }
0x1ba: {  	v13 =	vld.idx.msk [tilespmem:v57+s4+$0x0], $0xffff;
	v53 =	vunpack.i.u.bf16.f32 v37;
	v5 =	vsub.f32 v5, v61;
	v44 =	vsub.f32 v7, v62  }
0x1bb: {  	v37 =	vunpack.i.l.bf16.f32 v37;
	v25 =	vld.idx.msk [tilespmem:v63+s4+$0x0], $0xffff;
	v4 =	vsub.f32 v9, v33;
	v12 =	vsub.f32 v12, v34  }
0x1bc: {  	s9 =	sadd.s32 $0x12C00, s24;
	s24 =	sor.u32 s0, s31;
	s31 =	sor.u32 s0, s30;
	v57 =	vunpack.i.u.bf16.f32 v39;
	v3 =	vsub.f32 v10, v47;
	v9 =	vld.idx.msk [tilespmem:v41+s4+$0x0], $0xffff;
	v11 =	vsub.f32 v11, v48  }
0x1bd: {  	v39 =	vunpack.i.l.bf16.f32 v39;
	v14 =	vsub.f32 v14, v35;
	v7 =	vld [tilespmem:s31+$0x0];
	v17 =	vsub.f32 v17, v36  }
0x1be: {  	s6 =	sor.u32 s0, s6;
	v1 =	vand.u32 $0x7FFFFFFF, v1;
	v33 =	vsub.f32 v15, v51;
	v15 =	vld.idx.msk [tilespmem:v42+s4+$0x0], $0xffff;
	v16 =	vsub.f32 v16, v50  }
0x1bf: {  	s23 =	sor.u32 s23, s9;
	v58 =	vunpack.i.l.bf16.f32 v43;
	v34 =	vsub.f32 v18, v37;
	v8 =	vld [tilespmem:s6+$0x0];
	v19 =	vsub.f32 v19, v53  }
0x1c0: {  	v55 =	vunpack.i.u.bf16.f32 v13;
	v63 =	vunpack.i.l.bf16.f32 v13;
	v13 =	vsub.f32 v6, v29;
	v29 =	vld [tilespmem:s23+$0x0]  }
0x1c1: {  	s5 =	sor.u32 s0, s5;
	v10 =	vand.u32 $0x7FFFFFFF, v24;
	v21 =	vsub.f32 v21, v39;
	v23 =	vsub.f32 v23, v57;
	v6 =	vld [tilespmem:s24+$0x0]  }
0x1c2: {  	s3 =	sor.u32 s0, s3;
	v51 =	vsub.f32 v22, v63;
	v22 =	vld [tilespmem:s5+$0x0];
	v24 =	vunpack.i.u.bf16.f32 v25;
	v25 =	vunpack.i.l.bf16.f32 v25  }
0x1c3: {  	s1 =	sor.u32 s0, s1;
	v18 =	vunpack.i.u.bf16.f32 v43;
	v36 =	vsub.f32 v28, v58;
	v60 =	vsub.f32 v26, v25;
	v25 =	vld [tilespmem:s3+$0x0]  }
0x1c4: {  	s6 =	sor.u32 s0, s2;
	v28 =	vunpack.i.l.bf16.f32 v0;
	v0 =	vunpack.i.u.bf16.f32 v0;
	v18 =	vsub.f32 v30, v18;
	v26 =	vld [tilespmem:s1+$0x0]  }
0x1c5: {  	s9 =	sor.u32 s0, s9;
	v59 =	vunpack.i.u.bf16.f32 v9;
	v9 =	vunpack.i.l.bf16.f32 v9;
	v24 =	vsub.f32 v27, v24;
	v27 =	vld [tilespmem:s6+$0x0]  }
0x1c6: {  	s23 =	sor.u32 s0, s29;
	s24 =	sor.u32 s0, s22;
	v12 =	vand.u32 $0x7FFFFFFF, v12;
	v61 =	vsub.f32 v32, v9;
	v9 =	vunpack.i.l.bf16.f32 v15;
	v32 =	vld [tilespmem:s9+$0x0]  }
0x1c7: {  	v23 =	vand.u32 $0x7FFFFFFF, v23;
	v34 =	vand.u32 $0x7FFFFFFF, v34;
	v62 =	vsub.f32 v49, v9;
	v9 =	vld [tilespmem:s23+$0x0];
	[dreg:$0x5] =	wrdreg s24  }
0x1c8: {  	s28 =	sor.u32 s0, s28;
	v46 =	vand.u32 $0x7FFFFFFF, v3;
	v20 =	vsub.f32 v20, v55;
	v63 =	vsub.f32 v54, v28;
	v53 =	vld [tilespmem:s24+$0x8000]  }
0x1c9: {  	s29 =	sor.u32 s0, s25;
	v54 =	vand.u32 $0x7FFFFFFF, v31;
	v15 =	vunpack.i.u.bf16.f32 v15;
	v30 =	vsub.f32 v45, v59;
	v28 =	vld [tilespmem:s28+$0x0]  }
0x1ca: {  	s30 =	sor.u32 s0, s26;
	v55 =	vand.u32 $0x7FFFFFFF, v17;
	v15 =	vsub.f32 v52, v15;
	v0 =	vsub.f32 v29, v0;
	v29 =	vld [tilespmem:s29+$0x0]  }
0x1cb: {  	s31 =	sor.u32 s0, s21;
	v35 =	vand.u32 $0x7FFFFFFF, v51;
	v57 =	vand.u32 $0x7FFFFFFF, v20;
	v58 =	vand.u32 $0x7FFFFFFF, v63;
	v31 =	vld [tilespmem:s30+$0x0]  }
0x1cc: {  	v52 =	vand.u32 $0x7FFFFFFF, v56;
	v20 =	vand.u32 $0x7FFFFFFF, v30;
	v30 =	vand.u32 $0x7FFFFFFF, v15;
	v15 =	vld [tilespmem:s31+$0x0]  }
0x1cd: {  	v56 =	vand.u32 $0x7FFFFFFF, v16;
	v39 =	vand.u32 $0x7FFFFFFF, v60;
	s24 =	sor.u32 s0, s10;
	v16 =	vand.u32 $0x7FFFFFFF, v62;
	v62 =	vld [tilespmem:s7+$0x8800]  }
0x1ce: {  	s3 =	sor.u32 s0, s20;
	v17 =	vand.u32 $0x7FFFFFFF, v61;
	v24 =	vand.u32 $0x7FFFFFFF, v24;
	v3 =	vld [tilespmem:s24+$0x0];
	v1 =	vadd.f32 v16, v1  }
0x1cf: {  	s5 =	sor.u32 s0, s19;
	v0 =	vand.u32 $0x7FFFFFFF, v0;
	v10 =	vadd.f32 v30, v10;
	v16 =	vld [tilespmem:s3+$0x0];
	v30 =	vadd.f32 v58, v17  }
0x1d0: {  	s6 =	sor.u32 s0, s18;
	v0 =	vadd.f32 v0, v20;
	v20 =	vand.u32 $0x7FFFFFFF, v36;
	v17 =	vld [tilespmem:s5+$0x0];
	v1 =	vadd.f32 v39, v1  }
0x1d1: {  	s9 =	sor.u32 s0, s17;
	v10 =	vadd.f32 v24, v10;
	v24 =	vand.u32 $0x7FFFFFFF, v18;
	v18 =	vld [tilespmem:s6+$0x0];
	v30 =	vadd.f32 v20, v30  }
0x1d2: {  	s17 =	sor.u32 s0, s16;
	v20 =	vld [tilespmem:s9+$0x0];
	v0 =	vadd.f32 v24, v0;
	v24 =	vand.u32 $0x7FFFFFFF, v21;
	v1 =	vadd.f32 v35, v1  }
0x1d3: {  	v11 =	vand.u32 $0x7FFFFFFF, v11;
	s18 =	sor.u32 s0, s15;
	v21 =	vld [tilespmem:s17+$0x0];
	v10 =	vadd.f32 v57, v10;
	v30 =	vadd.f32 v24, v30  }
0x1d4: {  	s19 =	sor.u32 s0, s14;
	v60 =	vadd.s32 v2, v53;
	v24 =	vld [tilespmem:s18+$0x0];
	v0 =	vadd.f32 v23, v0;
	v1 =	vadd.f32 v55, v1  }
0x1d5: {  	s20 =	sor.u32 s0, s13;
	v23 =	vld [tilespmem:s19+$0x0];
	v59 =	vadd.f32 v56, v10;
	v10 =	vand.u32 $0x7FFFFFFF, v19;
	v19 =	vadd.f32 v34, v30  }
0x1d6: {  	s21 =	sor.u32 s0, s12;
	v14 =	vand.u32 $0x7FFFFFFF, v14;
	v61 =	vand.u32 $0x7F, v53;
	v0 =	vadd.f32 v10, v0;
	v10 =	vld [tilespmem:s20+$0x0]  }
0x1d7: {  	s22 =	sor.u32 s0, s11;
	s25 =	sld [smem:$0x7D4];
	v1 =	vadd.f32 v12, v1;
	v12 =	vld [tilespmem:s21+$0x0];
	v14 =	vadd.f32 v14, v19;
	v19 =	vand.u32 $0xFFFFFF80, v60  }
0x1d8: {  	s26 =	sld [smem:$0x7D5];
	v30 =	vadd.f32 v11, v59;
	v11 =	vld [tilespmem:s22+$0x0];
	v63 =	vor.u32 v61, v19  }
0x1d9: {  	v38 =	vand.u32 $0x7FFFFFFF, v38;
	s23 =	sor.u32 s0, s8;
	s28 =	sld [smem:$0x7D6];
	v34 =	vld.idx.msk [tilespmem:v60+s4+$0x0], $0xffff;
	v47 =	vadd.s32 $0x100, v63  }
0x1da: {  	v44 =	vand.u32 $0x7FFFFFFF, v44;
	v4 =	vand.u32 $0x7FFFFFFF, v4;
	s1 =	sor.u32 s0, s25;
	v19 =	vld [tilespmem:s23+$0x0];
	v48 =	vadd.s32 $0x200, v63  }
0x1db: {  	v33 =	vand.u32 $0x7FFFFFFF, v33;
	v14 =	vadd.f32 v4, v14;
	v4 =	vld [tilespmem:s1+$0x0];
	s1 =	sor.u32 s0, s26;
	v50 =	vadd.s32 $0x300, v63  }
0x1dc: {  	v49 =	vand.u32 $0x7FFFFFFF, v13;
	s2 =	sor.u32 s0, s28;
	v0 =	vadd.f32 v33, v0;
	v51 =	vadd.s32 $0x400, v63;
	v13 =	vld [tilespmem:s1+$0x0]  }
0x1dd: {  	v1 =	vadd.f32 v54, v1;
	v54 =	vadd.s32 $0x800, v63;
	v39 =	vadd.f32 v49, v14;
	v14 =	vld [tilespmem:s2+$0x0]  }
0x1de: {  	v30 =	vadd.f32 v44, v30;
	v55 =	vadd.s32 $0xA00, v63;
	v0 =	vadd.f32 v46, v0;
	v37 =	vld.idx.msk [tilespmem:v47+s4+$0x0], $0xffff  }
0x1df: {  	v5 =	vand.u32 $0x7FFFFFFF, v5;
	v58 =	vadd.s32 $0xC00, v63;
	v1 =	vadd.f32 v52, v1;
	v53 =	vld.idx.msk [tilespmem:v48+s4+$0x0], $0xffff  }
0x1e0: {  	v30 =	vadd.f32 v38, v30;
	v52 =	vadd.s32 $0x600, v63;
	v0 =	vadd.f32 v5, v0;
	v40 =	vld.idx.msk [tilespmem:v50+s4+$0x0], $0xffff  }
0x1e1: {  	v5 =	vadd.s32 $0x500, v63;
	v38 =	vld.idx.msk [tilespmem:v51+s4+$0x0], $0xffff  }
0x1e2: {  	v1 =	vadd.f32 v30, v1;
	v30 =	vadd.s32 $0x700, v63;
	v0 =	vadd.f32 v0, v39;
	v61 =	vld.idx.msk [tilespmem:v54+s4+$0x0], $0xffff  }
0x1e3: {  	v59 =	vadd.s32 $0xD00, v63;
	v42 =	vld.idx.msk [tilespmem:v55+s4+$0x0], $0xffff  }
0x1e4: {  	v57 =	vunpack.i.l.bf16.f32 v34;
	v34 =	vunpack.i.u.bf16.f32 v34;
	v35 =	vld.idx.msk [tilespmem:v58+s4+$0x0], $0xffff;
	v0 =	vadd.f32 v0, v1  }
0x1e5: {  	s29 =	sld [smem:$0x7D7];
	v33 =	vadd.s32 $0xE00, v63;
	v6 =	vsub.f32 v6, v57;
	v7 =	vsub.f32 v7, v34;
	v41 =	vld.idx.msk [tilespmem:v52+s4+$0x0], $0xffff  }
0x1e6: {  	s30 =	sld [smem:$0x7D8];
	v1 =	vadd.s32 $0x900, v63;
	v56 =	vld.idx.msk [tilespmem:v5+s4+$0x0], $0xffff;
	v5 =	vadd.f32 v0, v62;
	v0 =	vadd.s32 $0xB00, v63  }
0x1e7: {  	v60 =	vld.idx.msk [tilespmem:v30+s4+$0x0], $0xffff;
	v30 =	vadd.s32 $0xF00, v63;
	v62 =	vunpack.i.l.bf16.f32 v37;
	v37 =	vunpack.i.u.bf16.f32 v37  }
0x1e8: {  	s5 =	sld [smem:$0x7D9];
	s1 =	sor.u32 s0, s29;
	v63 =	vunpack.i.u.bf16.f32 v53;
	v39 =	vunpack.i.l.bf16.f32 v53;
	v22 =	vsub.f32 v22, v37;
	v37 =	vld.idx.msk [tilespmem:v59+s4+$0x0], $0xffff  }
0x1e9: {  	s2 =	sor.u32 s0, s30;
	v47 =	vunpack.i.u.bf16.f32 v40;
	v40 =	vunpack.i.l.bf16.f32 v40;
	v39 =	vsub.f32 v25, v39;
	v25 =	vld [tilespmem:s1+$0x0]  }
0x1ea: {  	s31 =	simm.s32 $0x20;
	s6 =	sld [smem:$0x7DA];
	v6 =	vand.u32 $0x7FFFFFFF, v6;
	v34 =	vsub.f32 v26, v63;
	v27 =	vsub.f32 v27, v40;
	v26 =	vld [tilespmem:s2+$0x0]  }
0x1eb: {  	s3 =	sor.u32 s0, s5;
	s19 =	sand.u32 $0x3FFFFF80, s31;
	v7 =	vand.u32 $0x7FFFFFFF, v7;
	v48 =	vunpack.i.u.bf16.f32 v38;
	v38 =	vunpack.i.l.bf16.f32 v38;
	v1 =	vld.idx.msk [tilespmem:v1+s4+$0x0], $0xffff  }
0x1ec: {  	s7 =	sadd.s32 $0x18000, s19;
	s8 =	sadd.s32 $0x18400, s19;
	s26 =	simm.s32 $0x20;
	v57 =	vunpack.i.l.bf16.f32 v61;
	v8 =	vsub.f32 v8, v62;
	v50 =	vand.u32 $0x7FFFFFFF, v27;
	v27 =	vld [tilespmem:s3+$0x0]  }
0x1ed: {  	s16 =	sand.u32 $0x60, s26;
	s0 =	sor.u32 s0, s6;
	v32 =	vsub.f32 v32, v47;
	v38 =	vsub.f32 v9, v38;
	v44 =	vunpack.i.l.bf16.f32 v56;
	v0 =	vld.idx.msk [tilespmem:v0+s4+$0x0], $0xffff;
	[smem:$0x7E0] =	sst s7  }
0x1ee: {  	s10 =	sadd.s32 $0x18800, s19;
	s21 =	sor.u32 $0x10, s16;
	v28 =	vsub.f32 v28, v48;
	v48 =	vunpack.i.l.bf16.f32 v42;
	v51 =	vsub.f32 v29, v44;
	v29 =	vld [tilespmem:s0+$0x0];
	[smem:$0x7E1] =	sst s8  }
0x1ef: {  	s12 =	sadd.s32 $0x18C00, s19;
	s9 =	sor.u32 s21, s7;
	v52 =	vunpack.i.u.bf16.f32 v41;
	v41 =	vunpack.i.l.bf16.f32 v41;
	v39 =	vand.u32 $0x7FFFFFFF, v39;
	[smem:$0x7E2] =	sst s10  }
0x1f0: {  	s14 =	sadd.s32 $0x17000, s19;
	s11 =	sor.u32 s21, s8;
	v10 =	vsub.f32 v10, v48;
	v34 =	vand.u32 $0x7FFFFFFF, v34;
	v39 =	vadd.f32 v39, v6;
	v6 =	vld [tilespmem:s9+$0x0];
	[smem:$0x7E3] =	sst s12  }
0x1f1: {  	s17 =	sadd.s32 $0x17400, s19;
	s13 =	sor.u32 s21, s10;
	v22 =	vand.u32 $0x7FFFFFFF, v22;
	v9 =	vand.u32 $0x7FFFFFFF, v32;
	v34 =	vadd.f32 v34, v7;
	v7 =	vld [tilespmem:s11+$0x0];
	[smem:$0x7DB] =	sst s14  }
0x1f2: {  	s18 =	sadd.s32 $0x17800, s19;
	s15 =	sor.u32 s21, s12;
	v8 =	vand.u32 $0x7FFFFFFF, v8;
	v49 =	vunpack.i.u.bf16.f32 v56;
	v22 =	vadd.f32 v9, v22;
	v9 =	vld [tilespmem:s13+$0x0];
	[smem:$0x7DC] =	sst s17  }
0x1f3: {  	s22 =	sadd.s32 $0x17C00, s19;
	s1 =	sor.u32 s21, s14;
	v38 =	vand.u32 $0x7FFFFFFF, v38;
	v28 =	vand.u32 $0x7FFFFFFF, v28;
	v53 =	vadd.f32 v50, v8;
	v8 =	vld [tilespmem:s15+$0x0];
	[smem:$0x7DD] =	sst s18  }
0x1f4: {  	s20 =	sor.u32 s21, s17;
	v41 =	vsub.f32 v15, v41;
	v40 =	vsub.f32 v16, v52;
	v56 =	vunpack.i.u.bf16.f32 v61;
	v16 =	vld [tilespmem:s1+$0x0];
	[smem:$0x7DE] =	sst s22  }
0x1f5: {  	s23 =	sor.u32 s21, s18;
	v31 =	vsub.f32 v31, v49;
	v54 =	vunpack.i.u.bf16.f32 v60;
	v55 =	vunpack.i.l.bf16.f32 v60;
	v15 =	vld [tilespmem:s20+$0x0]  }
0x1f6: {  	s24 =	sor.u32 s21, s22;
	v62 =	vsub.f32 v21, v56;
	v10 =	vand.u32 $0x7FFFFFFF, v10;
	v45 =	vsub.f32 v17, v55;
	s10 =	sadd.s32 $0x16000, s19;
	v17 =	vld [tilespmem:s23+$0x0]  }
0x1f7: {  	v44 =	vsub.f32 v18, v54;
	v59 =	vand.u32 $0x7FFFFFFF, v41;
	v31 =	vand.u32 $0x7FFFFFFF, v31;
	s28 =	sor.u32 s21, s10;
	s14 =	sadd.s32 $0x16400, s19;
	v18 =	vld [tilespmem:s24+$0x0]  }
0x1f8: {  	v40 =	vand.u32 $0x7FFFFFFF, v40;
	s8 =	sadd.s32 $0x16800, s19;
	v38 =	vadd.f32 v38, v39;
	v31 =	vadd.f32 v31, v22;
	s30 =	sor.u32 s21, s14;
	v22 =	vld [tilespmem:s28+$0x0]  }
0x1f9: {  	s5 =	sadd.s32 $0x16C00, s19;
	v32 =	vand.u32 $0x7FFFFFFF, v51;
	v28 =	vadd.f32 v28, v34;
	v34 =	vsub.f32 v20, v57;
	s31 =	sor.u32 s21, s8;
	v20 =	vld [tilespmem:s30+$0x0]  }
0x1fa: {  	v51 =	vunpack.i.l.bf16.f32 v35;
	v52 =	vunpack.i.u.bf16.f32 v37;
	v37 =	vunpack.i.l.bf16.f32 v37;
	s15 =	sadd.s32 $0x15000, s19;
	s1 =	sor.u32 s21, s5;
	v21 =	vld [tilespmem:s31+$0x0]  }
0x1fb: {  	s25 =	simm.s32 $0x0;
	v32 =	vadd.f32 v32, v53;
	v61 =	vand.u32 $0x7FFFFFFF, v44;
	v40 =	vadd.f32 v40, v28;
	s17 =	sadd.s32 $0x15400, s19;
	s2 =	sor.u32 s21, s15;
	v28 =	vld [tilespmem:s1+$0x0]  }
0x1fc: {  	s29 =	rddreg [dreg:$0x4];
	v60 =	vand.u32 $0x7FFFFFFF, v45;
	v3 =	vsub.f32 v3, v51;
	v43 =	vadd.f32 v61, v31;
	s18 =	sadd.s32 $0x15800, s19;
	s3 =	sor.u32 s21, s17;
	v31 =	vld [tilespmem:s2+$0x0]  }
0x1fd: {  	s7 =	sadd.s32 $0x15C00, s19;
	s0 =	sor.u32 s29, s25;
	v58 =	vunpack.i.u.bf16.f32 v1;
	v37 =	vsub.f32 v13, v37;
	v41 =	vadd.f32 v60, v32;
	s9 =	sor.u32 s21, s18;
	v32 =	vld [tilespmem:s3+$0x0]  }
0x1fe: {  	s6 =	sshll.u32 s0, $0x7;
	s11 =	sor.u32 s21, s7;
	v50 =	vand.u32 $0x7FFFFFFF, v34;
	v49 =	vunpack.i.u.bf16.f32 v0;
	v0 =	vunpack.i.l.bf16.f32 v0;
	v34 =	vld [tilespmem:s9+$0x0]  }
0x1ff: {  	v1 =	vunpack.i.l.bf16.f32 v1;
	v55 =	vsub.f32 v14, v52;
	v0 =	vsub.f32 v11, v0;
	s20 =	sor.u32 s21, s6;
	v11 =	vld [tilespmem:s11+$0x0]  }
0x200: {  	v1 =	vsub.f32 v24, v1;
	v24 =	vunpack.i.u.bf16.f32 v42;
	v38 =	vadd.f32 v59, v38;
	v63 =	vld [tilespmem:s20+$0x8000]  }
0x201: {  	v44 =	vand.u32 $0x7FFFFFFF, v62;
	v23 =	vsub.f32 v23, v58;
	v12 =	vsub.f32 v12, v24;
	s22 =	sadd.s32 $0x14000, s19;
	v33 =	vld.idx.msk [tilespmem:v33+s4+$0x0], $0xffff  }
0x202: {  	v24 =	vunpack.i.u.bf16.f32 v35;
	v3 =	vand.u32 $0x7FFFFFFF, v3;
	v37 =	vand.u32 $0x7FFFFFFF, v37;
	s23 =	sadd.s32 $0x14400, s19;
	s12 =	sor.u32 s21, s22;
	v54 =	vld.idx.msk [tilespmem:v30+s4+$0x0], $0xffff  }
0x203: {  	v1 =	vand.u32 $0x7FFFFFFF, v1;
	v42 =	vsub.f32 v19, v49;
	v38 =	vadd.f32 v50, v38;
	s28 =	sadd.s32 $0x14800, s19;
	v19 =	vld [tilespmem:s12+$0x0];
	s13 =	sor.u32 s21, s23  }
0x204: {  	v23 =	vand.u32 $0x7FFFFFFF, v23;
	v40 =	vadd.f32 v44, v40;
	v4 =	vsub.f32 v4, v24;
	s30 =	sadd.s32 $0x14C00, s19;
	s24 =	sor.u32 s21, s28;
	v35 =	vld [tilespmem:s13+$0x0]  }
0x205: {  	v1 =	vadd.f32 v1, v41;
	v23 =	vadd.f32 v23, v43;
	s3 =	sadd.s32 $0x11400, s19;
	s25 =	sor.u32 s21, s30;
	v36 =	vld [tilespmem:s24+$0x0];
	v24 =	vadd.s32 v2, v63  }
0x206: {  	v12 =	vand.u32 $0x7FFFFFFF, v12;
	s9 =	sadd.s32 $0x11000, s19;
	s31 =	sor.u32 s21, s3;
	v13 =	vld [tilespmem:s25+$0x0];
	v30 =	vand.u32 $0x7F, v63;
	v14 =	vand.u32 $0xFFFFFF80, v24  }
0x207: {  	v43 =	vand.u32 $0x7FFFFFFF, v55;
	v0 =	vand.u32 $0x7FFFFFFF, v0;
	s29 =	sor.u32 s21, s9;
	v45 =	vld [tilespmem:s31+$0x0];
	s31 =	sadd.s32 $0x13800, s19;
	v44 =	vor.u32 v30, v14  }
0x208: {  	v53 =	vand.u32 $0x7FFFFFFF, v42;
	v39 =	vld [tilespmem:s29+$0x0];
	s24 =	sadd.s32 $0x13000, s19;
	v0 =	vadd.f32 v0, v1;
	s11 =	sor.u32 s21, s31;
	v1 =	vadd.s32 $0xE00, v44  }
0x209: {  	v38 =	vadd.f32 v10, v38;
	v23 =	vadd.f32 v53, v23;
	s25 =	sadd.s32 $0x13400, s19;
	s1 =	sor.u32 s21, s24;
	v47 =	vld [tilespmem:s11+$0x0];
	v56 =	vadd.s32 $0xF00, v44  }
0x20a: {  	v40 =	vadd.f32 v12, v40;
	v4 =	vand.u32 $0x7FFFFFFF, v4;
	s2 =	sor.u32 s21, s25;
	v14 =	vld [tilespmem:s1+$0x0];
	v58 =	vadd.s32 $0xC00, v44  }
0x20b: {  	v3 =	vadd.f32 v3, v38;
	v23 =	vadd.f32 v43, v23;
	v30 =	vld [tilespmem:s2+$0x0];
	v59 =	vadd.s32 $0xD00, v44  }
0x20c: {  	v10 =	vunpack.i.u.bf16.f32 v33;
	v12 =	vunpack.i.l.bf16.f32 v33;
	v61 =	vadd.s32 $0xA00, v44;
	v60 =	vld.idx.msk [tilespmem:v24+s4+$0x0], $0xffff  }
0x20d: {  	v42 =	vunpack.i.l.bf16.f32 v54;
	v62 =	vsub.f32 v25, v12;
	v63 =	vadd.s32 $0xB00, v44;
	v1 =	vld.idx.msk [tilespmem:v1+s4+$0x0], $0xffff  }
0x20e: {  	v10 =	vsub.f32 v26, v10;
	v12 =	vsub.f32 v27, v42;
	v27 =	vadd.s32 $0x800, v44;
	v41 =	vld.idx.msk [tilespmem:v56+s4+$0x0], $0xffff  }
0x20f: {  	v57 =	vunpack.i.u.bf16.f32 v54;
	v25 =	vadd.f32 v4, v40;
	v4 =	vadd.f32 v37, v0;
	v56 =	vld.idx.msk [tilespmem:v58+s4+$0x0], $0xffff  }
0x210: {  	v26 =	vand.u32 $0x7FFFFFFF, v62;
	v0 =	vadd.s32 $0x600, v44;
	v24 =	vsub.f32 v29, v57;
	v57 =	vld.idx.msk [tilespmem:v59+s4+$0x0], $0xffff  }
0x211: {  	v62 =	vadd.s32 $0x400, v44;
	v46 =	vadd.s32 $0x100, v44;
	v48 =	vadd.s32 $0x200, v44;
	v61 =	vld.idx.msk [tilespmem:v61+s4+$0x0], $0xffff  }
0x212: {  	s2 =	sadd.s32 $0x13C00, s19;
	v50 =	vadd.s32 $0x500, v44;
	v26 =	vadd.f32 v26, v3;
	v29 =	vadd.s32 $0x900, v44;
	v63 =	vld.idx.msk [tilespmem:v63+s4+$0x0], $0xffff  }
0x213: {  	s12 =	sor.u32 s21, s2;
	v58 =	vadd.s32 $0x700, v44;
	v27 =	vld.idx.msk [tilespmem:v27+s4+$0x0], $0xffff;
	v59 =	vunpack.i.u.bf16.f32 v60;
	v49 =	vunpack.i.l.bf16.f32 v60  }
0x214: {  	v52 =	vld [tilespmem:s12+$0x0];
	v44 =	vadd.s32 $0x300, v44;
	v39 =	vsub.f32 v39, v49;
	v45 =	vsub.f32 v45, v59  }
0x215: {  	v0 =	vld.idx.msk [tilespmem:v0+s4+$0x0], $0xffff;
	v60 =	vunpack.i.u.bf16.f32 v1;
	v1 =	vunpack.i.l.bf16.f32 v1;
	v51 =	vunpack.i.u.bf16.f32 v41  }
0x216: {  	v42 =	vld.idx.msk [tilespmem:v62+s4+$0x0], $0xffff;
	v41 =	vunpack.i.l.bf16.f32 v41;
	v53 =	vunpack.i.u.bf16.f32 v56;
	v33 =	vunpack.i.l.bf16.f32 v56  }
0x217: {  	v50 =	vld.idx.msk [tilespmem:v50+s4+$0x0], $0xffff;
	v54 =	vunpack.i.u.bf16.f32 v57;
	v55 =	vunpack.i.u.bf16.f32 v61;
	v40 =	vunpack.i.l.bf16.f32 v61  }
0x218: {  	s1 =	sadd.s32 $0x11C00, s19;
	v38 =	vld.idx.msk [tilespmem:v58+s4+$0x0], $0xffff;
	v37 =	vunpack.i.l.bf16.f32 v57;
	v57 =	vunpack.i.u.bf16.f32 v27;
	v58 =	vunpack.i.u.bf16.f32 v63  }
0x219: {  	s29 =	sor.u32 s21, s1;
	s12 =	sadd.s32 $0x11800, s19;
	v29 =	vld.idx.msk [tilespmem:v29+s4+$0x0], $0xffff;
	v43 =	vunpack.i.l.bf16.f32 v63;
	v27 =	vunpack.i.l.bf16.f32 v27;
	v1 =	vsub.f32 v6, v1  }
0x21a: {  	s13 =	sor.u32 s21, s12;
	v59 =	vld [tilespmem:s29+$0x0];
	v39 =	vand.u32 $0x7FFFFFFF, v39;
	v49 =	vsub.f32 v7, v60;
	v6 =	vsub.f32 v9, v41  }
0x21b: {  	s0 =	sadd.s32 $0x12000, s19;
	v56 =	vld [tilespmem:s13+$0x0];
	v61 =	vunpack.i.u.bf16.f32 v42;
	v16 =	vsub.f32 v16, v33;
	v7 =	vsub.f32 v8, v51  }
0x21c: {  	s11 =	sor.u32 s21, s0;
	s29 =	sadd.s32 $0x12400, s19;
	v42 =	vunpack.i.l.bf16.f32 v42;
	v63 =	vld.idx.msk [tilespmem:v44+s4+$0x0], $0xffff;
	v51 =	vsub.f32 v15, v53;
	v9 =	vsub.f32 v17, v37  }
0x21d: {  	s13 =	sor.u32 s21, s29;
	v62 =	vunpack.i.u.bf16.f32 v50;
	v41 =	vld [tilespmem:s11+$0x0];
	v22 =	vsub.f32 v22, v40;
	v15 =	vsub.f32 v18, v54  }
0x21e: {  	v33 =	vunpack.i.u.bf16.f32 v0;
	v53 =	vld [tilespmem:s13+$0x0];
	v20 =	vsub.f32 v20, v55;
	v40 =	vsub.f32 v21, v43  }
0x21f: {  	v0 =	vunpack.i.l.bf16.f32 v0;
	v17 =	vld.idx.msk [tilespmem:v46+s4+$0x0], $0xffff;
	v27 =	vsub.f32 v31, v27;
	v43 =	vsub.f32 v28, v58  }
0x220: {  	s9 =	sor.u32 s16, s9;
	v21 =	vld.idx.msk [tilespmem:v48+s4+$0x0], $0xffff;
	v48 =	vsub.f32 v32, v57;
	v55 =	vunpack.i.l.bf16.f32 v50;
	v14 =	vsub.f32 v14, v42  }
0x221: {  	s3 =	sor.u32 s16, s3;
	v28 =	vld [tilespmem:s9+$0x0];
	v58 =	vsub.f32 v30, v61;
	v46 =	vsub.f32 v52, v62;
	v60 =	vunpack.i.u.bf16.f32 v29  }
0x222: {  	s1 =	sor.u32 s16, s1;
	v32 =	vld [tilespmem:s3+$0x0];
	v29 =	vunpack.i.l.bf16.f32 v29;
	v0 =	vsub.f32 v19, v0;
	v57 =	vsub.f32 v35, v33  }
0x223: {  	s0 =	sor.u32 s16, s0;
	v45 =	vand.u32 $0x7FFFFFFF, v45;
	v30 =	vld [tilespmem:s1+$0x0];
	v44 =	vsub.f32 v47, v55;
	v54 =	vsub.f32 v34, v29  }
0x224: {  	s11 =	sadd.s32 $0x12800, s19;
	s9 =	sor.u32 s16, s12;
	s12 =	sor.u32 s16, s29;
	v33 =	vld [tilespmem:s0+$0x0];
	v11 =	vsub.f32 v11, v60;
	v1 =	vand.u32 $0x7FFFFFFF, v1;
	v47 =	vand.u32 $0x7FFFFFFF, v49  }
0x225: {  	s13 =	sor.u32 s21, s11;
	v35 =	vld [tilespmem:s12+$0x0];
	v62 =	vand.u32 $0x7FFFFFFF, v22;
	v52 =	vand.u32 $0x7FFFFFFF, v16;
	v51 =	vand.u32 $0x7FFFFFFF, v51  }
0x226: {  	v18 =	vld [tilespmem:s13+$0x0];
	v48 =	vand.u32 $0x7FFFFFFF, v48;
	v55 =	vand.u32 $0x7FFFFFFF, v20;
	v14 =	vand.u32 $0x7FFFFFFF, v14  }
0x227: {  	s29 =	sor.u32 s16, s31;
	s31 =	sor.u32 s16, s2;
	s13 =	sadd.s32 $0x12C00, s19;
	v29 =	vld [tilespmem:s9+$0x0];
	v42 =	vand.u32 $0x7FFFFFFF, v58;
	v40 =	vand.u32 $0x7FFFFFFF, v40;
	v15 =	vand.u32 $0x7FFFFFFF, v15  }
0x228: {  	v22 =	vld [tilespmem:s31+$0x0];
	v49 =	vand.u32 $0x7FFFFFFF, v7;
	s19 =	sor.u32 s21, s13;
	v0 =	vand.u32 $0x7FFFFFFF, v0;
	v8 =	vunpack.i.u.bf16.f32 v38  }
0x229: {  	s21 =	sor.u32 s16, s13;
	v38 =	vunpack.i.l.bf16.f32 v38;
	v31 =	vld [tilespmem:s19+$0x0];
	v60 =	vunpack.i.l.bf16.f32 v63;
	v34 =	vunpack.i.u.bf16.f32 v63  }
0x22a: {  	s25 =	sor.u32 s16, s25;
	v37 =	vld [tilespmem:s21+$0x0];
	v63 =	vand.u32 $0x7FFFFFFF, v27;
	v19 =	vunpack.i.u.bf16.f32 v17;
	v38 =	vsub.f32 v36, v38  }
0x22b: {  	s19 =	sor.u32 s16, s11;
	v27 =	vld [tilespmem:s25+$0x0];
	v17 =	vunpack.i.l.bf16.f32 v17;
	v8 =	vsub.f32 v13, v8;
	v13 =	vunpack.i.u.bf16.f32 v21  }
0x22c: {  	v21 =	vunpack.i.l.bf16.f32 v21;
	v36 =	vld [tilespmem:s19+$0x0];
	v17 =	vsub.f32 v56, v17;
	v19 =	vsub.f32 v59, v19  }
0x22d: {  	s24 =	sor.u32 s16, s24;
	v16 =	vand.u32 $0x7FFFFFFF, v57;
	v21 =	vsub.f32 v41, v21;
	v13 =	vsub.f32 v53, v13;
	v53 =	vld [tilespmem:s20+$0x8800]  }
0x22e: {  	v18 =	vsub.f32 v18, v60;
	v17 =	vand.u32 $0x7FFFFFFF, v17;
	v61 =	vsub.f32 v31, v34;
	v31 =	vld [tilespmem:s24+$0x0]  }
0x22f: {  	s1 =	sor.u32 s16, s22;
	v20 =	vand.u32 $0x7FFFFFFF, v19;
	v19 =	vand.u32 $0x7FFFFFFF, v21;
	v13 =	vand.u32 $0x7FFFFFFF, v13;
	v34 =	vld [tilespmem:s29+$0x0]  }
0x230: {  	s2 =	sor.u32 s16, s23;
	v21 =	vand.u32 $0x7FFFFFFF, v18;
	v18 =	vld [tilespmem:s1+$0x0];
	v39 =	vadd.f32 v19, v39;
	v13 =	vadd.f32 v13, v45  }
0x231: {  	s9 =	sor.u32 s16, s30;
	v44 =	vand.u32 $0x7FFFFFFF, v44;
	v58 =	vand.u32 $0x7FFFFFFF, v54;
	v19 =	vld [tilespmem:s2+$0x0];
	v17 =	vadd.f32 v21, v17  }
0x232: {  	s3 =	sor.u32 s16, s28;
	v21 =	vld [tilespmem:s9+$0x0];
	v41 =	vand.u32 $0x7FFFFFFF, v61;
	v14 =	vadd.f32 v14, v39;
	v57 =	vadd.f32 v42, v13  }
0x233: {  	v38 =	vand.u32 $0x7FFFFFFF, v38;
	v41 =	vadd.f32 v41, v20;
	v20 =	vld [tilespmem:s3+$0x0];
	v17 =	vadd.f32 v44, v17;
	s3 =	sor.u32 s16, s6  }
0x234: {  	s22 =	sld [smem:$0x7DB];
	s12 =	sor.u32 s16, s17;
	v13 =	vand.u32 $0x7FFFFFFF, v46;
	v0 =	vadd.f32 v0, v14;
	v39 =	vadd.f32 v16, v57;
	v59 =	vld [tilespmem:s3+$0x8000]  }
0x235: {  	s13 =	sor.u32 s16, s18;
	v11 =	vand.u32 $0x7FFFFFFF, v11;
	v14 =	vld [tilespmem:s12+$0x0];
	v41 =	vadd.f32 v13, v41;
	v17 =	vadd.f32 v38, v17  }
0x236: {  	s23 =	sld [smem:$0x7DC];
	s11 =	sor.u32 s16, s15;
	v8 =	vand.u32 $0x7FFFFFFF, v8;
	v16 =	vld [tilespmem:s13+$0x0];
	v0 =	vadd.f32 v63, v0;
	v39 =	vadd.f32 v48, v39  }
0x237: {  	s0 =	sor.u32 s16, s22;
	v60 =	vand.u32 $0x7FFFFFFF, v43;
	v13 =	vld [tilespmem:s11+$0x0];
	v8 =	vadd.f32 v8, v41;
	v38 =	vadd.f32 v58, v17  }
0x238: {  	s15 =	sor.u32 s16, s7;
	v63 =	vand.u32 $0x7FFFFFFF, v6;
	v6 =	vld [tilespmem:s0+$0x0];
	v0 =	vadd.f32 v62, v0;
	v39 =	vadd.f32 v55, v39  }
0x239: {  	s24 =	sld [smem:$0x7DD];
	s0 =	sor.u32 s16, s23;
	v17 =	vld [tilespmem:s15+$0x0];
	v62 =	vand.u32 $0x7FFFFFFF, v9;
	v11 =	vadd.f32 v11, v8;
	v48 =	vadd.s32 v2, v59  }
0x23a: {  	s18 =	sor.u32 s16, s14;
	v7 =	vld [tilespmem:s0+$0x0];
	v38 =	vadd.f32 v40, v38;
	v41 =	vand.u32 $0x7F, v59;
	v50 =	vand.u32 $0xFFFFFF80, v48  }
0x23b: {  	s17 =	sor.u32 s16, s10;
	s25 =	sld [smem:$0x7DE];
	v9 =	vld [tilespmem:s18+$0x0];
	v0 =	vadd.f32 v52, v0;
	v61 =	vadd.f32 v60, v11;
	v41 =	vor.u32 v41, v50  }
0x23c: {  	s0 =	sor.u32 s16, s24;
	v8 =	vld [tilespmem:s17+$0x0];
	v39 =	vadd.f32 v51, v39;
	v51 =	vand.u32 $0x7FFFFFFF, v10;
	v54 =	vadd.s32 $0x100, v41  }
0x23d: {  	s19 =	sor.u32 s16, s8;
	v10 =	vld [tilespmem:s0+$0x0];
	v38 =	vadd.f32 v62, v38;
	v56 =	vadd.s32 $0x300, v41;
	v40 =	vadd.f32 v15, v61  }
0x23e: {  	v24 =	vand.u32 $0x7FFFFFFF, v24;
	s0 =	sor.u32 s16, s25;
	v11 =	vld [tilespmem:s19+$0x0];
	v0 =	vadd.f32 v1, v0;
	v1 =	vadd.f32 v47, v39  }
0x23f: {  	v52 =	vand.u32 $0x7FFFFFFF, v12;
	v12 =	vld [tilespmem:s0+$0x0];
	s0 =	rddreg [dreg:$0x5];
	v38 =	vadd.f32 v63, v38;
	v40 =	vadd.f32 v49, v40  }
0x240: {  	v23 =	vadd.f32 v24, v23;
	v25 =	vadd.f32 v51, v25;
	v55 =	vadd.s32 $0x200, v41;
	v3 =	vld [tilespmem:s0+$0x8800]  }
0x241: {  	v57 =	vadd.s32 $0x400, v41;
	v0 =	vadd.f32 v1, v0;
	v1 =	vadd.f32 v40, v38;
	v61 =	vld.idx.msk [tilespmem:v54+s4+$0x0], $0xffff  }
0x242: {  	v4 =	vadd.f32 v52, v4;
	v58 =	vadd.s32 $0x500, v41;
	v46 =	vadd.s32 $0x600, v41;
	v40 =	vld.idx.msk [tilespmem:v56+s4+$0x0], $0xffff  }
0x243: {  	s21 =	sor.u32 s16, s5;
	v47 =	vadd.s32 $0x700, v41;
	v59 =	vadd.s32 $0x800, v41;
	v0 =	vadd.f32 v1, v0;
	v1 =	vld.idx.msk [tilespmem:v48+s4+$0x0], $0xffff  }
0x244: {  	v60 =	vadd.s32 $0x900, v41;
	v15 =	vld [tilespmem:s21+$0x0];
	v25 =	vadd.f32 v25, v26;
	v4 =	vadd.f32 v23, v4  }
0x245: {  	v62 =	vadd.s32 $0xA00, v41;
	v24 =	vadd.s32 $0xB00, v41;
	v50 =	vadd.s32 $0xC00, v41;
	v38 =	vld.idx.msk [tilespmem:v55+s4+$0x0], $0xffff  }
0x246: {  	v51 =	vadd.s32 $0xD00, v41;
	v23 =	vadd.s32 $0xE00, v41;
	v4 =	vadd.f32 v4, v25;
	v63 =	vld.idx.msk [tilespmem:v57+s4+$0x0], $0xffff  }
0x247: {  	s28 =	sld [smem:$0x7DF];
	v57 =	vld.idx.msk [tilespmem:v58+s4+$0x0], $0xffff;
	v58 =	vadd.s32 $0xF00, v41;
	v0 =	vadd.f32 v0, v53;
	v25 =	vunpack.i.u.bf16.f32 v61  }
0x248: {  	v41 =	vld.idx.msk [tilespmem:v46+s4+$0x0], $0xffff;
	v25 =	vsub.f32 v30, v25;
	v30 =	vunpack.i.u.bf16.f32 v40;
	v26 =	vunpack.i.l.bf16.f32 v1  }
0x249: {  	v42 =	vld.idx.msk [tilespmem:v47+s4+$0x0], $0xffff;
	v1 =	vunpack.i.u.bf16.f32 v1;
	v30 =	vsub.f32 v37, v30;
	v26 =	vsub.f32 v28, v26  }
0x24a: {  	[tilespmem:s28+$0x8800] =	vst v5;
	v39 =	vld.idx.msk [tilespmem:v59+s4+$0x0], $0xffff;
	v59 =	vunpack.i.l.bf16.f32 v40;
	v1 =	vsub.f32 v32, v1;
	v28 =	vunpack.i.u.bf16.f32 v38  }
0x24b: {  	s1 =	sld [smem:$0x7E0];
	v23 =	vld.idx.msk [tilespmem:v23+s4+$0x0], $0xffff;
	v37 =	vand.u32 $0x7FFFFFFF, v30;
	v43 =	vand.u32 $0x7FFFFFFF, v26;
	v26 =	vunpack.i.l.bf16.f32 v61  }
0x24c: {  	s29 =	sld [smem:$0x7E1];
	v61 =	vunpack.i.u.bf16.f32 v63;
	v26 =	vsub.f32 v29, v26;
	v29 =	vunpack.i.l.bf16.f32 v38;
	v38 =	vld.idx.msk [tilespmem:v60+s4+$0x0], $0xffff  }
0x24d: {  	s30 =	sld [smem:$0x7E2];
	v63 =	vunpack.i.l.bf16.f32 v63;
	v30 =	vand.u32 $0x7FFFFFFF, v1;
	v60 =	vsub.f32 v35, v28;
	v28 =	vld.idx.msk [tilespmem:v24+s4+$0x0], $0xffff  }
0x24e: {  	s31 =	sld [smem:$0x7E3];
	v35 =	vand.u32 $0x7FFFFFFF, v25;
	v25 =	vld.idx.msk [tilespmem:v51+s4+$0x0], $0xffff;
	v5 =	vsub.f32 v31, v63;
	v44 =	vsub.f32 v27, v61  }
0x24f: {  	v24 =	vunpack.i.l.bf16.f32 v57;
	v33 =	vsub.f32 v33, v29;
	v29 =	vld.idx.msk [tilespmem:v62+s4+$0x0], $0xffff;
	v62 =	vsub.f32 v36, v59  }
0x250: {  	s13 =	sor.u32 s16, s1;
	s5 =	sor.u32 s16, s29;
	v36 =	vunpack.i.u.bf16.f32 v57;
	v32 =	vand.u32 $0x7FFFFFFF, v26;
	v26 =	vld.idx.msk [tilespmem:v50+s4+$0x0], $0xffff;
	v40 =	vand.u32 $0x7FFFFFFF, v60  }
0x251: {  	s2 =	sor.u32 s16, s30;
	s6 =	sor.u32 s16, s31;
	s16 =	simm.s32 $0x2;
	[tilespmem:s20+$0x8800] =	vst v0;
	v46 =	vand.u32 $0x7FFFFFFF, v33;
	v45 =	vand.u32 $0x7FFFFFFF, v62;
	v33 =	vsub.f32 v34, v24;
	v24 =	vld.idx.msk [tilespmem:v58+s4+$0x0], $0xffff  }
.LBB2_7:
0x252: {  	s16 =	sadd.s32 $0x2, s16  }
0x253: {  	s26 =	sadd.s32 $0x20, s26;
	s1 =	sshll.u32 s16, $0x4  }
0x254: {  	v0 =	vadd.f32 v46, v43;
	v27 =	vld [tilespmem:s13+$0x0];
	v34 =	vadd.f32 v40, v30;
	s18 =	sand.u32 $0x60, s26;
	s15 =	sand.u32 $0x3FFFFF80, s1  }
0x255: {  	[dreg:$0x6] =	wrdreg s3;
	v54 =	vadd.f32 v45, v32;
	v30 =	vld [tilespmem:s5+$0x0];
	v35 =	vadd.f32 v37, v35;
	s14 =	sor.u32 $0x10, s18;
	s25 =	sadd.s32 $0x18000, s15  }
0x256: {  	v31 =	vld [tilespmem:s2+$0x0];
	v1 =	vsub.f32 v22, v36;
	v58 =	vand.u32 $0x7FFFFFFF, v5;
	v59 =	vand.u32 $0x7FFFFFFF, v44;
	s1 =	sadd.s32 $0x18400, s15;
	s30 =	sadd.s32 $0x18800, s15;
	s31 =	sadd.s32 $0x18C00, s15  }
0x257: {  	v32 =	vld [tilespmem:s6+$0x0];
	v33 =	vand.u32 $0x7FFFFFFF, v33;
	v0 =	vadd.f32 v58, v0;
	v34 =	vadd.f32 v59, v34;
	s7 =	sadd.s32 $0x17000, s15;
	s11 =	sadd.s32 $0x17400, s15;
	s17 =	sadd.s32 $0x17800, s15  }
0x258: {  	v5 =	vld [tilespmem:s3+$0x8800];
	v33 =	vadd.f32 v33, v54;
	v22 =	vunpack.i.u.bf16.f32 v41;
	v55 =	vunpack.i.l.bf16.f32 v41;
	s21 =	sadd.s32 $0x17C00, s15;
	s22 =	sadd.s32 $0x16000, s15;
	s28 =	sor.u32 s14, s25  }
0x259: {  	v1 =	vand.u32 $0x7FFFFFFF, v1;
	v62 =	vunpack.i.u.bf16.f32 v38;
	s13 =	sor.u32 s18, s25;
	v40 =	vsub.f32 v18, v55;
	s29 =	sor.u32 s18, s1;
	s1 =	sor.u32 s14, s1;
	v18 =	vld [tilespmem:s28+$0x0]  }
0x25a: {  	v46 =	vunpack.i.l.bf16.f32 v38;
	v57 =	vunpack.i.l.bf16.f32 v42;
	v22 =	vsub.f32 v19, v22;
	s6 =	sor.u32 s14, s30;
	s8 =	sor.u32 s18, s31;
	s9 =	sor.u32 s14, s31;
	v19 =	vld [tilespmem:s1+$0x0]  }
0x25b: {  	v56 =	vunpack.i.u.bf16.f32 v42;
	v60 =	vunpack.i.u.bf16.f32 v39;
	s10 =	sor.u32 s18, s7;
	s3 =	sor.u32 s14, s7;
	[dreg:$0x11] =	wrdreg s29;
	v41 =	vsub.f32 v20, v57;
	v20 =	vld [tilespmem:s6+$0x0]  }
0x25c: {  	v61 =	vunpack.i.l.bf16.f32 v39;
	v1 =	vadd.f32 v1, v35;
	s12 =	sor.u32 s18, s11;
	s19 =	sor.u32 s14, s11;
	v37 =	vsub.f32 v21, v56;
	[dreg:$0x12] =	wrdreg s8;
	v21 =	vld [tilespmem:s9+$0x0]  }
0x25d: {  	s20 =	sor.u32 s18, s17;
	v38 =	vsub.f32 v16, v46;
	v48 =	vunpack.i.u.bf16.f32 v29;
	s24 =	sor.u32 s14, s21;
	[dreg:$0xe] =	wrdreg s12;
	v39 =	vsub.f32 v13, v61;
	v13 =	vld [tilespmem:s19+$0x0]  }
0x25e: {  	s23 =	sor.u32 s18, s21;
	v35 =	vsub.f32 v17, v62;
	v49 =	vunpack.i.l.bf16.f32 v29;
	s7 =	sor.u32 s14, s22;
	v50 =	vunpack.i.u.bf16.f32 v28;
	[dreg:$0xc] =	wrdreg s20;
	v16 =	vld [tilespmem:s24+$0x0]  }
0x25f: {  	s2 =	sor.u32 s18, s30;
	s25 =	sshrl.u32 s16, $0x3;
	v52 =	vunpack.i.l.bf16.f32 v28;
	v55 =	vunpack.i.u.bf16.f32 v26;
	v26 =	vunpack.i.l.bf16.f32 v26;
	[dreg:$0x10] =	wrdreg s23;
	v17 =	vld [tilespmem:s7+$0x0]  }
0x260: {  	v62 =	vunpack.i.u.bf16.f32 v23;
	s1 =	sor.u32 s14, s17;
	v47 =	vsub.f32 v14, v60;
	s28 =	sadd.s32 $0x16400, s15;
	s29 =	rddreg [dreg:$0x4];
	v45 =	vand.u32 $0x7FFFFFFF, v22;
	v22 =	vld [tilespmem:s3+$0x0]  }
0x261: {  	v23 =	vunpack.i.l.bf16.f32 v23;
	s7 =	sadd.s32 $0x16C00, s15;
	v36 =	vsub.f32 v8, v49;
	v54 =	vsub.f32 v9, v48;
	v14 =	vld [tilespmem:s1+$0x0];
	s30 =	sor.u32 s29, s25;
	s31 =	sor.u32 s14, s28  }
0x262: {  	s6 =	sor.u32 s18, s22;
	v57 =	vunpack.i.u.bf16.f32 v25;
	v6 =	vsub.f32 v6, v26;
	v7 =	vsub.f32 v7, v55;
	s17 =	sor.u32 s14, s7;
	s1 =	sshll.u32 s30, $0x7;
	v28 =	vld [tilespmem:s31+$0x0]  }
0x263: {  	s9 =	sadd.s32 $0x15000, s15;
	s20 =	sadd.s32 $0x15400, s15;
	v25 =	vunpack.i.l.bf16.f32 v25;
	v27 =	vsub.f32 v27, v23;
	v30 =	vsub.f32 v30, v62;
	v8 =	vld [tilespmem:s17+$0x0];
	s11 =	sor.u32 s14, s1  }
0x264: {  	s22 =	sadd.s32 $0x15800, s15;
	v63 =	vand.u32 $0x7FFFFFFF, v40;
	s3 =	sadd.s32 $0x16800, s15;
	v38 =	vand.u32 $0x7FFFFFFF, v38;
	v35 =	vand.u32 $0x7FFFFFFF, v35;
	s23 =	sor.u32 s14, s20;
	v56 =	vld [tilespmem:s11+$0x8000]  }
0x265: {  	s12 =	sor.u32 s18, s28;
	v40 =	vsub.f32 v15, v50;
	s21 =	sor.u32 s18, s20;
	s24 =	sor.u32 s14, s22;
	v51 =	vand.u32 $0x7FFFFFFF, v39;
	v39 =	vsub.f32 v11, v52;
	v11 =	vld [tilespmem:s23+$0x0]  }
0x266: {  	v25 =	vsub.f32 v10, v25;
	s20 =	sadd.s32 $0x11400, s15;
	v41 =	vand.u32 $0x7FFFFFFF, v41;
	v37 =	vand.u32 $0x7FFFFFFF, v37;
	s8 =	sor.u32 s14, s3;
	[dreg:$0x17] =	wrdreg s12;
	v15 =	vld [tilespmem:s24+$0x0]  }
0x267: {  	s19 =	sor.u32 s18, s9;
	v0 =	vadd.f32 v63, v0;
	v34 =	vadd.f32 v45, v34;
	v53 =	vand.u32 $0x7FFFFFFF, v47;
	[dreg:$0x1c] =	wrdreg s21;
	s21 =	sor.u32 s14, s20;
	v29 =	vld [tilespmem:s8+$0x0]  }
0x268: {  	[dreg:$0x1a] =	wrdreg s19;
	v58 =	vand.u32 $0x7FFFFFFF, v36;
	v59 =	vand.u32 $0x7FFFFFFF, v54;
	s12 =	sadd.s32 $0x14000, s15;
	v52 =	vunpack.i.u.bf16.f32 v24;
	s8 =	sor.u32 s14, s9;
	v55 =	vld [tilespmem:s21+$0x0]  }
0x269: {  	v33 =	vadd.f32 v41, v33;
	v1 =	vadd.f32 v37, v1;
	s9 =	sadd.s32 $0x15C00, s15;
	s19 =	sor.u32 s18, s12;
	s12 =	sor.u32 s14, s12;
	v9 =	vld [tilespmem:s8+$0x0];
	v26 =	vadd.s32 v2, v56  }
0x26a: {  	[dreg:$0x5] =	wrdreg s0;
	s0 =	sadd.s32 $0x14C00, s15;
	v37 =	vsub.f32 v12, v57;
	s25 =	sor.u32 s14, s9;
	v10 =	vld [tilespmem:s12+$0x0];
	v60 =	vand.u32 $0x7F, v56;
	v12 =	vand.u32 $0xFFFFFF80, v26  }
0x26b: {  	[dreg:$0xa] =	wrdreg s10;
	s29 =	sadd.s32 $0x14800, s15;
	s17 =	sor.u32 s14, s0;
	v34 =	vadd.f32 v53, v34;
	v38 =	vadd.f32 v38, v33;
	v33 =	vld [tilespmem:s25+$0x0];
	v41 =	vor.u32 v60, v12  }
0x26c: {  	s28 =	sadd.s32 $0x14400, s15;
	v6 =	vand.u32 $0x7FFFFFFF, v6;
	s10 =	sor.u32 s18, s1;
	s8 =	sor.u32 s14, s29;
	v1 =	vadd.f32 v35, v1;
	v35 =	vld [tilespmem:s17+$0x0];
	v61 =	vadd.s32 $0xE00, v41  }
0x26d: {  	v24 =	vunpack.i.l.bf16.f32 v24;
	s1 =	sadd.s32 $0x11000, s15;
	s5 =	sor.u32 s18, s9;
	s9 =	sor.u32 s14, s28;
	v36 =	vadd.f32 v59, v34;
	v34 =	vld [tilespmem:s8+$0x0];
	v63 =	vadd.s32 $0xF00, v41  }
0x26e: {  	v7 =	vand.u32 $0x7FFFFFFF, v7;
	v40 =	vand.u32 $0x7FFFFFFF, v40;
	v12 =	vld [tilespmem:s9+$0x0];
	s9 =	sor.u32 s14, s1;
	v54 =	vadd.s32 $0xC00, v41  }
0x26f: {  	v25 =	vand.u32 $0x7FFFFFFF, v25;
	v0 =	vadd.f32 v51, v0;
	v53 =	vld [tilespmem:s9+$0x0];
	v47 =	vadd.s32 $0xD00, v41  }
0x270: {  	v31 =	vsub.f32 v31, v24;
	v39 =	vand.u32 $0x7FFFFFFF, v39;
	v56 =	vadd.s32 $0x800, v41;
	v48 =	vld.idx.msk [tilespmem:v26+s4+$0x0], $0xffff  }
0x271: {  	v0 =	vadd.f32 v58, v0;
	v38 =	vadd.f32 v39, v38;
	v57 =	vadd.s32 $0x900, v41;
	v39 =	vld.idx.msk [tilespmem:v61+s4+$0x0], $0xffff  }
0x272: {  	v32 =	vsub.f32 v32, v52;
	v37 =	vand.u32 $0x7FFFFFFF, v37;
	v58 =	vadd.s32 $0x600, v41;
	v42 =	vld.idx.msk [tilespmem:v63+s4+$0x0], $0xffff  }
0x273: {  	v1 =	vadd.f32 v40, v1;
	v0 =	vadd.f32 v6, v0;
	v60 =	vadd.s32 $0x700, v41;
	v45 =	vld.idx.msk [tilespmem:v54+s4+$0x0], $0xffff  }
0x274: {  	v6 =	vadd.f32 v7, v36;
	v7 =	vand.u32 $0x7FFFFFFF, v30;
	v26 =	vadd.s32 $0xA00, v41;
	v59 =	vld.idx.msk [tilespmem:v47+s4+$0x0], $0xffff  }
0x275: {  	v23 =	vadd.f32 v25, v38;
	v24 =	vadd.f32 v37, v1;
	v1 =	vand.u32 $0x7FFFFFFF, v27;
	v40 =	vld.idx.msk [tilespmem:v56+s4+$0x0], $0xffff  }
0x276: {  	v27 =	vand.u32 $0x7FFFFFFF, v32;
	v25 =	vadd.f32 v1, v0;
	v30 =	vadd.s32 $0x400, v41;
	v63 =	vld.idx.msk [tilespmem:v57+s4+$0x0], $0xffff  }
0x277: {  	v49 =	vadd.s32 $0xB00, v41;
	v0 =	vadd.s32 $0x100, v41;
	v32 =	vadd.s32 $0x500, v41;
	v36 =	vld.idx.msk [tilespmem:v58+s4+$0x0], $0xffff  }
0x278: {  	s24 =	sor.u32 s18, s1;
	s1 =	sadd.s32 $0x13800, s15;
	v1 =	vadd.s32 $0x200, v41;
	v37 =	vld.idx.msk [tilespmem:v60+s4+$0x0], $0xffff;
	v62 =	vunpack.i.u.bf16.f32 v48;
	v48 =	vunpack.i.l.bf16.f32 v48  }
0x279: {  	v50 =	vadd.s32 $0x300, v41;
	s12 =	sor.u32 s14, s1;
	v61 =	vld.idx.msk [tilespmem:v26+s4+$0x0], $0xffff;
	v26 =	vand.u32 $0x7FFFFFFF, v31;
	v43 =	vsub.f32 v53, v48  }
0x27a: {  	v56 =	vld [tilespmem:s12+$0x0];
	v44 =	vsub.f32 v55, v62;
	v46 =	vunpack.i.u.bf16.f32 v39;
	v39 =	vunpack.i.l.bf16.f32 v39  }
0x27b: {  	v30 =	vld.idx.msk [tilespmem:v30+s4+$0x0], $0xffff;
	v48 =	vunpack.i.u.bf16.f32 v42;
	v42 =	vunpack.i.l.bf16.f32 v42;
	v51 =	vunpack.i.u.bf16.f32 v45  }
0x27c: {  	v32 =	vld.idx.msk [tilespmem:v32+s4+$0x0], $0xffff;
	v45 =	vunpack.i.l.bf16.f32 v45;
	v52 =	vunpack.i.u.bf16.f32 v59;
	v55 =	vunpack.i.l.bf16.f32 v59  }
0x27d: {  	[dreg:$0x15] =	wrdreg s6;
	s6 =	sor.u32 s18, s22;
	s22 =	sadd.s32 $0x13000, s15;
	v0 =	vld.idx.msk [tilespmem:v0+s4+$0x0], $0xffff;
	v57 =	vunpack.i.u.bf16.f32 v40;
	v40 =	vunpack.i.l.bf16.f32 v40;
	v59 =	vunpack.i.u.bf16.f32 v63  }
0x27e: {  	s30 =	sor.u32 s18, s28;
	s31 =	sor.u32 s18, s29;
	s23 =	sor.u32 s18, s0;
	v1 =	vld.idx.msk [tilespmem:v1+s4+$0x0], $0xffff;
	v60 =	vunpack.i.l.bf16.f32 v63;
	v62 =	vunpack.i.u.bf16.f32 v36;
	v18 =	vsub.f32 v18, v39  }
0x27f: {  	s0 =	sor.u32 s14, s22;
	s28 =	sor.u32 s18, s22;
	s29 =	sadd.s32 $0x13400, s15;
	v31 =	vld.idx.msk [tilespmem:v49+s4+$0x0], $0xffff;
	v63 =	vunpack.i.l.bf16.f32 v36;
	v19 =	vsub.f32 v19, v46;
	v36 =	vsub.f32 v20, v42  }
0x280: {  	s22 =	sadd.s32 $0x11800, s15;
	s17 =	sor.u32 s18, s3;
	s8 =	sor.u32 s14, s29;
	v49 =	vld [tilespmem:s0+$0x0];
	v39 =	vunpack.i.u.bf16.f32 v37;
	v22 =	vsub.f32 v22, v45;
	v38 =	vsub.f32 v21, v48  }
0x281: {  	s3 =	sor.u32 s18, s29;
	s29 =	sadd.s32 $0x12400, s15;
	s12 =	sor.u32 s14, s22;
	v53 =	vld [tilespmem:s8+$0x0];
	v37 =	vunpack.i.l.bf16.f32 v37;
	v13 =	vsub.f32 v13, v51;
	v41 =	vsub.f32 v14, v55  }
0x282: {  	s0 =	sor.u32 s14, s29;
	v20 =	vld [tilespmem:s12+$0x0];
	v21 =	vand.u32 $0x7FFFFFFF, v43;
	v42 =	vsub.f32 v16, v52;
	v9 =	vsub.f32 v9, v40  }
0x283: {  	s21 =	sadd.s32 $0x13C00, s15;
	s25 =	sor.u32 s18, s20;
	s20 =	sor.u32 s18, s1;
	v14 =	vand.u32 $0x7FFFFFFF, v44;
	v11 =	vsub.f32 v11, v57;
	v15 =	vsub.f32 v15, v60;
	v60 =	vld [tilespmem:s0+$0x0]  }
0x284: {  	s9 =	sor.u32 s14, s21;
	s8 =	sor.u32 s18, s21;
	s21 =	sadd.s32 $0x11C00, s15;
	v16 =	vunpack.i.u.bf16.f32 v30;
	v10 =	vsub.f32 v10, v63;
	v46 =	vsub.f32 v33, v59;
	v51 =	vld [tilespmem:s10+$0x8000]  }
0x285: {  	s1 =	sadd.s32 $0x12800, s15;
	s12 =	sor.u32 s18, s21;
	s21 =	sor.u32 s14, s21;
	v63 =	vunpack.i.u.bf16.f32 v0;
	v54 =	vunpack.i.u.bf16.f32 v61;
	v47 =	vunpack.i.l.bf16.f32 v61;
	v61 =	vld [tilespmem:s9+$0x0]  }
0x286: {  	s0 =	sor.u32 s14, s1;
	v12 =	vsub.f32 v12, v62;
	v0 =	vunpack.i.l.bf16.f32 v0;
	v58 =	vunpack.i.u.bf16.f32 v31;
	v43 =	vld [tilespmem:s21+$0x0]  }
0x287: {  	v31 =	vunpack.i.l.bf16.f32 v31;
	v57 =	vld [tilespmem:s0+$0x0];
	v48 =	vsub.f32 v34, v37;
	v17 =	vsub.f32 v17, v47  }
0x288: {  	v44 =	vsub.f32 v28, v54;
	v45 =	vsub.f32 v29, v31;
	v29 =	vunpack.i.l.bf16.f32 v30;
	v30 =	vld.idx.msk [tilespmem:v50+s4+$0x0], $0xffff  }
0x289: {  	s9 =	sor.u32 s18, s22;
	s22 =	sadd.s32 $0x12000, s15;
	v8 =	vsub.f32 v8, v58;
	v31 =	vunpack.i.u.bf16.f32 v32;
	v50 =	vsub.f32 v35, v39;
	v35 =	vld [tilespmem:s24+$0x0]  }
0x28a: {  	s21 =	sor.u32 s18, s22;
	s22 =	sor.u32 s14, s22;
	v32 =	vunpack.i.l.bf16.f32 v32;
	v16 =	vsub.f32 v53, v16;
	v39 =	vld [tilespmem:s25+$0x0];
	v62 =	vand.u32 $0x7FFFFFFF, v22  }
0x28b: {  	s7 =	sor.u32 s18, s7;
	s15 =	sadd.s32 $0x12C00, s15;
	v9 =	vand.u32 $0x7FFFFFFF, v9;
	v11 =	vand.u32 $0x7FFFFFFF, v11;
	v10 =	vand.u32 $0x7FFFFFFF, v10;
	v28 =	vld [tilespmem:s22+$0x0];
	s22 =	sor.u32 s18, s29  }
0x28c: {  	v12 =	vand.u32 $0x7FFFFFFF, v12;
	s29 =	sor.u32 s18, s1;
	s1 =	sor.u32 s18, s15;
	s18 =	sor.u32 s14, s15;
	v49 =	vsub.f32 v49, v29;
	v52 =	vsub.f32 v56, v32;
	v32 =	vld [tilespmem:s21+$0x0]  }
0x28d: {  	v29 =	vunpack.i.u.bf16.f32 v1;
	v1 =	vunpack.i.l.bf16.f32 v1;
	v58 =	vld [tilespmem:s18+$0x0];
	v17 =	vand.u32 $0x7FFFFFFF, v17  }
0x28e: {  	v34 =	vld [tilespmem:s22+$0x0];
	v44 =	vand.u32 $0x7FFFFFFF, v44;
	v16 =	vand.u32 $0x7FFFFFFF, v16;
	v8 =	vand.u32 $0x7FFFFFFF, v8  }
0x28f: {  	v37 =	vld [tilespmem:s29+$0x0];
	v0 =	vsub.f32 v20, v0;
	v33 =	vsub.f32 v60, v29;
	v60 =	vand.u32 $0x7FFFFFFF, v18  }
0x290: {  	v40 =	vld [tilespmem:s1+$0x0];
	v20 =	vsub.f32 v61, v31;
	v31 =	vsub.f32 v43, v63;
	v61 =	vand.u32 $0x7FFFFFFF, v19  }
0x291: {  	v29 =	vld [tilespmem:s12+$0x0];
	v63 =	vand.u32 $0x7FFFFFFF, v13;
	v13 =	vand.u32 $0x7FFFFFFF, v49;
	v59 =	vunpack.i.l.bf16.f32 v30  }
0x292: {  	v30 =	vunpack.i.u.bf16.f32 v30;
	v19 =	vand.u32 $0x7FFFFFFF, v33;
	v33 =	vld [tilespmem:s20+$0x0];
	v1 =	vsub.f32 v28, v1  }
0x293: {  	v0 =	vand.u32 $0x7FFFFFFF, v0;
	v28 =	vld [tilespmem:s9+$0x0];
	v43 =	vsub.f32 v57, v59;
	v18 =	vand.u32 $0x7FFFFFFF, v31  }
0x294: {  	v31 =	vld [tilespmem:s3+$0x0];
	v14 =	vadd.f32 v19, v14;
	v47 =	vsub.f32 v58, v30;
	v1 =	vand.u32 $0x7FFFFFFF, v1  }
0x295: {  	v57 =	vand.u32 $0x7FFFFFFF, v38;
	v30 =	vld [tilespmem:s28+$0x0];
	v22 =	vand.u32 $0x7FFFFFFF, v43;
	v1 =	vadd.f32 v1, v21  }
0x296: {  	v59 =	vand.u32 $0x7F, v51;
	v19 =	vand.u32 $0x7FFFFFFF, v47;
	v0 =	vadd.f32 v22, v0;
	v22 =	vld [tilespmem:s8+$0x0]  }
0x297: {  	v21 =	vand.u32 $0x7FFFFFFF, v52;
	v19 =	vadd.f32 v19, v18;
	v18 =	vld [tilespmem:s19+$0x0];
	v1 =	vadd.f32 v13, v1  }
0x298: {  	v13 =	vadd.f32 v16, v14;
	v14 =	vand.u32 $0x7FFFFFFF, v20;
	v0 =	vadd.f32 v21, v0;
	v20 =	vld [tilespmem:s31+$0x0]  }
0x299: {  	v16 =	vand.u32 $0x7FFFFFFF, v48;
	v21 =	vld [tilespmem:s23+$0x0];
	v14 =	vadd.f32 v14, v19;
	v1 =	vadd.f32 v10, v1  }
0x29a: {  	s20 =	rddreg [dreg:$0x1a];
	v19 =	vld [tilespmem:s30+$0x0];
	v10 =	vadd.f32 v12, v13;
	v12 =	vand.u32 $0x7FFFFFFF, v50;
	v0 =	vadd.f32 v16, v0  }
0x29b: {  	v13 =	vld [tilespmem:s20+$0x0];
	v12 =	vadd.f32 v12, v14;
	v14 =	vand.u32 $0x7FFFFFFF, v15;
	v1 =	vadd.f32 v9, v1  }
0x29c: {  	s21 =	rddreg [dreg:$0x1c];
	v16 =	vld [tilespmem:s6+$0x0];
	v9 =	vadd.f32 v11, v10;
	v10 =	vand.u32 $0x7FFFFFFF, v46;
	v0 =	vadd.f32 v14, v0  }
0x29d: {  	v11 =	vand.u32 $0x7FFFFFFF, v45;
	v14 =	vld [tilespmem:s21+$0x0];
	v10 =	vadd.f32 v10, v12;
	v1 =	vadd.f32 v17, v1  }
0x29e: {  	s22 =	rddreg [dreg:$0x15];
	v58 =	vadd.s32 v2, v51;
	v9 =	vadd.f32 v44, v9;
	v0 =	vadd.f32 v11, v0;
	v17 =	vld [tilespmem:s5+$0x0]  }
0x29f: {  	v11 =	vand.u32 $0x7FFFFFFF, v41;
	v10 =	vadd.f32 v8, v10;
	v8 =	vld [tilespmem:s22+$0x0];
	v1 =	vadd.f32 v62, v1  }
0x2a0: {  	s24 =	rddreg [dreg:$0xa];
	v12 =	vadd.f32 v63, v9;
	v9 =	vand.u32 $0x7FFFFFFF, v42;
	v0 =	vadd.f32 v11, v0;
	v11 =	vld [tilespmem:s17+$0x0]  }
0x2a1: {  	s25 =	rddreg [dreg:$0xe];
	v15 =	vand.u32 $0x7FFFFFFF, v36;
	v42 =	vadd.f32 v7, v6;
	v6 =	vld [tilespmem:s24+$0x0];
	v10 =	vadd.f32 v9, v10  }
0x2a2: {  	s23 =	rddreg [dreg:$0x17];
	v7 =	vld [tilespmem:s25+$0x0];
	v1 =	vadd.f32 v60, v1;
	v0 =	vadd.f32 v15, v0;
	v15 =	vand.u32 $0xFFFFFF80, v58  }
0x2a3: {  	v9 =	vld [tilespmem:s23+$0x0];
	v12 =	vadd.f32 v61, v12;
	v10 =	vadd.f32 v57, v10;
	v36 =	vor.u32 v59, v15  }
0x2a4: {  	v60 =	vld [tilespmem:s11+$0x8800];
	v61 =	vadd.s32 $0x100, v36  }
0x2a5: {  	s29 =	rddreg [dreg:$0x10];
	v15 =	vld [tilespmem:s7+$0x0];
	v1 =	vadd.f32 v12, v1;
	v46 =	vadd.s32 $0x400, v36;
	v0 =	vadd.f32 v10, v0  }
0x2a6: {  	v44 =	vadd.s32 $0x200, v36;
	v12 =	vld [tilespmem:s29+$0x0]  }
0x2a7: {  	s28 =	rddreg [dreg:$0xc];
	v45 =	vadd.s32 $0x300, v36;
	v0 =	vadd.f32 v0, v1;
	v1 =	vld.idx.msk [tilespmem:v58+s4+$0x0], $0xffff  }
0x2a8: {  	v47 =	vadd.s32 $0x500, v36;
	v10 =	vld [tilespmem:s28+$0x0]  }
0x2a9: {  	v4 =	vadd.f32 v4, v3;
	v38 =	vadd.s32 $0x600, v36;
	v0 =	vadd.f32 v0, v60;
	v63 =	vld.idx.msk [tilespmem:v61+s4+$0x0], $0xffff  }
0x2aa: {  	v24 =	vadd.f32 v27, v24;
	v25 =	vadd.f32 v42, v25;
	v62 =	vadd.s32 $0x900, v36;
	v27 =	vld.idx.msk [tilespmem:v46+s4+$0x0], $0xffff  }
0x2ab: {  	v48 =	vadd.s32 $0x700, v36;
	v49 =	vadd.s32 $0x800, v36;
	[tilespmem:s11+$0x8800] =	vst v0;
	v0 =	vadd.f32 v26, v23;
	v23 =	vld.idx.msk [tilespmem:v44+s4+$0x0], $0xffff  }
0x2ac: {  	v3 =	vmovc v5;
	s30 =	rddreg [dreg:$0x5];
	v51 =	vadd.s32 $0xA00, v36;
	v52 =	vadd.s32 $0xB00, v36;
	v26 =	vld.idx.msk [tilespmem:v45+s4+$0x0], $0xffff;
	v5 =	vunpack.i.u.bf16.f32 v1  }
0x2ad: {  	v1 =	vunpack.i.l.bf16.f32 v1;
	v0 =	vadd.f32 v24, v0;
	v24 =	vsub.f32 v39, v5;
	v5 =	vld.idx.msk [tilespmem:v47+s4+$0x0], $0xffff;
	[tilespmem:s30+$0x8800] =	vst v4  }
0x2ae: {  	v53 =	vadd.s32 $0xC00, v36;
	v54 =	vadd.s32 $0xD00, v36;
	v1 =	vsub.f32 v35, v1;
	v41 =	vld.idx.msk [tilespmem:v38+s4+$0x0], $0xffff  }
0x2af: {  	v60 =	vadd.s32 $0xE00, v36;
	v61 =	vadd.s32 $0xF00, v36;
	v38 =	vld.idx.msk [tilespmem:v62+s4+$0x0], $0xffff;
	v62 =	vunpack.i.u.bf16.f32 v27  }
0x2b0: {  	v27 =	vunpack.i.l.bf16.f32 v27;
	v4 =	vadd.f32 v0, v25;
	v43 =	vand.u32 $0x7FFFFFFF, v1  }
0x2b1: {  	v42 =	vld.idx.msk [tilespmem:v48+s4+$0x0], $0xffff;
	v0 =	vunpack.i.u.bf16.f32 v63;
	v1 =	vunpack.i.l.bf16.f32 v63;
	v44 =	vsub.f32 v31, v62  }
0x2b2: {  	v39 =	vld.idx.msk [tilespmem:v49+s4+$0x0], $0xffff;
	v1 =	vsub.f32 v28, v1;
	v25 =	vunpack.i.u.bf16.f32 v23;
	v23 =	vunpack.i.l.bf16.f32 v23  }
0x2b3: {  	p0 =	slt.u32 s16, $0x3E;
	v0 =	vsub.f32 v29, v0;
	v28 =	vunpack.i.u.bf16.f32 v26;
	v29 =	vld.idx.msk [tilespmem:v51+s4+$0x0], $0xffff;
	v23 =	vsub.f32 v32, v23  }
.Ltmp2:
0x2b4: {  	v26 =	vunpack.i.l.bf16.f32 v26;
	v25 =	vsub.f32 v34, v25;
	v63 =	vsub.f32 v40, v28;
	v28 =	vld.idx.msk [tilespmem:v52+s4+$0x0], $0xffff;
	(pc) =	sbr.rel @p0 .LBB2_7-.Ltmp2, $4  }
0x2b5: {  	v37 =	vsub.f32 v37, v26;
	v26 =	vld.idx.msk [tilespmem:v53+s4+$0x0], $0xffff;
	v32 =	vand.u32 $0x7FFFFFFF, v1;
	v36 =	vunpack.i.u.bf16.f32 v5  }
0x2b6: {  	s31 =	rddreg [dreg:$0x6];
	v1 =	vunpack.i.l.bf16.f32 v5;
	v5 =	vsub.f32 v30, v27;
	v30 =	vand.u32 $0x7FFFFFFF, v24;
	v24 =	vld.idx.msk [tilespmem:v61+s4+$0x0], $0xffff  }
0x2b7: {  	s6 =	rddreg [dreg:$0x12];
	v35 =	vand.u32 $0x7FFFFFFF, v0;
	v46 =	vand.u32 $0x7FFFFFFF, v23;
	v40 =	vand.u32 $0x7FFFFFFF, v25;
	v25 =	vld.idx.msk [tilespmem:v54+s4+$0x0], $0xffff  }
0x2b8: {  	s3 =	smov.u32 s10;
	s0 =	smov.u32 s31;
	s5 =	rddreg [dreg:$0x11];
	v45 =	vand.u32 $0x7FFFFFFF, v37;
	v37 =	vand.u32 $0x7FFFFFFF, v63;
	v23 =	vld.idx.msk [tilespmem:v60+s4+$0x0], $0xffff;
	v33 =	vsub.f32 v33, v1  }
0x2b9: {  	v0 =	vadd.f32 v46, v43  }
0x2ba: {  	v1 =	vsub.f32 v22, v36;
	v2 =	vunpack.i.u.bf16.f32 v41;
	v57 =	vadd.f32 v40, v30  }
0x2bb: {  	v27 =	vadd.f32 v45, v32;
	v58 =	vunpack.i.l.bf16.f32 v41;
	v31 =	vadd.f32 v37, v35  }
0x2bc: {  	v59 =	vunpack.i.u.bf16.f32 v42;
	v34 =	vunpack.i.l.bf16.f32 v42;
	v5 =	vand.u32 $0x7FFFFFFF, v5  }
0x2bd: {  	v60 =	vand.u32 $0x7FFFFFFF, v44;
	v63 =	vunpack.i.u.bf16.f32 v39;
	v35 =	vunpack.i.l.bf16.f32 v39  }
0x2be: {  	v36 =	vunpack.i.u.bf16.f32 v38;
	v37 =	vunpack.i.l.bf16.f32 v38;
	v18 =	vsub.f32 v18, v58  }
0x2bf: {  	v38 =	vunpack.i.u.bf16.f32 v29;
	v2 =	vsub.f32 v19, v2;
	v61 =	vsub.f32 v20, v34  }
0x2c0: {  	v39 =	vunpack.i.l.bf16.f32 v29;
	v62 =	vsub.f32 v21, v59;
	v13 =	vsub.f32 v13, v35  }
0x2c1: {  	v41 =	vunpack.i.u.bf16.f32 v28;
	v14 =	vsub.f32 v14, v63;
	v16 =	vsub.f32 v16, v37  }
0x2c2: {  	v42 =	vunpack.i.l.bf16.f32 v28;
	v17 =	vsub.f32 v17, v36;
	v8 =	vsub.f32 v8, v39  }
0x2c3: {  	v33 =	vand.u32 $0x7FFFFFFF, v33;
	v9 =	vsub.f32 v9, v38;
	v11 =	vsub.f32 v11, v42  }
0x2c4: {  	v43 =	vunpack.i.u.bf16.f32 v26;
	v15 =	vsub.f32 v15, v41;
	v0 =	vadd.f32 v5, v0  }
0x2c5: {  	v44 =	vunpack.i.l.bf16.f32 v26;
	v34 =	vadd.f32 v60, v57;
	v27 =	vadd.f32 v33, v27  }
0x2c6: {  	v1 =	vand.u32 $0x7FFFFFFF, v1;
	v6 =	vsub.f32 v6, v44;
	v7 =	vsub.f32 v7, v43  }
0x2c7: {  	v54 =	vunpack.i.u.bf16.f32 v24;
	v55 =	vunpack.i.l.bf16.f32 v24;
	v1 =	vadd.f32 v1, v31  }
0x2c8: {  	v18 =	vand.u32 $0x7FFFFFFF, v18;
	v2 =	vand.u32 $0x7FFFFFFF, v2;
	v19 =	vand.u32 $0x7FFFFFFF, v61  }
0x2c9: {  	v49 =	vld [tilespmem:s2+$0x0];
	v20 =	vand.u32 $0x7FFFFFFF, v62;
	v13 =	vand.u32 $0x7FFFFFFF, v13;
	v14 =	vand.u32 $0x7FFFFFFF, v14  }
0x2ca: {  	v16 =	vand.u32 $0x7FFFFFFF, v16;
	v17 =	vand.u32 $0x7FFFFFFF, v17;
	v45 =	vunpack.i.u.bf16.f32 v25  }
0x2cb: {  	v47 =	vunpack.i.l.bf16.f32 v25;
	v8 =	vand.u32 $0x7FFFFFFF, v8;
	v0 =	vadd.f32 v18, v0  }
0x2cc: {  	v46 =	vld [tilespmem:s13+$0x0];
	v9 =	vand.u32 $0x7FFFFFFF, v9;
	v2 =	vadd.f32 v2, v34;
	v40 =	vadd.f32 v19, v27  }
0x2cd: {  	v48 =	vld [tilespmem:s5+$0x0];
	v11 =	vand.u32 $0x7FFFFFFF, v11;
	v10 =	vsub.f32 v10, v47;
	v12 =	vsub.f32 v12, v45  }
0x2ce: {  	v50 =	vld [tilespmem:s6+$0x0];
	v51 =	vand.u32 $0x7FFFFFFF, v15;
	v1 =	vadd.f32 v20, v1;
	v56 =	vsub.f32 v49, v55  }
0x2cf: {  	v52 =	vunpack.i.u.bf16.f32 v23;
	v0 =	vadd.f32 v13, v0;
	v2 =	vadd.f32 v14, v2  }
0x2d0: {  	v53 =	vunpack.i.l.bf16.f32 v23;
	v5 =	vadd.f32 v16, v40;
	v1 =	vadd.f32 v17, v1  }
0x2d1: {  	v6 =	vand.u32 $0x7FFFFFFF, v6;
	v0 =	vadd.f32 v8, v0;
	v2 =	vadd.f32 v9, v2  }
0x2d2: {  	v7 =	vand.u32 $0x7FFFFFFF, v7;
	v5 =	vadd.f32 v11, v5;
	v11 =	vsub.f32 v46, v53  }
0x2d3: {  	v10 =	vand.u32 $0x7FFFFFFF, v10;
	v9 =	vsub.f32 v48, v52;
	v8 =	vsub.f32 v50, v54  }
0x2d4: {  	v57 =	vand.u32 $0x7FFFFFFF, v12;
	v1 =	vadd.f32 v51, v1;
	v0 =	vadd.f32 v6, v0  }
0x2d5: {  	v60 =	vand.u32 $0x7FFFFFFF, v56;
	v2 =	vadd.f32 v7, v2;
	v5 =	vadd.f32 v10, v5  }
0x2d6: {  	v58 =	vand.u32 $0x7FFFFFFF, v11;
	v59 =	vand.u32 $0x7FFFFFFF, v9;
	v1 =	vadd.f32 v57, v1  }
0x2d7: {  	s31 =	sld [smem:$0x7E6];
	v61 =	vand.u32 $0x7FFFFFFF, v8;
	v0 =	vadd.f32 v58, v0;
	v2 =	vadd.f32 v59, v2  }
0x2d8: {  	v5 =	vadd.f32 v60, v5;
	v1 =	vadd.f32 v61, v1  }
0x2d9: {  	v62 =	vld [tilespmem:s3+$0x8800]  }
0x2da: {  	s5 =	sadd.s32 $0x1, s31;
	v0 =	vadd.f32 v2, v0;
	v1 =	vadd.f32 v1, v5  }
0x2db: {  	p0 =	sne.s32 s5, $0x8  }
.Ltmp3:
0x2dc: {  	v0 =	vadd.f32 v1, v0;
	(pc) =	sbr.rel @p0 .LBB2_4-.Ltmp3, $4  }
0x2dd: {  	v63 =	vadd.f32 v4, v3  }
0x2de: {  	v0 =	vadd.f32 v0, v62  }
0x2df: {  	[tilespmem:s0+$0x8800] =	vst v63  }
0x2e0: {  	[tilespmem:s3+$0x8800] =	vst v0  }
0x2e1: {  	s1 =	simm.s32 $0x0  }
0x2e2: {  	v4 =	vld [tilespmem:s1+$0x8000]  }
0x2e3: {  	v2 =	vimm.f32 $0.0e+00;
	s0 =	simm.s32 $0x40;
	v3 =	vimm.f32 $0.0e+00;
	v6 =	vimm.f32 $1.000000000e+00;
	v5 =	vld [tilespmem:s1+$0x8800]  }
.LBB2_10:
0x2e4: {  	p0 =	sne.s32 s0, $0x1FC0  }
.Ltmp4:
0x2e5: {  	_ = 	snop;
	(pc) =	sbr.rel @p0 .LBB2_10-.Ltmp4, $4  }
0x2e6: {  	_ = 	snop  }
0x2e7: {  	s1 =	sshra.s32 s0, $0x2;
	s0 =	sadd.s32 $0x40, s0;
	vm0 =	veq.s32 v4, $0xFF  }
0x2e8: {  	v4 =	vld [tilespmem:s1+$0x8000];
	v0 =	vsel vm0, $0x0, v5;
	v1 =	vsel vm0, $0x0, v6  }
0x2e9: {  	v5 =	vld [tilespmem:s1+$0x8800];
	v2 =	vadd.f32 v0, v2;
	v3 =	vadd.f32 v1, v3  }
0x2ea: {  	_ =	sdelay $0x2  }
0x2eb: {  	vm0 =	veq.s32 v4, $0xFF  }
0x2ec: {  	v0 =	vsel vm0, $0x0, v5  }
0x2ed: {  	v1 =	vsel vm0, $0x0, v6;
	v0 =	vadd.f32 v0, v2  }
0x2ee: {  	s0 =	sld [smem:$0x7FC];
	v1 =	vadd.f32 v1, v3  }
0x2ef: {  	[tilespmem:$0x19000] =	vst v0  }
0x2f0: {  	s1 =	simm.s32 $0x19000;
	[tilespmem:$0x19010] =	vst v1  }
0x2f1: {  	[hbm4b:s0+s4] =	stream.linear.scatter [tilespmem:s1], [sflag:$0x3], $0x80, $0x38;
	[tilespmem:$0x19080] =	vst v63  }
0x2f2: {  	s1 =	simm.s32 $0x3  }
0x2f3: {  	_ =	swait.ge [sflag:s1], $0x80  }
0x2f4: {  	s2 =	sld [smem:$0x7F9]  }
0x2f5: {  	s31 =	sld [smem:$0x7FD];
	_ =	sdelay $0x1  }
0x2f6: {  	s2 =	sadd.s32 $0x1, s2  }
0x2f7: {  	p0 =	sne.s32 s2, s31  }
.Ltmp5:
0x2f8: {  	_ = 	snop;
	(pc) =	sbr.rel @p0 .LBB2_1-.Ltmp5, $3  }
0x2f9: {  	_ =	sdelay $0x1  }
0x2fa: {  	[sflag:s1] =	ssyncset.done $0x0  }
0x2fb: {  	v0 =	vimm.f32 $0.0e+00;
	[sflag:s1] =	ssyncadd.s32 $0xFFFFFF80  }
0x2fc: {  	_ =	sfence.sel $0x180000  }
0x2fd: {  	[bflag:$0x0] =	sbarrier.arrive $0xFFFF  }
0x2fe: {  	_ =	strace $0x90000047  }
0x2ff: {  	s0 =	stileid.u32;
	[bflag:$0x2] =	sbarrier.arrive $0xFFFF  }
0x300: {  	p0 =	sne.s32 s0, $0x0;
	s0 =	rddreg [dreg:$0x3]  }
0x301: {  	s0 =	sadd.s32 @!p0 $0x100000, s0  }
0x302: {  	[sflag:s0] =	ssyncadd.tile.s32 @!p0 $0x1;
	_ =	shalt  }
.Lfunc_end2:
_tile_overlayer_lowered:
.L_overlay_start_2:
0x303: {  	(tag) =	ssettag $0x2  }
0x304: {  	s0 =	rddreg [dreg:$0x0];
	s2 =	stileid.u32  }
0x305: {  	s1 =	rddreg [dreg:$0x1];
	p0 =	sne.s32 s2, $0x0  }
0x306: {  	s3 =	rddreg [dreg:$0x2];
	[bflag:$0x3] =	sbarrier.arrive $0xFFFF;
	s2 =	simm.s32 @!p0 $0x1C03  }
0x307: {  	[timem:s3], [sflag:s2] =	dma.local @!p0 [hbm:s0], s1  }
0x308: {  	s0 =	simm.s32 @!p0 $0x3  }
0x309: {  	_ =	swait.ge @!p0 [sflag:s0], s1  }
0x30a: {  	s1 =	ssub.s32 @!p0 $0x0, s1;
	[sflag:s0] =	ssyncset.done @!p0 $0x0  }
0x30b: {  	[sflag:s0] =	ssyncadd.s32 @!p0 s1  }
0x30c: {  	[bflag:$0x3] =	sbarrier.arrive $0xFFFF  }
0x30d: {  	_ =	shalt  }

</sc_bundles>
